<compile_context>
chip_gen: v7x
topology: tpu7x:2x2x1
jax: 0.10.2.dev20260603
libtpu: 0.0.44.dev20260713+nightly
codegen_flags: <defaults>
</compile_context>

<pallas_src>
import functools

import jax
import jax.numpy as jnp
from jax import lax
from jax.experimental import pallas as pl
from jax.experimental.pallas import tpu as pltpu
from jax.experimental.pallas import tpu_sc as plsc

L = 16
NC = 2
NS = 16


@functools.lru_cache(maxsize=None)
def _build(n, k, f, n_up):
    fp = f + 128
    fpt = f + L
    e_total = n * k
    lchunk = 2048
    rounds = -(-e_total // (NS * lchunk))
    ep_tile = rounds * lchunk
    e_pad = NS * ep_tile
    half = (n // 2 + L - 1) // L * L
    maskn = (n + 1 + L - 1) // L * L
    b = 64
    minq = 4 * b
    rh = 32
    nh = 6
    ro_slots = nh * rh
    sel_pad = NS * ro_slots
    out_rows = sel_pad + L
    out_trash = out_rows - 1
    spt = (sel_pad // NS + 15) // 8 * 8
    sc_rows = NS * spt
    sbits = 14
    ebuf = (L + 2 * lchunk + 127) // 128 * 128
    bstr = 2 * ebuf
    osz = lchunk + minq + 4 * L

    def body(feat, nidxf, wf, sel, out,
             acc, lsh,
             mask, selv, nidx_c, w_c, edata, bdata,
             odst, osrc, ow, srcbuf, gbuf, accT, jl, ll, orows,
             sem, sem2, psem):
        cid = lax.axis_index("c")
        sid = lax.axis_index("s")
        base = cid * half
        end = base + jnp.where(cid == 0, half, n - half)
        cbase = cid * sc_rows
        own0 = sid * spt
        iota = lax.iota(jnp.int32, L)
        zero16 = jnp.zeros((L,), jnp.float32)
        e0vec = jnp.where(iota == 0, 1.0, 0.0).astype(jnp.float32)
        sh5 = jnp.full((L,), 5, jnp.int32)
        shs = jnp.full((L,), sbits, jnp.int32)
        smask = jnp.full((L,), (1 << sbits) - 1, jnp.int32)
        one16f = jnp.full((L,), 1.0, jnp.float32)
        one16i = jnp.full((L,), 1, jnp.int32)

        def zrow(r, _):
            for j in range(fp // L):
                accT[r, pl.ds(j * L, L)] = zero16
            return 0
        lax.fori_loop(0, spt, zrow, 0)

        def zm(g, _):
            mask[pl.ds(g * L, L)] = jnp.zeros((L,), jnp.int32)
            return 0
        lax.fori_loop(0, maskn // L, zm, 0)
        pltpu.sync_copy(sel, selv)
        def bm(g, _):
            nd = selv[pl.ds(g * L, L)]
            inr = (nd >= base) & (nd < end)
            jval = g * L + iota + 1
            plsc.store_scatter(mask, [nd], jval, mask=inr)
            return 0
        lax.fori_loop(0, sel_pad // L, bm, 0)

        def fire_gather(bi):
            slot = lax.rem(bi, 2)
            for q in range(b // L):
                srcbuf[pl.ds(slot * 128 + q * L, L)] = \
                    osrc[pl.ds(bi * b + q * L, L)]
            pltpu.make_async_copy(
                feat.at[srcbuf.at[pl.ds(slot * 128, b)]],
                gbuf.at[pl.ds(slot * b, b)], sem).start()

        def run_batches(off, minoff):
            nb = jnp.where(off >= minoff, lax.shift_right_logical(off, 6), 0)
            @pl.when(nb > 0)
            def _prime():
                fire_gather(0)
            def batch_body(bi, _):
                slot = lax.rem(bi, 2)
                pltpu.make_async_copy(
                    feat.at[srcbuf.at[pl.ds(slot * 128, b)]],
                    gbuf.at[pl.ds(slot * b, b)], sem).wait()
                @pl.when(bi + 1 < nb)
                def _next():
                    fire_gather(bi + 1)
                gb = slot * b
                bb = bi * b
                def edge_body(e, _):
                    row = odst[pl.ds(bb + e, L)][0]
                    ws = one16f * ow[pl.ds(bb + e, L)][0]
                    for j in range(f // L):
                        plsc.addupdate(accT.at[row, pl.ds(j * L, L)],
                                       gbuf[gb + e, pl.ds(j * L, L)] * ws)
                    plsc.addupdate(accT.at[row, pl.ds(f, L)], ws * e0vec)
                    return 0
                lax.fori_loop(0, b, edge_body, 0)
                return 0
            lax.fori_loop(0, nb, batch_body, 0)
            tb = nb * b
            @pl.when(nb > 0)
            def _move_tail():
                for t in range(b // L):
                    odst[pl.ds(t * L, L)] = odst[pl.ds(tb + t * L, L)]
                    osrc[pl.ds(t * L, L)] = osrc[pl.ds(tb + t * L, L)]
                    ow[pl.ds(t * L, L)] = ow[pl.ds(tb + t * L, L)]
            return off - tb

        def fire_pull(t):
            slot = lax.rem(t, 2)
            pltpu.make_async_copy(
                lsh.at[pl.ds(t * 2 * ebuf, 2 * ebuf)],
                bdata.at[pl.ds(slot * bstr, 2 * ebuf)], psem).start()

        def round_body(r, off):
            e0 = sid * ep_tile + r * lchunk
            pltpu.sync_copy(nidxf.at[pl.ds(e0, lchunk)], nidx_c)
            pltpu.sync_copy(wf.at[pl.ds(e0, lchunk)], w_c)
            def scan_g(g, sc_off):
                nd = nidx_c[pl.ds(g * L, L)]
                wv = w_c[pl.ds(g * L, L)]
                m = plsc.load_gather(mask, [nd])
                keep = m > 0
                src = lax.shift_right_logical(e0 + g * L + iota, sh5)
                packed = lax.shift_left(m - 1, shs) | src
                plsc.store_compressed(edata.at[pl.ds(L + sc_off, L)], packed,
                                      mask=keep)
                plsc.store_compressed(edata.at[pl.ds(L + lchunk + sc_off, L)],
                                      plsc.bitcast(wv, jnp.int32), mask=keep)
                return sc_off + plsc.all_reduce_population_count(keep)[0]
            cnt = lax.fori_loop(0, lchunk // L, scan_g, jnp.int32(0))
            edata[pl.ds(0, L)] = one16i * cnt
            pltpu.sync_copy(edata, lsh.at[pl.ds(sid * ebuf, ebuf)])
            plsc.subcore_barrier()

            fire_pull(0)
            def per_pair(t, off):
                slot = lax.rem(t, 2)
                pltpu.make_async_copy(
                    lsh.at[pl.ds(t * 2 * ebuf, 2 * ebuf)],
                    bdata.at[pl.ds(slot * bstr, 2 * ebuf)], psem).wait()
                @pl.when(t + 1 < NS // 2)
                def _next():
                    fire_pull(t + 1)
                sb = slot * bstr
                for sub in (0, ebuf):
                    cnt_t = bdata[pl.ds(sb + sub, L)][0]
                    cnts = one16i * cnt_t
                    ng = lax.shift_right_logical(cnt_t + (L - 1), 4)
                    def own_g(g, o):
                        pk = bdata[pl.ds(sb + sub + L + g * L, L)]
                        s = lax.shift_right_logical(pk, shs)
                        valid = ((g * L + iota) < cnts) & (s >= own0) \
                            & (s < own0 + spt)
                        plsc.store_compressed(odst.at[pl.ds(o, L)], s - own0,
                                              mask=valid)
                        plsc.store_compressed(osrc.at[pl.ds(o, L)],
                                              pk & smask, mask=valid)
                        plsc.store_compressed(
                            ow.at[pl.ds(o, L)],
                            plsc.bitcast(
                                bdata[pl.ds(sb + sub + L + lchunk + g * L, L)],
                                jnp.float32), mask=valid)
                        return o + plsc.all_reduce_population_count(valid)[0]
                    off = lax.fori_loop(0, ng, own_g, off)
                    off = run_batches(off, minq)
                return off
            off = lax.fori_loop(0, NS // 2, per_pair, off)
            plsc.subcore_barrier()
            return off
        off = lax.fori_loop(0, rounds, round_body, jnp.int32(0))

        a16 = off & jnp.int32(~(L - 1))
        offs = one16i * off
        zi = jnp.zeros((L,), jnp.int32)
        zf = jnp.zeros((L,), jnp.float32)
        for t in range(b // L + 1):
            p = a16 + t * L
            mg = (p + iota) >= offs
            odst[pl.ds(p, L)] = jnp.where(mg, zi, odst[pl.ds(p, L)])
            osrc[pl.ds(p, L)] = jnp.where(mg, zi, osrc[pl.ds(p, L)])
            ow[pl.ds(p, L)] = jnp.where(mg, zf, ow[pl.ds(p, L)])
        run_batches((off + b - 1) & jnp.int32(~(b - 1)), 1)

        pltpu.sync_copy(accT, acc.at[pl.ds(cbase + own0, spt)])
        plsc.subcore_barrier()

        to16 = jnp.full((L,), out_trash, jnp.int32)
        tr16 = jnp.full((L,), sc_rows - 1, jnp.int32) + cbase
        pltpu.sync_copy(sel.at[pl.ds(sid * ro_slots, ro_slots)],
                        selv.at[pl.ds(0, ro_slots)])
        def ro_pre(g, _):
            edata[pl.ds(g * L, L)] = to16
            edata[pl.ds(lchunk + g * L, L)] = tr16
            return 0
        lax.fori_loop(0, ro_slots // L, ro_pre, 0)
        jb = sid * ro_slots
        def ro_scan(g, o):
            nd = selv[pl.ds(g * L, L)]
            inr = (nd >= base) & (nd < end)
            jv = jb + g * L + iota
            lv = plsc.load_gather(mask, [jnp.maximum(nd, 0)]) - 1 + cbase
            plsc.store_compressed(edata.at[pl.ds(o, L)], jv, mask=inr)
            plsc.store_compressed(edata.at[pl.ds(lchunk + o, L)], lv,
                                  mask=inr)
            return o + plsc.all_reduce_population_count(inr)[0]
        lax.fori_loop(0, ro_slots // L, ro_scan, jnp.int32(0))

        for h in range(nh):
            for g in range(rh // L):
                jl[pl.ds(g * L, L)] = edata[pl.ds(h * rh + g * L, L)]
                ll[pl.ds(g * L, L)] = edata[pl.ds(lchunk + h * rh + g * L, L)]
            pltpu.async_copy(acc.at[ll], orows, sem2).wait()
            def ro_row(rr, _):
                dv = orows[rr, pl.ds(f, L)]
                dens = one16f * dv[0]
                inv = jnp.where(dens == 0.0, 0.0, 1.0 / dens)
                for j in range(f // L):
                    orows[rr, pl.ds(j * L, L)] = \
                        orows[rr, pl.ds(j * L, L)] * inv
                return 0
            lax.fori_loop(0, rh, ro_row, 0)
            pltpu.sync_copy(orows, out.at[jl])

    mesh = plsc.VectorSubcoreMesh(core_axis_name="c", subcore_axis_name="s")
    kern = pl.kernel(
        body,
        out_type=jax.ShapeDtypeStruct((out_rows, fp), jnp.float32),
        mesh=mesh,
        compiler_params=pltpu.CompilerParams(needs_layout_passes=False),
        scratch_types=[
            pltpu.HBM((NC * sc_rows, fp), jnp.float32),
            pltpu.VMEM_SHARED((NS * ebuf,), jnp.int32),
            pltpu.VMEM((maskn,), jnp.int32),
            pltpu.VMEM((sel_pad,), jnp.int32),
            pltpu.VMEM((lchunk,), jnp.int32),
            pltpu.VMEM((lchunk,), jnp.float32),
            pltpu.VMEM((ebuf,), jnp.int32),
            pltpu.VMEM((2 * 2 * ebuf,), jnp.int32),
            pltpu.VMEM((lchunk + minq + 4 * L,), jnp.int32),
            pltpu.VMEM((lchunk + minq + 4 * L,), jnp.int32),
            pltpu.VMEM((lchunk + minq + 4 * L,), jnp.float32),
            pltpu.VMEM((2 * 128,), jnp.int32),
            pltpu.VMEM((2 * b, f), jnp.float32),
            pltpu.VMEM((spt, fp), jnp.float32),
            pltpu.VMEM((rh,), jnp.int32),
            pltpu.VMEM((rh,), jnp.int32),
            pltpu.VMEM((rh, fp), jnp.float32),
            pltpu.SemaphoreType.DMA,
            pltpu.SemaphoreType.DMA,
            pltpu.SemaphoreType.DMA,
        ],
    )
    return kern, e_pad, sel_pad


def kernel(features, weights_down, nidx_down, sel_idx_up):
    n, f = features.shape
    k = weights_down.shape[1]
    n_up = sel_idx_up.shape[0]
    kern, e_pad, sel_pad = _build(n, k, f, n_up)
    e_total = n * k
    nidxf = jnp.concatenate(
        [nidx_down.reshape(-1),
         jnp.full((e_pad - e_total,), n, jnp.int32)])
    wf = jnp.concatenate(
        [weights_down.reshape(-1),
         jnp.zeros((e_pad - e_total,), jnp.float32)])
    selp = jnp.concatenate(
        [sel_idx_up[:, 0].astype(jnp.int32),
         jnp.full((sel_pad - n_up,), -1, jnp.int32)])
    out = kern(features, nidxf, wf, selp)
    return out[:n_up, :f]

# --- scband reference (transcript-rebuilt; emitter-appended) ---
"""Pipeline reference for scband-push-up-6906307412023 (READ-ONLY COPY).

The authoritative reference and input builder live on the scoring server;
editing this copy changes nothing except your own understanding.
"""

import jax, jax.numpy as jnp
import numpy as np

N, K, F, N_UP = 10000, 32, 128, 2500


def push_sum(weights, features, nidx):
    # PushKnn semantics: out[nidx[i,k], :] += weights[i,k] * features[i, :]
    n, f = features.shape
    contrib = weights[:, :, None] * features[:, None, :]  # [N, K, F]
    flat_idx = nidx.reshape(-1)
    flat_contrib = contrib.reshape(-1, f)
    out = jnp.zeros((n, f), dtype=features.dtype).at[flat_idx].add(flat_contrib)
    return out


def setup_inputs(seed: int = 0) -> dict:
    key = jax.random.key(seed)
    k1, k2, k3, k4 = jax.random.split(key, 4)
    features = jax.random.normal(k1, (N, F), dtype=jnp.float32)
    weights_down = jax.random.uniform(k2, (N, K), dtype=jnp.float32)
    nidx_down = jax.random.randint(k3, (N, K), 0, N, dtype=jnp.int32)
    sel_idx_up = jax.random.randint(k4, (N_UP, 1), 0, N, dtype=jnp.int32)
    return {"features": features, "weights_down": weights_down,
            "nidx_down": nidx_down, "sel_idx_up": sel_idx_up}


def reference(features, weights_down, nidx_down, sel_idx_up):
    # mode == 'mean', weight is None -> weight = ones
    weight = jnp.ones_like(features[:, 0:1])
    up_f = jnp.concatenate([weight, features], axis=-1)  # [N, F+1]
    up_f = push_sum(weights_down, up_f, nidx_down)       # [N, F+1]
    up_f = up_f[sel_idx_up[:, 0]]                        # gather_nd -> [N_UP, F+1]
    num = up_f[:, 1:]
    den = up_f[:, 0:1]
    # tf.math.divide_no_nan: 0 where denominator is 0
    safe_den = jnp.where(den == 0.0, 1.0, den)
    out = jnp.where(den == 0.0, 0.0, num / safe_den)
    out = out.reshape(-1, features.shape[1])
    return out

if __name__ == "__main__":
    import jax
    _d = setup_inputs()
    print(jax.jit(kernel)(*tuple(_d.values())))

</pallas_src>

<mosaic_0001>
#map = affine_map<(d0, d1) -> (0, 0)>
#map1 = affine_map<(d0, d1) -> (0)>
module attributes {stable_mosaic.version = 14 : i64} {
  func.func @body(%arg0: i32, %arg1: i32, %arg2: memref<10000x128xf32, #tpu.memory_space<hbm>>, %arg3: memref<327680xi32, #tpu.memory_space<hbm>>, %arg4: memref<327680xf32, #tpu.memory_space<hbm>>, %arg5: memref<3072xi32, #tpu.memory_space<hbm>>, %arg6: memref<3088x256xf32, #tpu.memory_space<hbm>>, %arg7: memref<6400x256xf32, #tpu.memory_space<hbm>>, %arg8: memref<67584xi32, #tpu.memory_space<vmem_shared>>, %arg9: memref<10016xi32, #tpu.memory_space<vmem>>, %arg10: memref<3072xi32, #tpu.memory_space<vmem>>, %arg11: memref<2048xi32, #tpu.memory_space<vmem>>, %arg12: memref<2048xf32, #tpu.memory_space<vmem>>, %arg13: memref<4224xi32, #tpu.memory_space<vmem>>, %arg14: memref<16896xi32, #tpu.memory_space<vmem>>, %arg15: memref<2368xi32, #tpu.memory_space<vmem>>, %arg16: memref<2368xi32, #tpu.memory_space<vmem>>, %arg17: memref<2368xf32, #tpu.memory_space<vmem>>, %arg18: memref<256xi32, #tpu.memory_space<vmem>>, %arg19: memref<128x128xf32, #tpu.memory_space<vmem>>, %arg20: memref<200x256xf32, #tpu.memory_space<vmem>>, %arg21: memref<32xi32, #tpu.memory_space<vmem>>, %arg22: memref<32xi32, #tpu.memory_space<vmem>>, %arg23: memref<32x256xf32, #tpu.memory_space<vmem>>, %arg24: memref<!tpu.dma_semaphore, #tpu.memory_space<semaphore_mem>>, %arg25: memref<!tpu.dma_semaphore, #tpu.memory_space<semaphore_mem>>, %arg26: memref<!tpu.dma_semaphore, #tpu.memory_space<semaphore_mem>>) attributes {dimension_semantics = [#tpu.dimension_semantics<core_parallel>, #tpu.dimension_semantics<subcore_parallel>], iteration_bounds = array<i64: 2, 16>, scalar_prefetch = 0 : i64, scratch_operands = 20 : i64, tpu.core_type = #tpu.core_type<sc_vector_subcore>, window_params = [{transform_indices = #map}, {transform_indices = #map1}, {transform_indices = #map1}, {transform_indices = #map1}, {transform_indices = #map}]} {
    %mul3A = arith.constant 5008 : i32
    %mul3A_0 = arith.muli %arg0, %mul3A : i32
    %eq3A = arith.constant 0 : i32
    %eq3A_1 = arith.cmpi eq, %arg0, %eq3A : i32
    %jit3A = arith.constant 5008 : i32
    %jit3A_2 = arith.constant 4992 : i32
    %select_n3A = arith.select %eq3A_1, %jit3A, %jit3A_2 : i32
    %add3A = arith.addi %mul3A_0, %select_n3A : i32
    %mul3A_3 = arith.constant 3200 : i32
    %mul3A_4 = arith.muli %arg0, %mul3A_3 : i32
    %mul3A_5 = arith.constant 200 : i32
    %mul3A_6 = arith.muli %arg1, %mul3A_5 : i32
    %iota3A = tpu.iota {dimensions = array<i32: 0>} : vector<16xi32>
    %broadcast_in_dim3A = arith.constant 0.000000e+00 : f32
    %broadcast_in_dim3A_7 = vector.broadcast %broadcast_in_dim3A : f32 to vector<16xf32>
    %eq3A_8 = arith.constant 0 : i32
    %eq3A_9 = vector.broadcast %eq3A_8 : i32 to vector<16xi32>
    %eq3A_10 = arith.cmpi eq, %iota3A, %eq3A_9 : vector<16xi32>
    %jit3A_11 = arith.constant 1.000000e+00 : f32
    %jit3A_12 = arith.constant 0.000000e+00 : f32
    %broadcast_in_dim3A_13 = vector.broadcast %jit3A_11 : f32 to vector<16xf32>
    %broadcast_in_dim3A_14 = vector.broadcast %jit3A_12 : f32 to vector<16xf32>
    %select_n3A_15 = arith.select %eq3A_10, %broadcast_in_dim3A_13, %broadcast_in_dim3A_14 : vector<16xi1>, vector<16xf32>
    %broadcast_in_dim3A_16 = arith.constant 5 : i32
    %broadcast_in_dim3A_17 = vector.broadcast %broadcast_in_dim3A_16 : i32 to vector<16xi32>
    %broadcast_in_dim3A_18 = arith.constant 14 : i32
    %broadcast_in_dim3A_19 = vector.broadcast %broadcast_in_dim3A_18 : i32 to vector<16xi32>
    %broadcast_in_dim3A_20 = arith.constant 16383 : i32
    %broadcast_in_dim3A_21 = vector.broadcast %broadcast_in_dim3A_20 : i32 to vector<16xi32>
    %broadcast_in_dim3A_22 = arith.constant 1.000000e+00 : f32
    %broadcast_in_dim3A_23 = vector.broadcast %broadcast_in_dim3A_22 : f32 to vector<16xf32>
    %broadcast_in_dim3A_24 = arith.constant 1 : i32
    %broadcast_in_dim3A_25 = vector.broadcast %broadcast_in_dim3A_24 : i32 to vector<16xi32>
    %scan3A = arith.constant 0 : i32
    %scan3A_26 = arith.constant 0 : i32
    %scan3A_27 = arith.constant 200 : i32
    %scan3A_28 = arith.addi %scan3A_26, %scan3A_27 : i32
    %scan3A_29 = arith.constant 1 : i32
    %scan3A_30 = scf.for %scan3A_385 = %scan3A_26 to %scan3A_28 step %scan3A_29 iter_args(%scan3A_386 = %scan3A) -> (i32)  : i32 {
      %swap3A_387 = arith.index_cast %scan3A_385 : i32 to index
      %swap3A_388 = arith.constant 0 : index
      %swap3A_389 = tpu.vector_load %arg20[%swap3A_387, %swap3A_388] {strides = array<i32>} : memref<200x256xf32, #tpu.memory_space<vmem>>, vector<16xf32>,
      tpu.vector_store %arg20[%swap3A_387, %swap3A_388], %broadcast_in_dim3A_7 {strides = array<i32>} : memref<200x256xf32, #tpu.memory_space<vmem>>, vector<16xf32>,
      %swap3A_390 = arith.index_cast %scan3A_385 : i32 to index
      %swap3A_391 = arith.constant 16 : index
      %swap3A_392 = tpu.vector_load %arg20[%swap3A_390, %swap3A_391] {strides = array<i32>} : memref<200x256xf32, #tpu.memory_space<vmem>>, vector<16xf32>,
      tpu.vector_store %arg20[%swap3A_390, %swap3A_391], %broadcast_in_dim3A_7 {strides = array<i32>} : memref<200x256xf32, #tpu.memory_space<vmem>>, vector<16xf32>,
      %swap3A_393 = arith.index_cast %scan3A_385 : i32 to index
      %swap3A_394 = arith.constant 32 : index
      %swap3A_395 = tpu.vector_load %arg20[%swap3A_393, %swap3A_394] {strides = array<i32>} : memref<200x256xf32, #tpu.memory_space<vmem>>, vector<16xf32>,
      tpu.vector_store %arg20[%swap3A_393, %swap3A_394], %broadcast_in_dim3A_7 {strides = array<i32>} : memref<200x256xf32, #tpu.memory_space<vmem>>, vector<16xf32>,
      %swap3A_396 = arith.index_cast %scan3A_385 : i32 to index
      %swap3A_397 = arith.constant 48 : index
      %swap3A_398 = tpu.vector_load %arg20[%swap3A_396, %swap3A_397] {strides = array<i32>} : memref<200x256xf32, #tpu.memory_space<vmem>>, vector<16xf32>,
      tpu.vector_store %arg20[%swap3A_396, %swap3A_397], %broadcast_in_dim3A_7 {strides = array<i32>} : memref<200x256xf32, #tpu.memory_space<vmem>>, vector<16xf32>,
      %swap3A_399 = arith.index_cast %scan3A_385 : i32 to index
      %swap3A_400 = arith.constant 64 : index
      %swap3A_401 = tpu.vector_load %arg20[%swap3A_399, %swap3A_400] {strides = array<i32>} : memref<200x256xf32, #tpu.memory_space<vmem>>, vector<16xf32>,
      tpu.vector_store %arg20[%swap3A_399, %swap3A_400], %broadcast_in_dim3A_7 {strides = array<i32>} : memref<200x256xf32, #tpu.memory_space<vmem>>, vector<16xf32>,
      %swap3A_402 = arith.index_cast %scan3A_385 : i32 to index
      %swap3A_403 = arith.constant 80 : index
      %swap3A_404 = tpu.vector_load %arg20[%swap3A_402, %swap3A_403] {strides = array<i32>} : memref<200x256xf32, #tpu.memory_space<vmem>>, vector<16xf32>,
      tpu.vector_store %arg20[%swap3A_402, %swap3A_403], %broadcast_in_dim3A_7 {strides = array<i32>} : memref<200x256xf32, #tpu.memory_space<vmem>>, vector<16xf32>,
      %swap3A_405 = arith.index_cast %scan3A_385 : i32 to index
      %swap3A_406 = arith.constant 96 : index
      %swap3A_407 = tpu.vector_load %arg20[%swap3A_405, %swap3A_406] {strides = array<i32>} : memref<200x256xf32, #tpu.memory_space<vmem>>, vector<16xf32>,
      tpu.vector_store %arg20[%swap3A_405, %swap3A_406], %broadcast_in_dim3A_7 {strides = array<i32>} : memref<200x256xf32, #tpu.memory_space<vmem>>, vector<16xf32>,
      %swap3A_408 = arith.index_cast %scan3A_385 : i32 to index
      %swap3A_409 = arith.constant 112 : index
      %swap3A_410 = tpu.vector_load %arg20[%swap3A_408, %swap3A_409] {strides = array<i32>} : memref<200x256xf32, #tpu.memory_space<vmem>>, vector<16xf32>,
      tpu.vector_store %arg20[%swap3A_408, %swap3A_409], %broadcast_in_dim3A_7 {strides = array<i32>} : memref<200x256xf32, #tpu.memory_space<vmem>>, vector<16xf32>,
      %swap3A_411 = arith.index_cast %scan3A_385 : i32 to index
      %swap3A_412 = arith.constant 128 : index
      %swap3A_413 = tpu.vector_load %arg20[%swap3A_411, %swap3A_412] {strides = array<i32>} : memref<200x256xf32, #tpu.memory_space<vmem>>, vector<16xf32>,
      tpu.vector_store %arg20[%swap3A_411, %swap3A_412], %broadcast_in_dim3A_7 {strides = array<i32>} : memref<200x256xf32, #tpu.memory_space<vmem>>, vector<16xf32>,
      %swap3A_414 = arith.index_cast %scan3A_385 : i32 to index
      %swap3A_415 = arith.constant 144 : index
      %swap3A_416 = tpu.vector_load %arg20[%swap3A_414, %swap3A_415] {strides = array<i32>} : memref<200x256xf32, #tpu.memory_space<vmem>>, vector<16xf32>,
      tpu.vector_store %arg20[%swap3A_414, %swap3A_415], %broadcast_in_dim3A_7 {strides = array<i32>} : memref<200x256xf32, #tpu.memory_space<vmem>>, vector<16xf32>,
      %swap3A_417 = arith.index_cast %scan3A_385 : i32 to index
      %swap3A_418 = arith.constant 160 : index
      %swap3A_419 = tpu.vector_load %arg20[%swap3A_417, %swap3A_418] {strides = array<i32>} : memref<200x256xf32, #tpu.memory_space<vmem>>, vector<16xf32>,
      tpu.vector_store %arg20[%swap3A_417, %swap3A_418], %broadcast_in_dim3A_7 {strides = array<i32>} : memref<200x256xf32, #tpu.memory_space<vmem>>, vector<16xf32>,
      %swap3A_420 = arith.index_cast %scan3A_385 : i32 to index
      %swap3A_421 = arith.constant 176 : index
      %swap3A_422 = tpu.vector_load %arg20[%swap3A_420, %swap3A_421] {strides = array<i32>} : memref<200x256xf32, #tpu.memory_space<vmem>>, vector<16xf32>,
      tpu.vector_store %arg20[%swap3A_420, %swap3A_421], %broadcast_in_dim3A_7 {strides = array<i32>} : memref<200x256xf32, #tpu.memory_space<vmem>>, vector<16xf32>,
      %swap3A_423 = arith.index_cast %scan3A_385 : i32 to index
      %swap3A_424 = arith.constant 192 : index
      %swap3A_425 = tpu.vector_load %arg20[%swap3A_423, %swap3A_424] {strides = array<i32>} : memref<200x256xf32, #tpu.memory_space<vmem>>, vector<16xf32>,
      tpu.vector_store %arg20[%swap3A_423, %swap3A_424], %broadcast_in_dim3A_7 {strides = array<i32>} : memref<200x256xf32, #tpu.memory_space<vmem>>, vector<16xf32>,
      %swap3A_426 = arith.index_cast %scan3A_385 : i32 to index
      %swap3A_427 = arith.constant 208 : index
      %swap3A_428 = tpu.vector_load %arg20[%swap3A_426, %swap3A_427] {strides = array<i32>} : memref<200x256xf32, #tpu.memory_space<vmem>>, vector<16xf32>,
      tpu.vector_store %arg20[%swap3A_426, %swap3A_427], %broadcast_in_dim3A_7 {strides = array<i32>} : memref<200x256xf32, #tpu.memory_space<vmem>>, vector<16xf32>,
      %swap3A_429 = arith.index_cast %scan3A_385 : i32 to index
      %swap3A_430 = arith.constant 224 : index
      %swap3A_431 = tpu.vector_load %arg20[%swap3A_429, %swap3A_430] {strides = array<i32>} : memref<200x256xf32, #tpu.memory_space<vmem>>, vector<16xf32>,
      tpu.vector_store %arg20[%swap3A_429, %swap3A_430], %broadcast_in_dim3A_7 {strides = array<i32>} : memref<200x256xf32, #tpu.memory_space<vmem>>, vector<16xf32>,
      %swap3A_432 = arith.index_cast %scan3A_385 : i32 to index
      %swap3A_433 = arith.constant 240 : index
      %swap3A_434 = tpu.vector_load %arg20[%swap3A_432, %swap3A_433] {strides = array<i32>} : memref<200x256xf32, #tpu.memory_space<vmem>>, vector<16xf32>,
      tpu.vector_store %arg20[%swap3A_432, %swap3A_433], %broadcast_in_dim3A_7 {strides = array<i32>} : memref<200x256xf32, #tpu.memory_space<vmem>>, vector<16xf32>,
      %scan3A_435 = arith.constant 0 : i32
      scf.yield %scan3A_435 : i32
    }
    %scan3A_31 = arith.constant 200 : i32
    %scan3A_32 = arith.constant 0 : i32
    %scan3A_33 = arith.constant 0 : i32
    %scan3A_34 = arith.constant 626 : i32
    %scan3A_35 = arith.addi %scan3A_33, %scan3A_34 : i32
    %scan3A_36 = arith.constant 1 : i32
    %scan3A_37 = scf.for %scan3A_385 = %scan3A_33 to %scan3A_35 step %scan3A_36 iter_args(%scan3A_386 = %scan3A_32) -> (i32)  : i32 {
      %broadcast_in_dim3A_387 = arith.constant 0 : i32
      %broadcast_in_dim3A_388 = vector.broadcast %broadcast_in_dim3A_387 : i32 to vector<16xi32>
      %mul3A_389 = arith.constant 16 : i32
      %mul3A_390 = arith.muli %scan3A_385, %mul3A_389 : i32
      %swap3A_391 = arith.index_cast %mul3A_390 : i32 to index
      %swap3A_392 = tpu.vector_load %arg9[%swap3A_391] {strides = array<i32>} : memref<10016xi32, #tpu.memory_space<vmem>>, vector<16xi32>,
      tpu.vector_store %arg9[%swap3A_391], %broadcast_in_dim3A_388 {strides = array<i32>} : memref<10016xi32, #tpu.memory_space<vmem>>, vector<16xi32>,
      %scan3A_393 = arith.constant 0 : i32
      scf.yield %scan3A_393 : i32
    }
    %scan3A_38 = arith.constant 626 : i32
    "tpu.region"() ({
      %run_scoped3A = tpu.sem_alloc : memref<!tpu.dma_semaphore, #tpu.memory_space<semaphore_mem>>
      tpu.enqueue_dma source(%arg5 : memref<3072xi32, #tpu.memory_space<hbm>>) target(%arg10 : memref<3072xi32, #tpu.memory_space<vmem>>) target_semaphore(%run_scoped3A : memref<!tpu.dma_semaphore, #tpu.memory_space<semaphore_mem>>)
      tpu.wait_dma2 semaphore(%run_scoped3A : memref<!tpu.dma_semaphore, #tpu.memory_space<semaphore_mem>>) src(%arg5 : memref<3072xi32, #tpu.memory_space<hbm>>) dst(%arg10 : memref<3072xi32, #tpu.memory_space<vmem>>)
      tpu.yield
    }) : () -> ()
    %scan3A_39 = arith.constant 0 : i32
    %scan3A_40 = arith.constant 0 : i32
    %scan3A_41 = arith.constant 192 : i32
    %scan3A_42 = arith.addi %scan3A_40, %scan3A_41 : i32
    %scan3A_43 = arith.constant 1 : i32
    %scan3A_44 = scf.for %scan3A_385 = %scan3A_40 to %scan3A_42 step %scan3A_43 iter_args(%scan3A_386 = %scan3A_39) -> (i32)  : i32 {
      %mul3A_387 = arith.constant 16 : i32
      %mul3A_388 = arith.muli %scan3A_385, %mul3A_387 : i32
      %get3A_389 = arith.index_cast %mul3A_388 : i32 to index
      %get3A_390 = tpu.vector_load %arg10[%get3A_389] {strides = array<i32>} : memref<3072xi32, #tpu.memory_space<vmem>>, vector<16xi32>,
      %ge3A_391 = vector.broadcast %mul3A_0 : i32 to vector<16xi32>
      %ge3A_392 = arith.cmpi sge, %get3A_390, %ge3A_391 : vector<16xi32>
      %lt3A = vector.broadcast %add3A : i32 to vector<16xi32>
      %lt3A_393 = arith.cmpi slt, %get3A_390, %lt3A : vector<16xi32>
      %and3A_394 = arith.andi %ge3A_392, %lt3A_393 : vector<16xi1>
      %mul3A_395 = arith.constant 16 : i32
      %mul3A_396 = arith.muli %scan3A_385, %mul3A_395 : i32
      %add3A_397 = vector.broadcast %mul3A_396 : i32 to vector<16xi32>
      %add3A_398 = arith.addi %add3A_397, %iota3A : vector<16xi32>
      %add3A_399 = arith.constant 1 : i32
      %add3A_400 = vector.broadcast %add3A_399 : i32 to vector<16xi32>
      %add3A_401 = arith.addi %add3A_398, %add3A_400 : vector<16xi32>
      tpu.vector_store_idx %arg9[%get3A_390], %add3A_401 masked %and3A_394 : memref<10016xi32, #tpu.memory_space<vmem>>[vector<16xi32>], vector<16xi32>, vector<16xi1>
      %scan3A_402 = arith.constant 0 : i32
      scf.yield %scan3A_402 : i32
    }
    %scan3A_45 = arith.constant 192 : i32
    %scan3A_46 = arith.constant 0 : i32
    %scan3A_47 = arith.constant 0 : i32
    %scan3A_48 = arith.constant 10 : i32
    %scan3A_49 = arith.addi %scan3A_47, %scan3A_48 : i32
    %scan3A_50 = arith.constant 1 : i32
    %scan3A_51 = scf.for %scan3A_385 = %scan3A_47 to %scan3A_49 step %scan3A_50 iter_args(%scan3A_386 = %scan3A_46) -> (i32)  : i32 {
      %mul3A_387 = arith.constant 20480 : i32
      %mul3A_388 = arith.muli %arg1, %mul3A_387 : i32
      %mul3A_389 = arith.constant 2048 : i32
      %mul3A_390 = arith.muli %scan3A_385, %mul3A_389 : i32
      %add3A_391 = arith.addi %mul3A_388, %mul3A_390 : i32
      "tpu.region"() ({
        %run_scoped3A = tpu.sem_alloc : memref<!tpu.dma_semaphore, #tpu.memory_space<semaphore_mem>>
        %dma_start3A_423 = tpu.memref_slice %arg3[%add3A_391] : memref<327680xi32, #tpu.memory_space<hbm>> -> memref<2048xi32, #tpu.memory_space<hbm>>
        %dma_start3A_424 = tpu.memref_slice %arg3[%add3A_391] : memref<327680xi32, #tpu.memory_space<hbm>> -> memref<2048xi32, #tpu.memory_space<hbm>>
        tpu.enqueue_dma source(%dma_start3A_424 : memref<2048xi32, #tpu.memory_space<hbm>>) target(%arg11 : memref<2048xi32, #tpu.memory_space<vmem>>) target_semaphore(%run_scoped3A : memref<!tpu.dma_semaphore, #tpu.memory_space<semaphore_mem>>)
        %dma_wait3A_425 = tpu.memref_slice %arg3[%add3A_391] : memref<327680xi32, #tpu.memory_space<hbm>> -> memref<2048xi32, #tpu.memory_space<hbm>>
        %dma_wait3A_426 = tpu.memref_slice %arg3[%add3A_391] : memref<327680xi32, #tpu.memory_space<hbm>> -> memref<2048xi32, #tpu.memory_space<hbm>>
        tpu.wait_dma2 semaphore(%run_scoped3A : memref<!tpu.dma_semaphore, #tpu.memory_space<semaphore_mem>>) src(%dma_wait3A_426 : memref<2048xi32, #tpu.memory_space<hbm>>) dst(%arg11 : memref<2048xi32, #tpu.memory_space<vmem>>)
        tpu.yield
      }) : () -> ()
      "tpu.region"() ({
        %run_scoped3A = tpu.sem_alloc : memref<!tpu.dma_semaphore, #tpu.memory_space<semaphore_mem>>
        %dma_start3A_423 = tpu.memref_slice %arg4[%add3A_391] : memref<327680xf32, #tpu.memory_space<hbm>> -> memref<2048xf32, #tpu.memory_space<hbm>>
        %dma_start3A_424 = tpu.memref_slice %arg4[%add3A_391] : memref<327680xf32, #tpu.memory_space<hbm>> -> memref<2048xf32, #tpu.memory_space<hbm>>
        tpu.enqueue_dma source(%dma_start3A_424 : memref<2048xf32, #tpu.memory_space<hbm>>) target(%arg12 : memref<2048xf32, #tpu.memory_space<vmem>>) target_semaphore(%run_scoped3A : memref<!tpu.dma_semaphore, #tpu.memory_space<semaphore_mem>>)
        %dma_wait3A_425 = tpu.memref_slice %arg4[%add3A_391] : memref<327680xf32, #tpu.memory_space<hbm>> -> memref<2048xf32, #tpu.memory_space<hbm>>
        %dma_wait3A_426 = tpu.memref_slice %arg4[%add3A_391] : memref<327680xf32, #tpu.memory_space<hbm>> -> memref<2048xf32, #tpu.memory_space<hbm>>
        tpu.wait_dma2 semaphore(%run_scoped3A : memref<!tpu.dma_semaphore, #tpu.memory_space<semaphore_mem>>) src(%dma_wait3A_426 : memref<2048xf32, #tpu.memory_space<hbm>>) dst(%arg12 : memref<2048xf32, #tpu.memory_space<vmem>>)
        tpu.yield
      }) : () -> ()
      %scan3A_392 = arith.constant 0 : i32
      %scan3A_393 = arith.constant 0 : i32
      %scan3A_394 = arith.constant 128 : i32
      %scan3A_395 = arith.addi %scan3A_393, %scan3A_394 : i32
      %scan3A_396 = arith.constant 1 : i32
      %scan3A_397 = scf.for %scan3A_423 = %scan3A_393 to %scan3A_395 step %scan3A_396 iter_args(%scan3A_424 = %scan3A_392) -> (i32)  : i32 {
        %mul3A_425 = arith.constant 16 : i32
        %mul3A_426 = arith.muli %scan3A_423, %mul3A_425 : i32
        %get3A_427 = arith.index_cast %mul3A_426 : i32 to index
        %get3A_428 = tpu.vector_load %arg11[%get3A_427] {strides = array<i32>} : memref<2048xi32, #tpu.memory_space<vmem>>, vector<16xi32>,
        %mul3A_429 = arith.constant 16 : i32
        %mul3A_430 = arith.muli %scan3A_423, %mul3A_429 : i32
        %get3A_431 = arith.index_cast %mul3A_430 : i32 to index
        %get3A_432 = tpu.vector_load %arg12[%get3A_431] {strides = array<i32>} : memref<2048xf32, #tpu.memory_space<vmem>>, vector<16xf32>,
        %gather3A = tpu.vector_load_idx %arg9[%get3A_428] : memref<10016xi32, #tpu.memory_space<vmem>>[vector<16xi32>], vector<16xi32>,
        %gt3A_433 = arith.constant 0 : i32
        %gt3A_434 = vector.broadcast %gt3A_433 : i32 to vector<16xi32>
        %gt3A_435 = arith.cmpi sgt, %gather3A, %gt3A_434 : vector<16xi32>
        %mul3A_436 = arith.constant 16 : i32
        %mul3A_437 = arith.muli %scan3A_423, %mul3A_436 : i32
        %add3A_438 = arith.addi %add3A_391, %mul3A_437 : i32
        %add3A_439 = vector.broadcast %add3A_438 : i32 to vector<16xi32>
        %add3A_440 = arith.addi %add3A_439, %iota3A : vector<16xi32>
        %shift_right_logical3A_441 = arith.shrui %add3A_440, %broadcast_in_dim3A_17 : vector<16xi32>
        %sub3A_442 = arith.constant 1 : i32
        %sub3A_443 = vector.broadcast %sub3A_442 : i32 to vector<16xi32>
        %sub3A_444 = arith.subi %gather3A, %sub3A_443 : vector<16xi32>
        %shift_left3A = arith.shli %sub3A_444, %broadcast_in_dim3A_19 : vector<16xi32>
        %or3A = arith.ori %shift_left3A, %shift_right_logical3A_441 : vector<16xi32>
        %add3A_445 = arith.constant 16 : i32
        %add3A_446 = arith.addi %add3A_445, %scan3A_424 : i32
        %swap3A_447 = arith.index_cast %add3A_446 : i32 to index
        %swap3A_448 = tpu.vector_load %arg13[%swap3A_447] masked %gt3A_435 {strides = array<i32>} : memref<4224xi32, #tpu.memory_space<vmem>>, vector<16xi32>, vector<16xi1>
        tpu.vector_store %arg13[%swap3A_447], %or3A masked %gt3A_435 {strides = array<i32>} : memref<4224xi32, #tpu.memory_space<vmem>>, vector<16xi32>, vector<16xi1>
        %add3A_449 = arith.constant 2064 : i32
        %add3A_450 = arith.addi %add3A_449, %scan3A_424 : i32
        %bitcast3A = vector.bitcast %get3A_432 : vector<16xf32> to vector<16xi32>
        %swap3A_451 = arith.index_cast %add3A_450 : i32 to index
        %swap3A_452 = tpu.vector_load %arg13[%swap3A_451] masked %gt3A_435 {strides = array<i32>} : memref<4224xi32, #tpu.memory_space<vmem>>, vector<16xi32>, vector<16xi1>
        tpu.vector_store %arg13[%swap3A_451], %bitcast3A masked %gt3A_435 {strides = array<i32>} : memref<4224xi32, #tpu.memory_space<vmem>>, vector<16xi32>, vector<16xi1>
        %all_reduce_population_count3A = tpu.all_reduce %gt3A_435 {dim = 0 : i64, kind = #tpu.reduction_kind<sum>} : vector<16xi1> -> vector<16xi32>
        %slice3A = vector.extract_strided_slice %all_reduce_population_count3A {offsets = [0], sizes = [1], strides = [1]} : vector<16xi32> to vector<1xi32>
        %squeeze3A = vector.extract %slice3A[0] : i32 from vector<1xi32>
        %add3A_453 = arith.addi %scan3A_424, %squeeze3A : i32
        scf.yield %add3A_453 : i32
      }
      %scan3A_398 = arith.constant 128 : i32
      %mul3A_399 = vector.broadcast %scan3A_397 : i32 to vector<16xi32>
      %mul3A_400 = arith.muli %broadcast_in_dim3A_25, %mul3A_399 : vector<16xi32>
      %swap3A_401 = arith.constant 0 : index
      %swap3A_402 = tpu.vector_load %arg13[%swap3A_401] {strides = array<i32>} : memref<4224xi32, #tpu.memory_space<vmem>>, vector<16xi32>,
      tpu.vector_store %arg13[%swap3A_401], %mul3A_400 {strides = array<i32>} : memref<4224xi32, #tpu.memory_space<vmem>>, vector<16xi32>,
      %mul3A_403 = arith.constant 4224 : i32
      %mul3A_404 = arith.muli %arg1, %mul3A_403 : i32
      "tpu.region"() ({
        %run_scoped3A = tpu.sem_alloc : memref<!tpu.dma_semaphore, #tpu.memory_space<semaphore_mem>>
        %dma_start3A_423 = tpu.memref_slice %arg8[%mul3A_404] : memref<67584xi32, #tpu.memory_space<vmem_shared>> -> memref<4224xi32, #tpu.memory_space<vmem_shared>>
        %dma_start3A_424 = tpu.memref_slice %arg8[%mul3A_404] : memref<67584xi32, #tpu.memory_space<vmem_shared>> -> memref<4224xi32, #tpu.memory_space<vmem_shared>>
        tpu.enqueue_dma source(%arg13 : memref<4224xi32, #tpu.memory_space<vmem>>) target(%dma_start3A_424 : memref<4224xi32, #tpu.memory_space<vmem_shared>>) target_semaphore(%run_scoped3A : memref<!tpu.dma_semaphore, #tpu.memory_space<semaphore_mem>>)
        %dma_wait3A_425 = tpu.memref_slice %arg8[%mul3A_404] : memref<67584xi32, #tpu.memory_space<vmem_shared>> -> memref<4224xi32, #tpu.memory_space<vmem_shared>>
        %dma_wait3A_426 = tpu.memref_slice %arg8[%mul3A_404] : memref<67584xi32, #tpu.memory_space<vmem_shared>> -> memref<4224xi32, #tpu.memory_space<vmem_shared>>
        tpu.wait_dma2 semaphore(%run_scoped3A : memref<!tpu.dma_semaphore, #tpu.memory_space<semaphore_mem>>) src(%arg13 : memref<4224xi32, #tpu.memory_space<vmem>>) dst(%dma_wait3A_426 : memref<4224xi32, #tpu.memory_space<vmem_shared>>)
        tpu.yield
      }) : () -> ()
      %barrier3A_405 = arith.constant 0 : index
      tpu.barrier barrier_id(%barrier3A_405)
      %rem3A = arith.constant 0 : i32
      %rem3A_406 = arith.constant 2 : i32
      %rem3A_407 = arith.remsi %rem3A, %rem3A_406 : i32
      %mul3A_408 = arith.constant 8448 : i32
      %mul3A_409 = arith.muli %rem3A_407, %mul3A_408 : i32
      %dma_start3A_410 = tpu.memref_slice %arg14[%mul3A_409] : memref<16896xi32, #tpu.memory_space<vmem>> -> memref<8448xi32, #tpu.memory_space<vmem>>
      %dma_start3A_411 = arith.constant 0 : i32
      %dma_start3A_412 = tpu.memref_slice %arg8[%dma_start3A_411] : memref<67584xi32, #tpu.memory_space<vmem_shared>> -> memref<8448xi32, #tpu.memory_space<vmem_shared>>
      %dma_start3A_413 = tpu.memref_slice %arg14[%mul3A_409] : memref<16896xi32, #tpu.memory_space<vmem>> -> memref<8448xi32, #tpu.memory_space<vmem>>
      %dma_start3A_414 = arith.constant 0 : i32
      %dma_start3A_415 = tpu.memref_slice %arg8[%dma_start3A_414] : memref<67584xi32, #tpu.memory_space<vmem_shared>> -> memref<8448xi32, #tpu.memory_space<vmem_shared>>
      tpu.enqueue_dma source(%dma_start3A_415 : memref<8448xi32, #tpu.memory_space<vmem_shared>>) target(%dma_start3A_413 : memref<8448xi32, #tpu.memory_space<vmem>>) target_semaphore(%arg26 : memref<!tpu.dma_semaphore, #tpu.memory_space<semaphore_mem>>)
      %scan3A_416 = arith.constant 0 : i32
      %scan3A_417 = arith.constant 8 : i32
      %scan3A_418 = arith.addi %scan3A_416, %scan3A_417 : i32
      %scan3A_419 = arith.constant 1 : i32
      %scan3A_420 = scf.for %scan3A_423 = %scan3A_416 to %scan3A_418 step %scan3A_419 iter_args(%scan3A_424 = %scan3A_386) -> (i32)  : i32 {
        %rem3A_425 = arith.constant 2 : i32
        %rem3A_426 = arith.remsi %scan3A_423, %rem3A_425 : i32
        %mul3A_427 = arith.constant 2 : i32
        %mul3A_428 = arith.muli %scan3A_423, %mul3A_427 : i32
        %mul3A_429 = arith.constant 4224 : i32
        %mul3A_430 = arith.muli %mul3A_428, %mul3A_429 : i32
        %mul3A_431 = arith.constant 8448 : i32
        %mul3A_432 = arith.muli %rem3A_426, %mul3A_431 : i32
        %dma_wait3A_433 = tpu.memref_slice %arg14[%mul3A_432] : memref<16896xi32, #tpu.memory_space<vmem>> -> memref<8448xi32, #tpu.memory_space<vmem>>
        %dma_wait3A_434 = tpu.memref_slice %arg8[%mul3A_430] : memref<67584xi32, #tpu.memory_space<vmem_shared>> -> memref<8448xi32, #tpu.memory_space<vmem_shared>>
        %dma_wait3A_435 = tpu.memref_slice %arg14[%mul3A_432] : memref<16896xi32, #tpu.memory_space<vmem>> -> memref<8448xi32, #tpu.memory_space<vmem>>
        %dma_wait3A_436 = tpu.memref_slice %arg8[%mul3A_430] : memref<67584xi32, #tpu.memory_space<vmem_shared>> -> memref<8448xi32, #tpu.memory_space<vmem_shared>>
        tpu.wait_dma2 semaphore(%arg26 : memref<!tpu.dma_semaphore, #tpu.memory_space<semaphore_mem>>) src(%dma_wait3A_436 : memref<8448xi32, #tpu.memory_space<vmem_shared>>) dst(%dma_wait3A_435 : memref<8448xi32, #tpu.memory_space<vmem>>)
        %add3A_437 = arith.constant 1 : i32
        %add3A_438 = arith.addi %scan3A_423, %add3A_437 : i32
        %lt3A = arith.constant 8 : i32
        %lt3A_439 = arith.cmpi slt, %add3A_438, %lt3A : i32
        %convert_element_type3A_440 = arith.extui %lt3A_439 : i1 to i32
        %cond3A_441 = arith.constant 0 : i32
        %cond3A_442 = arith.cmpi ne, %convert_element_type3A_440, %cond3A_441 : i32
        scf.if %cond3A_442 {
          %add3A_551 = arith.constant 1 : i32
          %add3A_552 = arith.addi %scan3A_423, %add3A_551 : i32
          %rem3A_553 = arith.constant 2 : i32
          %rem3A_554 = arith.remsi %add3A_552, %rem3A_553 : i32
          %mul3A_555 = arith.constant 2 : i32
          %mul3A_556 = arith.muli %add3A_552, %mul3A_555 : i32
          %mul3A_557 = arith.constant 4224 : i32
          %mul3A_558 = arith.muli %mul3A_556, %mul3A_557 : i32
          %mul3A_559 = arith.constant 8448 : i32
          %mul3A_560 = arith.muli %rem3A_554, %mul3A_559 : i32
          %dma_start3A_561 = tpu.memref_slice %arg14[%mul3A_560] : memref<16896xi32, #tpu.memory_space<vmem>> -> memref<8448xi32, #tpu.memory_space<vmem>>
          %dma_start3A_562 = tpu.memref_slice %arg8[%mul3A_558] : memref<67584xi32, #tpu.memory_space<vmem_shared>> -> memref<8448xi32, #tpu.memory_space<vmem_shared>>
          %dma_start3A_563 = tpu.memref_slice %arg14[%mul3A_560] : memref<16896xi32, #tpu.memory_space<vmem>> -> memref<8448xi32, #tpu.memory_space<vmem>>
          %dma_start3A_564 = tpu.memref_slice %arg8[%mul3A_558] : memref<67584xi32, #tpu.memory_space<vmem_shared>> -> memref<8448xi32, #tpu.memory_space<vmem_shared>>
          tpu.enqueue_dma source(%dma_start3A_564 : memref<8448xi32, #tpu.memory_space<vmem_shared>>) target(%dma_start3A_563 : memref<8448xi32, #tpu.memory_space<vmem>>) target_semaphore(%arg26 : memref<!tpu.dma_semaphore, #tpu.memory_space<semaphore_mem>>)
        } else {
        }
        %mul3A_443 = arith.constant 8448 : i32
        %mul3A_444 = arith.muli %rem3A_426, %mul3A_443 : i32
        %add3A_445 = arith.constant 0 : i32
        %add3A_446 = arith.addi %mul3A_444, %add3A_445 : i32
        %get3A_447 = arith.index_cast %add3A_446 : i32 to index
        %get3A_448 = tpu.vector_load %arg14[%get3A_447] {strides = array<i32>} : memref<16896xi32, #tpu.memory_space<vmem>>, vector<16xi32>,
        %slice3A = vector.extract_strided_slice %get3A_448 {offsets = [0], sizes = [1], strides = [1]} : vector<16xi32> to vector<1xi32>
        %squeeze3A = vector.extract %slice3A[0] : i32 from vector<1xi32>
        %mul3A_449 = vector.broadcast %squeeze3A : i32 to vector<16xi32>
        %mul3A_450 = arith.muli %broadcast_in_dim3A_25, %mul3A_449 : vector<16xi32>
        %add3A_451 = arith.constant 15 : i32
        %add3A_452 = arith.addi %squeeze3A, %add3A_451 : i32
        %shift_right_logical3A_453 = arith.constant 4 : i32
        %shift_right_logical3A_454 = arith.shrui %add3A_452, %shift_right_logical3A_453 : i32
        %while3A_455 = arith.constant 0 : i32
        %while3A_456 = arith.subi %shift_right_logical3A_454, %while3A_455 : i32
        %while3A_457 = arith.addi %while3A_455, %while3A_456 : i32
        %while3A_458 = arith.constant 1 : i32
        %while3A_459 = arith.divsi %while3A_456, %while3A_458 : i32
        %while3A_460 = arith.muli %while3A_459, %while3A_458 : i32
        %while3A_461 = arith.addi %while3A_455, %while3A_460 : i32
        %while3A_462 = arith.constant 1 : i32
        %while3A_463 = scf.for %while3A_551 = %while3A_455 to %while3A_461 step %while3A_462 iter_args(%while3A_552 = %scan3A_424) -> (i32)  : i32 {
          %add3A_553 = arith.constant 0 : i32
          %add3A_554 = arith.addi %mul3A_444, %add3A_553 : i32
          %add3A_555 = arith.constant 16 : i32
          %add3A_556 = arith.addi %add3A_554, %add3A_555 : i32
          %mul3A_557 = arith.constant 16 : i32
          %mul3A_558 = arith.muli %while3A_551, %mul3A_557 : i32
          %add3A_559 = arith.addi %add3A_556, %mul3A_558 : i32
          %get3A_560 = arith.index_cast %add3A_559 : i32 to index
          %get3A_561 = tpu.vector_load %arg14[%get3A_560] {strides = array<i32>} : memref<16896xi32, #tpu.memory_space<vmem>>, vector<16xi32>,
          %shift_right_logical3A_562 = arith.shrui %get3A_561, %broadcast_in_dim3A_19 : vector<16xi32>
          %mul3A_563 = arith.constant 16 : i32
          %mul3A_564 = arith.muli %while3A_551, %mul3A_563 : i32
          %add3A_565 = vector.broadcast %mul3A_564 : i32 to vector<16xi32>
          %add3A_566 = arith.addi %add3A_565, %iota3A : vector<16xi32>
          %lt3A_567 = arith.cmpi slt, %add3A_566, %mul3A_450 : vector<16xi32>
          %ge3A_568 = vector.broadcast %mul3A_6 : i32 to vector<16xi32>
          %ge3A_569 = arith.cmpi sge, %shift_right_logical3A_562, %ge3A_568 : vector<16xi32>
          %and3A_570 = arith.andi %lt3A_567, %ge3A_569 : vector<16xi1>
          %add3A_571 = arith.constant 200 : i32
          %add3A_572 = arith.addi %mul3A_6, %add3A_571 : i32
          %lt3A_573 = vector.broadcast %add3A_572 : i32 to vector<16xi32>
          %lt3A_574 = arith.cmpi slt, %shift_right_logical3A_562, %lt3A_573 : vector<16xi32>
          %and3A_575 = arith.andi %and3A_570, %lt3A_574 : vector<16xi1>
          %sub3A_576 = vector.broadcast %mul3A_6 : i32 to vector<16xi32>
          %sub3A_577 = arith.subi %shift_right_logical3A_562, %sub3A_576 : vector<16xi32>
          %swap3A_578 = arith.index_cast %while3A_552 : i32 to index
          %swap3A_579 = tpu.vector_load %arg15[%swap3A_578] masked %and3A_575 {strides = array<i32>} : memref<2368xi32, #tpu.memory_space<vmem>>, vector<16xi32>, vector<16xi1>
          tpu.vector_store %arg15[%swap3A_578], %sub3A_577 masked %and3A_575 {strides = array<i32>} : memref<2368xi32, #tpu.memory_space<vmem>>, vector<16xi32>, vector<16xi1>
          %and3A_580 = arith.andi %get3A_561, %broadcast_in_dim3A_21 : vector<16xi32>
          %swap3A_581 = arith.index_cast %while3A_552 : i32 to index
          %swap3A_582 = tpu.vector_load %arg16[%swap3A_581] masked %and3A_575 {strides = array<i32>} : memref<2368xi32, #tpu.memory_space<vmem>>, vector<16xi32>, vector<16xi1>
          tpu.vector_store %arg16[%swap3A_581], %and3A_580 masked %and3A_575 {strides = array<i32>} : memref<2368xi32, #tpu.memory_space<vmem>>, vector<16xi32>, vector<16xi1>
          %add3A_583 = arith.constant 0 : i32
          %add3A_584 = arith.addi %mul3A_444, %add3A_583 : i32
          %add3A_585 = arith.constant 16 : i32
          %add3A_586 = arith.addi %add3A_584, %add3A_585 : i32
          %add3A_587 = arith.constant 2048 : i32
          %add3A_588 = arith.addi %add3A_586, %add3A_587 : i32
          %mul3A_589 = arith.constant 16 : i32
          %mul3A_590 = arith.muli %while3A_551, %mul3A_589 : i32
          %add3A_591 = arith.addi %add3A_588, %mul3A_590 : i32
          %get3A_592 = arith.index_cast %add3A_591 : i32 to index
          %get3A_593 = tpu.vector_load %arg14[%get3A_592] {strides = array<i32>} : memref<16896xi32, #tpu.memory_space<vmem>>, vector<16xi32>,
          %bitcast3A = vector.bitcast %get3A_593 : vector<16xi32> to vector<16xf32>
          %swap3A_594 = arith.index_cast %while3A_552 : i32 to index
          %swap3A_595 = tpu.vector_load %arg17[%swap3A_594] masked %and3A_575 {strides = array<i32>} : memref<2368xf32, #tpu.memory_space<vmem>>, vector<16xf32>, vector<16xi1>
          tpu.vector_store %arg17[%swap3A_594], %bitcast3A masked %and3A_575 {strides = array<i32>} : memref<2368xf32, #tpu.memory_space<vmem>>, vector<16xf32>, vector<16xi1>
          %all_reduce_population_count3A = tpu.all_reduce %and3A_575 {dim = 0 : i64, kind = #tpu.reduction_kind<sum>} : vector<16xi1> -> vector<16xi32>
          %slice3A_596 = vector.extract_strided_slice %all_reduce_population_count3A {offsets = [0], sizes = [1], strides = [1]} : vector<16xi32> to vector<1xi32>
          %squeeze3A_597 = vector.extract %slice3A_596[0] : i32 from vector<1xi32>
          %add3A_598 = arith.addi %while3A_552, %squeeze3A_597 : i32
          scf.yield %add3A_598 : i32
        }
        %while3A_464 = arith.constant 1 : i32
        %while3A_465 = scf.for %while3A_551 = %while3A_461 to %while3A_457 step %while3A_464 iter_args(%while3A_552 = %while3A_463) -> (i32)  : i32 {
          %add3A_553 = arith.constant 0 : i32
          %add3A_554 = arith.addi %mul3A_444, %add3A_553 : i32
          %add3A_555 = arith.constant 16 : i32
          %add3A_556 = arith.addi %add3A_554, %add3A_555 : i32
          %mul3A_557 = arith.constant 16 : i32
          %mul3A_558 = arith.muli %while3A_551, %mul3A_557 : i32
          %add3A_559 = arith.addi %add3A_556, %mul3A_558 : i32
          %get3A_560 = arith.index_cast %add3A_559 : i32 to index
          %get3A_561 = tpu.vector_load %arg14[%get3A_560] {strides = array<i32>} : memref<16896xi32, #tpu.memory_space<vmem>>, vector<16xi32>,
          %shift_right_logical3A_562 = arith.shrui %get3A_561, %broadcast_in_dim3A_19 : vector<16xi32>
          %mul3A_563 = arith.constant 16 : i32
          %mul3A_564 = arith.muli %while3A_551, %mul3A_563 : i32
          %add3A_565 = vector.broadcast %mul3A_564 : i32 to vector<16xi32>
          %add3A_566 = arith.addi %add3A_565, %iota3A : vector<16xi32>
          %lt3A_567 = arith.cmpi slt, %add3A_566, %mul3A_450 : vector<16xi32>
          %ge3A_568 = vector.broadcast %mul3A_6 : i32 to vector<16xi32>
          %ge3A_569 = arith.cmpi sge, %shift_right_logical3A_562, %ge3A_568 : vector<16xi32>
          %and3A_570 = arith.andi %lt3A_567, %ge3A_569 : vector<16xi1>
          %add3A_571 = arith.constant 200 : i32
          %add3A_572 = arith.addi %mul3A_6, %add3A_571 : i32
          %lt3A_573 = vector.broadcast %add3A_572 : i32 to vector<16xi32>
          %lt3A_574 = arith.cmpi slt, %shift_right_logical3A_562, %lt3A_573 : vector<16xi32>
          %and3A_575 = arith.andi %and3A_570, %lt3A_574 : vector<16xi1>
          %sub3A_576 = vector.broadcast %mul3A_6 : i32 to vector<16xi32>
          %sub3A_577 = arith.subi %shift_right_logical3A_562, %sub3A_576 : vector<16xi32>
          %swap3A_578 = arith.index_cast %while3A_552 : i32 to index
          %swap3A_579 = tpu.vector_load %arg15[%swap3A_578] masked %and3A_575 {strides = array<i32>} : memref<2368xi32, #tpu.memory_space<vmem>>, vector<16xi32>, vector<16xi1>
          tpu.vector_store %arg15[%swap3A_578], %sub3A_577 masked %and3A_575 {strides = array<i32>} : memref<2368xi32, #tpu.memory_space<vmem>>, vector<16xi32>, vector<16xi1>
          %and3A_580 = arith.andi %get3A_561, %broadcast_in_dim3A_21 : vector<16xi32>
          %swap3A_581 = arith.index_cast %while3A_552 : i32 to index
          %swap3A_582 = tpu.vector_load %arg16[%swap3A_581] masked %and3A_575 {strides = array<i32>} : memref<2368xi32, #tpu.memory_space<vmem>>, vector<16xi32>, vector<16xi1>
          tpu.vector_store %arg16[%swap3A_581], %and3A_580 masked %and3A_575 {strides = array<i32>} : memref<2368xi32, #tpu.memory_space<vmem>>, vector<16xi32>, vector<16xi1>
          %add3A_583 = arith.constant 0 : i32
          %add3A_584 = arith.addi %mul3A_444, %add3A_583 : i32
          %add3A_585 = arith.constant 16 : i32
          %add3A_586 = arith.addi %add3A_584, %add3A_585 : i32
          %add3A_587 = arith.constant 2048 : i32
          %add3A_588 = arith.addi %add3A_586, %add3A_587 : i32
          %mul3A_589 = arith.constant 16 : i32
          %mul3A_590 = arith.muli %while3A_551, %mul3A_589 : i32
          %add3A_591 = arith.addi %add3A_588, %mul3A_590 : i32
          %get3A_592 = arith.index_cast %add3A_591 : i32 to index
          %get3A_593 = tpu.vector_load %arg14[%get3A_592] {strides = array<i32>} : memref<16896xi32, #tpu.memory_space<vmem>>, vector<16xi32>,
          %bitcast3A = vector.bitcast %get3A_593 : vector<16xi32> to vector<16xf32>
          %swap3A_594 = arith.index_cast %while3A_552 : i32 to index
          %swap3A_595 = tpu.vector_load %arg17[%swap3A_594] masked %and3A_575 {strides = array<i32>} : memref<2368xf32, #tpu.memory_space<vmem>>, vector<16xf32>, vector<16xi1>
          tpu.vector_store %arg17[%swap3A_594], %bitcast3A masked %and3A_575 {strides = array<i32>} : memref<2368xf32, #tpu.memory_space<vmem>>, vector<16xf32>, vector<16xi1>
          %all_reduce_population_count3A = tpu.all_reduce %and3A_575 {dim = 0 : i64, kind = #tpu.reduction_kind<sum>} : vector<16xi1> -> vector<16xi32>
          %slice3A_596 = vector.extract_strided_slice %all_reduce_population_count3A {offsets = [0], sizes = [1], strides = [1]} : vector<16xi32> to vector<1xi32>
          %squeeze3A_597 = vector.extract %slice3A_596[0] : i32 from vector<1xi32>
          %add3A_598 = arith.addi %while3A_552, %squeeze3A_597 : i32
          scf.yield %add3A_598 : i32
        }
        %ge3A_466 = arith.constant 256 : i32
        %ge3A_467 = arith.cmpi sge, %while3A_465, %ge3A_466 : i32
        %shift_right_logical3A_468 = arith.constant 6 : i32
        %shift_right_logical3A_469 = arith.shrui %while3A_465, %shift_right_logical3A_468 : i32
        %jit3A_470 = arith.constant 0 : i32
        %select_n3A_471 = arith.select %ge3A_467, %shift_right_logical3A_469, %jit3A_470 : i32
        %gt3A_472 = arith.constant 0 : i32
        %gt3A_473 = arith.cmpi sgt, %select_n3A_471, %gt3A_472 : i32
        %convert_element_type3A_474 = arith.extui %gt3A_473 : i1 to i32
        %cond3A_475 = arith.constant 0 : i32
        %cond3A_476 = arith.cmpi ne, %convert_element_type3A_474, %cond3A_475 : i32
        scf.if %cond3A_476 {
          %rem3A_551 = arith.constant 0 : i32
          %rem3A_552 = arith.constant 2 : i32
          %rem3A_553 = arith.remsi %rem3A_551, %rem3A_552 : i32
          %get3A_554 = arith.constant 0 : index
          %get3A_555 = tpu.vector_load %arg16[%get3A_554] {strides = array<i32>} : memref<2368xi32, #tpu.memory_space<vmem>>, vector<16xi32>,
          %mul3A_556 = arith.constant 128 : i32
          %mul3A_557 = arith.muli %rem3A_553, %mul3A_556 : i32
          %add3A_558 = arith.constant 0 : i32
          %add3A_559 = arith.addi %mul3A_557, %add3A_558 : i32
          %swap3A_560 = arith.index_cast %add3A_559 : i32 to index
          %swap3A_561 = tpu.vector_load %arg18[%swap3A_560] {strides = array<i32>} : memref<256xi32, #tpu.memory_space<vmem>>, vector<16xi32>,
          tpu.vector_store %arg18[%swap3A_560], %get3A_555 {strides = array<i32>} : memref<256xi32, #tpu.memory_space<vmem>>, vector<16xi32>,
          %get3A_562 = arith.constant 16 : index
          %get3A_563 = tpu.vector_load %arg16[%get3A_562] {strides = array<i32>} : memref<2368xi32, #tpu.memory_space<vmem>>, vector<16xi32>,
          %mul3A_564 = arith.constant 128 : i32
          %mul3A_565 = arith.muli %rem3A_553, %mul3A_564 : i32
          %add3A_566 = arith.constant 16 : i32
          %add3A_567 = arith.addi %mul3A_565, %add3A_566 : i32
          %swap3A_568 = arith.index_cast %add3A_567 : i32 to index
          %swap3A_569 = tpu.vector_load %arg18[%swap3A_568] {strides = array<i32>} : memref<256xi32, #tpu.memory_space<vmem>>, vector<16xi32>,
          tpu.vector_store %arg18[%swap3A_568], %get3A_563 {strides = array<i32>} : memref<256xi32, #tpu.memory_space<vmem>>, vector<16xi32>,
          %get3A_570 = arith.constant 32 : index
          %get3A_571 = tpu.vector_load %arg16[%get3A_570] {strides = array<i32>} : memref<2368xi32, #tpu.memory_space<vmem>>, vector<16xi32>,
          %mul3A_572 = arith.constant 128 : i32
          %mul3A_573 = arith.muli %rem3A_553, %mul3A_572 : i32
          %add3A_574 = arith.constant 32 : i32
          %add3A_575 = arith.addi %mul3A_573, %add3A_574 : i32
          %swap3A_576 = arith.index_cast %add3A_575 : i32 to index
          %swap3A_577 = tpu.vector_load %arg18[%swap3A_576] {strides = array<i32>} : memref<256xi32, #tpu.memory_space<vmem>>, vector<16xi32>,
          tpu.vector_store %arg18[%swap3A_576], %get3A_571 {strides = array<i32>} : memref<256xi32, #tpu.memory_space<vmem>>, vector<16xi32>,
          %get3A_578 = arith.constant 48 : index
          %get3A_579 = tpu.vector_load %arg16[%get3A_578] {strides = array<i32>} : memref<2368xi32, #tpu.memory_space<vmem>>, vector<16xi32>,
          %mul3A_580 = arith.constant 128 : i32
          %mul3A_581 = arith.muli %rem3A_553, %mul3A_580 : i32
          %add3A_582 = arith.constant 48 : i32
          %add3A_583 = arith.addi %mul3A_581, %add3A_582 : i32
          %swap3A_584 = arith.index_cast %add3A_583 : i32 to index
          %swap3A_585 = tpu.vector_load %arg18[%swap3A_584] {strides = array<i32>} : memref<256xi32, #tpu.memory_space<vmem>>, vector<16xi32>,
          tpu.vector_store %arg18[%swap3A_584], %get3A_579 {strides = array<i32>} : memref<256xi32, #tpu.memory_space<vmem>>, vector<16xi32>,
          %mul3A_586 = arith.constant 128 : i32
          %mul3A_587 = arith.muli %rem3A_553, %mul3A_586 : i32
          %mul3A_588 = arith.constant 64 : i32
          %mul3A_589 = arith.muli %rem3A_553, %mul3A_588 : i32
          %dma_start3A_590 = arith.constant 0 : i32
          %dma_start3A_591 = tpu.memref_slice %arg19[%mul3A_589, %dma_start3A_590] : memref<128x128xf32, #tpu.memory_space<vmem>> -> memref<64x128xf32, #tpu.memory_space<vmem>>
          %dma_start3A_592 = tpu.memref_slice %arg18[%mul3A_587] : memref<256xi32, #tpu.memory_space<vmem>> -> memref<64xi32, #tpu.memory_space<vmem>>
          %dma_start3A_593 = arith.constant 0 : i32
          %dma_start3A_594 = arith.constant 0 : i32
          %dma_start3A_595 = tpu.memref_slice %arg2[%dma_start3A_593, %dma_start3A_594] : memref<10000x128xf32, #tpu.memory_space<hbm>> -> memref<10000x128xf32, #tpu.memory_space<hbm>>
          tpu.enqueue_indirect_dma source(%dma_start3A_595 : memref<10000x128xf32, #tpu.memory_space<hbm>>) target(%dma_start3A_591 : memref<64x128xf32, #tpu.memory_space<vmem>>) offsets(%dma_start3A_592 : memref<64xi32, #tpu.memory_space<vmem>>) semaphore(%arg24 : memref<!tpu.dma_semaphore, #tpu.memory_space<semaphore_mem>>)
        } else {
        }
        %while3A_477 = arith.constant 0 : i32
        %while3A_478 = arith.constant 0 : i32
        %while3A_479 = arith.subi %select_n3A_471, %while3A_477 : i32
        %while3A_480 = arith.addi %while3A_477, %while3A_479 : i32
        %while3A_481 = arith.constant 1 : i32
        %while3A_482 = arith.divsi %while3A_479, %while3A_481 : i32
        %while3A_483 = arith.muli %while3A_482, %while3A_481 : i32
        %while3A_484 = arith.addi %while3A_477, %while3A_483 : i32
        %while3A_485 = arith.constant 1 : i32
        %while3A_486 = scf.for %while3A_551 = %while3A_477 to %while3A_484 step %while3A_485 iter_args(%while3A_552 = %while3A_478) -> (i32)  : i32 {
          %rem3A_553 = arith.constant 2 : i32
          %rem3A_554 = arith.remsi %while3A_551, %rem3A_553 : i32
          %mul3A_555 = arith.constant 128 : i32
          %mul3A_556 = arith.muli %rem3A_554, %mul3A_555 : i32
          %mul3A_557 = arith.constant 64 : i32
          %mul3A_558 = arith.muli %rem3A_554, %mul3A_557 : i32
          %dma_wait3A_559 = arith.constant 0 : i32
          %dma_wait3A_560 = tpu.memref_slice %arg19[%mul3A_558, %dma_wait3A_559] : memref<128x128xf32, #tpu.memory_space<vmem>> -> memref<64x128xf32, #tpu.memory_space<vmem>>
          %dma_wait3A_561 = tpu.memref_slice %arg18[%mul3A_556] : memref<256xi32, #tpu.memory_space<vmem>> -> memref<64xi32, #tpu.memory_space<vmem>>
          %dma_wait3A_562 = arith.constant 0 : i32
          %dma_wait3A_563 = arith.constant 0 : i32
          %dma_wait3A_564 = tpu.memref_slice %arg2[%dma_wait3A_562, %dma_wait3A_563] : memref<10000x128xf32, #tpu.memory_space<hbm>> -> memref<10000x128xf32, #tpu.memory_space<hbm>>
          tpu.wait_indirect_dma semaphore(%arg24 : memref<!tpu.dma_semaphore, #tpu.memory_space<semaphore_mem>>) src(%dma_wait3A_564 : memref<10000x128xf32, #tpu.memory_space<hbm>>) dst(%dma_wait3A_560 : memref<64x128xf32, #tpu.memory_space<vmem>>)
          %add3A_565 = arith.constant 1 : i32
          %add3A_566 = arith.addi %while3A_551, %add3A_565 : i32
          %lt3A_567 = arith.cmpi slt, %add3A_566, %select_n3A_471 : i32
          %convert_element_type3A_568 = arith.extui %lt3A_567 : i1 to i32
          %cond3A_569 = arith.constant 0 : i32
          %cond3A_570 = arith.cmpi ne, %convert_element_type3A_568, %cond3A_569 : i32
          scf.if %cond3A_570 {
            %add3A_583 = arith.constant 1 : i32
            %add3A_584 = arith.addi %while3A_551, %add3A_583 : i32
            %rem3A_585 = arith.constant 2 : i32
            %rem3A_586 = arith.remsi %add3A_584, %rem3A_585 : i32
            %mul3A_587 = arith.constant 64 : i32
            %mul3A_588 = arith.muli %add3A_584, %mul3A_587 : i32
            %add3A_589 = arith.constant 0 : i32
            %add3A_590 = arith.addi %mul3A_588, %add3A_589 : i32
            %get3A_591 = arith.index_cast %add3A_590 : i32 to index
            %get3A_592 = tpu.vector_load %arg16[%get3A_591] {strides = array<i32>} : memref<2368xi32, #tpu.memory_space<vmem>>, vector<16xi32>,
            %mul3A_593 = arith.constant 128 : i32
            %mul3A_594 = arith.muli %rem3A_586, %mul3A_593 : i32
            %add3A_595 = arith.constant 0 : i32
            %add3A_596 = arith.addi %mul3A_594, %add3A_595 : i32
            %swap3A_597 = arith.index_cast %add3A_596 : i32 to index
            %swap3A_598 = tpu.vector_load %arg18[%swap3A_597] {strides = array<i32>} : memref<256xi32, #tpu.memory_space<vmem>>, vector<16xi32>,
            tpu.vector_store %arg18[%swap3A_597], %get3A_592 {strides = array<i32>} : memref<256xi32, #tpu.memory_space<vmem>>, vector<16xi32>,
            %mul3A_599 = arith.constant 64 : i32
            %mul3A_600 = arith.muli %add3A_584, %mul3A_599 : i32
            %add3A_601 = arith.constant 16 : i32
            %add3A_602 = arith.addi %mul3A_600, %add3A_601 : i32
            %get3A_603 = arith.index_cast %add3A_602 : i32 to index
            %get3A_604 = tpu.vector_load %arg16[%get3A_603] {strides = array<i32>} : memref<2368xi32, #tpu.memory_space<vmem>>, vector<16xi32>,
            %mul3A_605 = arith.constant 128 : i32
            %mul3A_606 = arith.muli %rem3A_586, %mul3A_605 : i32
            %add3A_607 = arith.constant 16 : i32
            %add3A_608 = arith.addi %mul3A_606, %add3A_607 : i32
            %swap3A_609 = arith.index_cast %add3A_608 : i32 to index
            %swap3A_610 = tpu.vector_load %arg18[%swap3A_609] {strides = array<i32>} : memref<256xi32, #tpu.memory_space<vmem>>, vector<16xi32>,
            tpu.vector_store %arg18[%swap3A_609], %get3A_604 {strides = array<i32>} : memref<256xi32, #tpu.memory_space<vmem>>, vector<16xi32>,
            %mul3A_611 = arith.constant 64 : i32
            %mul3A_612 = arith.muli %add3A_584, %mul3A_611 : i32
            %add3A_613 = arith.constant 32 : i32
            %add3A_614 = arith.addi %mul3A_612, %add3A_613 : i32
            %get3A_615 = arith.index_cast %add3A_614 : i32 to index
            %get3A_616 = tpu.vector_load %arg16[%get3A_615] {strides = array<i32>} : memref<2368xi32, #tpu.memory_space<vmem>>, vector<16xi32>,
            %mul3A_617 = arith.constant 128 : i32
            %mul3A_618 = arith.muli %rem3A_586, %mul3A_617 : i32
            %add3A_619 = arith.constant 32 : i32
            %add3A_620 = arith.addi %mul3A_618, %add3A_619 : i32
            %swap3A_621 = arith.index_cast %add3A_620 : i32 to index
            %swap3A_622 = tpu.vector_load %arg18[%swap3A_621] {strides = array<i32>} : memref<256xi32, #tpu.memory_space<vmem>>, vector<16xi32>,
            tpu.vector_store %arg18[%swap3A_621], %get3A_616 {strides = array<i32>} : memref<256xi32, #tpu.memory_space<vmem>>, vector<16xi32>,
            %mul3A_623 = arith.constant 64 : i32
            %mul3A_624 = arith.muli %add3A_584, %mul3A_623 : i32
            %add3A_625 = arith.constant 48 : i32
            %add3A_626 = arith.addi %mul3A_624, %add3A_625 : i32
            %get3A_627 = arith.index_cast %add3A_626 : i32 to index
            %get3A_628 = tpu.vector_load %arg16[%get3A_627] {strides = array<i32>} : memref<2368xi32, #tpu.memory_space<vmem>>, vector<16xi32>,
            %mul3A_629 = arith.constant 128 : i32
            %mul3A_630 = arith.muli %rem3A_586, %mul3A_629 : i32
            %add3A_631 = arith.constant 48 : i32
            %add3A_632 = arith.addi %mul3A_630, %add3A_631 : i32
            %swap3A_633 = arith.index_cast %add3A_632 : i32 to index
            %swap3A_634 = tpu.vector_load %arg18[%swap3A_633] {strides = array<i32>} : memref<256xi32, #tpu.memory_space<vmem>>, vector<16xi32>,
            tpu.vector_store %arg18[%swap3A_633], %get3A_628 {strides = array<i32>} : memref<256xi32, #tpu.memory_space<vmem>>, vector<16xi32>,
            %mul3A_635 = arith.constant 128 : i32
            %mul3A_636 = arith.muli %rem3A_586, %mul3A_635 : i32
            %mul3A_637 = arith.constant 64 : i32
            %mul3A_638 = arith.muli %rem3A_586, %mul3A_637 : i32
            %dma_start3A_639 = arith.constant 0 : i32
            %dma_start3A_640 = tpu.memref_slice %arg19[%mul3A_638, %dma_start3A_639] : memref<128x128xf32, #tpu.memory_space<vmem>> -> memref<64x128xf32, #tpu.memory_space<vmem>>
            %dma_start3A_641 = tpu.memref_slice %arg18[%mul3A_636] : memref<256xi32, #tpu.memory_space<vmem>> -> memref<64xi32, #tpu.memory_space<vmem>>
            %dma_start3A_642 = arith.constant 0 : i32
            %dma_start3A_643 = arith.constant 0 : i32
            %dma_start3A_644 = tpu.memref_slice %arg2[%dma_start3A_642, %dma_start3A_643] : memref<10000x128xf32, #tpu.memory_space<hbm>> -> memref<10000x128xf32, #tpu.memory_space<hbm>>
            tpu.enqueue_indirect_dma source(%dma_start3A_644 : memref<10000x128xf32, #tpu.memory_space<hbm>>) target(%dma_start3A_640 : memref<64x128xf32, #tpu.memory_space<vmem>>) offsets(%dma_start3A_641 : memref<64xi32, #tpu.memory_space<vmem>>) semaphore(%arg24 : memref<!tpu.dma_semaphore, #tpu.memory_space<semaphore_mem>>)
          } else {
          }
          %mul3A_571 = arith.constant 64 : i32
          %mul3A_572 = arith.muli %rem3A_554, %mul3A_571 : i32
          %mul3A_573 = arith.constant 64 : i32
          %mul3A_574 = arith.muli %while3A_551, %mul3A_573 : i32
          %scan3A_575 = arith.constant 0 : i32
          %scan3A_576 = arith.constant 0 : i32
          %scan3A_577 = arith.constant 64 : i32
          %scan3A_578 = arith.addi %scan3A_576, %scan3A_577 : i32
          %scan3A_579 = arith.constant 1 : i32
          %scan3A_580 = scf.for %scan3A_583 = %scan3A_576 to %scan3A_578 step %scan3A_579 iter_args(%scan3A_584 = %scan3A_575) -> (i32)  : i32 {
            %add3A_585 = arith.addi %mul3A_574, %scan3A_583 : i32
            %get3A_586 = arith.index_cast %add3A_585 : i32 to index
            %get3A_587 = tpu.vector_load %arg15[%get3A_586] {strides = array<i32>} : memref<2368xi32, #tpu.memory_space<vmem>>, vector<16xi32>,
            %slice3A_588 = vector.extract_strided_slice %get3A_587 {offsets = [0], sizes = [1], strides = [1]} : vector<16xi32> to vector<1xi32>
            %squeeze3A_589 = vector.extract %slice3A_588[0] : i32 from vector<1xi32>
            %add3A_590 = arith.addi %mul3A_574, %scan3A_583 : i32
            %get3A_591 = arith.index_cast %add3A_590 : i32 to index
            %get3A_592 = tpu.vector_load %arg17[%get3A_591] {strides = array<i32>} : memref<2368xf32, #tpu.memory_space<vmem>>, vector<16xf32>,
            %slice3A_593 = vector.extract_strided_slice %get3A_592 {offsets = [0], sizes = [1], strides = [1]} : vector<16xf32> to vector<1xf32>
            %squeeze3A_594 = vector.extract %slice3A_593[0] : f32 from vector<1xf32>
            %mul3A_595 = vector.broadcast %squeeze3A_594 : f32 to vector<16xf32>
            %mul3A_596 = arith.mulf %broadcast_in_dim3A_23, %mul3A_595 : vector<16xf32>
            %add3A_597 = arith.addi %mul3A_572, %scan3A_583 : i32
            %get3A_598 = arith.index_cast %add3A_597 : i32 to index
            %get3A_599 = arith.constant 0 : index
            %get3A_600 = tpu.vector_load %arg19[%get3A_598, %get3A_599] {strides = array<i32>} : memref<128x128xf32, #tpu.memory_space<vmem>>, vector<16xf32>,
            %mul3A_601 = arith.mulf %get3A_600, %mul3A_596 : vector<16xf32>
            %swap3A_602 = arith.index_cast %squeeze3A_589 : i32 to index
            %swap3A_603 = arith.constant 0 : index
            %swap3A_604 = tpu.vector_load %arg20[%swap3A_602, %swap3A_603] {strides = array<i32>} : memref<200x256xf32, #tpu.memory_space<vmem>>, vector<16xf32>,
            tpu.vector_store %arg20[%swap3A_602, %swap3A_603], %mul3A_601 {add = true, strides = array<i32>} : memref<200x256xf32, #tpu.memory_space<vmem>>, vector<16xf32>,
            %add3A_605 = arith.addi %mul3A_572, %scan3A_583 : i32
            %get3A_606 = arith.index_cast %add3A_605 : i32 to index
            %get3A_607 = arith.constant 16 : index
            %get3A_608 = tpu.vector_load %arg19[%get3A_606, %get3A_607] {strides = array<i32>} : memref<128x128xf32, #tpu.memory_space<vmem>>, vector<16xf32>,
            %mul3A_609 = arith.mulf %get3A_608, %mul3A_596 : vector<16xf32>
            %swap3A_610 = arith.index_cast %squeeze3A_589 : i32 to index
            %swap3A_611 = arith.constant 16 : index
            %swap3A_612 = tpu.vector_load %arg20[%swap3A_610, %swap3A_611] {strides = array<i32>} : memref<200x256xf32, #tpu.memory_space<vmem>>, vector<16xf32>,
            tpu.vector_store %arg20[%swap3A_610, %swap3A_611], %mul3A_609 {add = true, strides = array<i32>} : memref<200x256xf32, #tpu.memory_space<vmem>>, vector<16xf32>,
            %add3A_613 = arith.addi %mul3A_572, %scan3A_583 : i32
            %get3A_614 = arith.index_cast %add3A_613 : i32 to index
            %get3A_615 = arith.constant 32 : index
            %get3A_616 = tpu.vector_load %arg19[%get3A_614, %get3A_615] {strides = array<i32>} : memref<128x128xf32, #tpu.memory_space<vmem>>, vector<16xf32>,
            %mul3A_617 = arith.mulf %get3A_616, %mul3A_596 : vector<16xf32>
            %swap3A_618 = arith.index_cast %squeeze3A_589 : i32 to index
            %swap3A_619 = arith.constant 32 : index
            %swap3A_620 = tpu.vector_load %arg20[%swap3A_618, %swap3A_619] {strides = array<i32>} : memref<200x256xf32, #tpu.memory_space<vmem>>, vector<16xf32>,
            tpu.vector_store %arg20[%swap3A_618, %swap3A_619], %mul3A_617 {add = true, strides = array<i32>} : memref<200x256xf32, #tpu.memory_space<vmem>>, vector<16xf32>,
            %add3A_621 = arith.addi %mul3A_572, %scan3A_583 : i32
            %get3A_622 = arith.index_cast %add3A_621 : i32 to index
            %get3A_623 = arith.constant 48 : index
            %get3A_624 = tpu.vector_load %arg19[%get3A_622, %get3A_623] {strides = array<i32>} : memref<128x128xf32, #tpu.memory_space<vmem>>, vector<16xf32>,
            %mul3A_625 = arith.mulf %get3A_624, %mul3A_596 : vector<16xf32>
            %swap3A_626 = arith.index_cast %squeeze3A_589 : i32 to index
            %swap3A_627 = arith.constant 48 : index
            %swap3A_628 = tpu.vector_load %arg20[%swap3A_626, %swap3A_627] {strides = array<i32>} : memref<200x256xf32, #tpu.memory_space<vmem>>, vector<16xf32>,
            tpu.vector_store %arg20[%swap3A_626, %swap3A_627], %mul3A_625 {add = true, strides = array<i32>} : memref<200x256xf32, #tpu.memory_space<vmem>>, vector<16xf32>,
            %add3A_629 = arith.addi %mul3A_572, %scan3A_583 : i32
            %get3A_630 = arith.index_cast %add3A_629 : i32 to index
            %get3A_631 = arith.constant 64 : index
            %get3A_632 = tpu.vector_load %arg19[%get3A_630, %get3A_631] {strides = array<i32>} : memref<128x128xf32, #tpu.memory_space<vmem>>, vector<16xf32>,
            %mul3A_633 = arith.mulf %get3A_632, %mul3A_596 : vector<16xf32>
            %swap3A_634 = arith.index_cast %squeeze3A_589 : i32 to index
            %swap3A_635 = arith.constant 64 : index
            %swap3A_636 = tpu.vector_load %arg20[%swap3A_634, %swap3A_635] {strides = array<i32>} : memref<200x256xf32, #tpu.memory_space<vmem>>, vector<16xf32>,
            tpu.vector_store %arg20[%swap3A_634, %swap3A_635], %mul3A_633 {add = true, strides = array<i32>} : memref<200x256xf32, #tpu.memory_space<vmem>>, vector<16xf32>,
            %add3A_637 = arith.addi %mul3A_572, %scan3A_583 : i32
            %get3A_638 = arith.index_cast %add3A_637 : i32 to index
            %get3A_639 = arith.constant 80 : index
            %get3A_640 = tpu.vector_load %arg19[%get3A_638, %get3A_639] {strides = array<i32>} : memref<128x128xf32, #tpu.memory_space<vmem>>, vector<16xf32>,
            %mul3A_641 = arith.mulf %get3A_640, %mul3A_596 : vector<16xf32>
            %swap3A_642 = arith.index_cast %squeeze3A_589 : i32 to index
            %swap3A_643 = arith.constant 80 : index
            %swap3A_644 = tpu.vector_load %arg20[%swap3A_642, %swap3A_643] {strides = array<i32>} : memref<200x256xf32, #tpu.memory_space<vmem>>, vector<16xf32>,
            tpu.vector_store %arg20[%swap3A_642, %swap3A_643], %mul3A_641 {add = true, strides = array<i32>} : memref<200x256xf32, #tpu.memory_space<vmem>>, vector<16xf32>,
            %add3A_645 = arith.addi %mul3A_572, %scan3A_583 : i32
            %get3A_646 = arith.index_cast %add3A_645 : i32 to index
            %get3A_647 = arith.constant 96 : index
            %get3A_648 = tpu.vector_load %arg19[%get3A_646, %get3A_647] {strides = array<i32>} : memref<128x128xf32, #tpu.memory_space<vmem>>, vector<16xf32>,
            %mul3A_649 = arith.mulf %get3A_648, %mul3A_596 : vector<16xf32>
            %swap3A_650 = arith.index_cast %squeeze3A_589 : i32 to index
            %swap3A_651 = arith.constant 96 : index
            %swap3A_652 = tpu.vector_load %arg20[%swap3A_650, %swap3A_651] {strides = array<i32>} : memref<200x256xf32, #tpu.memory_space<vmem>>, vector<16xf32>,
            tpu.vector_store %arg20[%swap3A_650, %swap3A_651], %mul3A_649 {add = true, strides = array<i32>} : memref<200x256xf32, #tpu.memory_space<vmem>>, vector<16xf32>,
            %add3A_653 = arith.addi %mul3A_572, %scan3A_583 : i32
            %get3A_654 = arith.index_cast %add3A_653 : i32 to index
            %get3A_655 = arith.constant 112 : index
            %get3A_656 = tpu.vector_load %arg19[%get3A_654, %get3A_655] {strides = array<i32>} : memref<128x128xf32, #tpu.memory_space<vmem>>, vector<16xf32>,
            %mul3A_657 = arith.mulf %get3A_656, %mul3A_596 : vector<16xf32>
            %swap3A_658 = arith.index_cast %squeeze3A_589 : i32 to index
            %swap3A_659 = arith.constant 112 : index
            %swap3A_660 = tpu.vector_load %arg20[%swap3A_658, %swap3A_659] {strides = array<i32>} : memref<200x256xf32, #tpu.memory_space<vmem>>, vector<16xf32>,
            tpu.vector_store %arg20[%swap3A_658, %swap3A_659], %mul3A_657 {add = true, strides = array<i32>} : memref<200x256xf32, #tpu.memory_space<vmem>>, vector<16xf32>,
            %mul3A_661 = arith.mulf %mul3A_596, %select_n3A_15 : vector<16xf32>
            %swap3A_662 = arith.index_cast %squeeze3A_589 : i32 to index
            %swap3A_663 = arith.constant 128 : index
            %swap3A_664 = tpu.vector_load %arg20[%swap3A_662, %swap3A_663] {strides = array<i32>} : memref<200x256xf32, #tpu.memory_space<vmem>>, vector<16xf32>,
            tpu.vector_store %arg20[%swap3A_662, %swap3A_663], %mul3A_661 {add = true, strides = array<i32>} : memref<200x256xf32, #tpu.memory_space<vmem>>, vector<16xf32>,
            %scan3A_665 = arith.constant 0 : i32
            scf.yield %scan3A_665 : i32
          }
          %scan3A_581 = arith.constant 64 : i32
          %while3A_582 = arith.constant 0 : i32
          scf.yield %while3A_582 : i32
        }
        %while3A_487 = arith.constant 1 : i32
        %while3A_488 = scf.for %while3A_551 = %while3A_484 to %while3A_480 step %while3A_487 iter_args(%while3A_552 = %while3A_486) -> (i32)  : i32 {
          %rem3A_553 = arith.constant 2 : i32
          %rem3A_554 = arith.remsi %while3A_551, %rem3A_553 : i32
          %mul3A_555 = arith.constant 128 : i32
          %mul3A_556 = arith.muli %rem3A_554, %mul3A_555 : i32
          %mul3A_557 = arith.constant 64 : i32
          %mul3A_558 = arith.muli %rem3A_554, %mul3A_557 : i32
          %dma_wait3A_559 = arith.constant 0 : i32
          %dma_wait3A_560 = tpu.memref_slice %arg19[%mul3A_558, %dma_wait3A_559] : memref<128x128xf32, #tpu.memory_space<vmem>> -> memref<64x128xf32, #tpu.memory_space<vmem>>
          %dma_wait3A_561 = tpu.memref_slice %arg18[%mul3A_556] : memref<256xi32, #tpu.memory_space<vmem>> -> memref<64xi32, #tpu.memory_space<vmem>>
          %dma_wait3A_562 = arith.constant 0 : i32
          %dma_wait3A_563 = arith.constant 0 : i32
          %dma_wait3A_564 = tpu.memref_slice %arg2[%dma_wait3A_562, %dma_wait3A_563] : memref<10000x128xf32, #tpu.memory_space<hbm>> -> memref<10000x128xf32, #tpu.memory_space<hbm>>
          tpu.wait_indirect_dma semaphore(%arg24 : memref<!tpu.dma_semaphore, #tpu.memory_space<semaphore_mem>>) src(%dma_wait3A_564 : memref<10000x128xf32, #tpu.memory_space<hbm>>) dst(%dma_wait3A_560 : memref<64x128xf32, #tpu.memory_space<vmem>>)
          %add3A_565 = arith.constant 1 : i32
          %add3A_566 = arith.addi %while3A_551, %add3A_565 : i32
          %lt3A_567 = arith.cmpi slt, %add3A_566, %select_n3A_471 : i32
          %convert_element_type3A_568 = arith.extui %lt3A_567 : i1 to i32
          %cond3A_569 = arith.constant 0 : i32
          %cond3A_570 = arith.cmpi ne, %convert_element_type3A_568, %cond3A_569 : i32
          scf.if %cond3A_570 {
            %add3A_583 = arith.constant 1 : i32
            %add3A_584 = arith.addi %while3A_551, %add3A_583 : i32
            %rem3A_585 = arith.constant 2 : i32
            %rem3A_586 = arith.remsi %add3A_584, %rem3A_585 : i32
            %mul3A_587 = arith.constant 64 : i32
            %mul3A_588 = arith.muli %add3A_584, %mul3A_587 : i32
            %add3A_589 = arith.constant 0 : i32
            %add3A_590 = arith.addi %mul3A_588, %add3A_589 : i32
            %get3A_591 = arith.index_cast %add3A_590 : i32 to index
            %get3A_592 = tpu.vector_load %arg16[%get3A_591] {strides = array<i32>} : memref<2368xi32, #tpu.memory_space<vmem>>, vector<16xi32>,
            %mul3A_593 = arith.constant 128 : i32
            %mul3A_594 = arith.muli %rem3A_586, %mul3A_593 : i32
            %add3A_595 = arith.constant 0 : i32
            %add3A_596 = arith.addi %mul3A_594, %add3A_595 : i32
            %swap3A_597 = arith.index_cast %add3A_596 : i32 to index
            %swap3A_598 = tpu.vector_load %arg18[%swap3A_597] {strides = array<i32>} : memref<256xi32, #tpu.memory_space<vmem>>, vector<16xi32>,
            tpu.vector_store %arg18[%swap3A_597], %get3A_592 {strides = array<i32>} : memref<256xi32, #tpu.memory_space<vmem>>, vector<16xi32>,
            %mul3A_599 = arith.constant 64 : i32
            %mul3A_600 = arith.muli %add3A_584, %mul3A_599 : i32
            %add3A_601 = arith.constant 16 : i32
            %add3A_602 = arith.addi %mul3A_600, %add3A_601 : i32
            %get3A_603 = arith.index_cast %add3A_602 : i32 to index
            %get3A_604 = tpu.vector_load %arg16[%get3A_603] {strides = array<i32>} : memref<2368xi32, #tpu.memory_space<vmem>>, vector<16xi32>,
            %mul3A_605 = arith.constant 128 : i32
            %mul3A_606 = arith.muli %rem3A_586, %mul3A_605 : i32
            %add3A_607 = arith.constant 16 : i32
            %add3A_608 = arith.addi %mul3A_606, %add3A_607 : i32
            %swap3A_609 = arith.index_cast %add3A_608 : i32 to index
            %swap3A_610 = tpu.vector_load %arg18[%swap3A_609] {strides = array<i32>} : memref<256xi32, #tpu.memory_space<vmem>>, vector<16xi32>,
            tpu.vector_store %arg18[%swap3A_609], %get3A_604 {strides = array<i32>} : memref<256xi32, #tpu.memory_space<vmem>>, vector<16xi32>,
            %mul3A_611 = arith.constant 64 : i32
            %mul3A_612 = arith.muli %add3A_584, %mul3A_611 : i32
            %add3A_613 = arith.constant 32 : i32
            %add3A_614 = arith.addi %mul3A_612, %add3A_613 : i32
            %get3A_615 = arith.index_cast %add3A_614 : i32 to index
            %get3A_616 = tpu.vector_load %arg16[%get3A_615] {strides = array<i32>} : memref<2368xi32, #tpu.memory_space<vmem>>, vector<16xi32>,
            %mul3A_617 = arith.constant 128 : i32
            %mul3A_618 = arith.muli %rem3A_586, %mul3A_617 : i32
            %add3A_619 = arith.constant 32 : i32
            %add3A_620 = arith.addi %mul3A_618, %add3A_619 : i32
            %swap3A_621 = arith.index_cast %add3A_620 : i32 to index
            %swap3A_622 = tpu.vector_load %arg18[%swap3A_621] {strides = array<i32>} : memref<256xi32, #tpu.memory_space<vmem>>, vector<16xi32>,
            tpu.vector_store %arg18[%swap3A_621], %get3A_616 {strides = array<i32>} : memref<256xi32, #tpu.memory_space<vmem>>, vector<16xi32>,
            %mul3A_623 = arith.constant 64 : i32
            %mul3A_624 = arith.muli %add3A_584, %mul3A_623 : i32
            %add3A_625 = arith.constant 48 : i32
            %add3A_626 = arith.addi %mul3A_624, %add3A_625 : i32
            %get3A_627 = arith.index_cast %add3A_626 : i32 to index
            %get3A_628 = tpu.vector_load %arg16[%get3A_627] {strides = array<i32>} : memref<2368xi32, #tpu.memory_space<vmem>>, vector<16xi32>,
            %mul3A_629 = arith.constant 128 : i32
            %mul3A_630 = arith.muli %rem3A_586, %mul3A_629 : i32
            %add3A_631 = arith.constant 48 : i32
            %add3A_632 = arith.addi %mul3A_630, %add3A_631 : i32
            %swap3A_633 = arith.index_cast %add3A_632 : i32 to index
            %swap3A_634 = tpu.vector_load %arg18[%swap3A_633] {strides = array<i32>} : memref<256xi32, #tpu.memory_space<vmem>>, vector<16xi32>,
            tpu.vector_store %arg18[%swap3A_633], %get3A_628 {strides = array<i32>} : memref<256xi32, #tpu.memory_space<vmem>>, vector<16xi32>,
            %mul3A_635 = arith.constant 128 : i32
            %mul3A_636 = arith.muli %rem3A_586, %mul3A_635 : i32
            %mul3A_637 = arith.constant 64 : i32
            %mul3A_638 = arith.muli %rem3A_586, %mul3A_637 : i32
            %dma_start3A_639 = arith.constant 0 : i32
            %dma_start3A_640 = tpu.memref_slice %arg19[%mul3A_638, %dma_start3A_639] : memref<128x128xf32, #tpu.memory_space<vmem>> -> memref<64x128xf32, #tpu.memory_space<vmem>>
            %dma_start3A_641 = tpu.memref_slice %arg18[%mul3A_636] : memref<256xi32, #tpu.memory_space<vmem>> -> memref<64xi32, #tpu.memory_space<vmem>>
            %dma_start3A_642 = arith.constant 0 : i32
            %dma_start3A_643 = arith.constant 0 : i32
            %dma_start3A_644 = tpu.memref_slice %arg2[%dma_start3A_642, %dma_start3A_643] : memref<10000x128xf32, #tpu.memory_space<hbm>> -> memref<10000x128xf32, #tpu.memory_space<hbm>>
            tpu.enqueue_indirect_dma source(%dma_start3A_644 : memref<10000x128xf32, #tpu.memory_space<hbm>>) target(%dma_start3A_640 : memref<64x128xf32, #tpu.memory_space<vmem>>) offsets(%dma_start3A_641 : memref<64xi32, #tpu.memory_space<vmem>>) semaphore(%arg24 : memref<!tpu.dma_semaphore, #tpu.memory_space<semaphore_mem>>)
          } else {
          }
          %mul3A_571 = arith.constant 64 : i32
          %mul3A_572 = arith.muli %rem3A_554, %mul3A_571 : i32
          %mul3A_573 = arith.constant 64 : i32
          %mul3A_574 = arith.muli %while3A_551, %mul3A_573 : i32
          %scan3A_575 = arith.constant 0 : i32
          %scan3A_576 = arith.constant 0 : i32
          %scan3A_577 = arith.constant 64 : i32
          %scan3A_578 = arith.addi %scan3A_576, %scan3A_577 : i32
          %scan3A_579 = arith.constant 1 : i32
          %scan3A_580 = scf.for %scan3A_583 = %scan3A_576 to %scan3A_578 step %scan3A_579 iter_args(%scan3A_584 = %scan3A_575) -> (i32)  : i32 {
            %add3A_585 = arith.addi %mul3A_574, %scan3A_583 : i32
            %get3A_586 = arith.index_cast %add3A_585 : i32 to index
            %get3A_587 = tpu.vector_load %arg15[%get3A_586] {strides = array<i32>} : memref<2368xi32, #tpu.memory_space<vmem>>, vector<16xi32>,
            %slice3A_588 = vector.extract_strided_slice %get3A_587 {offsets = [0], sizes = [1], strides = [1]} : vector<16xi32> to vector<1xi32>
            %squeeze3A_589 = vector.extract %slice3A_588[0] : i32 from vector<1xi32>
            %add3A_590 = arith.addi %mul3A_574, %scan3A_583 : i32
            %get3A_591 = arith.index_cast %add3A_590 : i32 to index
            %get3A_592 = tpu.vector_load %arg17[%get3A_591] {strides = array<i32>} : memref<2368xf32, #tpu.memory_space<vmem>>, vector<16xf32>,
            %slice3A_593 = vector.extract_strided_slice %get3A_592 {offsets = [0], sizes = [1], strides = [1]} : vector<16xf32> to vector<1xf32>
            %squeeze3A_594 = vector.extract %slice3A_593[0] : f32 from vector<1xf32>
            %mul3A_595 = vector.broadcast %squeeze3A_594 : f32 to vector<16xf32>
            %mul3A_596 = arith.mulf %broadcast_in_dim3A_23, %mul3A_595 : vector<16xf32>
            %add3A_597 = arith.addi %mul3A_572, %scan3A_583 : i32
            %get3A_598 = arith.index_cast %add3A_597 : i32 to index
            %get3A_599 = arith.constant 0 : index
            %get3A_600 = tpu.vector_load %arg19[%get3A_598, %get3A_599] {strides = array<i32>} : memref<128x128xf32, #tpu.memory_space<vmem>>, vector<16xf32>,
            %mul3A_601 = arith.mulf %get3A_600, %mul3A_596 : vector<16xf32>
            %swap3A_602 = arith.index_cast %squeeze3A_589 : i32 to index
            %swap3A_603 = arith.constant 0 : index
            %swap3A_604 = tpu.vector_load %arg20[%swap3A_602, %swap3A_603] {strides = array<i32>} : memref<200x256xf32, #tpu.memory_space<vmem>>, vector<16xf32>,
            tpu.vector_store %arg20[%swap3A_602, %swap3A_603], %mul3A_601 {add = true, strides = array<i32>} : memref<200x256xf32, #tpu.memory_space<vmem>>, vector<16xf32>,
            %add3A_605 = arith.addi %mul3A_572, %scan3A_583 : i32
            %get3A_606 = arith.index_cast %add3A_605 : i32 to index
            %get3A_607 = arith.constant 16 : index
            %get3A_608 = tpu.vector_load %arg19[%get3A_606, %get3A_607] {strides = array<i32>} : memref<128x128xf32, #tpu.memory_space<vmem>>, vector<16xf32>,
            %mul3A_609 = arith.mulf %get3A_608, %mul3A_596 : vector<16xf32>
            %swap3A_610 = arith.index_cast %squeeze3A_589 : i32 to index
            %swap3A_611 = arith.constant 16 : index
            %swap3A_612 = tpu.vector_load %arg20[%swap3A_610, %swap3A_611] {strides = array<i32>} : memref<200x256xf32, #tpu.memory_space<vmem>>, vector<16xf32>,
            tpu.vector_store %arg20[%swap3A_610, %swap3A_611], %mul3A_609 {add = true, strides = array<i32>} : memref<200x256xf32, #tpu.memory_space<vmem>>, vector<16xf32>,
            %add3A_613 = arith.addi %mul3A_572, %scan3A_583 : i32
            %get3A_614 = arith.index_cast %add3A_613 : i32 to index
            %get3A_615 = arith.constant 32 : index
            %get3A_616 = tpu.vector_load %arg19[%get3A_614, %get3A_615] {strides = array<i32>} : memref<128x128xf32, #tpu.memory_space<vmem>>, vector<16xf32>,
            %mul3A_617 = arith.mulf %get3A_616, %mul3A_596 : vector<16xf32>
            %swap3A_618 = arith.index_cast %squeeze3A_589 : i32 to index
            %swap3A_619 = arith.constant 32 : index
            %swap3A_620 = tpu.vector_load %arg20[%swap3A_618, %swap3A_619] {strides = array<i32>} : memref<200x256xf32, #tpu.memory_space<vmem>>, vector<16xf32>,
            tpu.vector_store %arg20[%swap3A_618, %swap3A_619], %mul3A_617 {add = true, strides = array<i32>} : memref<200x256xf32, #tpu.memory_space<vmem>>, vector<16xf32>,
            %add3A_621 = arith.addi %mul3A_572, %scan3A_583 : i32
            %get3A_622 = arith.index_cast %add3A_621 : i32 to index
            %get3A_623 = arith.constant 48 : index
            %get3A_624 = tpu.vector_load %arg19[%get3A_622, %get3A_623] {strides = array<i32>} : memref<128x128xf32, #tpu.memory_space<vmem>>, vector<16xf32>,
            %mul3A_625 = arith.mulf %get3A_624, %mul3A_596 : vector<16xf32>
            %swap3A_626 = arith.index_cast %squeeze3A_589 : i32 to index
            %swap3A_627 = arith.constant 48 : index
            %swap3A_628 = tpu.vector_load %arg20[%swap3A_626, %swap3A_627] {strides = array<i32>} : memref<200x256xf32, #tpu.memory_space<vmem>>, vector<16xf32>,
            tpu.vector_store %arg20[%swap3A_626, %swap3A_627], %mul3A_625 {add = true, strides = array<i32>} : memref<200x256xf32, #tpu.memory_space<vmem>>, vector<16xf32>,
            %add3A_629 = arith.addi %mul3A_572, %scan3A_583 : i32
            %get3A_630 = arith.index_cast %add3A_629 : i32 to index
            %get3A_631 = arith.constant 64 : index
            %get3A_632 = tpu.vector_load %arg19[%get3A_630, %get3A_631] {strides = array<i32>} : memref<128x128xf32, #tpu.memory_space<vmem>>, vector<16xf32>,
            %mul3A_633 = arith.mulf %get3A_632, %mul3A_596 : vector<16xf32>
            %swap3A_634 = arith.index_cast %squeeze3A_589 : i32 to index
            %swap3A_635 = arith.constant 64 : index
            %swap3A_636 = tpu.vector_load %arg20[%swap3A_634, %swap3A_635] {strides = array<i32>} : memref<200x256xf32, #tpu.memory_space<vmem>>, vector<16xf32>,
            tpu.vector_store %arg20[%swap3A_634, %swap3A_635], %mul3A_633 {add = true, strides = array<i32>} : memref<200x256xf32, #tpu.memory_space<vmem>>, vector<16xf32>,
            %add3A_637 = arith.addi %mul3A_572, %scan3A_583 : i32
            %get3A_638 = arith.index_cast %add3A_637 : i32 to index
            %get3A_639 = arith.constant 80 : index
            %get3A_640 = tpu.vector_load %arg19[%get3A_638, %get3A_639] {strides = array<i32>} : memref<128x128xf32, #tpu.memory_space<vmem>>, vector<16xf32>,
            %mul3A_641 = arith.mulf %get3A_640, %mul3A_596 : vector<16xf32>
            %swap3A_642 = arith.index_cast %squeeze3A_589 : i32 to index
            %swap3A_643 = arith.constant 80 : index
            %swap3A_644 = tpu.vector_load %arg20[%swap3A_642, %swap3A_643] {strides = array<i32>} : memref<200x256xf32, #tpu.memory_space<vmem>>, vector<16xf32>,
            tpu.vector_store %arg20[%swap3A_642, %swap3A_643], %mul3A_641 {add = true, strides = array<i32>} : memref<200x256xf32, #tpu.memory_space<vmem>>, vector<16xf32>,
            %add3A_645 = arith.addi %mul3A_572, %scan3A_583 : i32
            %get3A_646 = arith.index_cast %add3A_645 : i32 to index
            %get3A_647 = arith.constant 96 : index
            %get3A_648 = tpu.vector_load %arg19[%get3A_646, %get3A_647] {strides = array<i32>} : memref<128x128xf32, #tpu.memory_space<vmem>>, vector<16xf32>,
            %mul3A_649 = arith.mulf %get3A_648, %mul3A_596 : vector<16xf32>
            %swap3A_650 = arith.index_cast %squeeze3A_589 : i32 to index
            %swap3A_651 = arith.constant 96 : index
            %swap3A_652 = tpu.vector_load %arg20[%swap3A_650, %swap3A_651] {strides = array<i32>} : memref<200x256xf32, #tpu.memory_space<vmem>>, vector<16xf32>,
            tpu.vector_store %arg20[%swap3A_650, %swap3A_651], %mul3A_649 {add = true, strides = array<i32>} : memref<200x256xf32, #tpu.memory_space<vmem>>, vector<16xf32>,
            %add3A_653 = arith.addi %mul3A_572, %scan3A_583 : i32
            %get3A_654 = arith.index_cast %add3A_653 : i32 to index
            %get3A_655 = arith.constant 112 : index
            %get3A_656 = tpu.vector_load %arg19[%get3A_654, %get3A_655] {strides = array<i32>} : memref<128x128xf32, #tpu.memory_space<vmem>>, vector<16xf32>,
            %mul3A_657 = arith.mulf %get3A_656, %mul3A_596 : vector<16xf32>
            %swap3A_658 = arith.index_cast %squeeze3A_589 : i32 to index
            %swap3A_659 = arith.constant 112 : index
            %swap3A_660 = tpu.vector_load %arg20[%swap3A_658, %swap3A_659] {strides = array<i32>} : memref<200x256xf32, #tpu.memory_space<vmem>>, vector<16xf32>,
            tpu.vector_store %arg20[%swap3A_658, %swap3A_659], %mul3A_657 {add = true, strides = array<i32>} : memref<200x256xf32, #tpu.memory_space<vmem>>, vector<16xf32>,
            %mul3A_661 = arith.mulf %mul3A_596, %select_n3A_15 : vector<16xf32>
            %swap3A_662 = arith.index_cast %squeeze3A_589 : i32 to index
            %swap3A_663 = arith.constant 128 : index
            %swap3A_664 = tpu.vector_load %arg20[%swap3A_662, %swap3A_663] {strides = array<i32>} : memref<200x256xf32, #tpu.memory_space<vmem>>, vector<16xf32>,
            tpu.vector_store %arg20[%swap3A_662, %swap3A_663], %mul3A_661 {add = true, strides = array<i32>} : memref<200x256xf32, #tpu.memory_space<vmem>>, vector<16xf32>,
            %scan3A_665 = arith.constant 0 : i32
            scf.yield %scan3A_665 : i32
          }
          %scan3A_581 = arith.constant 64 : i32
          %while3A_582 = arith.constant 0 : i32
          scf.yield %while3A_582 : i32
        }
        %mul3A_489 = arith.constant 64 : i32
        %mul3A_490 = arith.muli %select_n3A_471, %mul3A_489 : i32
        %gt3A_491 = arith.constant 0 : i32
        %gt3A_492 = arith.cmpi sgt, %select_n3A_471, %gt3A_491 : i32
        %convert_element_type3A_493 = arith.extui %gt3A_492 : i1 to i32
        %cond3A_494 = arith.constant 0 : i32
        %cond3A_495 = arith.cmpi ne, %convert_element_type3A_493, %cond3A_494 : i32
        scf.if %cond3A_495 {
          %add3A_551 = arith.constant 0 : i32
          %add3A_552 = arith.addi %mul3A_490, %add3A_551 : i32
          %get3A_553 = arith.index_cast %add3A_552 : i32 to index
          %get3A_554 = tpu.vector_load %arg15[%get3A_553] {strides = array<i32>} : memref<2368xi32, #tpu.memory_space<vmem>>, vector<16xi32>,
          %swap3A_555 = arith.constant 0 : index
          %swap3A_556 = tpu.vector_load %arg15[%swap3A_555] {strides = array<i32>} : memref<2368xi32, #tpu.memory_space<vmem>>, vector<16xi32>,
          tpu.vector_store %arg15[%swap3A_555], %get3A_554 {strides = array<i32>} : memref<2368xi32, #tpu.memory_space<vmem>>, vector<16xi32>,
          %add3A_557 = arith.constant 0 : i32
          %add3A_558 = arith.addi %mul3A_490, %add3A_557 : i32
          %get3A_559 = arith.index_cast %add3A_558 : i32 to index
          %get3A_560 = tpu.vector_load %arg16[%get3A_559] {strides = array<i32>} : memref<2368xi32, #tpu.memory_space<vmem>>, vector<16xi32>,
          %swap3A_561 = arith.constant 0 : index
          %swap3A_562 = tpu.vector_load %arg16[%swap3A_561] {strides = array<i32>} : memref<2368xi32, #tpu.memory_space<vmem>>, vector<16xi32>,
          tpu.vector_store %arg16[%swap3A_561], %get3A_560 {strides = array<i32>} : memref<2368xi32, #tpu.memory_space<vmem>>, vector<16xi32>,
          %add3A_563 = arith.constant 0 : i32
          %add3A_564 = arith.addi %mul3A_490, %add3A_563 : i32
          %get3A_565 = arith.index_cast %add3A_564 : i32 to index
          %get3A_566 = tpu.vector_load %arg17[%get3A_565] {strides = array<i32>} : memref<2368xf32, #tpu.memory_space<vmem>>, vector<16xf32>,
          %swap3A_567 = arith.constant 0 : index
          %swap3A_568 = tpu.vector_load %arg17[%swap3A_567] {strides = array<i32>} : memref<2368xf32, #tpu.memory_space<vmem>>, vector<16xf32>,
          tpu.vector_store %arg17[%swap3A_567], %get3A_566 {strides = array<i32>} : memref<2368xf32, #tpu.memory_space<vmem>>, vector<16xf32>,
          %add3A_569 = arith.constant 16 : i32
          %add3A_570 = arith.addi %mul3A_490, %add3A_569 : i32
          %get3A_571 = arith.index_cast %add3A_570 : i32 to index
          %get3A_572 = tpu.vector_load %arg15[%get3A_571] {strides = array<i32>} : memref<2368xi32, #tpu.memory_space<vmem>>, vector<16xi32>,
          %swap3A_573 = arith.constant 16 : index
          %swap3A_574 = tpu.vector_load %arg15[%swap3A_573] {strides = array<i32>} : memref<2368xi32, #tpu.memory_space<vmem>>, vector<16xi32>,
          tpu.vector_store %arg15[%swap3A_573], %get3A_572 {strides = array<i32>} : memref<2368xi32, #tpu.memory_space<vmem>>, vector<16xi32>,
          %add3A_575 = arith.constant 16 : i32
          %add3A_576 = arith.addi %mul3A_490, %add3A_575 : i32
          %get3A_577 = arith.index_cast %add3A_576 : i32 to index
          %get3A_578 = tpu.vector_load %arg16[%get3A_577] {strides = array<i32>} : memref<2368xi32, #tpu.memory_space<vmem>>, vector<16xi32>,
          %swap3A_579 = arith.constant 16 : index
          %swap3A_580 = tpu.vector_load %arg16[%swap3A_579] {strides = array<i32>} : memref<2368xi32, #tpu.memory_space<vmem>>, vector<16xi32>,
          tpu.vector_store %arg16[%swap3A_579], %get3A_578 {strides = array<i32>} : memref<2368xi32, #tpu.memory_space<vmem>>, vector<16xi32>,
          %add3A_581 = arith.constant 16 : i32
          %add3A_582 = arith.addi %mul3A_490, %add3A_581 : i32
          %get3A_583 = arith.index_cast %add3A_582 : i32 to index
          %get3A_584 = tpu.vector_load %arg17[%get3A_583] {strides = array<i32>} : memref<2368xf32, #tpu.memory_space<vmem>>, vector<16xf32>,
          %swap3A_585 = arith.constant 16 : index
          %swap3A_586 = tpu.vector_load %arg17[%swap3A_585] {strides = array<i32>} : memref<2368xf32, #tpu.memory_space<vmem>>, vector<16xf32>,
          tpu.vector_store %arg17[%swap3A_585], %get3A_584 {strides = array<i32>} : memref<2368xf32, #tpu.memory_space<vmem>>, vector<16xf32>,
          %add3A_587 = arith.constant 32 : i32
          %add3A_588 = arith.addi %mul3A_490, %add3A_587 : i32
          %get3A_589 = arith.index_cast %add3A_588 : i32 to index
          %get3A_590 = tpu.vector_load %arg15[%get3A_589] {strides = array<i32>} : memref<2368xi32, #tpu.memory_space<vmem>>, vector<16xi32>,
          %swap3A_591 = arith.constant 32 : index
          %swap3A_592 = tpu.vector_load %arg15[%swap3A_591] {strides = array<i32>} : memref<2368xi32, #tpu.memory_space<vmem>>, vector<16xi32>,
          tpu.vector_store %arg15[%swap3A_591], %get3A_590 {strides = array<i32>} : memref<2368xi32, #tpu.memory_space<vmem>>, vector<16xi32>,
          %add3A_593 = arith.constant 32 : i32
          %add3A_594 = arith.addi %mul3A_490, %add3A_593 : i32
          %get3A_595 = arith.index_cast %add3A_594 : i32 to index
          %get3A_596 = tpu.vector_load %arg16[%get3A_595] {strides = array<i32>} : memref<2368xi32, #tpu.memory_space<vmem>>, vector<16xi32>,
          %swap3A_597 = arith.constant 32 : index
          %swap3A_598 = tpu.vector_load %arg16[%swap3A_597] {strides = array<i32>} : memref<2368xi32, #tpu.memory_space<vmem>>, vector<16xi32>,
          tpu.vector_store %arg16[%swap3A_597], %get3A_596 {strides = array<i32>} : memref<2368xi32, #tpu.memory_space<vmem>>, vector<16xi32>,
          %add3A_599 = arith.constant 32 : i32
          %add3A_600 = arith.addi %mul3A_490, %add3A_599 : i32
          %get3A_601 = arith.index_cast %add3A_600 : i32 to index
          %get3A_602 = tpu.vector_load %arg17[%get3A_601] {strides = array<i32>} : memref<2368xf32, #tpu.memory_space<vmem>>, vector<16xf32>,
          %swap3A_603 = arith.constant 32 : index
          %swap3A_604 = tpu.vector_load %arg17[%swap3A_603] {strides = array<i32>} : memref<2368xf32, #tpu.memory_space<vmem>>, vector<16xf32>,
          tpu.vector_store %arg17[%swap3A_603], %get3A_602 {strides = array<i32>} : memref<2368xf32, #tpu.memory_space<vmem>>, vector<16xf32>,
          %add3A_605 = arith.constant 48 : i32
          %add3A_606 = arith.addi %mul3A_490, %add3A_605 : i32
          %get3A_607 = arith.index_cast %add3A_606 : i32 to index
          %get3A_608 = tpu.vector_load %arg15[%get3A_607] {strides = array<i32>} : memref<2368xi32, #tpu.memory_space<vmem>>, vector<16xi32>,
          %swap3A_609 = arith.constant 48 : index
          %swap3A_610 = tpu.vector_load %arg15[%swap3A_609] {strides = array<i32>} : memref<2368xi32, #tpu.memory_space<vmem>>, vector<16xi32>,
          tpu.vector_store %arg15[%swap3A_609], %get3A_608 {strides = array<i32>} : memref<2368xi32, #tpu.memory_space<vmem>>, vector<16xi32>,
          %add3A_611 = arith.constant 48 : i32
          %add3A_612 = arith.addi %mul3A_490, %add3A_611 : i32
          %get3A_613 = arith.index_cast %add3A_612 : i32 to index
          %get3A_614 = tpu.vector_load %arg16[%get3A_613] {strides = array<i32>} : memref<2368xi32, #tpu.memory_space<vmem>>, vector<16xi32>,
          %swap3A_615 = arith.constant 48 : index
          %swap3A_616 = tpu.vector_load %arg16[%swap3A_615] {strides = array<i32>} : memref<2368xi32, #tpu.memory_space<vmem>>, vector<16xi32>,
          tpu.vector_store %arg16[%swap3A_615], %get3A_614 {strides = array<i32>} : memref<2368xi32, #tpu.memory_space<vmem>>, vector<16xi32>,
          %add3A_617 = arith.constant 48 : i32
          %add3A_618 = arith.addi %mul3A_490, %add3A_617 : i32
          %get3A_619 = arith.index_cast %add3A_618 : i32 to index
          %get3A_620 = tpu.vector_load %arg17[%get3A_619] {strides = array<i32>} : memref<2368xf32, #tpu.memory_space<vmem>>, vector<16xf32>,
          %swap3A_621 = arith.constant 48 : index
          %swap3A_622 = tpu.vector_load %arg17[%swap3A_621] {strides = array<i32>} : memref<2368xf32, #tpu.memory_space<vmem>>, vector<16xf32>,
          tpu.vector_store %arg17[%swap3A_621], %get3A_620 {strides = array<i32>} : memref<2368xf32, #tpu.memory_space<vmem>>, vector<16xf32>,
        } else {
        }
        %sub3A_496 = arith.subi %while3A_465, %mul3A_490 : i32
        %add3A_497 = arith.constant 4224 : i32
        %add3A_498 = arith.addi %mul3A_444, %add3A_497 : i32
        %get3A_499 = arith.index_cast %add3A_498 : i32 to index
        %get3A_500 = tpu.vector_load %arg14[%get3A_499] {strides = array<i32>} : memref<16896xi32, #tpu.memory_space<vmem>>, vector<16xi32>,
        %slice3A_501 = vector.extract_strided_slice %get3A_500 {offsets = [0], sizes = [1], strides = [1]} : vector<16xi32> to vector<1xi32>
        %squeeze3A_502 = vector.extract %slice3A_501[0] : i32 from vector<1xi32>
        %mul3A_503 = vector.broadcast %squeeze3A_502 : i32 to vector<16xi32>
        %mul3A_504 = arith.muli %broadcast_in_dim3A_25, %mul3A_503 : vector<16xi32>
        %add3A_505 = arith.constant 15 : i32
        %add3A_506 = arith.addi %squeeze3A_502, %add3A_505 : i32
        %shift_right_logical3A_507 = arith.constant 4 : i32
        %shift_right_logical3A_508 = arith.shrui %add3A_506, %shift_right_logical3A_507 : i32
        %while3A_509 = arith.constant 0 : i32
        %while3A_510 = arith.subi %shift_right_logical3A_508, %while3A_509 : i32
        %while3A_511 = arith.addi %while3A_509, %while3A_510 : i32
        %while3A_512 = arith.constant 1 : i32
        %while3A_513 = arith.divsi %while3A_510, %while3A_512 : i32
        %while3A_514 = arith.muli %while3A_513, %while3A_512 : i32
        %while3A_515 = arith.addi %while3A_509, %while3A_514 : i32
        %while3A_516 = arith.constant 1 : i32
        %while3A_517 = scf.for %while3A_551 = %while3A_509 to %while3A_515 step %while3A_516 iter_args(%while3A_552 = %sub3A_496) -> (i32)  : i32 {
          %add3A_553 = arith.constant 4224 : i32
          %add3A_554 = arith.addi %mul3A_444, %add3A_553 : i32
          %add3A_555 = arith.constant 16 : i32
          %add3A_556 = arith.addi %add3A_554, %add3A_555 : i32
          %mul3A_557 = arith.constant 16 : i32
          %mul3A_558 = arith.muli %while3A_551, %mul3A_557 : i32
          %add3A_559 = arith.addi %add3A_556, %mul3A_558 : i32
          %get3A_560 = arith.index_cast %add3A_559 : i32 to index
          %get3A_561 = tpu.vector_load %arg14[%get3A_560] {strides = array<i32>} : memref<16896xi32, #tpu.memory_space<vmem>>, vector<16xi32>,
          %shift_right_logical3A_562 = arith.shrui %get3A_561, %broadcast_in_dim3A_19 : vector<16xi32>
          %mul3A_563 = arith.constant 16 : i32
          %mul3A_564 = arith.muli %while3A_551, %mul3A_563 : i32
          %add3A_565 = vector.broadcast %mul3A_564 : i32 to vector<16xi32>
          %add3A_566 = arith.addi %add3A_565, %iota3A : vector<16xi32>
          %lt3A_567 = arith.cmpi slt, %add3A_566, %mul3A_504 : vector<16xi32>
          %ge3A_568 = vector.broadcast %mul3A_6 : i32 to vector<16xi32>
          %ge3A_569 = arith.cmpi sge, %shift_right_logical3A_562, %ge3A_568 : vector<16xi32>
          %and3A_570 = arith.andi %lt3A_567, %ge3A_569 : vector<16xi1>
          %add3A_571 = arith.constant 200 : i32
          %add3A_572 = arith.addi %mul3A_6, %add3A_571 : i32
          %lt3A_573 = vector.broadcast %add3A_572 : i32 to vector<16xi32>
          %lt3A_574 = arith.cmpi slt, %shift_right_logical3A_562, %lt3A_573 : vector<16xi32>
          %and3A_575 = arith.andi %and3A_570, %lt3A_574 : vector<16xi1>
          %sub3A_576 = vector.broadcast %mul3A_6 : i32 to vector<16xi32>
          %sub3A_577 = arith.subi %shift_right_logical3A_562, %sub3A_576 : vector<16xi32>
          %swap3A_578 = arith.index_cast %while3A_552 : i32 to index
          %swap3A_579 = tpu.vector_load %arg15[%swap3A_578] masked %and3A_575 {strides = array<i32>} : memref<2368xi32, #tpu.memory_space<vmem>>, vector<16xi32>, vector<16xi1>
          tpu.vector_store %arg15[%swap3A_578], %sub3A_577 masked %and3A_575 {strides = array<i32>} : memref<2368xi32, #tpu.memory_space<vmem>>, vector<16xi32>, vector<16xi1>
          %and3A_580 = arith.andi %get3A_561, %broadcast_in_dim3A_21 : vector<16xi32>
          %swap3A_581 = arith.index_cast %while3A_552 : i32 to index
          %swap3A_582 = tpu.vector_load %arg16[%swap3A_581] masked %and3A_575 {strides = array<i32>} : memref<2368xi32, #tpu.memory_space<vmem>>, vector<16xi32>, vector<16xi1>
          tpu.vector_store %arg16[%swap3A_581], %and3A_580 masked %and3A_575 {strides = array<i32>} : memref<2368xi32, #tpu.memory_space<vmem>>, vector<16xi32>, vector<16xi1>
          %add3A_583 = arith.constant 4224 : i32
          %add3A_584 = arith.addi %mul3A_444, %add3A_583 : i32
          %add3A_585 = arith.constant 16 : i32
          %add3A_586 = arith.addi %add3A_584, %add3A_585 : i32
          %add3A_587 = arith.constant 2048 : i32
          %add3A_588 = arith.addi %add3A_586, %add3A_587 : i32
          %mul3A_589 = arith.constant 16 : i32
          %mul3A_590 = arith.muli %while3A_551, %mul3A_589 : i32
          %add3A_591 = arith.addi %add3A_588, %mul3A_590 : i32
          %get3A_592 = arith.index_cast %add3A_591 : i32 to index
          %get3A_593 = tpu.vector_load %arg14[%get3A_592] {strides = array<i32>} : memref<16896xi32, #tpu.memory_space<vmem>>, vector<16xi32>,
          %bitcast3A = vector.bitcast %get3A_593 : vector<16xi32> to vector<16xf32>
          %swap3A_594 = arith.index_cast %while3A_552 : i32 to index
          %swap3A_595 = tpu.vector_load %arg17[%swap3A_594] masked %and3A_575 {strides = array<i32>} : memref<2368xf32, #tpu.memory_space<vmem>>, vector<16xf32>, vector<16xi1>
          tpu.vector_store %arg17[%swap3A_594], %bitcast3A masked %and3A_575 {strides = array<i32>} : memref<2368xf32, #tpu.memory_space<vmem>>, vector<16xf32>, vector<16xi1>
          %all_reduce_population_count3A = tpu.all_reduce %and3A_575 {dim = 0 : i64, kind = #tpu.reduction_kind<sum>} : vector<16xi1> -> vector<16xi32>
          %slice3A_596 = vector.extract_strided_slice %all_reduce_population_count3A {offsets = [0], sizes = [1], strides = [1]} : vector<16xi32> to vector<1xi32>
          %squeeze3A_597 = vector.extract %slice3A_596[0] : i32 from vector<1xi32>
          %add3A_598 = arith.addi %while3A_552, %squeeze3A_597 : i32
          scf.yield %add3A_598 : i32
        }
        %while3A_518 = arith.constant 1 : i32
        %while3A_519 = scf.for %while3A_551 = %while3A_515 to %while3A_511 step %while3A_518 iter_args(%while3A_552 = %while3A_517) -> (i32)  : i32 {
          %add3A_553 = arith.constant 4224 : i32
          %add3A_554 = arith.addi %mul3A_444, %add3A_553 : i32
          %add3A_555 = arith.constant 16 : i32
          %add3A_556 = arith.addi %add3A_554, %add3A_555 : i32
          %mul3A_557 = arith.constant 16 : i32
          %mul3A_558 = arith.muli %while3A_551, %mul3A_557 : i32
          %add3A_559 = arith.addi %add3A_556, %mul3A_558 : i32
          %get3A_560 = arith.index_cast %add3A_559 : i32 to index
          %get3A_561 = tpu.vector_load %arg14[%get3A_560] {strides = array<i32>} : memref<16896xi32, #tpu.memory_space<vmem>>, vector<16xi32>,
          %shift_right_logical3A_562 = arith.shrui %get3A_561, %broadcast_in_dim3A_19 : vector<16xi32>
          %mul3A_563 = arith.constant 16 : i32
          %mul3A_564 = arith.muli %while3A_551, %mul3A_563 : i32
          %add3A_565 = vector.broadcast %mul3A_564 : i32 to vector<16xi32>
          %add3A_566 = arith.addi %add3A_565, %iota3A : vector<16xi32>
          %lt3A_567 = arith.cmpi slt, %add3A_566, %mul3A_504 : vector<16xi32>
          %ge3A_568 = vector.broadcast %mul3A_6 : i32 to vector<16xi32>
          %ge3A_569 = arith.cmpi sge, %shift_right_logical3A_562, %ge3A_568 : vector<16xi32>
          %and3A_570 = arith.andi %lt3A_567, %ge3A_569 : vector<16xi1>
          %add3A_571 = arith.constant 200 : i32
          %add3A_572 = arith.addi %mul3A_6, %add3A_571 : i32
          %lt3A_573 = vector.broadcast %add3A_572 : i32 to vector<16xi32>
          %lt3A_574 = arith.cmpi slt, %shift_right_logical3A_562, %lt3A_573 : vector<16xi32>
          %and3A_575 = arith.andi %and3A_570, %lt3A_574 : vector<16xi1>
          %sub3A_576 = vector.broadcast %mul3A_6 : i32 to vector<16xi32>
          %sub3A_577 = arith.subi %shift_right_logical3A_562, %sub3A_576 : vector<16xi32>
          %swap3A_578 = arith.index_cast %while3A_552 : i32 to index
          %swap3A_579 = tpu.vector_load %arg15[%swap3A_578] masked %and3A_575 {strides = array<i32>} : memref<2368xi32, #tpu.memory_space<vmem>>, vector<16xi32>, vector<16xi1>
          tpu.vector_store %arg15[%swap3A_578], %sub3A_577 masked %and3A_575 {strides = array<i32>} : memref<2368xi32, #tpu.memory_space<vmem>>, vector<16xi32>, vector<16xi1>
          %and3A_580 = arith.andi %get3A_561, %broadcast_in_dim3A_21 : vector<16xi32>
          %swap3A_581 = arith.index_cast %while3A_552 : i32 to index
          %swap3A_582 = tpu.vector_load %arg16[%swap3A_581] masked %and3A_575 {strides = array<i32>} : memref<2368xi32, #tpu.memory_space<vmem>>, vector<16xi32>, vector<16xi1>
          tpu.vector_store %arg16[%swap3A_581], %and3A_580 masked %and3A_575 {strides = array<i32>} : memref<2368xi32, #tpu.memory_space<vmem>>, vector<16xi32>, vector<16xi1>
          %add3A_583 = arith.constant 4224 : i32
          %add3A_584 = arith.addi %mul3A_444, %add3A_583 : i32
          %add3A_585 = arith.constant 16 : i32
          %add3A_586 = arith.addi %add3A_584, %add3A_585 : i32
          %add3A_587 = arith.constant 2048 : i32
          %add3A_588 = arith.addi %add3A_586, %add3A_587 : i32
          %mul3A_589 = arith.constant 16 : i32
          %mul3A_590 = arith.muli %while3A_551, %mul3A_589 : i32
          %add3A_591 = arith.addi %add3A_588, %mul3A_590 : i32
          %get3A_592 = arith.index_cast %add3A_591 : i32 to index
          %get3A_593 = tpu.vector_load %arg14[%get3A_592] {strides = array<i32>} : memref<16896xi32, #tpu.memory_space<vmem>>, vector<16xi32>,
          %bitcast3A = vector.bitcast %get3A_593 : vector<16xi32> to vector<16xf32>
          %swap3A_594 = arith.index_cast %while3A_552 : i32 to index
          %swap3A_595 = tpu.vector_load %arg17[%swap3A_594] masked %and3A_575 {strides = array<i32>} : memref<2368xf32, #tpu.memory_space<vmem>>, vector<16xf32>, vector<16xi1>
          tpu.vector_store %arg17[%swap3A_594], %bitcast3A masked %and3A_575 {strides = array<i32>} : memref<2368xf32, #tpu.memory_space<vmem>>, vector<16xf32>, vector<16xi1>
          %all_reduce_population_count3A = tpu.all_reduce %and3A_575 {dim = 0 : i64, kind = #tpu.reduction_kind<sum>} : vector<16xi1> -> vector<16xi32>
          %slice3A_596 = vector.extract_strided_slice %all_reduce_population_count3A {offsets = [0], sizes = [1], strides = [1]} : vector<16xi32> to vector<1xi32>
          %squeeze3A_597 = vector.extract %slice3A_596[0] : i32 from vector<1xi32>
          %add3A_598 = arith.addi %while3A_552, %squeeze3A_597 : i32
          scf.yield %add3A_598 : i32
        }
        %ge3A_520 = arith.constant 256 : i32
        %ge3A_521 = arith.cmpi sge, %while3A_519, %ge3A_520 : i32
        %shift_right_logical3A_522 = arith.constant 6 : i32
        %shift_right_logical3A_523 = arith.shrui %while3A_519, %shift_right_logical3A_522 : i32
        %jit3A_524 = arith.constant 0 : i32
        %select_n3A_525 = arith.select %ge3A_521, %shift_right_logical3A_523, %jit3A_524 : i32
        %gt3A_526 = arith.constant 0 : i32
        %gt3A_527 = arith.cmpi sgt, %select_n3A_525, %gt3A_526 : i32
        %convert_element_type3A_528 = arith.extui %gt3A_527 : i1 to i32
        %cond3A_529 = arith.constant 0 : i32
        %cond3A_530 = arith.cmpi ne, %convert_element_type3A_528, %cond3A_529 : i32
        scf.if %cond3A_530 {
          %rem3A_551 = arith.constant 0 : i32
          %rem3A_552 = arith.constant 2 : i32
          %rem3A_553 = arith.remsi %rem3A_551, %rem3A_552 : i32
          %get3A_554 = arith.constant 0 : index
          %get3A_555 = tpu.vector_load %arg16[%get3A_554] {strides = array<i32>} : memref<2368xi32, #tpu.memory_space<vmem>>, vector<16xi32>,
          %mul3A_556 = arith.constant 128 : i32
          %mul3A_557 = arith.muli %rem3A_553, %mul3A_556 : i32
          %add3A_558 = arith.constant 0 : i32
          %add3A_559 = arith.addi %mul3A_557, %add3A_558 : i32
          %swap3A_560 = arith.index_cast %add3A_559 : i32 to index
          %swap3A_561 = tpu.vector_load %arg18[%swap3A_560] {strides = array<i32>} : memref<256xi32, #tpu.memory_space<vmem>>, vector<16xi32>,
          tpu.vector_store %arg18[%swap3A_560], %get3A_555 {strides = array<i32>} : memref<256xi32, #tpu.memory_space<vmem>>, vector<16xi32>,
          %get3A_562 = arith.constant 16 : index
          %get3A_563 = tpu.vector_load %arg16[%get3A_562] {strides = array<i32>} : memref<2368xi32, #tpu.memory_space<vmem>>, vector<16xi32>,
          %mul3A_564 = arith.constant 128 : i32
          %mul3A_565 = arith.muli %rem3A_553, %mul3A_564 : i32
          %add3A_566 = arith.constant 16 : i32
          %add3A_567 = arith.addi %mul3A_565, %add3A_566 : i32
          %swap3A_568 = arith.index_cast %add3A_567 : i32 to index
          %swap3A_569 = tpu.vector_load %arg18[%swap3A_568] {strides = array<i32>} : memref<256xi32, #tpu.memory_space<vmem>>, vector<16xi32>,
          tpu.vector_store %arg18[%swap3A_568], %get3A_563 {strides = array<i32>} : memref<256xi32, #tpu.memory_space<vmem>>, vector<16xi32>,
          %get3A_570 = arith.constant 32 : index
          %get3A_571 = tpu.vector_load %arg16[%get3A_570] {strides = array<i32>} : memref<2368xi32, #tpu.memory_space<vmem>>, vector<16xi32>,
          %mul3A_572 = arith.constant 128 : i32
          %mul3A_573 = arith.muli %rem3A_553, %mul3A_572 : i32
          %add3A_574 = arith.constant 32 : i32
          %add3A_575 = arith.addi %mul3A_573, %add3A_574 : i32
          %swap3A_576 = arith.index_cast %add3A_575 : i32 to index
          %swap3A_577 = tpu.vector_load %arg18[%swap3A_576] {strides = array<i32>} : memref<256xi32, #tpu.memory_space<vmem>>, vector<16xi32>,
          tpu.vector_store %arg18[%swap3A_576], %get3A_571 {strides = array<i32>} : memref<256xi32, #tpu.memory_space<vmem>>, vector<16xi32>,
          %get3A_578 = arith.constant 48 : index
          %get3A_579 = tpu.vector_load %arg16[%get3A_578] {strides = array<i32>} : memref<2368xi32, #tpu.memory_space<vmem>>, vector<16xi32>,
          %mul3A_580 = arith.constant 128 : i32
          %mul3A_581 = arith.muli %rem3A_553, %mul3A_580 : i32
          %add3A_582 = arith.constant 48 : i32
          %add3A_583 = arith.addi %mul3A_581, %add3A_582 : i32
          %swap3A_584 = arith.index_cast %add3A_583 : i32 to index
          %swap3A_585 = tpu.vector_load %arg18[%swap3A_584] {strides = array<i32>} : memref<256xi32, #tpu.memory_space<vmem>>, vector<16xi32>,
          tpu.vector_store %arg18[%swap3A_584], %get3A_579 {strides = array<i32>} : memref<256xi32, #tpu.memory_space<vmem>>, vector<16xi32>,
          %mul3A_586 = arith.constant 128 : i32
          %mul3A_587 = arith.muli %rem3A_553, %mul3A_586 : i32
          %mul3A_588 = arith.constant 64 : i32
          %mul3A_589 = arith.muli %rem3A_553, %mul3A_588 : i32
          %dma_start3A_590 = arith.constant 0 : i32
          %dma_start3A_591 = tpu.memref_slice %arg19[%mul3A_589, %dma_start3A_590] : memref<128x128xf32, #tpu.memory_space<vmem>> -> memref<64x128xf32, #tpu.memory_space<vmem>>
          %dma_start3A_592 = tpu.memref_slice %arg18[%mul3A_587] : memref<256xi32, #tpu.memory_space<vmem>> -> memref<64xi32, #tpu.memory_space<vmem>>
          %dma_start3A_593 = arith.constant 0 : i32
          %dma_start3A_594 = arith.constant 0 : i32
          %dma_start3A_595 = tpu.memref_slice %arg2[%dma_start3A_593, %dma_start3A_594] : memref<10000x128xf32, #tpu.memory_space<hbm>> -> memref<10000x128xf32, #tpu.memory_space<hbm>>
          tpu.enqueue_indirect_dma source(%dma_start3A_595 : memref<10000x128xf32, #tpu.memory_space<hbm>>) target(%dma_start3A_591 : memref<64x128xf32, #tpu.memory_space<vmem>>) offsets(%dma_start3A_592 : memref<64xi32, #tpu.memory_space<vmem>>) semaphore(%arg24 : memref<!tpu.dma_semaphore, #tpu.memory_space<semaphore_mem>>)
        } else {
        }
        %while3A_531 = arith.constant 0 : i32
        %while3A_532 = arith.constant 0 : i32
        %while3A_533 = arith.subi %select_n3A_525, %while3A_531 : i32
        %while3A_534 = arith.addi %while3A_531, %while3A_533 : i32
        %while3A_535 = arith.constant 1 : i32
        %while3A_536 = arith.divsi %while3A_533, %while3A_535 : i32
        %while3A_537 = arith.muli %while3A_536, %while3A_535 : i32
        %while3A_538 = arith.addi %while3A_531, %while3A_537 : i32
        %while3A_539 = arith.constant 1 : i32
        %while3A_540 = scf.for %while3A_551 = %while3A_531 to %while3A_538 step %while3A_539 iter_args(%while3A_552 = %while3A_532) -> (i32)  : i32 {
          %rem3A_553 = arith.constant 2 : i32
          %rem3A_554 = arith.remsi %while3A_551, %rem3A_553 : i32
          %mul3A_555 = arith.constant 128 : i32
          %mul3A_556 = arith.muli %rem3A_554, %mul3A_555 : i32
          %mul3A_557 = arith.constant 64 : i32
          %mul3A_558 = arith.muli %rem3A_554, %mul3A_557 : i32
          %dma_wait3A_559 = arith.constant 0 : i32
          %dma_wait3A_560 = tpu.memref_slice %arg19[%mul3A_558, %dma_wait3A_559] : memref<128x128xf32, #tpu.memory_space<vmem>> -> memref<64x128xf32, #tpu.memory_space<vmem>>
          %dma_wait3A_561 = tpu.memref_slice %arg18[%mul3A_556] : memref<256xi32, #tpu.memory_space<vmem>> -> memref<64xi32, #tpu.memory_space<vmem>>
          %dma_wait3A_562 = arith.constant 0 : i32
          %dma_wait3A_563 = arith.constant 0 : i32
          %dma_wait3A_564 = tpu.memref_slice %arg2[%dma_wait3A_562, %dma_wait3A_563] : memref<10000x128xf32, #tpu.memory_space<hbm>> -> memref<10000x128xf32, #tpu.memory_space<hbm>>
          tpu.wait_indirect_dma semaphore(%arg24 : memref<!tpu.dma_semaphore, #tpu.memory_space<semaphore_mem>>) src(%dma_wait3A_564 : memref<10000x128xf32, #tpu.memory_space<hbm>>) dst(%dma_wait3A_560 : memref<64x128xf32, #tpu.memory_space<vmem>>)
          %add3A_565 = arith.constant 1 : i32
          %add3A_566 = arith.addi %while3A_551, %add3A_565 : i32
          %lt3A_567 = arith.cmpi slt, %add3A_566, %select_n3A_525 : i32
          %convert_element_type3A_568 = arith.extui %lt3A_567 : i1 to i32
          %cond3A_569 = arith.constant 0 : i32
          %cond3A_570 = arith.cmpi ne, %convert_element_type3A_568, %cond3A_569 : i32
          scf.if %cond3A_570 {
            %add3A_583 = arith.constant 1 : i32
            %add3A_584 = arith.addi %while3A_551, %add3A_583 : i32
            %rem3A_585 = arith.constant 2 : i32
            %rem3A_586 = arith.remsi %add3A_584, %rem3A_585 : i32
            %mul3A_587 = arith.constant 64 : i32
            %mul3A_588 = arith.muli %add3A_584, %mul3A_587 : i32
            %add3A_589 = arith.constant 0 : i32
            %add3A_590 = arith.addi %mul3A_588, %add3A_589 : i32
            %get3A_591 = arith.index_cast %add3A_590 : i32 to index
            %get3A_592 = tpu.vector_load %arg16[%get3A_591] {strides = array<i32>} : memref<2368xi32, #tpu.memory_space<vmem>>, vector<16xi32>,
            %mul3A_593 = arith.constant 128 : i32
            %mul3A_594 = arith.muli %rem3A_586, %mul3A_593 : i32
            %add3A_595 = arith.constant 0 : i32
            %add3A_596 = arith.addi %mul3A_594, %add3A_595 : i32
            %swap3A_597 = arith.index_cast %add3A_596 : i32 to index
            %swap3A_598 = tpu.vector_load %arg18[%swap3A_597] {strides = array<i32>} : memref<256xi32, #tpu.memory_space<vmem>>, vector<16xi32>,
            tpu.vector_store %arg18[%swap3A_597], %get3A_592 {strides = array<i32>} : memref<256xi32, #tpu.memory_space<vmem>>, vector<16xi32>,
            %mul3A_599 = arith.constant 64 : i32
            %mul3A_600 = arith.muli %add3A_584, %mul3A_599 : i32
            %add3A_601 = arith.constant 16 : i32
            %add3A_602 = arith.addi %mul3A_600, %add3A_601 : i32
            %get3A_603 = arith.index_cast %add3A_602 : i32 to index
            %get3A_604 = tpu.vector_load %arg16[%get3A_603] {strides = array<i32>} : memref<2368xi32, #tpu.memory_space<vmem>>, vector<16xi32>,
            %mul3A_605 = arith.constant 128 : i32
            %mul3A_606 = arith.muli %rem3A_586, %mul3A_605 : i32
            %add3A_607 = arith.constant 16 : i32
            %add3A_608 = arith.addi %mul3A_606, %add3A_607 : i32
            %swap3A_609 = arith.index_cast %add3A_608 : i32 to index
            %swap3A_610 = tpu.vector_load %arg18[%swap3A_609] {strides = array<i32>} : memref<256xi32, #tpu.memory_space<vmem>>, vector<16xi32>,
            tpu.vector_store %arg18[%swap3A_609], %get3A_604 {strides = array<i32>} : memref<256xi32, #tpu.memory_space<vmem>>, vector<16xi32>,
            %mul3A_611 = arith.constant 64 : i32
            %mul3A_612 = arith.muli %add3A_584, %mul3A_611 : i32
            %add3A_613 = arith.constant 32 : i32
            %add3A_614 = arith.addi %mul3A_612, %add3A_613 : i32
            %get3A_615 = arith.index_cast %add3A_614 : i32 to index
            %get3A_616 = tpu.vector_load %arg16[%get3A_615] {strides = array<i32>} : memref<2368xi32, #tpu.memory_space<vmem>>, vector<16xi32>,
            %mul3A_617 = arith.constant 128 : i32
            %mul3A_618 = arith.muli %rem3A_586, %mul3A_617 : i32
            %add3A_619 = arith.constant 32 : i32
            %add3A_620 = arith.addi %mul3A_618, %add3A_619 : i32
            %swap3A_621 = arith.index_cast %add3A_620 : i32 to index
            %swap3A_622 = tpu.vector_load %arg18[%swap3A_621] {strides = array<i32>} : memref<256xi32, #tpu.memory_space<vmem>>, vector<16xi32>,
            tpu.vector_store %arg18[%swap3A_621], %get3A_616 {strides = array<i32>} : memref<256xi32, #tpu.memory_space<vmem>>, vector<16xi32>,
            %mul3A_623 = arith.constant 64 : i32
            %mul3A_624 = arith.muli %add3A_584, %mul3A_623 : i32
            %add3A_625 = arith.constant 48 : i32
            %add3A_626 = arith.addi %mul3A_624, %add3A_625 : i32
            %get3A_627 = arith.index_cast %add3A_626 : i32 to index
            %get3A_628 = tpu.vector_load %arg16[%get3A_627] {strides = array<i32>} : memref<2368xi32, #tpu.memory_space<vmem>>, vector<16xi32>,
            %mul3A_629 = arith.constant 128 : i32
            %mul3A_630 = arith.muli %rem3A_586, %mul3A_629 : i32
            %add3A_631 = arith.constant 48 : i32
            %add3A_632 = arith.addi %mul3A_630, %add3A_631 : i32
            %swap3A_633 = arith.index_cast %add3A_632 : i32 to index
            %swap3A_634 = tpu.vector_load %arg18[%swap3A_633] {strides = array<i32>} : memref<256xi32, #tpu.memory_space<vmem>>, vector<16xi32>,
            tpu.vector_store %arg18[%swap3A_633], %get3A_628 {strides = array<i32>} : memref<256xi32, #tpu.memory_space<vmem>>, vector<16xi32>,
            %mul3A_635 = arith.constant 128 : i32
            %mul3A_636 = arith.muli %rem3A_586, %mul3A_635 : i32
            %mul3A_637 = arith.constant 64 : i32
            %mul3A_638 = arith.muli %rem3A_586, %mul3A_637 : i32
            %dma_start3A_639 = arith.constant 0 : i32
            %dma_start3A_640 = tpu.memref_slice %arg19[%mul3A_638, %dma_start3A_639] : memref<128x128xf32, #tpu.memory_space<vmem>> -> memref<64x128xf32, #tpu.memory_space<vmem>>
            %dma_start3A_641 = tpu.memref_slice %arg18[%mul3A_636] : memref<256xi32, #tpu.memory_space<vmem>> -> memref<64xi32, #tpu.memory_space<vmem>>
            %dma_start3A_642 = arith.constant 0 : i32
            %dma_start3A_643 = arith.constant 0 : i32
            %dma_start3A_644 = tpu.memref_slice %arg2[%dma_start3A_642, %dma_start3A_643] : memref<10000x128xf32, #tpu.memory_space<hbm>> -> memref<10000x128xf32, #tpu.memory_space<hbm>>
            tpu.enqueue_indirect_dma source(%dma_start3A_644 : memref<10000x128xf32, #tpu.memory_space<hbm>>) target(%dma_start3A_640 : memref<64x128xf32, #tpu.memory_space<vmem>>) offsets(%dma_start3A_641 : memref<64xi32, #tpu.memory_space<vmem>>) semaphore(%arg24 : memref<!tpu.dma_semaphore, #tpu.memory_space<semaphore_mem>>)
          } else {
          }
          %mul3A_571 = arith.constant 64 : i32
          %mul3A_572 = arith.muli %rem3A_554, %mul3A_571 : i32
          %mul3A_573 = arith.constant 64 : i32
          %mul3A_574 = arith.muli %while3A_551, %mul3A_573 : i32
          %scan3A_575 = arith.constant 0 : i32
          %scan3A_576 = arith.constant 0 : i32
          %scan3A_577 = arith.constant 64 : i32
          %scan3A_578 = arith.addi %scan3A_576, %scan3A_577 : i32
          %scan3A_579 = arith.constant 1 : i32
          %scan3A_580 = scf.for %scan3A_583 = %scan3A_576 to %scan3A_578 step %scan3A_579 iter_args(%scan3A_584 = %scan3A_575) -> (i32)  : i32 {
            %add3A_585 = arith.addi %mul3A_574, %scan3A_583 : i32
            %get3A_586 = arith.index_cast %add3A_585 : i32 to index
            %get3A_587 = tpu.vector_load %arg15[%get3A_586] {strides = array<i32>} : memref<2368xi32, #tpu.memory_space<vmem>>, vector<16xi32>,
            %slice3A_588 = vector.extract_strided_slice %get3A_587 {offsets = [0], sizes = [1], strides = [1]} : vector<16xi32> to vector<1xi32>
            %squeeze3A_589 = vector.extract %slice3A_588[0] : i32 from vector<1xi32>
            %add3A_590 = arith.addi %mul3A_574, %scan3A_583 : i32
            %get3A_591 = arith.index_cast %add3A_590 : i32 to index
            %get3A_592 = tpu.vector_load %arg17[%get3A_591] {strides = array<i32>} : memref<2368xf32, #tpu.memory_space<vmem>>, vector<16xf32>,
            %slice3A_593 = vector.extract_strided_slice %get3A_592 {offsets = [0], sizes = [1], strides = [1]} : vector<16xf32> to vector<1xf32>
            %squeeze3A_594 = vector.extract %slice3A_593[0] : f32 from vector<1xf32>
            %mul3A_595 = vector.broadcast %squeeze3A_594 : f32 to vector<16xf32>
            %mul3A_596 = arith.mulf %broadcast_in_dim3A_23, %mul3A_595 : vector<16xf32>
            %add3A_597 = arith.addi %mul3A_572, %scan3A_583 : i32
            %get3A_598 = arith.index_cast %add3A_597 : i32 to index
            %get3A_599 = arith.constant 0 : index
            %get3A_600 = tpu.vector_load %arg19[%get3A_598, %get3A_599] {strides = array<i32>} : memref<128x128xf32, #tpu.memory_space<vmem>>, vector<16xf32>,
            %mul3A_601 = arith.mulf %get3A_600, %mul3A_596 : vector<16xf32>
            %swap3A_602 = arith.index_cast %squeeze3A_589 : i32 to index
            %swap3A_603 = arith.constant 0 : index
            %swap3A_604 = tpu.vector_load %arg20[%swap3A_602, %swap3A_603] {strides = array<i32>} : memref<200x256xf32, #tpu.memory_space<vmem>>, vector<16xf32>,
            tpu.vector_store %arg20[%swap3A_602, %swap3A_603], %mul3A_601 {add = true, strides = array<i32>} : memref<200x256xf32, #tpu.memory_space<vmem>>, vector<16xf32>,
            %add3A_605 = arith.addi %mul3A_572, %scan3A_583 : i32
            %get3A_606 = arith.index_cast %add3A_605 : i32 to index
            %get3A_607 = arith.constant 16 : index
            %get3A_608 = tpu.vector_load %arg19[%get3A_606, %get3A_607] {strides = array<i32>} : memref<128x128xf32, #tpu.memory_space<vmem>>, vector<16xf32>,
            %mul3A_609 = arith.mulf %get3A_608, %mul3A_596 : vector<16xf32>
            %swap3A_610 = arith.index_cast %squeeze3A_589 : i32 to index
            %swap3A_611 = arith.constant 16 : index
            %swap3A_612 = tpu.vector_load %arg20[%swap3A_610, %swap3A_611] {strides = array<i32>} : memref<200x256xf32, #tpu.memory_space<vmem>>, vector<16xf32>,
            tpu.vector_store %arg20[%swap3A_610, %swap3A_611], %mul3A_609 {add = true, strides = array<i32>} : memref<200x256xf32, #tpu.memory_space<vmem>>, vector<16xf32>,
            %add3A_613 = arith.addi %mul3A_572, %scan3A_583 : i32
            %get3A_614 = arith.index_cast %add3A_613 : i32 to index
            %get3A_615 = arith.constant 32 : index
            %get3A_616 = tpu.vector_load %arg19[%get3A_614, %get3A_615] {strides = array<i32>} : memref<128x128xf32, #tpu.memory_space<vmem>>, vector<16xf32>,
            %mul3A_617 = arith.mulf %get3A_616, %mul3A_596 : vector<16xf32>
            %swap3A_618 = arith.index_cast %squeeze3A_589 : i32 to index
            %swap3A_619 = arith.constant 32 : index
            %swap3A_620 = tpu.vector_load %arg20[%swap3A_618, %swap3A_619] {strides = array<i32>} : memref<200x256xf32, #tpu.memory_space<vmem>>, vector<16xf32>,
            tpu.vector_store %arg20[%swap3A_618, %swap3A_619], %mul3A_617 {add = true, strides = array<i32>} : memref<200x256xf32, #tpu.memory_space<vmem>>, vector<16xf32>,
            %add3A_621 = arith.addi %mul3A_572, %scan3A_583 : i32
            %get3A_622 = arith.index_cast %add3A_621 : i32 to index
            %get3A_623 = arith.constant 48 : index
            %get3A_624 = tpu.vector_load %arg19[%get3A_622, %get3A_623] {strides = array<i32>} : memref<128x128xf32, #tpu.memory_space<vmem>>, vector<16xf32>,
            %mul3A_625 = arith.mulf %get3A_624, %mul3A_596 : vector<16xf32>
            %swap3A_626 = arith.index_cast %squeeze3A_589 : i32 to index
            %swap3A_627 = arith.constant 48 : index
            %swap3A_628 = tpu.vector_load %arg20[%swap3A_626, %swap3A_627] {strides = array<i32>} : memref<200x256xf32, #tpu.memory_space<vmem>>, vector<16xf32>,
            tpu.vector_store %arg20[%swap3A_626, %swap3A_627], %mul3A_625 {add = true, strides = array<i32>} : memref<200x256xf32, #tpu.memory_space<vmem>>, vector<16xf32>,
            %add3A_629 = arith.addi %mul3A_572, %scan3A_583 : i32
            %get3A_630 = arith.index_cast %add3A_629 : i32 to index
            %get3A_631 = arith.constant 64 : index
            %get3A_632 = tpu.vector_load %arg19[%get3A_630, %get3A_631] {strides = array<i32>} : memref<128x128xf32, #tpu.memory_space<vmem>>, vector<16xf32>,
            %mul3A_633 = arith.mulf %get3A_632, %mul3A_596 : vector<16xf32>
            %swap3A_634 = arith.index_cast %squeeze3A_589 : i32 to index
            %swap3A_635 = arith.constant 64 : index
            %swap3A_636 = tpu.vector_load %arg20[%swap3A_634, %swap3A_635] {strides = array<i32>} : memref<200x256xf32, #tpu.memory_space<vmem>>, vector<16xf32>,
            tpu.vector_store %arg20[%swap3A_634, %swap3A_635], %mul3A_633 {add = true, strides = array<i32>} : memref<200x256xf32, #tpu.memory_space<vmem>>, vector<16xf32>,
            %add3A_637 = arith.addi %mul3A_572, %scan3A_583 : i32
            %get3A_638 = arith.index_cast %add3A_637 : i32 to index
            %get3A_639 = arith.constant 80 : index
            %get3A_640 = tpu.vector_load %arg19[%get3A_638, %get3A_639] {strides = array<i32>} : memref<128x128xf32, #tpu.memory_space<vmem>>, vector<16xf32>,
            %mul3A_641 = arith.mulf %get3A_640, %mul3A_596 : vector<16xf32>
            %swap3A_642 = arith.index_cast %squeeze3A_589 : i32 to index
            %swap3A_643 = arith.constant 80 : index
            %swap3A_644 = tpu.vector_load %arg20[%swap3A_642, %swap3A_643] {strides = array<i32>} : memref<200x256xf32, #tpu.memory_space<vmem>>, vector<16xf32>,
            tpu.vector_store %arg20[%swap3A_642, %swap3A_643], %mul3A_641 {add = true, strides = array<i32>} : memref<200x256xf32, #tpu.memory_space<vmem>>, vector<16xf32>,
            %add3A_645 = arith.addi %mul3A_572, %scan3A_583 : i32
            %get3A_646 = arith.index_cast %add3A_645 : i32 to index
            %get3A_647 = arith.constant 96 : index
            %get3A_648 = tpu.vector_load %arg19[%get3A_646, %get3A_647] {strides = array<i32>} : memref<128x128xf32, #tpu.memory_space<vmem>>, vector<16xf32>,
            %mul3A_649 = arith.mulf %get3A_648, %mul3A_596 : vector<16xf32>
            %swap3A_650 = arith.index_cast %squeeze3A_589 : i32 to index
            %swap3A_651 = arith.constant 96 : index
            %swap3A_652 = tpu.vector_load %arg20[%swap3A_650, %swap3A_651] {strides = array<i32>} : memref<200x256xf32, #tpu.memory_space<vmem>>, vector<16xf32>,
            tpu.vector_store %arg20[%swap3A_650, %swap3A_651], %mul3A_649 {add = true, strides = array<i32>} : memref<200x256xf32, #tpu.memory_space<vmem>>, vector<16xf32>,
            %add3A_653 = arith.addi %mul3A_572, %scan3A_583 : i32
            %get3A_654 = arith.index_cast %add3A_653 : i32 to index
            %get3A_655 = arith.constant 112 : index
            %get3A_656 = tpu.vector_load %arg19[%get3A_654, %get3A_655] {strides = array<i32>} : memref<128x128xf32, #tpu.memory_space<vmem>>, vector<16xf32>,
            %mul3A_657 = arith.mulf %get3A_656, %mul3A_596 : vector<16xf32>
            %swap3A_658 = arith.index_cast %squeeze3A_589 : i32 to index
            %swap3A_659 = arith.constant 112 : index
            %swap3A_660 = tpu.vector_load %arg20[%swap3A_658, %swap3A_659] {strides = array<i32>} : memref<200x256xf32, #tpu.memory_space<vmem>>, vector<16xf32>,
            tpu.vector_store %arg20[%swap3A_658, %swap3A_659], %mul3A_657 {add = true, strides = array<i32>} : memref<200x256xf32, #tpu.memory_space<vmem>>, vector<16xf32>,
            %mul3A_661 = arith.mulf %mul3A_596, %select_n3A_15 : vector<16xf32>
            %swap3A_662 = arith.index_cast %squeeze3A_589 : i32 to index
            %swap3A_663 = arith.constant 128 : index
            %swap3A_664 = tpu.vector_load %arg20[%swap3A_662, %swap3A_663] {strides = array<i32>} : memref<200x256xf32, #tpu.memory_space<vmem>>, vector<16xf32>,
            tpu.vector_store %arg20[%swap3A_662, %swap3A_663], %mul3A_661 {add = true, strides = array<i32>} : memref<200x256xf32, #tpu.memory_space<vmem>>, vector<16xf32>,
            %scan3A_665 = arith.constant 0 : i32
            scf.yield %scan3A_665 : i32
          }
          %scan3A_581 = arith.constant 64 : i32
          %while3A_582 = arith.constant 0 : i32
          scf.yield %while3A_582 : i32
        }
        %while3A_541 = arith.constant 1 : i32
        %while3A_542 = scf.for %while3A_551 = %while3A_538 to %while3A_534 step %while3A_541 iter_args(%while3A_552 = %while3A_540) -> (i32)  : i32 {
          %rem3A_553 = arith.constant 2 : i32
          %rem3A_554 = arith.remsi %while3A_551, %rem3A_553 : i32
          %mul3A_555 = arith.constant 128 : i32
          %mul3A_556 = arith.muli %rem3A_554, %mul3A_555 : i32
          %mul3A_557 = arith.constant 64 : i32
          %mul3A_558 = arith.muli %rem3A_554, %mul3A_557 : i32
          %dma_wait3A_559 = arith.constant 0 : i32
          %dma_wait3A_560 = tpu.memref_slice %arg19[%mul3A_558, %dma_wait3A_559] : memref<128x128xf32, #tpu.memory_space<vmem>> -> memref<64x128xf32, #tpu.memory_space<vmem>>
          %dma_wait3A_561 = tpu.memref_slice %arg18[%mul3A_556] : memref<256xi32, #tpu.memory_space<vmem>> -> memref<64xi32, #tpu.memory_space<vmem>>
          %dma_wait3A_562 = arith.constant 0 : i32
          %dma_wait3A_563 = arith.constant 0 : i32
          %dma_wait3A_564 = tpu.memref_slice %arg2[%dma_wait3A_562, %dma_wait3A_563] : memref<10000x128xf32, #tpu.memory_space<hbm>> -> memref<10000x128xf32, #tpu.memory_space<hbm>>
          tpu.wait_indirect_dma semaphore(%arg24 : memref<!tpu.dma_semaphore, #tpu.memory_space<semaphore_mem>>) src(%dma_wait3A_564 : memref<10000x128xf32, #tpu.memory_space<hbm>>) dst(%dma_wait3A_560 : memref<64x128xf32, #tpu.memory_space<vmem>>)
          %add3A_565 = arith.constant 1 : i32
          %add3A_566 = arith.addi %while3A_551, %add3A_565 : i32
          %lt3A_567 = arith.cmpi slt, %add3A_566, %select_n3A_525 : i32
          %convert_element_type3A_568 = arith.extui %lt3A_567 : i1 to i32
          %cond3A_569 = arith.constant 0 : i32
          %cond3A_570 = arith.cmpi ne, %convert_element_type3A_568, %cond3A_569 : i32
          scf.if %cond3A_570 {
            %add3A_583 = arith.constant 1 : i32
            %add3A_584 = arith.addi %while3A_551, %add3A_583 : i32
            %rem3A_585 = arith.constant 2 : i32
            %rem3A_586 = arith.remsi %add3A_584, %rem3A_585 : i32
            %mul3A_587 = arith.constant 64 : i32
            %mul3A_588 = arith.muli %add3A_584, %mul3A_587 : i32
            %add3A_589 = arith.constant 0 : i32
            %add3A_590 = arith.addi %mul3A_588, %add3A_589 : i32
            %get3A_591 = arith.index_cast %add3A_590 : i32 to index
            %get3A_592 = tpu.vector_load %arg16[%get3A_591] {strides = array<i32>} : memref<2368xi32, #tpu.memory_space<vmem>>, vector<16xi32>,
            %mul3A_593 = arith.constant 128 : i32
            %mul3A_594 = arith.muli %rem3A_586, %mul3A_593 : i32
            %add3A_595 = arith.constant 0 : i32
            %add3A_596 = arith.addi %mul3A_594, %add3A_595 : i32
            %swap3A_597 = arith.index_cast %add3A_596 : i32 to index
            %swap3A_598 = tpu.vector_load %arg18[%swap3A_597] {strides = array<i32>} : memref<256xi32, #tpu.memory_space<vmem>>, vector<16xi32>,
            tpu.vector_store %arg18[%swap3A_597], %get3A_592 {strides = array<i32>} : memref<256xi32, #tpu.memory_space<vmem>>, vector<16xi32>,
            %mul3A_599 = arith.constant 64 : i32
            %mul3A_600 = arith.muli %add3A_584, %mul3A_599 : i32
            %add3A_601 = arith.constant 16 : i32
            %add3A_602 = arith.addi %mul3A_600, %add3A_601 : i32
            %get3A_603 = arith.index_cast %add3A_602 : i32 to index
            %get3A_604 = tpu.vector_load %arg16[%get3A_603] {strides = array<i32>} : memref<2368xi32, #tpu.memory_space<vmem>>, vector<16xi32>,
            %mul3A_605 = arith.constant 128 : i32
            %mul3A_606 = arith.muli %rem3A_586, %mul3A_605 : i32
            %add3A_607 = arith.constant 16 : i32
            %add3A_608 = arith.addi %mul3A_606, %add3A_607 : i32
            %swap3A_609 = arith.index_cast %add3A_608 : i32 to index
            %swap3A_610 = tpu.vector_load %arg18[%swap3A_609] {strides = array<i32>} : memref<256xi32, #tpu.memory_space<vmem>>, vector<16xi32>,
            tpu.vector_store %arg18[%swap3A_609], %get3A_604 {strides = array<i32>} : memref<256xi32, #tpu.memory_space<vmem>>, vector<16xi32>,
            %mul3A_611 = arith.constant 64 : i32
            %mul3A_612 = arith.muli %add3A_584, %mul3A_611 : i32
            %add3A_613 = arith.constant 32 : i32
            %add3A_614 = arith.addi %mul3A_612, %add3A_613 : i32
            %get3A_615 = arith.index_cast %add3A_614 : i32 to index
            %get3A_616 = tpu.vector_load %arg16[%get3A_615] {strides = array<i32>} : memref<2368xi32, #tpu.memory_space<vmem>>, vector<16xi32>,
            %mul3A_617 = arith.constant 128 : i32
            %mul3A_618 = arith.muli %rem3A_586, %mul3A_617 : i32
            %add3A_619 = arith.constant 32 : i32
            %add3A_620 = arith.addi %mul3A_618, %add3A_619 : i32
            %swap3A_621 = arith.index_cast %add3A_620 : i32 to index
            %swap3A_622 = tpu.vector_load %arg18[%swap3A_621] {strides = array<i32>} : memref<256xi32, #tpu.memory_space<vmem>>, vector<16xi32>,
            tpu.vector_store %arg18[%swap3A_621], %get3A_616 {strides = array<i32>} : memref<256xi32, #tpu.memory_space<vmem>>, vector<16xi32>,
            %mul3A_623 = arith.constant 64 : i32
            %mul3A_624 = arith.muli %add3A_584, %mul3A_623 : i32
            %add3A_625 = arith.constant 48 : i32
            %add3A_626 = arith.addi %mul3A_624, %add3A_625 : i32
            %get3A_627 = arith.index_cast %add3A_626 : i32 to index
            %get3A_628 = tpu.vector_load %arg16[%get3A_627] {strides = array<i32>} : memref<2368xi32, #tpu.memory_space<vmem>>, vector<16xi32>,
            %mul3A_629 = arith.constant 128 : i32
            %mul3A_630 = arith.muli %rem3A_586, %mul3A_629 : i32
            %add3A_631 = arith.constant 48 : i32
            %add3A_632 = arith.addi %mul3A_630, %add3A_631 : i32
            %swap3A_633 = arith.index_cast %add3A_632 : i32 to index
            %swap3A_634 = tpu.vector_load %arg18[%swap3A_633] {strides = array<i32>} : memref<256xi32, #tpu.memory_space<vmem>>, vector<16xi32>,
            tpu.vector_store %arg18[%swap3A_633], %get3A_628 {strides = array<i32>} : memref<256xi32, #tpu.memory_space<vmem>>, vector<16xi32>,
            %mul3A_635 = arith.constant 128 : i32
            %mul3A_636 = arith.muli %rem3A_586, %mul3A_635 : i32
            %mul3A_637 = arith.constant 64 : i32
            %mul3A_638 = arith.muli %rem3A_586, %mul3A_637 : i32
            %dma_start3A_639 = arith.constant 0 : i32
            %dma_start3A_640 = tpu.memref_slice %arg19[%mul3A_638, %dma_start3A_639] : memref<128x128xf32, #tpu.memory_space<vmem>> -> memref<64x128xf32, #tpu.memory_space<vmem>>
            %dma_start3A_641 = tpu.memref_slice %arg18[%mul3A_636] : memref<256xi32, #tpu.memory_space<vmem>> -> memref<64xi32, #tpu.memory_space<vmem>>
            %dma_start3A_642 = arith.constant 0 : i32
            %dma_start3A_643 = arith.constant 0 : i32
            %dma_start3A_644 = tpu.memref_slice %arg2[%dma_start3A_642, %dma_start3A_643] : memref<10000x128xf32, #tpu.memory_space<hbm>> -> memref<10000x128xf32, #tpu.memory_space<hbm>>
            tpu.enqueue_indirect_dma source(%dma_start3A_644 : memref<10000x128xf32, #tpu.memory_space<hbm>>) target(%dma_start3A_640 : memref<64x128xf32, #tpu.memory_space<vmem>>) offsets(%dma_start3A_641 : memref<64xi32, #tpu.memory_space<vmem>>) semaphore(%arg24 : memref<!tpu.dma_semaphore, #tpu.memory_space<semaphore_mem>>)
          } else {
          }
          %mul3A_571 = arith.constant 64 : i32
          %mul3A_572 = arith.muli %rem3A_554, %mul3A_571 : i32
          %mul3A_573 = arith.constant 64 : i32
          %mul3A_574 = arith.muli %while3A_551, %mul3A_573 : i32
          %scan3A_575 = arith.constant 0 : i32
          %scan3A_576 = arith.constant 0 : i32
          %scan3A_577 = arith.constant 64 : i32
          %scan3A_578 = arith.addi %scan3A_576, %scan3A_577 : i32
          %scan3A_579 = arith.constant 1 : i32
          %scan3A_580 = scf.for %scan3A_583 = %scan3A_576 to %scan3A_578 step %scan3A_579 iter_args(%scan3A_584 = %scan3A_575) -> (i32)  : i32 {
            %add3A_585 = arith.addi %mul3A_574, %scan3A_583 : i32
            %get3A_586 = arith.index_cast %add3A_585 : i32 to index
            %get3A_587 = tpu.vector_load %arg15[%get3A_586] {strides = array<i32>} : memref<2368xi32, #tpu.memory_space<vmem>>, vector<16xi32>,
            %slice3A_588 = vector.extract_strided_slice %get3A_587 {offsets = [0], sizes = [1], strides = [1]} : vector<16xi32> to vector<1xi32>
            %squeeze3A_589 = vector.extract %slice3A_588[0] : i32 from vector<1xi32>
            %add3A_590 = arith.addi %mul3A_574, %scan3A_583 : i32
            %get3A_591 = arith.index_cast %add3A_590 : i32 to index
            %get3A_592 = tpu.vector_load %arg17[%get3A_591] {strides = array<i32>} : memref<2368xf32, #tpu.memory_space<vmem>>, vector<16xf32>,
            %slice3A_593 = vector.extract_strided_slice %get3A_592 {offsets = [0], sizes = [1], strides = [1]} : vector<16xf32> to vector<1xf32>
            %squeeze3A_594 = vector.extract %slice3A_593[0] : f32 from vector<1xf32>
            %mul3A_595 = vector.broadcast %squeeze3A_594 : f32 to vector<16xf32>
            %mul3A_596 = arith.mulf %broadcast_in_dim3A_23, %mul3A_595 : vector<16xf32>
            %add3A_597 = arith.addi %mul3A_572, %scan3A_583 : i32
            %get3A_598 = arith.index_cast %add3A_597 : i32 to index
            %get3A_599 = arith.constant 0 : index
            %get3A_600 = tpu.vector_load %arg19[%get3A_598, %get3A_599] {strides = array<i32>} : memref<128x128xf32, #tpu.memory_space<vmem>>, vector<16xf32>,
            %mul3A_601 = arith.mulf %get3A_600, %mul3A_596 : vector<16xf32>
            %swap3A_602 = arith.index_cast %squeeze3A_589 : i32 to index
            %swap3A_603 = arith.constant 0 : index
            %swap3A_604 = tpu.vector_load %arg20[%swap3A_602, %swap3A_603] {strides = array<i32>} : memref<200x256xf32, #tpu.memory_space<vmem>>, vector<16xf32>,
            tpu.vector_store %arg20[%swap3A_602, %swap3A_603], %mul3A_601 {add = true, strides = array<i32>} : memref<200x256xf32, #tpu.memory_space<vmem>>, vector<16xf32>,
            %add3A_605 = arith.addi %mul3A_572, %scan3A_583 : i32
            %get3A_606 = arith.index_cast %add3A_605 : i32 to index
            %get3A_607 = arith.constant 16 : index
            %get3A_608 = tpu.vector_load %arg19[%get3A_606, %get3A_607] {strides = array<i32>} : memref<128x128xf32, #tpu.memory_space<vmem>>, vector<16xf32>,
            %mul3A_609 = arith.mulf %get3A_608, %mul3A_596 : vector<16xf32>
            %swap3A_610 = arith.index_cast %squeeze3A_589 : i32 to index
            %swap3A_611 = arith.constant 16 : index
            %swap3A_612 = tpu.vector_load %arg20[%swap3A_610, %swap3A_611] {strides = array<i32>} : memref<200x256xf32, #tpu.memory_space<vmem>>, vector<16xf32>,
            tpu.vector_store %arg20[%swap3A_610, %swap3A_611], %mul3A_609 {add = true, strides = array<i32>} : memref<200x256xf32, #tpu.memory_space<vmem>>, vector<16xf32>,
            %add3A_613 = arith.addi %mul3A_572, %scan3A_583 : i32
            %get3A_614 = arith.index_cast %add3A_613 : i32 to index
            %get3A_615 = arith.constant 32 : index
            %get3A_616 = tpu.vector_load %arg19[%get3A_614, %get3A_615] {strides = array<i32>} : memref<128x128xf32, #tpu.memory_space<vmem>>, vector<16xf32>,
            %mul3A_617 = arith.mulf %get3A_616, %mul3A_596 : vector<16xf32>
            %swap3A_618 = arith.index_cast %squeeze3A_589 : i32 to index
            %swap3A_619 = arith.constant 32 : index
            %swap3A_620 = tpu.vector_load %arg20[%swap3A_618, %swap3A_619] {strides = array<i32>} : memref<200x256xf32, #tpu.memory_space<vmem>>, vector<16xf32>,
            tpu.vector_store %arg20[%swap3A_618, %swap3A_619], %mul3A_617 {add = true, strides = array<i32>} : memref<200x256xf32, #tpu.memory_space<vmem>>, vector<16xf32>,
            %add3A_621 = arith.addi %mul3A_572, %scan3A_583 : i32
            %get3A_622 = arith.index_cast %add3A_621 : i32 to index
            %get3A_623 = arith.constant 48 : index
            %get3A_624 = tpu.vector_load %arg19[%get3A_622, %get3A_623] {strides = array<i32>} : memref<128x128xf32, #tpu.memory_space<vmem>>, vector<16xf32>,
            %mul3A_625 = arith.mulf %get3A_624, %mul3A_596 : vector<16xf32>
            %swap3A_626 = arith.index_cast %squeeze3A_589 : i32 to index
            %swap3A_627 = arith.constant 48 : index
            %swap3A_628 = tpu.vector_load %arg20[%swap3A_626, %swap3A_627] {strides = array<i32>} : memref<200x256xf32, #tpu.memory_space<vmem>>, vector<16xf32>,
            tpu.vector_store %arg20[%swap3A_626, %swap3A_627], %mul3A_625 {add = true, strides = array<i32>} : memref<200x256xf32, #tpu.memory_space<vmem>>, vector<16xf32>,
            %add3A_629 = arith.addi %mul3A_572, %scan3A_583 : i32
            %get3A_630 = arith.index_cast %add3A_629 : i32 to index
            %get3A_631 = arith.constant 64 : index
            %get3A_632 = tpu.vector_load %arg19[%get3A_630, %get3A_631] {strides = array<i32>} : memref<128x128xf32, #tpu.memory_space<vmem>>, vector<16xf32>,
            %mul3A_633 = arith.mulf %get3A_632, %mul3A_596 : vector<16xf32>
            %swap3A_634 = arith.index_cast %squeeze3A_589 : i32 to index
            %swap3A_635 = arith.constant 64 : index
            %swap3A_636 = tpu.vector_load %arg20[%swap3A_634, %swap3A_635] {strides = array<i32>} : memref<200x256xf32, #tpu.memory_space<vmem>>, vector<16xf32>,
            tpu.vector_store %arg20[%swap3A_634, %swap3A_635], %mul3A_633 {add = true, strides = array<i32>} : memref<200x256xf32, #tpu.memory_space<vmem>>, vector<16xf32>,
            %add3A_637 = arith.addi %mul3A_572, %scan3A_583 : i32
            %get3A_638 = arith.index_cast %add3A_637 : i32 to index
            %get3A_639 = arith.constant 80 : index
            %get3A_640 = tpu.vector_load %arg19[%get3A_638, %get3A_639] {strides = array<i32>} : memref<128x128xf32, #tpu.memory_space<vmem>>, vector<16xf32>,
            %mul3A_641 = arith.mulf %get3A_640, %mul3A_596 : vector<16xf32>
            %swap3A_642 = arith.index_cast %squeeze3A_589 : i32 to index
            %swap3A_643 = arith.constant 80 : index
            %swap3A_644 = tpu.vector_load %arg20[%swap3A_642, %swap3A_643] {strides = array<i32>} : memref<200x256xf32, #tpu.memory_space<vmem>>, vector<16xf32>,
            tpu.vector_store %arg20[%swap3A_642, %swap3A_643], %mul3A_641 {add = true, strides = array<i32>} : memref<200x256xf32, #tpu.memory_space<vmem>>, vector<16xf32>,
            %add3A_645 = arith.addi %mul3A_572, %scan3A_583 : i32
            %get3A_646 = arith.index_cast %add3A_645 : i32 to index
            %get3A_647 = arith.constant 96 : index
            %get3A_648 = tpu.vector_load %arg19[%get3A_646, %get3A_647] {strides = array<i32>} : memref<128x128xf32, #tpu.memory_space<vmem>>, vector<16xf32>,
            %mul3A_649 = arith.mulf %get3A_648, %mul3A_596 : vector<16xf32>
            %swap3A_650 = arith.index_cast %squeeze3A_589 : i32 to index
            %swap3A_651 = arith.constant 96 : index
            %swap3A_652 = tpu.vector_load %arg20[%swap3A_650, %swap3A_651] {strides = array<i32>} : memref<200x256xf32, #tpu.memory_space<vmem>>, vector<16xf32>,
            tpu.vector_store %arg20[%swap3A_650, %swap3A_651], %mul3A_649 {add = true, strides = array<i32>} : memref<200x256xf32, #tpu.memory_space<vmem>>, vector<16xf32>,
            %add3A_653 = arith.addi %mul3A_572, %scan3A_583 : i32
            %get3A_654 = arith.index_cast %add3A_653 : i32 to index
            %get3A_655 = arith.constant 112 : index
            %get3A_656 = tpu.vector_load %arg19[%get3A_654, %get3A_655] {strides = array<i32>} : memref<128x128xf32, #tpu.memory_space<vmem>>, vector<16xf32>,
            %mul3A_657 = arith.mulf %get3A_656, %mul3A_596 : vector<16xf32>
            %swap3A_658 = arith.index_cast %squeeze3A_589 : i32 to index
            %swap3A_659 = arith.constant 112 : index
            %swap3A_660 = tpu.vector_load %arg20[%swap3A_658, %swap3A_659] {strides = array<i32>} : memref<200x256xf32, #tpu.memory_space<vmem>>, vector<16xf32>,
            tpu.vector_store %arg20[%swap3A_658, %swap3A_659], %mul3A_657 {add = true, strides = array<i32>} : memref<200x256xf32, #tpu.memory_space<vmem>>, vector<16xf32>,
            %mul3A_661 = arith.mulf %mul3A_596, %select_n3A_15 : vector<16xf32>
            %swap3A_662 = arith.index_cast %squeeze3A_589 : i32 to index
            %swap3A_663 = arith.constant 128 : index
            %swap3A_664 = tpu.vector_load %arg20[%swap3A_662, %swap3A_663] {strides = array<i32>} : memref<200x256xf32, #tpu.memory_space<vmem>>, vector<16xf32>,
            tpu.vector_store %arg20[%swap3A_662, %swap3A_663], %mul3A_661 {add = true, strides = array<i32>} : memref<200x256xf32, #tpu.memory_space<vmem>>, vector<16xf32>,
            %scan3A_665 = arith.constant 0 : i32
            scf.yield %scan3A_665 : i32
          }
          %scan3A_581 = arith.constant 64 : i32
          %while3A_582 = arith.constant 0 : i32
          scf.yield %while3A_582 : i32
        }
        %mul3A_543 = arith.constant 64 : i32
        %mul3A_544 = arith.muli %select_n3A_525, %mul3A_543 : i32
        %gt3A_545 = arith.constant 0 : i32
        %gt3A_546 = arith.cmpi sgt, %select_n3A_525, %gt3A_545 : i32
        %convert_element_type3A_547 = arith.extui %gt3A_546 : i1 to i32
        %cond3A_548 = arith.constant 0 : i32
        %cond3A_549 = arith.cmpi ne, %convert_element_type3A_547, %cond3A_548 : i32
        scf.if %cond3A_549 {
          %add3A_551 = arith.constant 0 : i32
          %add3A_552 = arith.addi %mul3A_544, %add3A_551 : i32
          %get3A_553 = arith.index_cast %add3A_552 : i32 to index
          %get3A_554 = tpu.vector_load %arg15[%get3A_553] {strides = array<i32>} : memref<2368xi32, #tpu.memory_space<vmem>>, vector<16xi32>,
          %swap3A_555 = arith.constant 0 : index
          %swap3A_556 = tpu.vector_load %arg15[%swap3A_555] {strides = array<i32>} : memref<2368xi32, #tpu.memory_space<vmem>>, vector<16xi32>,
          tpu.vector_store %arg15[%swap3A_555], %get3A_554 {strides = array<i32>} : memref<2368xi32, #tpu.memory_space<vmem>>, vector<16xi32>,
          %add3A_557 = arith.constant 0 : i32
          %add3A_558 = arith.addi %mul3A_544, %add3A_557 : i32
          %get3A_559 = arith.index_cast %add3A_558 : i32 to index
          %get3A_560 = tpu.vector_load %arg16[%get3A_559] {strides = array<i32>} : memref<2368xi32, #tpu.memory_space<vmem>>, vector<16xi32>,
          %swap3A_561 = arith.constant 0 : index
          %swap3A_562 = tpu.vector_load %arg16[%swap3A_561] {strides = array<i32>} : memref<2368xi32, #tpu.memory_space<vmem>>, vector<16xi32>,
          tpu.vector_store %arg16[%swap3A_561], %get3A_560 {strides = array<i32>} : memref<2368xi32, #tpu.memory_space<vmem>>, vector<16xi32>,
          %add3A_563 = arith.constant 0 : i32
          %add3A_564 = arith.addi %mul3A_544, %add3A_563 : i32
          %get3A_565 = arith.index_cast %add3A_564 : i32 to index
          %get3A_566 = tpu.vector_load %arg17[%get3A_565] {strides = array<i32>} : memref<2368xf32, #tpu.memory_space<vmem>>, vector<16xf32>,
          %swap3A_567 = arith.constant 0 : index
          %swap3A_568 = tpu.vector_load %arg17[%swap3A_567] {strides = array<i32>} : memref<2368xf32, #tpu.memory_space<vmem>>, vector<16xf32>,
          tpu.vector_store %arg17[%swap3A_567], %get3A_566 {strides = array<i32>} : memref<2368xf32, #tpu.memory_space<vmem>>, vector<16xf32>,
          %add3A_569 = arith.constant 16 : i32
          %add3A_570 = arith.addi %mul3A_544, %add3A_569 : i32
          %get3A_571 = arith.index_cast %add3A_570 : i32 to index
          %get3A_572 = tpu.vector_load %arg15[%get3A_571] {strides = array<i32>} : memref<2368xi32, #tpu.memory_space<vmem>>, vector<16xi32>,
          %swap3A_573 = arith.constant 16 : index
          %swap3A_574 = tpu.vector_load %arg15[%swap3A_573] {strides = array<i32>} : memref<2368xi32, #tpu.memory_space<vmem>>, vector<16xi32>,
          tpu.vector_store %arg15[%swap3A_573], %get3A_572 {strides = array<i32>} : memref<2368xi32, #tpu.memory_space<vmem>>, vector<16xi32>,
          %add3A_575 = arith.constant 16 : i32
          %add3A_576 = arith.addi %mul3A_544, %add3A_575 : i32
          %get3A_577 = arith.index_cast %add3A_576 : i32 to index
          %get3A_578 = tpu.vector_load %arg16[%get3A_577] {strides = array<i32>} : memref<2368xi32, #tpu.memory_space<vmem>>, vector<16xi32>,
          %swap3A_579 = arith.constant 16 : index
          %swap3A_580 = tpu.vector_load %arg16[%swap3A_579] {strides = array<i32>} : memref<2368xi32, #tpu.memory_space<vmem>>, vector<16xi32>,
          tpu.vector_store %arg16[%swap3A_579], %get3A_578 {strides = array<i32>} : memref<2368xi32, #tpu.memory_space<vmem>>, vector<16xi32>,
          %add3A_581 = arith.constant 16 : i32
          %add3A_582 = arith.addi %mul3A_544, %add3A_581 : i32
          %get3A_583 = arith.index_cast %add3A_582 : i32 to index
          %get3A_584 = tpu.vector_load %arg17[%get3A_583] {strides = array<i32>} : memref<2368xf32, #tpu.memory_space<vmem>>, vector<16xf32>,
          %swap3A_585 = arith.constant 16 : index
          %swap3A_586 = tpu.vector_load %arg17[%swap3A_585] {strides = array<i32>} : memref<2368xf32, #tpu.memory_space<vmem>>, vector<16xf32>,
          tpu.vector_store %arg17[%swap3A_585], %get3A_584 {strides = array<i32>} : memref<2368xf32, #tpu.memory_space<vmem>>, vector<16xf32>,
          %add3A_587 = arith.constant 32 : i32
          %add3A_588 = arith.addi %mul3A_544, %add3A_587 : i32
          %get3A_589 = arith.index_cast %add3A_588 : i32 to index
          %get3A_590 = tpu.vector_load %arg15[%get3A_589] {strides = array<i32>} : memref<2368xi32, #tpu.memory_space<vmem>>, vector<16xi32>,
          %swap3A_591 = arith.constant 32 : index
          %swap3A_592 = tpu.vector_load %arg15[%swap3A_591] {strides = array<i32>} : memref<2368xi32, #tpu.memory_space<vmem>>, vector<16xi32>,
          tpu.vector_store %arg15[%swap3A_591], %get3A_590 {strides = array<i32>} : memref<2368xi32, #tpu.memory_space<vmem>>, vector<16xi32>,
          %add3A_593 = arith.constant 32 : i32
          %add3A_594 = arith.addi %mul3A_544, %add3A_593 : i32
          %get3A_595 = arith.index_cast %add3A_594 : i32 to index
          %get3A_596 = tpu.vector_load %arg16[%get3A_595] {strides = array<i32>} : memref<2368xi32, #tpu.memory_space<vmem>>, vector<16xi32>,
          %swap3A_597 = arith.constant 32 : index
          %swap3A_598 = tpu.vector_load %arg16[%swap3A_597] {strides = array<i32>} : memref<2368xi32, #tpu.memory_space<vmem>>, vector<16xi32>,
          tpu.vector_store %arg16[%swap3A_597], %get3A_596 {strides = array<i32>} : memref<2368xi32, #tpu.memory_space<vmem>>, vector<16xi32>,
          %add3A_599 = arith.constant 32 : i32
          %add3A_600 = arith.addi %mul3A_544, %add3A_599 : i32
          %get3A_601 = arith.index_cast %add3A_600 : i32 to index
          %get3A_602 = tpu.vector_load %arg17[%get3A_601] {strides = array<i32>} : memref<2368xf32, #tpu.memory_space<vmem>>, vector<16xf32>,
          %swap3A_603 = arith.constant 32 : index
          %swap3A_604 = tpu.vector_load %arg17[%swap3A_603] {strides = array<i32>} : memref<2368xf32, #tpu.memory_space<vmem>>, vector<16xf32>,
          tpu.vector_store %arg17[%swap3A_603], %get3A_602 {strides = array<i32>} : memref<2368xf32, #tpu.memory_space<vmem>>, vector<16xf32>,
          %add3A_605 = arith.constant 48 : i32
          %add3A_606 = arith.addi %mul3A_544, %add3A_605 : i32
          %get3A_607 = arith.index_cast %add3A_606 : i32 to index
          %get3A_608 = tpu.vector_load %arg15[%get3A_607] {strides = array<i32>} : memref<2368xi32, #tpu.memory_space<vmem>>, vector<16xi32>,
          %swap3A_609 = arith.constant 48 : index
          %swap3A_610 = tpu.vector_load %arg15[%swap3A_609] {strides = array<i32>} : memref<2368xi32, #tpu.memory_space<vmem>>, vector<16xi32>,
          tpu.vector_store %arg15[%swap3A_609], %get3A_608 {strides = array<i32>} : memref<2368xi32, #tpu.memory_space<vmem>>, vector<16xi32>,
          %add3A_611 = arith.constant 48 : i32
          %add3A_612 = arith.addi %mul3A_544, %add3A_611 : i32
          %get3A_613 = arith.index_cast %add3A_612 : i32 to index
          %get3A_614 = tpu.vector_load %arg16[%get3A_613] {strides = array<i32>} : memref<2368xi32, #tpu.memory_space<vmem>>, vector<16xi32>,
          %swap3A_615 = arith.constant 48 : index
          %swap3A_616 = tpu.vector_load %arg16[%swap3A_615] {strides = array<i32>} : memref<2368xi32, #tpu.memory_space<vmem>>, vector<16xi32>,
          tpu.vector_store %arg16[%swap3A_615], %get3A_614 {strides = array<i32>} : memref<2368xi32, #tpu.memory_space<vmem>>, vector<16xi32>,
          %add3A_617 = arith.constant 48 : i32
          %add3A_618 = arith.addi %mul3A_544, %add3A_617 : i32
          %get3A_619 = arith.index_cast %add3A_618 : i32 to index
          %get3A_620 = tpu.vector_load %arg17[%get3A_619] {strides = array<i32>} : memref<2368xf32, #tpu.memory_space<vmem>>, vector<16xf32>,
          %swap3A_621 = arith.constant 48 : index
          %swap3A_622 = tpu.vector_load %arg17[%swap3A_621] {strides = array<i32>} : memref<2368xf32, #tpu.memory_space<vmem>>, vector<16xf32>,
          tpu.vector_store %arg17[%swap3A_621], %get3A_620 {strides = array<i32>} : memref<2368xf32, #tpu.memory_space<vmem>>, vector<16xf32>,
        } else {
        }
        %sub3A_550 = arith.subi %while3A_519, %mul3A_544 : i32
        scf.yield %sub3A_550 : i32
      }
      %scan3A_421 = arith.constant 8 : i32
      %barrier3A_422 = arith.constant 0 : index
      tpu.barrier barrier_id(%barrier3A_422)
      scf.yield %scan3A_420 : i32
    }
    %scan3A_52 = arith.constant 10 : i32
    %and3A = arith.constant -16 : i32
    %and3A_53 = arith.andi %scan3A_51, %and3A : i32
    %mul3A_54 = vector.broadcast %scan3A_51 : i32 to vector<16xi32>
    %mul3A_55 = arith.muli %broadcast_in_dim3A_25, %mul3A_54 : vector<16xi32>
    %broadcast_in_dim3A_56 = arith.constant 0 : i32
    %broadcast_in_dim3A_57 = vector.broadcast %broadcast_in_dim3A_56 : i32 to vector<16xi32>
    %broadcast_in_dim3A_58 = arith.constant 0.000000e+00 : f32
    %broadcast_in_dim3A_59 = vector.broadcast %broadcast_in_dim3A_58 : f32 to vector<16xf32>
    %add3A_60 = arith.constant 0 : i32
    %add3A_61 = arith.addi %and3A_53, %add3A_60 : i32
    %add3A_62 = vector.broadcast %add3A_61 : i32 to vector<16xi32>
    %add3A_63 = arith.addi %add3A_62, %iota3A : vector<16xi32>
    %ge3A = arith.cmpi sge, %add3A_63, %mul3A_55 : vector<16xi32>
    %get3A = arith.index_cast %add3A_61 : i32 to index
    %get3A_64 = tpu.vector_load %arg15[%get3A] {strides = array<i32>} : memref<2368xi32, #tpu.memory_space<vmem>>, vector<16xi32>,
    %select_n3A_65 = arith.select %ge3A, %broadcast_in_dim3A_57, %get3A_64 : vector<16xi1>, vector<16xi32>
    %swap3A = arith.index_cast %add3A_61 : i32 to index
    %swap3A_66 = tpu.vector_load %arg15[%swap3A] {strides = array<i32>} : memref<2368xi32, #tpu.memory_space<vmem>>, vector<16xi32>,
    tpu.vector_store %arg15[%swap3A], %select_n3A_65 {strides = array<i32>} : memref<2368xi32, #tpu.memory_space<vmem>>, vector<16xi32>,
    %get3A_67 = arith.index_cast %add3A_61 : i32 to index
    %get3A_68 = tpu.vector_load %arg16[%get3A_67] {strides = array<i32>} : memref<2368xi32, #tpu.memory_space<vmem>>, vector<16xi32>,
    %select_n3A_69 = arith.select %ge3A, %broadcast_in_dim3A_57, %get3A_68 : vector<16xi1>, vector<16xi32>
    %swap3A_70 = arith.index_cast %add3A_61 : i32 to index
    %swap3A_71 = tpu.vector_load %arg16[%swap3A_70] {strides = array<i32>} : memref<2368xi32, #tpu.memory_space<vmem>>, vector<16xi32>,
    tpu.vector_store %arg16[%swap3A_70], %select_n3A_69 {strides = array<i32>} : memref<2368xi32, #tpu.memory_space<vmem>>, vector<16xi32>,
    %get3A_72 = arith.index_cast %add3A_61 : i32 to index
    %get3A_73 = tpu.vector_load %arg17[%get3A_72] {strides = array<i32>} : memref<2368xf32, #tpu.memory_space<vmem>>, vector<16xf32>,
    %select_n3A_74 = arith.select %ge3A, %broadcast_in_dim3A_59, %get3A_73 : vector<16xi1>, vector<16xf32>
    %swap3A_75 = arith.index_cast %add3A_61 : i32 to index
    %swap3A_76 = tpu.vector_load %arg17[%swap3A_75] {strides = array<i32>} : memref<2368xf32, #tpu.memory_space<vmem>>, vector<16xf32>,
    tpu.vector_store %arg17[%swap3A_75], %select_n3A_74 {strides = array<i32>} : memref<2368xf32, #tpu.memory_space<vmem>>, vector<16xf32>,
    %add3A_77 = arith.constant 16 : i32
    %add3A_78 = arith.addi %and3A_53, %add3A_77 : i32
    %add3A_79 = vector.broadcast %add3A_78 : i32 to vector<16xi32>
    %add3A_80 = arith.addi %add3A_79, %iota3A : vector<16xi32>
    %ge3A_81 = arith.cmpi sge, %add3A_80, %mul3A_55 : vector<16xi32>
    %get3A_82 = arith.index_cast %add3A_78 : i32 to index
    %get3A_83 = tpu.vector_load %arg15[%get3A_82] {strides = array<i32>} : memref<2368xi32, #tpu.memory_space<vmem>>, vector<16xi32>,
    %select_n3A_84 = arith.select %ge3A_81, %broadcast_in_dim3A_57, %get3A_83 : vector<16xi1>, vector<16xi32>
    %swap3A_85 = arith.index_cast %add3A_78 : i32 to index
    %swap3A_86 = tpu.vector_load %arg15[%swap3A_85] {strides = array<i32>} : memref<2368xi32, #tpu.memory_space<vmem>>, vector<16xi32>,
    tpu.vector_store %arg15[%swap3A_85], %select_n3A_84 {strides = array<i32>} : memref<2368xi32, #tpu.memory_space<vmem>>, vector<16xi32>,
    %get3A_87 = arith.index_cast %add3A_78 : i32 to index
    %get3A_88 = tpu.vector_load %arg16[%get3A_87] {strides = array<i32>} : memref<2368xi32, #tpu.memory_space<vmem>>, vector<16xi32>,
    %select_n3A_89 = arith.select %ge3A_81, %broadcast_in_dim3A_57, %get3A_88 : vector<16xi1>, vector<16xi32>
    %swap3A_90 = arith.index_cast %add3A_78 : i32 to index
    %swap3A_91 = tpu.vector_load %arg16[%swap3A_90] {strides = array<i32>} : memref<2368xi32, #tpu.memory_space<vmem>>, vector<16xi32>,
    tpu.vector_store %arg16[%swap3A_90], %select_n3A_89 {strides = array<i32>} : memref<2368xi32, #tpu.memory_space<vmem>>, vector<16xi32>,
    %get3A_92 = arith.index_cast %add3A_78 : i32 to index
    %get3A_93 = tpu.vector_load %arg17[%get3A_92] {strides = array<i32>} : memref<2368xf32, #tpu.memory_space<vmem>>, vector<16xf32>,
    %select_n3A_94 = arith.select %ge3A_81, %broadcast_in_dim3A_59, %get3A_93 : vector<16xi1>, vector<16xf32>
    %swap3A_95 = arith.index_cast %add3A_78 : i32 to index
    %swap3A_96 = tpu.vector_load %arg17[%swap3A_95] {strides = array<i32>} : memref<2368xf32, #tpu.memory_space<vmem>>, vector<16xf32>,
    tpu.vector_store %arg17[%swap3A_95], %select_n3A_94 {strides = array<i32>} : memref<2368xf32, #tpu.memory_space<vmem>>, vector<16xf32>,
    %add3A_97 = arith.constant 32 : i32
    %add3A_98 = arith.addi %and3A_53, %add3A_97 : i32
    %add3A_99 = vector.broadcast %add3A_98 : i32 to vector<16xi32>
    %add3A_100 = arith.addi %add3A_99, %iota3A : vector<16xi32>
    %ge3A_101 = arith.cmpi sge, %add3A_100, %mul3A_55 : vector<16xi32>
    %get3A_102 = arith.index_cast %add3A_98 : i32 to index
    %get3A_103 = tpu.vector_load %arg15[%get3A_102] {strides = array<i32>} : memref<2368xi32, #tpu.memory_space<vmem>>, vector<16xi32>,
    %select_n3A_104 = arith.select %ge3A_101, %broadcast_in_dim3A_57, %get3A_103 : vector<16xi1>, vector<16xi32>
    %swap3A_105 = arith.index_cast %add3A_98 : i32 to index
    %swap3A_106 = tpu.vector_load %arg15[%swap3A_105] {strides = array<i32>} : memref<2368xi32, #tpu.memory_space<vmem>>, vector<16xi32>,
    tpu.vector_store %arg15[%swap3A_105], %select_n3A_104 {strides = array<i32>} : memref<2368xi32, #tpu.memory_space<vmem>>, vector<16xi32>,
    %get3A_107 = arith.index_cast %add3A_98 : i32 to index
    %get3A_108 = tpu.vector_load %arg16[%get3A_107] {strides = array<i32>} : memref<2368xi32, #tpu.memory_space<vmem>>, vector<16xi32>,
    %select_n3A_109 = arith.select %ge3A_101, %broadcast_in_dim3A_57, %get3A_108 : vector<16xi1>, vector<16xi32>
    %swap3A_110 = arith.index_cast %add3A_98 : i32 to index
    %swap3A_111 = tpu.vector_load %arg16[%swap3A_110] {strides = array<i32>} : memref<2368xi32, #tpu.memory_space<vmem>>, vector<16xi32>,
    tpu.vector_store %arg16[%swap3A_110], %select_n3A_109 {strides = array<i32>} : memref<2368xi32, #tpu.memory_space<vmem>>, vector<16xi32>,
    %get3A_112 = arith.index_cast %add3A_98 : i32 to index
    %get3A_113 = tpu.vector_load %arg17[%get3A_112] {strides = array<i32>} : memref<2368xf32, #tpu.memory_space<vmem>>, vector<16xf32>,
    %select_n3A_114 = arith.select %ge3A_101, %broadcast_in_dim3A_59, %get3A_113 : vector<16xi1>, vector<16xf32>
    %swap3A_115 = arith.index_cast %add3A_98 : i32 to index
    %swap3A_116 = tpu.vector_load %arg17[%swap3A_115] {strides = array<i32>} : memref<2368xf32, #tpu.memory_space<vmem>>, vector<16xf32>,
    tpu.vector_store %arg17[%swap3A_115], %select_n3A_114 {strides = array<i32>} : memref<2368xf32, #tpu.memory_space<vmem>>, vector<16xf32>,
    %add3A_117 = arith.constant 48 : i32
    %add3A_118 = arith.addi %and3A_53, %add3A_117 : i32
    %add3A_119 = vector.broadcast %add3A_118 : i32 to vector<16xi32>
    %add3A_120 = arith.addi %add3A_119, %iota3A : vector<16xi32>
    %ge3A_121 = arith.cmpi sge, %add3A_120, %mul3A_55 : vector<16xi32>
    %get3A_122 = arith.index_cast %add3A_118 : i32 to index
    %get3A_123 = tpu.vector_load %arg15[%get3A_122] {strides = array<i32>} : memref<2368xi32, #tpu.memory_space<vmem>>, vector<16xi32>,
    %select_n3A_124 = arith.select %ge3A_121, %broadcast_in_dim3A_57, %get3A_123 : vector<16xi1>, vector<16xi32>
    %swap3A_125 = arith.index_cast %add3A_118 : i32 to index
    %swap3A_126 = tpu.vector_load %arg15[%swap3A_125] {strides = array<i32>} : memref<2368xi32, #tpu.memory_space<vmem>>, vector<16xi32>,
    tpu.vector_store %arg15[%swap3A_125], %select_n3A_124 {strides = array<i32>} : memref<2368xi32, #tpu.memory_space<vmem>>, vector<16xi32>,
    %get3A_127 = arith.index_cast %add3A_118 : i32 to index
    %get3A_128 = tpu.vector_load %arg16[%get3A_127] {strides = array<i32>} : memref<2368xi32, #tpu.memory_space<vmem>>, vector<16xi32>,
    %select_n3A_129 = arith.select %ge3A_121, %broadcast_in_dim3A_57, %get3A_128 : vector<16xi1>, vector<16xi32>
    %swap3A_130 = arith.index_cast %add3A_118 : i32 to index
    %swap3A_131 = tpu.vector_load %arg16[%swap3A_130] {strides = array<i32>} : memref<2368xi32, #tpu.memory_space<vmem>>, vector<16xi32>,
    tpu.vector_store %arg16[%swap3A_130], %select_n3A_129 {strides = array<i32>} : memref<2368xi32, #tpu.memory_space<vmem>>, vector<16xi32>,
    %get3A_132 = arith.index_cast %add3A_118 : i32 to index
    %get3A_133 = tpu.vector_load %arg17[%get3A_132] {strides = array<i32>} : memref<2368xf32, #tpu.memory_space<vmem>>, vector<16xf32>,
    %select_n3A_134 = arith.select %ge3A_121, %broadcast_in_dim3A_59, %get3A_133 : vector<16xi1>, vector<16xf32>
    %swap3A_135 = arith.index_cast %add3A_118 : i32 to index
    %swap3A_136 = tpu.vector_load %arg17[%swap3A_135] {strides = array<i32>} : memref<2368xf32, #tpu.memory_space<vmem>>, vector<16xf32>,
    tpu.vector_store %arg17[%swap3A_135], %select_n3A_134 {strides = array<i32>} : memref<2368xf32, #tpu.memory_space<vmem>>, vector<16xf32>,
    %add3A_137 = arith.constant 64 : i32
    %add3A_138 = arith.addi %and3A_53, %add3A_137 : i32
    %add3A_139 = vector.broadcast %add3A_138 : i32 to vector<16xi32>
    %add3A_140 = arith.addi %add3A_139, %iota3A : vector<16xi32>
    %ge3A_141 = arith.cmpi sge, %add3A_140, %mul3A_55 : vector<16xi32>
    %get3A_142 = arith.index_cast %add3A_138 : i32 to index
    %get3A_143 = tpu.vector_load %arg15[%get3A_142] {strides = array<i32>} : memref<2368xi32, #tpu.memory_space<vmem>>, vector<16xi32>,
    %select_n3A_144 = arith.select %ge3A_141, %broadcast_in_dim3A_57, %get3A_143 : vector<16xi1>, vector<16xi32>
    %swap3A_145 = arith.index_cast %add3A_138 : i32 to index
    %swap3A_146 = tpu.vector_load %arg15[%swap3A_145] {strides = array<i32>} : memref<2368xi32, #tpu.memory_space<vmem>>, vector<16xi32>,
    tpu.vector_store %arg15[%swap3A_145], %select_n3A_144 {strides = array<i32>} : memref<2368xi32, #tpu.memory_space<vmem>>, vector<16xi32>,
    %get3A_147 = arith.index_cast %add3A_138 : i32 to index
    %get3A_148 = tpu.vector_load %arg16[%get3A_147] {strides = array<i32>} : memref<2368xi32, #tpu.memory_space<vmem>>, vector<16xi32>,
    %select_n3A_149 = arith.select %ge3A_141, %broadcast_in_dim3A_57, %get3A_148 : vector<16xi1>, vector<16xi32>
    %swap3A_150 = arith.index_cast %add3A_138 : i32 to index
    %swap3A_151 = tpu.vector_load %arg16[%swap3A_150] {strides = array<i32>} : memref<2368xi32, #tpu.memory_space<vmem>>, vector<16xi32>,
    tpu.vector_store %arg16[%swap3A_150], %select_n3A_149 {strides = array<i32>} : memref<2368xi32, #tpu.memory_space<vmem>>, vector<16xi32>,
    %get3A_152 = arith.index_cast %add3A_138 : i32 to index
    %get3A_153 = tpu.vector_load %arg17[%get3A_152] {strides = array<i32>} : memref<2368xf32, #tpu.memory_space<vmem>>, vector<16xf32>,
    %select_n3A_154 = arith.select %ge3A_141, %broadcast_in_dim3A_59, %get3A_153 : vector<16xi1>, vector<16xf32>
    %swap3A_155 = arith.index_cast %add3A_138 : i32 to index
    %swap3A_156 = tpu.vector_load %arg17[%swap3A_155] {strides = array<i32>} : memref<2368xf32, #tpu.memory_space<vmem>>, vector<16xf32>,
    tpu.vector_store %arg17[%swap3A_155], %select_n3A_154 {strides = array<i32>} : memref<2368xf32, #tpu.memory_space<vmem>>, vector<16xf32>,
    %add3A_157 = arith.constant 64 : i32
    %add3A_158 = arith.addi %scan3A_51, %add3A_157 : i32
    %sub3A = arith.constant 1 : i32
    %sub3A_159 = arith.subi %add3A_158, %sub3A : i32
    %and3A_160 = arith.constant -64 : i32
    %and3A_161 = arith.andi %sub3A_159, %and3A_160 : i32
    %ge3A_162 = arith.constant 1 : i32
    %ge3A_163 = arith.cmpi sge, %and3A_161, %ge3A_162 : i32
    %shift_right_logical3A = arith.constant 6 : i32
    %shift_right_logical3A_164 = arith.shrui %and3A_161, %shift_right_logical3A : i32
    %jit3A_165 = arith.constant 0 : i32
    %select_n3A_166 = arith.select %ge3A_163, %shift_right_logical3A_164, %jit3A_165 : i32
    %gt3A = arith.constant 0 : i32
    %gt3A_167 = arith.cmpi sgt, %select_n3A_166, %gt3A : i32
    %convert_element_type3A = arith.extui %gt3A_167 : i1 to i32
    %cond3A = arith.constant 0 : i32
    %cond3A_168 = arith.cmpi ne, %convert_element_type3A, %cond3A : i32
    scf.if %cond3A_168 {
      %rem3A = arith.constant 0 : i32
      %rem3A_385 = arith.constant 2 : i32
      %rem3A_386 = arith.remsi %rem3A, %rem3A_385 : i32
      %get3A_387 = arith.constant 0 : index
      %get3A_388 = tpu.vector_load %arg16[%get3A_387] {strides = array<i32>} : memref<2368xi32, #tpu.memory_space<vmem>>, vector<16xi32>,
      %mul3A_389 = arith.constant 128 : i32
      %mul3A_390 = arith.muli %rem3A_386, %mul3A_389 : i32
      %add3A_391 = arith.constant 0 : i32
      %add3A_392 = arith.addi %mul3A_390, %add3A_391 : i32
      %swap3A_393 = arith.index_cast %add3A_392 : i32 to index
      %swap3A_394 = tpu.vector_load %arg18[%swap3A_393] {strides = array<i32>} : memref<256xi32, #tpu.memory_space<vmem>>, vector<16xi32>,
      tpu.vector_store %arg18[%swap3A_393], %get3A_388 {strides = array<i32>} : memref<256xi32, #tpu.memory_space<vmem>>, vector<16xi32>,
      %get3A_395 = arith.constant 16 : index
      %get3A_396 = tpu.vector_load %arg16[%get3A_395] {strides = array<i32>} : memref<2368xi32, #tpu.memory_space<vmem>>, vector<16xi32>,
      %mul3A_397 = arith.constant 128 : i32
      %mul3A_398 = arith.muli %rem3A_386, %mul3A_397 : i32
      %add3A_399 = arith.constant 16 : i32
      %add3A_400 = arith.addi %mul3A_398, %add3A_399 : i32
      %swap3A_401 = arith.index_cast %add3A_400 : i32 to index
      %swap3A_402 = tpu.vector_load %arg18[%swap3A_401] {strides = array<i32>} : memref<256xi32, #tpu.memory_space<vmem>>, vector<16xi32>,
      tpu.vector_store %arg18[%swap3A_401], %get3A_396 {strides = array<i32>} : memref<256xi32, #tpu.memory_space<vmem>>, vector<16xi32>,
      %get3A_403 = arith.constant 32 : index
      %get3A_404 = tpu.vector_load %arg16[%get3A_403] {strides = array<i32>} : memref<2368xi32, #tpu.memory_space<vmem>>, vector<16xi32>,
      %mul3A_405 = arith.constant 128 : i32
      %mul3A_406 = arith.muli %rem3A_386, %mul3A_405 : i32
      %add3A_407 = arith.constant 32 : i32
      %add3A_408 = arith.addi %mul3A_406, %add3A_407 : i32
      %swap3A_409 = arith.index_cast %add3A_408 : i32 to index
      %swap3A_410 = tpu.vector_load %arg18[%swap3A_409] {strides = array<i32>} : memref<256xi32, #tpu.memory_space<vmem>>, vector<16xi32>,
      tpu.vector_store %arg18[%swap3A_409], %get3A_404 {strides = array<i32>} : memref<256xi32, #tpu.memory_space<vmem>>, vector<16xi32>,
      %get3A_411 = arith.constant 48 : index
      %get3A_412 = tpu.vector_load %arg16[%get3A_411] {strides = array<i32>} : memref<2368xi32, #tpu.memory_space<vmem>>, vector<16xi32>,
      %mul3A_413 = arith.constant 128 : i32
      %mul3A_414 = arith.muli %rem3A_386, %mul3A_413 : i32
      %add3A_415 = arith.constant 48 : i32
      %add3A_416 = arith.addi %mul3A_414, %add3A_415 : i32
      %swap3A_417 = arith.index_cast %add3A_416 : i32 to index
      %swap3A_418 = tpu.vector_load %arg18[%swap3A_417] {strides = array<i32>} : memref<256xi32, #tpu.memory_space<vmem>>, vector<16xi32>,
      tpu.vector_store %arg18[%swap3A_417], %get3A_412 {strides = array<i32>} : memref<256xi32, #tpu.memory_space<vmem>>, vector<16xi32>,
      %mul3A_419 = arith.constant 128 : i32
      %mul3A_420 = arith.muli %rem3A_386, %mul3A_419 : i32
      %mul3A_421 = arith.constant 64 : i32
      %mul3A_422 = arith.muli %rem3A_386, %mul3A_421 : i32
      %dma_start3A_423 = arith.constant 0 : i32
      %dma_start3A_424 = tpu.memref_slice %arg19[%mul3A_422, %dma_start3A_423] : memref<128x128xf32, #tpu.memory_space<vmem>> -> memref<64x128xf32, #tpu.memory_space<vmem>>
      %dma_start3A_425 = tpu.memref_slice %arg18[%mul3A_420] : memref<256xi32, #tpu.memory_space<vmem>> -> memref<64xi32, #tpu.memory_space<vmem>>
      %dma_start3A_426 = arith.constant 0 : i32
      %dma_start3A_427 = arith.constant 0 : i32
      %dma_start3A_428 = tpu.memref_slice %arg2[%dma_start3A_426, %dma_start3A_427] : memref<10000x128xf32, #tpu.memory_space<hbm>> -> memref<10000x128xf32, #tpu.memory_space<hbm>>
      tpu.enqueue_indirect_dma source(%dma_start3A_428 : memref<10000x128xf32, #tpu.memory_space<hbm>>) target(%dma_start3A_424 : memref<64x128xf32, #tpu.memory_space<vmem>>) offsets(%dma_start3A_425 : memref<64xi32, #tpu.memory_space<vmem>>) semaphore(%arg24 : memref<!tpu.dma_semaphore, #tpu.memory_space<semaphore_mem>>)
    } else {
    }
    %while3A = arith.constant 0 : i32
    %while3A_169 = arith.constant 0 : i32
    %while3A_170 = arith.subi %select_n3A_166, %while3A : i32
    %while3A_171 = arith.addi %while3A, %while3A_170 : i32
    %while3A_172 = arith.constant 1 : i32
    %while3A_173 = arith.divsi %while3A_170, %while3A_172 : i32
    %while3A_174 = arith.muli %while3A_173, %while3A_172 : i32
    %while3A_175 = arith.addi %while3A, %while3A_174 : i32
    %while3A_176 = arith.constant 1 : i32
    %while3A_177 = scf.for %while3A_385 = %while3A to %while3A_175 step %while3A_176 iter_args(%while3A_386 = %while3A_169) -> (i32)  : i32 {
      %rem3A = arith.constant 2 : i32
      %rem3A_387 = arith.remsi %while3A_385, %rem3A : i32
      %mul3A_388 = arith.constant 128 : i32
      %mul3A_389 = arith.muli %rem3A_387, %mul3A_388 : i32
      %mul3A_390 = arith.constant 64 : i32
      %mul3A_391 = arith.muli %rem3A_387, %mul3A_390 : i32
      %dma_wait3A_392 = arith.constant 0 : i32
      %dma_wait3A_393 = tpu.memref_slice %arg19[%mul3A_391, %dma_wait3A_392] : memref<128x128xf32, #tpu.memory_space<vmem>> -> memref<64x128xf32, #tpu.memory_space<vmem>>
      %dma_wait3A_394 = tpu.memref_slice %arg18[%mul3A_389] : memref<256xi32, #tpu.memory_space<vmem>> -> memref<64xi32, #tpu.memory_space<vmem>>
      %dma_wait3A_395 = arith.constant 0 : i32
      %dma_wait3A_396 = arith.constant 0 : i32
      %dma_wait3A_397 = tpu.memref_slice %arg2[%dma_wait3A_395, %dma_wait3A_396] : memref<10000x128xf32, #tpu.memory_space<hbm>> -> memref<10000x128xf32, #tpu.memory_space<hbm>>
      tpu.wait_indirect_dma semaphore(%arg24 : memref<!tpu.dma_semaphore, #tpu.memory_space<semaphore_mem>>) src(%dma_wait3A_397 : memref<10000x128xf32, #tpu.memory_space<hbm>>) dst(%dma_wait3A_393 : memref<64x128xf32, #tpu.memory_space<vmem>>)
      %add3A_398 = arith.constant 1 : i32
      %add3A_399 = arith.addi %while3A_385, %add3A_398 : i32
      %lt3A = arith.cmpi slt, %add3A_399, %select_n3A_166 : i32
      %convert_element_type3A_400 = arith.extui %lt3A : i1 to i32
      %cond3A_401 = arith.constant 0 : i32
      %cond3A_402 = arith.cmpi ne, %convert_element_type3A_400, %cond3A_401 : i32
      scf.if %cond3A_402 {
        %add3A_415 = arith.constant 1 : i32
        %add3A_416 = arith.addi %while3A_385, %add3A_415 : i32
        %rem3A_417 = arith.constant 2 : i32
        %rem3A_418 = arith.remsi %add3A_416, %rem3A_417 : i32
        %mul3A_419 = arith.constant 64 : i32
        %mul3A_420 = arith.muli %add3A_416, %mul3A_419 : i32
        %add3A_421 = arith.constant 0 : i32
        %add3A_422 = arith.addi %mul3A_420, %add3A_421 : i32
        %get3A_423 = arith.index_cast %add3A_422 : i32 to index
        %get3A_424 = tpu.vector_load %arg16[%get3A_423] {strides = array<i32>} : memref<2368xi32, #tpu.memory_space<vmem>>, vector<16xi32>,
        %mul3A_425 = arith.constant 128 : i32
        %mul3A_426 = arith.muli %rem3A_418, %mul3A_425 : i32
        %add3A_427 = arith.constant 0 : i32
        %add3A_428 = arith.addi %mul3A_426, %add3A_427 : i32
        %swap3A_429 = arith.index_cast %add3A_428 : i32 to index
        %swap3A_430 = tpu.vector_load %arg18[%swap3A_429] {strides = array<i32>} : memref<256xi32, #tpu.memory_space<vmem>>, vector<16xi32>,
        tpu.vector_store %arg18[%swap3A_429], %get3A_424 {strides = array<i32>} : memref<256xi32, #tpu.memory_space<vmem>>, vector<16xi32>,
        %mul3A_431 = arith.constant 64 : i32
        %mul3A_432 = arith.muli %add3A_416, %mul3A_431 : i32
        %add3A_433 = arith.constant 16 : i32
        %add3A_434 = arith.addi %mul3A_432, %add3A_433 : i32
        %get3A_435 = arith.index_cast %add3A_434 : i32 to index
        %get3A_436 = tpu.vector_load %arg16[%get3A_435] {strides = array<i32>} : memref<2368xi32, #tpu.memory_space<vmem>>, vector<16xi32>,
        %mul3A_437 = arith.constant 128 : i32
        %mul3A_438 = arith.muli %rem3A_418, %mul3A_437 : i32
        %add3A_439 = arith.constant 16 : i32
        %add3A_440 = arith.addi %mul3A_438, %add3A_439 : i32
        %swap3A_441 = arith.index_cast %add3A_440 : i32 to index
        %swap3A_442 = tpu.vector_load %arg18[%swap3A_441] {strides = array<i32>} : memref<256xi32, #tpu.memory_space<vmem>>, vector<16xi32>,
        tpu.vector_store %arg18[%swap3A_441], %get3A_436 {strides = array<i32>} : memref<256xi32, #tpu.memory_space<vmem>>, vector<16xi32>,
        %mul3A_443 = arith.constant 64 : i32
        %mul3A_444 = arith.muli %add3A_416, %mul3A_443 : i32
        %add3A_445 = arith.constant 32 : i32
        %add3A_446 = arith.addi %mul3A_444, %add3A_445 : i32
        %get3A_447 = arith.index_cast %add3A_446 : i32 to index
        %get3A_448 = tpu.vector_load %arg16[%get3A_447] {strides = array<i32>} : memref<2368xi32, #tpu.memory_space<vmem>>, vector<16xi32>,
        %mul3A_449 = arith.constant 128 : i32
        %mul3A_450 = arith.muli %rem3A_418, %mul3A_449 : i32
        %add3A_451 = arith.constant 32 : i32
        %add3A_452 = arith.addi %mul3A_450, %add3A_451 : i32
        %swap3A_453 = arith.index_cast %add3A_452 : i32 to index
        %swap3A_454 = tpu.vector_load %arg18[%swap3A_453] {strides = array<i32>} : memref<256xi32, #tpu.memory_space<vmem>>, vector<16xi32>,
        tpu.vector_store %arg18[%swap3A_453], %get3A_448 {strides = array<i32>} : memref<256xi32, #tpu.memory_space<vmem>>, vector<16xi32>,
        %mul3A_455 = arith.constant 64 : i32
        %mul3A_456 = arith.muli %add3A_416, %mul3A_455 : i32
        %add3A_457 = arith.constant 48 : i32
        %add3A_458 = arith.addi %mul3A_456, %add3A_457 : i32
        %get3A_459 = arith.index_cast %add3A_458 : i32 to index
        %get3A_460 = tpu.vector_load %arg16[%get3A_459] {strides = array<i32>} : memref<2368xi32, #tpu.memory_space<vmem>>, vector<16xi32>,
        %mul3A_461 = arith.constant 128 : i32
        %mul3A_462 = arith.muli %rem3A_418, %mul3A_461 : i32
        %add3A_463 = arith.constant 48 : i32
        %add3A_464 = arith.addi %mul3A_462, %add3A_463 : i32
        %swap3A_465 = arith.index_cast %add3A_464 : i32 to index
        %swap3A_466 = tpu.vector_load %arg18[%swap3A_465] {strides = array<i32>} : memref<256xi32, #tpu.memory_space<vmem>>, vector<16xi32>,
        tpu.vector_store %arg18[%swap3A_465], %get3A_460 {strides = array<i32>} : memref<256xi32, #tpu.memory_space<vmem>>, vector<16xi32>,
        %mul3A_467 = arith.constant 128 : i32
        %mul3A_468 = arith.muli %rem3A_418, %mul3A_467 : i32
        %mul3A_469 = arith.constant 64 : i32
        %mul3A_470 = arith.muli %rem3A_418, %mul3A_469 : i32
        %dma_start3A_471 = arith.constant 0 : i32
        %dma_start3A_472 = tpu.memref_slice %arg19[%mul3A_470, %dma_start3A_471] : memref<128x128xf32, #tpu.memory_space<vmem>> -> memref<64x128xf32, #tpu.memory_space<vmem>>
        %dma_start3A_473 = tpu.memref_slice %arg18[%mul3A_468] : memref<256xi32, #tpu.memory_space<vmem>> -> memref<64xi32, #tpu.memory_space<vmem>>
        %dma_start3A_474 = arith.constant 0 : i32
        %dma_start3A_475 = arith.constant 0 : i32
        %dma_start3A_476 = tpu.memref_slice %arg2[%dma_start3A_474, %dma_start3A_475] : memref<10000x128xf32, #tpu.memory_space<hbm>> -> memref<10000x128xf32, #tpu.memory_space<hbm>>
        tpu.enqueue_indirect_dma source(%dma_start3A_476 : memref<10000x128xf32, #tpu.memory_space<hbm>>) target(%dma_start3A_472 : memref<64x128xf32, #tpu.memory_space<vmem>>) offsets(%dma_start3A_473 : memref<64xi32, #tpu.memory_space<vmem>>) semaphore(%arg24 : memref<!tpu.dma_semaphore, #tpu.memory_space<semaphore_mem>>)
      } else {
      }
      %mul3A_403 = arith.constant 64 : i32
      %mul3A_404 = arith.muli %rem3A_387, %mul3A_403 : i32
      %mul3A_405 = arith.constant 64 : i32
      %mul3A_406 = arith.muli %while3A_385, %mul3A_405 : i32
      %scan3A_407 = arith.constant 0 : i32
      %scan3A_408 = arith.constant 0 : i32
      %scan3A_409 = arith.constant 64 : i32
      %scan3A_410 = arith.addi %scan3A_408, %scan3A_409 : i32
      %scan3A_411 = arith.constant 1 : i32
      %scan3A_412 = scf.for %scan3A_415 = %scan3A_408 to %scan3A_410 step %scan3A_411 iter_args(%scan3A_416 = %scan3A_407) -> (i32)  : i32 {
        %add3A_417 = arith.addi %mul3A_406, %scan3A_415 : i32
        %get3A_418 = arith.index_cast %add3A_417 : i32 to index
        %get3A_419 = tpu.vector_load %arg15[%get3A_418] {strides = array<i32>} : memref<2368xi32, #tpu.memory_space<vmem>>, vector<16xi32>,
        %slice3A = vector.extract_strided_slice %get3A_419 {offsets = [0], sizes = [1], strides = [1]} : vector<16xi32> to vector<1xi32>
        %squeeze3A = vector.extract %slice3A[0] : i32 from vector<1xi32>
        %add3A_420 = arith.addi %mul3A_406, %scan3A_415 : i32
        %get3A_421 = arith.index_cast %add3A_420 : i32 to index
        %get3A_422 = tpu.vector_load %arg17[%get3A_421] {strides = array<i32>} : memref<2368xf32, #tpu.memory_space<vmem>>, vector<16xf32>,
        %slice3A_423 = vector.extract_strided_slice %get3A_422 {offsets = [0], sizes = [1], strides = [1]} : vector<16xf32> to vector<1xf32>
        %squeeze3A_424 = vector.extract %slice3A_423[0] : f32 from vector<1xf32>
        %mul3A_425 = vector.broadcast %squeeze3A_424 : f32 to vector<16xf32>
        %mul3A_426 = arith.mulf %broadcast_in_dim3A_23, %mul3A_425 : vector<16xf32>
        %add3A_427 = arith.addi %mul3A_404, %scan3A_415 : i32
        %get3A_428 = arith.index_cast %add3A_427 : i32 to index
        %get3A_429 = arith.constant 0 : index
        %get3A_430 = tpu.vector_load %arg19[%get3A_428, %get3A_429] {strides = array<i32>} : memref<128x128xf32, #tpu.memory_space<vmem>>, vector<16xf32>,
        %mul3A_431 = arith.mulf %get3A_430, %mul3A_426 : vector<16xf32>
        %swap3A_432 = arith.index_cast %squeeze3A : i32 to index
        %swap3A_433 = arith.constant 0 : index
        %swap3A_434 = tpu.vector_load %arg20[%swap3A_432, %swap3A_433] {strides = array<i32>} : memref<200x256xf32, #tpu.memory_space<vmem>>, vector<16xf32>,
        tpu.vector_store %arg20[%swap3A_432, %swap3A_433], %mul3A_431 {add = true, strides = array<i32>} : memref<200x256xf32, #tpu.memory_space<vmem>>, vector<16xf32>,
        %add3A_435 = arith.addi %mul3A_404, %scan3A_415 : i32
        %get3A_436 = arith.index_cast %add3A_435 : i32 to index
        %get3A_437 = arith.constant 16 : index
        %get3A_438 = tpu.vector_load %arg19[%get3A_436, %get3A_437] {strides = array<i32>} : memref<128x128xf32, #tpu.memory_space<vmem>>, vector<16xf32>,
        %mul3A_439 = arith.mulf %get3A_438, %mul3A_426 : vector<16xf32>
        %swap3A_440 = arith.index_cast %squeeze3A : i32 to index
        %swap3A_441 = arith.constant 16 : index
        %swap3A_442 = tpu.vector_load %arg20[%swap3A_440, %swap3A_441] {strides = array<i32>} : memref<200x256xf32, #tpu.memory_space<vmem>>, vector<16xf32>,
        tpu.vector_store %arg20[%swap3A_440, %swap3A_441], %mul3A_439 {add = true, strides = array<i32>} : memref<200x256xf32, #tpu.memory_space<vmem>>, vector<16xf32>,
        %add3A_443 = arith.addi %mul3A_404, %scan3A_415 : i32
        %get3A_444 = arith.index_cast %add3A_443 : i32 to index
        %get3A_445 = arith.constant 32 : index
        %get3A_446 = tpu.vector_load %arg19[%get3A_444, %get3A_445] {strides = array<i32>} : memref<128x128xf32, #tpu.memory_space<vmem>>, vector<16xf32>,
        %mul3A_447 = arith.mulf %get3A_446, %mul3A_426 : vector<16xf32>
        %swap3A_448 = arith.index_cast %squeeze3A : i32 to index
        %swap3A_449 = arith.constant 32 : index
        %swap3A_450 = tpu.vector_load %arg20[%swap3A_448, %swap3A_449] {strides = array<i32>} : memref<200x256xf32, #tpu.memory_space<vmem>>, vector<16xf32>,
        tpu.vector_store %arg20[%swap3A_448, %swap3A_449], %mul3A_447 {add = true, strides = array<i32>} : memref<200x256xf32, #tpu.memory_space<vmem>>, vector<16xf32>,
        %add3A_451 = arith.addi %mul3A_404, %scan3A_415 : i32
        %get3A_452 = arith.index_cast %add3A_451 : i32 to index
        %get3A_453 = arith.constant 48 : index
        %get3A_454 = tpu.vector_load %arg19[%get3A_452, %get3A_453] {strides = array<i32>} : memref<128x128xf32, #tpu.memory_space<vmem>>, vector<16xf32>,
        %mul3A_455 = arith.mulf %get3A_454, %mul3A_426 : vector<16xf32>
        %swap3A_456 = arith.index_cast %squeeze3A : i32 to index
        %swap3A_457 = arith.constant 48 : index
        %swap3A_458 = tpu.vector_load %arg20[%swap3A_456, %swap3A_457] {strides = array<i32>} : memref<200x256xf32, #tpu.memory_space<vmem>>, vector<16xf32>,
        tpu.vector_store %arg20[%swap3A_456, %swap3A_457], %mul3A_455 {add = true, strides = array<i32>} : memref<200x256xf32, #tpu.memory_space<vmem>>, vector<16xf32>,
        %add3A_459 = arith.addi %mul3A_404, %scan3A_415 : i32
        %get3A_460 = arith.index_cast %add3A_459 : i32 to index
        %get3A_461 = arith.constant 64 : index
        %get3A_462 = tpu.vector_load %arg19[%get3A_460, %get3A_461] {strides = array<i32>} : memref<128x128xf32, #tpu.memory_space<vmem>>, vector<16xf32>,
        %mul3A_463 = arith.mulf %get3A_462, %mul3A_426 : vector<16xf32>
        %swap3A_464 = arith.index_cast %squeeze3A : i32 to index
        %swap3A_465 = arith.constant 64 : index
        %swap3A_466 = tpu.vector_load %arg20[%swap3A_464, %swap3A_465] {strides = array<i32>} : memref<200x256xf32, #tpu.memory_space<vmem>>, vector<16xf32>,
        tpu.vector_store %arg20[%swap3A_464, %swap3A_465], %mul3A_463 {add = true, strides = array<i32>} : memref<200x256xf32, #tpu.memory_space<vmem>>, vector<16xf32>,
        %add3A_467 = arith.addi %mul3A_404, %scan3A_415 : i32
        %get3A_468 = arith.index_cast %add3A_467 : i32 to index
        %get3A_469 = arith.constant 80 : index
        %get3A_470 = tpu.vector_load %arg19[%get3A_468, %get3A_469] {strides = array<i32>} : memref<128x128xf32, #tpu.memory_space<vmem>>, vector<16xf32>,
        %mul3A_471 = arith.mulf %get3A_470, %mul3A_426 : vector<16xf32>
        %swap3A_472 = arith.index_cast %squeeze3A : i32 to index
        %swap3A_473 = arith.constant 80 : index
        %swap3A_474 = tpu.vector_load %arg20[%swap3A_472, %swap3A_473] {strides = array<i32>} : memref<200x256xf32, #tpu.memory_space<vmem>>, vector<16xf32>,
        tpu.vector_store %arg20[%swap3A_472, %swap3A_473], %mul3A_471 {add = true, strides = array<i32>} : memref<200x256xf32, #tpu.memory_space<vmem>>, vector<16xf32>,
        %add3A_475 = arith.addi %mul3A_404, %scan3A_415 : i32
        %get3A_476 = arith.index_cast %add3A_475 : i32 to index
        %get3A_477 = arith.constant 96 : index
        %get3A_478 = tpu.vector_load %arg19[%get3A_476, %get3A_477] {strides = array<i32>} : memref<128x128xf32, #tpu.memory_space<vmem>>, vector<16xf32>,
        %mul3A_479 = arith.mulf %get3A_478, %mul3A_426 : vector<16xf32>
        %swap3A_480 = arith.index_cast %squeeze3A : i32 to index
        %swap3A_481 = arith.constant 96 : index
        %swap3A_482 = tpu.vector_load %arg20[%swap3A_480, %swap3A_481] {strides = array<i32>} : memref<200x256xf32, #tpu.memory_space<vmem>>, vector<16xf32>,
        tpu.vector_store %arg20[%swap3A_480, %swap3A_481], %mul3A_479 {add = true, strides = array<i32>} : memref<200x256xf32, #tpu.memory_space<vmem>>, vector<16xf32>,
        %add3A_483 = arith.addi %mul3A_404, %scan3A_415 : i32
        %get3A_484 = arith.index_cast %add3A_483 : i32 to index
        %get3A_485 = arith.constant 112 : index
        %get3A_486 = tpu.vector_load %arg19[%get3A_484, %get3A_485] {strides = array<i32>} : memref<128x128xf32, #tpu.memory_space<vmem>>, vector<16xf32>,
        %mul3A_487 = arith.mulf %get3A_486, %mul3A_426 : vector<16xf32>
        %swap3A_488 = arith.index_cast %squeeze3A : i32 to index
        %swap3A_489 = arith.constant 112 : index
        %swap3A_490 = tpu.vector_load %arg20[%swap3A_488, %swap3A_489] {strides = array<i32>} : memref<200x256xf32, #tpu.memory_space<vmem>>, vector<16xf32>,
        tpu.vector_store %arg20[%swap3A_488, %swap3A_489], %mul3A_487 {add = true, strides = array<i32>} : memref<200x256xf32, #tpu.memory_space<vmem>>, vector<16xf32>,
        %mul3A_491 = arith.mulf %mul3A_426, %select_n3A_15 : vector<16xf32>
        %swap3A_492 = arith.index_cast %squeeze3A : i32 to index
        %swap3A_493 = arith.constant 128 : index
        %swap3A_494 = tpu.vector_load %arg20[%swap3A_492, %swap3A_493] {strides = array<i32>} : memref<200x256xf32, #tpu.memory_space<vmem>>, vector<16xf32>,
        tpu.vector_store %arg20[%swap3A_492, %swap3A_493], %mul3A_491 {add = true, strides = array<i32>} : memref<200x256xf32, #tpu.memory_space<vmem>>, vector<16xf32>,
        %scan3A_495 = arith.constant 0 : i32
        scf.yield %scan3A_495 : i32
      }
      %scan3A_413 = arith.constant 64 : i32
      %while3A_414 = arith.constant 0 : i32
      scf.yield %while3A_414 : i32
    }
    %while3A_178 = arith.constant 1 : i32
    %while3A_179 = scf.for %while3A_385 = %while3A_175 to %while3A_171 step %while3A_178 iter_args(%while3A_386 = %while3A_177) -> (i32)  : i32 {
      %rem3A = arith.constant 2 : i32
      %rem3A_387 = arith.remsi %while3A_385, %rem3A : i32
      %mul3A_388 = arith.constant 128 : i32
      %mul3A_389 = arith.muli %rem3A_387, %mul3A_388 : i32
      %mul3A_390 = arith.constant 64 : i32
      %mul3A_391 = arith.muli %rem3A_387, %mul3A_390 : i32
      %dma_wait3A_392 = arith.constant 0 : i32
      %dma_wait3A_393 = tpu.memref_slice %arg19[%mul3A_391, %dma_wait3A_392] : memref<128x128xf32, #tpu.memory_space<vmem>> -> memref<64x128xf32, #tpu.memory_space<vmem>>
      %dma_wait3A_394 = tpu.memref_slice %arg18[%mul3A_389] : memref<256xi32, #tpu.memory_space<vmem>> -> memref<64xi32, #tpu.memory_space<vmem>>
      %dma_wait3A_395 = arith.constant 0 : i32
      %dma_wait3A_396 = arith.constant 0 : i32
      %dma_wait3A_397 = tpu.memref_slice %arg2[%dma_wait3A_395, %dma_wait3A_396] : memref<10000x128xf32, #tpu.memory_space<hbm>> -> memref<10000x128xf32, #tpu.memory_space<hbm>>
      tpu.wait_indirect_dma semaphore(%arg24 : memref<!tpu.dma_semaphore, #tpu.memory_space<semaphore_mem>>) src(%dma_wait3A_397 : memref<10000x128xf32, #tpu.memory_space<hbm>>) dst(%dma_wait3A_393 : memref<64x128xf32, #tpu.memory_space<vmem>>)
      %add3A_398 = arith.constant 1 : i32
      %add3A_399 = arith.addi %while3A_385, %add3A_398 : i32
      %lt3A = arith.cmpi slt, %add3A_399, %select_n3A_166 : i32
      %convert_element_type3A_400 = arith.extui %lt3A : i1 to i32
      %cond3A_401 = arith.constant 0 : i32
      %cond3A_402 = arith.cmpi ne, %convert_element_type3A_400, %cond3A_401 : i32
      scf.if %cond3A_402 {
        %add3A_415 = arith.constant 1 : i32
        %add3A_416 = arith.addi %while3A_385, %add3A_415 : i32
        %rem3A_417 = arith.constant 2 : i32
        %rem3A_418 = arith.remsi %add3A_416, %rem3A_417 : i32
        %mul3A_419 = arith.constant 64 : i32
        %mul3A_420 = arith.muli %add3A_416, %mul3A_419 : i32
        %add3A_421 = arith.constant 0 : i32
        %add3A_422 = arith.addi %mul3A_420, %add3A_421 : i32
        %get3A_423 = arith.index_cast %add3A_422 : i32 to index
        %get3A_424 = tpu.vector_load %arg16[%get3A_423] {strides = array<i32>} : memref<2368xi32, #tpu.memory_space<vmem>>, vector<16xi32>,
        %mul3A_425 = arith.constant 128 : i32
        %mul3A_426 = arith.muli %rem3A_418, %mul3A_425 : i32
        %add3A_427 = arith.constant 0 : i32
        %add3A_428 = arith.addi %mul3A_426, %add3A_427 : i32
        %swap3A_429 = arith.index_cast %add3A_428 : i32 to index
        %swap3A_430 = tpu.vector_load %arg18[%swap3A_429] {strides = array<i32>} : memref<256xi32, #tpu.memory_space<vmem>>, vector<16xi32>,
        tpu.vector_store %arg18[%swap3A_429], %get3A_424 {strides = array<i32>} : memref<256xi32, #tpu.memory_space<vmem>>, vector<16xi32>,
        %mul3A_431 = arith.constant 64 : i32
        %mul3A_432 = arith.muli %add3A_416, %mul3A_431 : i32
        %add3A_433 = arith.constant 16 : i32
        %add3A_434 = arith.addi %mul3A_432, %add3A_433 : i32
        %get3A_435 = arith.index_cast %add3A_434 : i32 to index
        %get3A_436 = tpu.vector_load %arg16[%get3A_435] {strides = array<i32>} : memref<2368xi32, #tpu.memory_space<vmem>>, vector<16xi32>,
        %mul3A_437 = arith.constant 128 : i32
        %mul3A_438 = arith.muli %rem3A_418, %mul3A_437 : i32
        %add3A_439 = arith.constant 16 : i32
        %add3A_440 = arith.addi %mul3A_438, %add3A_439 : i32
        %swap3A_441 = arith.index_cast %add3A_440 : i32 to index
        %swap3A_442 = tpu.vector_load %arg18[%swap3A_441] {strides = array<i32>} : memref<256xi32, #tpu.memory_space<vmem>>, vector<16xi32>,
        tpu.vector_store %arg18[%swap3A_441], %get3A_436 {strides = array<i32>} : memref<256xi32, #tpu.memory_space<vmem>>, vector<16xi32>,
        %mul3A_443 = arith.constant 64 : i32
        %mul3A_444 = arith.muli %add3A_416, %mul3A_443 : i32
        %add3A_445 = arith.constant 32 : i32
        %add3A_446 = arith.addi %mul3A_444, %add3A_445 : i32
        %get3A_447 = arith.index_cast %add3A_446 : i32 to index
        %get3A_448 = tpu.vector_load %arg16[%get3A_447] {strides = array<i32>} : memref<2368xi32, #tpu.memory_space<vmem>>, vector<16xi32>,
        %mul3A_449 = arith.constant 128 : i32
        %mul3A_450 = arith.muli %rem3A_418, %mul3A_449 : i32
        %add3A_451 = arith.constant 32 : i32
        %add3A_452 = arith.addi %mul3A_450, %add3A_451 : i32
        %swap3A_453 = arith.index_cast %add3A_452 : i32 to index
        %swap3A_454 = tpu.vector_load %arg18[%swap3A_453] {strides = array<i32>} : memref<256xi32, #tpu.memory_space<vmem>>, vector<16xi32>,
        tpu.vector_store %arg18[%swap3A_453], %get3A_448 {strides = array<i32>} : memref<256xi32, #tpu.memory_space<vmem>>, vector<16xi32>,
        %mul3A_455 = arith.constant 64 : i32
        %mul3A_456 = arith.muli %add3A_416, %mul3A_455 : i32
        %add3A_457 = arith.constant 48 : i32
        %add3A_458 = arith.addi %mul3A_456, %add3A_457 : i32
        %get3A_459 = arith.index_cast %add3A_458 : i32 to index
        %get3A_460 = tpu.vector_load %arg16[%get3A_459] {strides = array<i32>} : memref<2368xi32, #tpu.memory_space<vmem>>, vector<16xi32>,
        %mul3A_461 = arith.constant 128 : i32
        %mul3A_462 = arith.muli %rem3A_418, %mul3A_461 : i32
        %add3A_463 = arith.constant 48 : i32
        %add3A_464 = arith.addi %mul3A_462, %add3A_463 : i32
        %swap3A_465 = arith.index_cast %add3A_464 : i32 to index
        %swap3A_466 = tpu.vector_load %arg18[%swap3A_465] {strides = array<i32>} : memref<256xi32, #tpu.memory_space<vmem>>, vector<16xi32>,
        tpu.vector_store %arg18[%swap3A_465], %get3A_460 {strides = array<i32>} : memref<256xi32, #tpu.memory_space<vmem>>, vector<16xi32>,
        %mul3A_467 = arith.constant 128 : i32
        %mul3A_468 = arith.muli %rem3A_418, %mul3A_467 : i32
        %mul3A_469 = arith.constant 64 : i32
        %mul3A_470 = arith.muli %rem3A_418, %mul3A_469 : i32
        %dma_start3A_471 = arith.constant 0 : i32
        %dma_start3A_472 = tpu.memref_slice %arg19[%mul3A_470, %dma_start3A_471] : memref<128x128xf32, #tpu.memory_space<vmem>> -> memref<64x128xf32, #tpu.memory_space<vmem>>
        %dma_start3A_473 = tpu.memref_slice %arg18[%mul3A_468] : memref<256xi32, #tpu.memory_space<vmem>> -> memref<64xi32, #tpu.memory_space<vmem>>
        %dma_start3A_474 = arith.constant 0 : i32
        %dma_start3A_475 = arith.constant 0 : i32
        %dma_start3A_476 = tpu.memref_slice %arg2[%dma_start3A_474, %dma_start3A_475] : memref<10000x128xf32, #tpu.memory_space<hbm>> -> memref<10000x128xf32, #tpu.memory_space<hbm>>
        tpu.enqueue_indirect_dma source(%dma_start3A_476 : memref<10000x128xf32, #tpu.memory_space<hbm>>) target(%dma_start3A_472 : memref<64x128xf32, #tpu.memory_space<vmem>>) offsets(%dma_start3A_473 : memref<64xi32, #tpu.memory_space<vmem>>) semaphore(%arg24 : memref<!tpu.dma_semaphore, #tpu.memory_space<semaphore_mem>>)
      } else {
      }
      %mul3A_403 = arith.constant 64 : i32
      %mul3A_404 = arith.muli %rem3A_387, %mul3A_403 : i32
      %mul3A_405 = arith.constant 64 : i32
      %mul3A_406 = arith.muli %while3A_385, %mul3A_405 : i32
      %scan3A_407 = arith.constant 0 : i32
      %scan3A_408 = arith.constant 0 : i32
      %scan3A_409 = arith.constant 64 : i32
      %scan3A_410 = arith.addi %scan3A_408, %scan3A_409 : i32
      %scan3A_411 = arith.constant 1 : i32
      %scan3A_412 = scf.for %scan3A_415 = %scan3A_408 to %scan3A_410 step %scan3A_411 iter_args(%scan3A_416 = %scan3A_407) -> (i32)  : i32 {
        %add3A_417 = arith.addi %mul3A_406, %scan3A_415 : i32
        %get3A_418 = arith.index_cast %add3A_417 : i32 to index
        %get3A_419 = tpu.vector_load %arg15[%get3A_418] {strides = array<i32>} : memref<2368xi32, #tpu.memory_space<vmem>>, vector<16xi32>,
        %slice3A = vector.extract_strided_slice %get3A_419 {offsets = [0], sizes = [1], strides = [1]} : vector<16xi32> to vector<1xi32>
        %squeeze3A = vector.extract %slice3A[0] : i32 from vector<1xi32>
        %add3A_420 = arith.addi %mul3A_406, %scan3A_415 : i32
        %get3A_421 = arith.index_cast %add3A_420 : i32 to index
        %get3A_422 = tpu.vector_load %arg17[%get3A_421] {strides = array<i32>} : memref<2368xf32, #tpu.memory_space<vmem>>, vector<16xf32>,
        %slice3A_423 = vector.extract_strided_slice %get3A_422 {offsets = [0], sizes = [1], strides = [1]} : vector<16xf32> to vector<1xf32>
        %squeeze3A_424 = vector.extract %slice3A_423[0] : f32 from vector<1xf32>
        %mul3A_425 = vector.broadcast %squeeze3A_424 : f32 to vector<16xf32>
        %mul3A_426 = arith.mulf %broadcast_in_dim3A_23, %mul3A_425 : vector<16xf32>
        %add3A_427 = arith.addi %mul3A_404, %scan3A_415 : i32
        %get3A_428 = arith.index_cast %add3A_427 : i32 to index
        %get3A_429 = arith.constant 0 : index
        %get3A_430 = tpu.vector_load %arg19[%get3A_428, %get3A_429] {strides = array<i32>} : memref<128x128xf32, #tpu.memory_space<vmem>>, vector<16xf32>,
        %mul3A_431 = arith.mulf %get3A_430, %mul3A_426 : vector<16xf32>
        %swap3A_432 = arith.index_cast %squeeze3A : i32 to index
        %swap3A_433 = arith.constant 0 : index
        %swap3A_434 = tpu.vector_load %arg20[%swap3A_432, %swap3A_433] {strides = array<i32>} : memref<200x256xf32, #tpu.memory_space<vmem>>, vector<16xf32>,
        tpu.vector_store %arg20[%swap3A_432, %swap3A_433], %mul3A_431 {add = true, strides = array<i32>} : memref<200x256xf32, #tpu.memory_space<vmem>>, vector<16xf32>,
        %add3A_435 = arith.addi %mul3A_404, %scan3A_415 : i32
        %get3A_436 = arith.index_cast %add3A_435 : i32 to index
        %get3A_437 = arith.constant 16 : index
        %get3A_438 = tpu.vector_load %arg19[%get3A_436, %get3A_437] {strides = array<i32>} : memref<128x128xf32, #tpu.memory_space<vmem>>, vector<16xf32>,
        %mul3A_439 = arith.mulf %get3A_438, %mul3A_426 : vector<16xf32>
        %swap3A_440 = arith.index_cast %squeeze3A : i32 to index
        %swap3A_441 = arith.constant 16 : index
        %swap3A_442 = tpu.vector_load %arg20[%swap3A_440, %swap3A_441] {strides = array<i32>} : memref<200x256xf32, #tpu.memory_space<vmem>>, vector<16xf32>,
        tpu.vector_store %arg20[%swap3A_440, %swap3A_441], %mul3A_439 {add = true, strides = array<i32>} : memref<200x256xf32, #tpu.memory_space<vmem>>, vector<16xf32>,
        %add3A_443 = arith.addi %mul3A_404, %scan3A_415 : i32
        %get3A_444 = arith.index_cast %add3A_443 : i32 to index
        %get3A_445 = arith.constant 32 : index
        %get3A_446 = tpu.vector_load %arg19[%get3A_444, %get3A_445] {strides = array<i32>} : memref<128x128xf32, #tpu.memory_space<vmem>>, vector<16xf32>,
        %mul3A_447 = arith.mulf %get3A_446, %mul3A_426 : vector<16xf32>
        %swap3A_448 = arith.index_cast %squeeze3A : i32 to index
        %swap3A_449 = arith.constant 32 : index
        %swap3A_450 = tpu.vector_load %arg20[%swap3A_448, %swap3A_449] {strides = array<i32>} : memref<200x256xf32, #tpu.memory_space<vmem>>, vector<16xf32>,
        tpu.vector_store %arg20[%swap3A_448, %swap3A_449], %mul3A_447 {add = true, strides = array<i32>} : memref<200x256xf32, #tpu.memory_space<vmem>>, vector<16xf32>,
        %add3A_451 = arith.addi %mul3A_404, %scan3A_415 : i32
        %get3A_452 = arith.index_cast %add3A_451 : i32 to index
        %get3A_453 = arith.constant 48 : index
        %get3A_454 = tpu.vector_load %arg19[%get3A_452, %get3A_453] {strides = array<i32>} : memref<128x128xf32, #tpu.memory_space<vmem>>, vector<16xf32>,
        %mul3A_455 = arith.mulf %get3A_454, %mul3A_426 : vector<16xf32>
        %swap3A_456 = arith.index_cast %squeeze3A : i32 to index
        %swap3A_457 = arith.constant 48 : index
        %swap3A_458 = tpu.vector_load %arg20[%swap3A_456, %swap3A_457] {strides = array<i32>} : memref<200x256xf32, #tpu.memory_space<vmem>>, vector<16xf32>,
        tpu.vector_store %arg20[%swap3A_456, %swap3A_457], %mul3A_455 {add = true, strides = array<i32>} : memref<200x256xf32, #tpu.memory_space<vmem>>, vector<16xf32>,
        %add3A_459 = arith.addi %mul3A_404, %scan3A_415 : i32
        %get3A_460 = arith.index_cast %add3A_459 : i32 to index
        %get3A_461 = arith.constant 64 : index
        %get3A_462 = tpu.vector_load %arg19[%get3A_460, %get3A_461] {strides = array<i32>} : memref<128x128xf32, #tpu.memory_space<vmem>>, vector<16xf32>,
        %mul3A_463 = arith.mulf %get3A_462, %mul3A_426 : vector<16xf32>
        %swap3A_464 = arith.index_cast %squeeze3A : i32 to index
        %swap3A_465 = arith.constant 64 : index
        %swap3A_466 = tpu.vector_load %arg20[%swap3A_464, %swap3A_465] {strides = array<i32>} : memref<200x256xf32, #tpu.memory_space<vmem>>, vector<16xf32>,
        tpu.vector_store %arg20[%swap3A_464, %swap3A_465], %mul3A_463 {add = true, strides = array<i32>} : memref<200x256xf32, #tpu.memory_space<vmem>>, vector<16xf32>,
        %add3A_467 = arith.addi %mul3A_404, %scan3A_415 : i32
        %get3A_468 = arith.index_cast %add3A_467 : i32 to index
        %get3A_469 = arith.constant 80 : index
        %get3A_470 = tpu.vector_load %arg19[%get3A_468, %get3A_469] {strides = array<i32>} : memref<128x128xf32, #tpu.memory_space<vmem>>, vector<16xf32>,
        %mul3A_471 = arith.mulf %get3A_470, %mul3A_426 : vector<16xf32>
        %swap3A_472 = arith.index_cast %squeeze3A : i32 to index
        %swap3A_473 = arith.constant 80 : index
        %swap3A_474 = tpu.vector_load %arg20[%swap3A_472, %swap3A_473] {strides = array<i32>} : memref<200x256xf32, #tpu.memory_space<vmem>>, vector<16xf32>,
        tpu.vector_store %arg20[%swap3A_472, %swap3A_473], %mul3A_471 {add = true, strides = array<i32>} : memref<200x256xf32, #tpu.memory_space<vmem>>, vector<16xf32>,
        %add3A_475 = arith.addi %mul3A_404, %scan3A_415 : i32
        %get3A_476 = arith.index_cast %add3A_475 : i32 to index
        %get3A_477 = arith.constant 96 : index
        %get3A_478 = tpu.vector_load %arg19[%get3A_476, %get3A_477] {strides = array<i32>} : memref<128x128xf32, #tpu.memory_space<vmem>>, vector<16xf32>,
        %mul3A_479 = arith.mulf %get3A_478, %mul3A_426 : vector<16xf32>
        %swap3A_480 = arith.index_cast %squeeze3A : i32 to index
        %swap3A_481 = arith.constant 96 : index
        %swap3A_482 = tpu.vector_load %arg20[%swap3A_480, %swap3A_481] {strides = array<i32>} : memref<200x256xf32, #tpu.memory_space<vmem>>, vector<16xf32>,
        tpu.vector_store %arg20[%swap3A_480, %swap3A_481], %mul3A_479 {add = true, strides = array<i32>} : memref<200x256xf32, #tpu.memory_space<vmem>>, vector<16xf32>,
        %add3A_483 = arith.addi %mul3A_404, %scan3A_415 : i32
        %get3A_484 = arith.index_cast %add3A_483 : i32 to index
        %get3A_485 = arith.constant 112 : index
        %get3A_486 = tpu.vector_load %arg19[%get3A_484, %get3A_485] {strides = array<i32>} : memref<128x128xf32, #tpu.memory_space<vmem>>, vector<16xf32>,
        %mul3A_487 = arith.mulf %get3A_486, %mul3A_426 : vector<16xf32>
        %swap3A_488 = arith.index_cast %squeeze3A : i32 to index
        %swap3A_489 = arith.constant 112 : index
        %swap3A_490 = tpu.vector_load %arg20[%swap3A_488, %swap3A_489] {strides = array<i32>} : memref<200x256xf32, #tpu.memory_space<vmem>>, vector<16xf32>,
        tpu.vector_store %arg20[%swap3A_488, %swap3A_489], %mul3A_487 {add = true, strides = array<i32>} : memref<200x256xf32, #tpu.memory_space<vmem>>, vector<16xf32>,
        %mul3A_491 = arith.mulf %mul3A_426, %select_n3A_15 : vector<16xf32>
        %swap3A_492 = arith.index_cast %squeeze3A : i32 to index
        %swap3A_493 = arith.constant 128 : index
        %swap3A_494 = tpu.vector_load %arg20[%swap3A_492, %swap3A_493] {strides = array<i32>} : memref<200x256xf32, #tpu.memory_space<vmem>>, vector<16xf32>,
        tpu.vector_store %arg20[%swap3A_492, %swap3A_493], %mul3A_491 {add = true, strides = array<i32>} : memref<200x256xf32, #tpu.memory_space<vmem>>, vector<16xf32>,
        %scan3A_495 = arith.constant 0 : i32
        scf.yield %scan3A_495 : i32
      }
      %scan3A_413 = arith.constant 64 : i32
      %while3A_414 = arith.constant 0 : i32
      scf.yield %while3A_414 : i32
    }
    %mul3A_180 = arith.constant 64 : i32
    %mul3A_181 = arith.muli %select_n3A_166, %mul3A_180 : i32
    %gt3A_182 = arith.constant 0 : i32
    %gt3A_183 = arith.cmpi sgt, %select_n3A_166, %gt3A_182 : i32
    %convert_element_type3A_184 = arith.extui %gt3A_183 : i1 to i32
    %cond3A_185 = arith.constant 0 : i32
    %cond3A_186 = arith.cmpi ne, %convert_element_type3A_184, %cond3A_185 : i32
    scf.if %cond3A_186 {
      %add3A_385 = arith.constant 0 : i32
      %add3A_386 = arith.addi %mul3A_181, %add3A_385 : i32
      %get3A_387 = arith.index_cast %add3A_386 : i32 to index
      %get3A_388 = tpu.vector_load %arg15[%get3A_387] {strides = array<i32>} : memref<2368xi32, #tpu.memory_space<vmem>>, vector<16xi32>,
      %swap3A_389 = arith.constant 0 : index
      %swap3A_390 = tpu.vector_load %arg15[%swap3A_389] {strides = array<i32>} : memref<2368xi32, #tpu.memory_space<vmem>>, vector<16xi32>,
      tpu.vector_store %arg15[%swap3A_389], %get3A_388 {strides = array<i32>} : memref<2368xi32, #tpu.memory_space<vmem>>, vector<16xi32>,
      %add3A_391 = arith.constant 0 : i32
      %add3A_392 = arith.addi %mul3A_181, %add3A_391 : i32
      %get3A_393 = arith.index_cast %add3A_392 : i32 to index
      %get3A_394 = tpu.vector_load %arg16[%get3A_393] {strides = array<i32>} : memref<2368xi32, #tpu.memory_space<vmem>>, vector<16xi32>,
      %swap3A_395 = arith.constant 0 : index
      %swap3A_396 = tpu.vector_load %arg16[%swap3A_395] {strides = array<i32>} : memref<2368xi32, #tpu.memory_space<vmem>>, vector<16xi32>,
      tpu.vector_store %arg16[%swap3A_395], %get3A_394 {strides = array<i32>} : memref<2368xi32, #tpu.memory_space<vmem>>, vector<16xi32>,
      %add3A_397 = arith.constant 0 : i32
      %add3A_398 = arith.addi %mul3A_181, %add3A_397 : i32
      %get3A_399 = arith.index_cast %add3A_398 : i32 to index
      %get3A_400 = tpu.vector_load %arg17[%get3A_399] {strides = array<i32>} : memref<2368xf32, #tpu.memory_space<vmem>>, vector<16xf32>,
      %swap3A_401 = arith.constant 0 : index
      %swap3A_402 = tpu.vector_load %arg17[%swap3A_401] {strides = array<i32>} : memref<2368xf32, #tpu.memory_space<vmem>>, vector<16xf32>,
      tpu.vector_store %arg17[%swap3A_401], %get3A_400 {strides = array<i32>} : memref<2368xf32, #tpu.memory_space<vmem>>, vector<16xf32>,
      %add3A_403 = arith.constant 16 : i32
      %add3A_404 = arith.addi %mul3A_181, %add3A_403 : i32
      %get3A_405 = arith.index_cast %add3A_404 : i32 to index
      %get3A_406 = tpu.vector_load %arg15[%get3A_405] {strides = array<i32>} : memref<2368xi32, #tpu.memory_space<vmem>>, vector<16xi32>,
      %swap3A_407 = arith.constant 16 : index
      %swap3A_408 = tpu.vector_load %arg15[%swap3A_407] {strides = array<i32>} : memref<2368xi32, #tpu.memory_space<vmem>>, vector<16xi32>,
      tpu.vector_store %arg15[%swap3A_407], %get3A_406 {strides = array<i32>} : memref<2368xi32, #tpu.memory_space<vmem>>, vector<16xi32>,
      %add3A_409 = arith.constant 16 : i32
      %add3A_410 = arith.addi %mul3A_181, %add3A_409 : i32
      %get3A_411 = arith.index_cast %add3A_410 : i32 to index
      %get3A_412 = tpu.vector_load %arg16[%get3A_411] {strides = array<i32>} : memref<2368xi32, #tpu.memory_space<vmem>>, vector<16xi32>,
      %swap3A_413 = arith.constant 16 : index
      %swap3A_414 = tpu.vector_load %arg16[%swap3A_413] {strides = array<i32>} : memref<2368xi32, #tpu.memory_space<vmem>>, vector<16xi32>,
      tpu.vector_store %arg16[%swap3A_413], %get3A_412 {strides = array<i32>} : memref<2368xi32, #tpu.memory_space<vmem>>, vector<16xi32>,
      %add3A_415 = arith.constant 16 : i32
      %add3A_416 = arith.addi %mul3A_181, %add3A_415 : i32
      %get3A_417 = arith.index_cast %add3A_416 : i32 to index
      %get3A_418 = tpu.vector_load %arg17[%get3A_417] {strides = array<i32>} : memref<2368xf32, #tpu.memory_space<vmem>>, vector<16xf32>,
      %swap3A_419 = arith.constant 16 : index
      %swap3A_420 = tpu.vector_load %arg17[%swap3A_419] {strides = array<i32>} : memref<2368xf32, #tpu.memory_space<vmem>>, vector<16xf32>,
      tpu.vector_store %arg17[%swap3A_419], %get3A_418 {strides = array<i32>} : memref<2368xf32, #tpu.memory_space<vmem>>, vector<16xf32>,
      %add3A_421 = arith.constant 32 : i32
      %add3A_422 = arith.addi %mul3A_181, %add3A_421 : i32
      %get3A_423 = arith.index_cast %add3A_422 : i32 to index
      %get3A_424 = tpu.vector_load %arg15[%get3A_423] {strides = array<i32>} : memref<2368xi32, #tpu.memory_space<vmem>>, vector<16xi32>,
      %swap3A_425 = arith.constant 32 : index
      %swap3A_426 = tpu.vector_load %arg15[%swap3A_425] {strides = array<i32>} : memref<2368xi32, #tpu.memory_space<vmem>>, vector<16xi32>,
      tpu.vector_store %arg15[%swap3A_425], %get3A_424 {strides = array<i32>} : memref<2368xi32, #tpu.memory_space<vmem>>, vector<16xi32>,
      %add3A_427 = arith.constant 32 : i32
      %add3A_428 = arith.addi %mul3A_181, %add3A_427 : i32
      %get3A_429 = arith.index_cast %add3A_428 : i32 to index
      %get3A_430 = tpu.vector_load %arg16[%get3A_429] {strides = array<i32>} : memref<2368xi32, #tpu.memory_space<vmem>>, vector<16xi32>,
      %swap3A_431 = arith.constant 32 : index
      %swap3A_432 = tpu.vector_load %arg16[%swap3A_431] {strides = array<i32>} : memref<2368xi32, #tpu.memory_space<vmem>>, vector<16xi32>,
      tpu.vector_store %arg16[%swap3A_431], %get3A_430 {strides = array<i32>} : memref<2368xi32, #tpu.memory_space<vmem>>, vector<16xi32>,
      %add3A_433 = arith.constant 32 : i32
      %add3A_434 = arith.addi %mul3A_181, %add3A_433 : i32
      %get3A_435 = arith.index_cast %add3A_434 : i32 to index
      %get3A_436 = tpu.vector_load %arg17[%get3A_435] {strides = array<i32>} : memref<2368xf32, #tpu.memory_space<vmem>>, vector<16xf32>,
      %swap3A_437 = arith.constant 32 : index
      %swap3A_438 = tpu.vector_load %arg17[%swap3A_437] {strides = array<i32>} : memref<2368xf32, #tpu.memory_space<vmem>>, vector<16xf32>,
      tpu.vector_store %arg17[%swap3A_437], %get3A_436 {strides = array<i32>} : memref<2368xf32, #tpu.memory_space<vmem>>, vector<16xf32>,
      %add3A_439 = arith.constant 48 : i32
      %add3A_440 = arith.addi %mul3A_181, %add3A_439 : i32
      %get3A_441 = arith.index_cast %add3A_440 : i32 to index
      %get3A_442 = tpu.vector_load %arg15[%get3A_441] {strides = array<i32>} : memref<2368xi32, #tpu.memory_space<vmem>>, vector<16xi32>,
      %swap3A_443 = arith.constant 48 : index
      %swap3A_444 = tpu.vector_load %arg15[%swap3A_443] {strides = array<i32>} : memref<2368xi32, #tpu.memory_space<vmem>>, vector<16xi32>,
      tpu.vector_store %arg15[%swap3A_443], %get3A_442 {strides = array<i32>} : memref<2368xi32, #tpu.memory_space<vmem>>, vector<16xi32>,
      %add3A_445 = arith.constant 48 : i32
      %add3A_446 = arith.addi %mul3A_181, %add3A_445 : i32
      %get3A_447 = arith.index_cast %add3A_446 : i32 to index
      %get3A_448 = tpu.vector_load %arg16[%get3A_447] {strides = array<i32>} : memref<2368xi32, #tpu.memory_space<vmem>>, vector<16xi32>,
      %swap3A_449 = arith.constant 48 : index
      %swap3A_450 = tpu.vector_load %arg16[%swap3A_449] {strides = array<i32>} : memref<2368xi32, #tpu.memory_space<vmem>>, vector<16xi32>,
      tpu.vector_store %arg16[%swap3A_449], %get3A_448 {strides = array<i32>} : memref<2368xi32, #tpu.memory_space<vmem>>, vector<16xi32>,
      %add3A_451 = arith.constant 48 : i32
      %add3A_452 = arith.addi %mul3A_181, %add3A_451 : i32
      %get3A_453 = arith.index_cast %add3A_452 : i32 to index
      %get3A_454 = tpu.vector_load %arg17[%get3A_453] {strides = array<i32>} : memref<2368xf32, #tpu.memory_space<vmem>>, vector<16xf32>,
      %swap3A_455 = arith.constant 48 : index
      %swap3A_456 = tpu.vector_load %arg17[%swap3A_455] {strides = array<i32>} : memref<2368xf32, #tpu.memory_space<vmem>>, vector<16xf32>,
      tpu.vector_store %arg17[%swap3A_455], %get3A_454 {strides = array<i32>} : memref<2368xf32, #tpu.memory_space<vmem>>, vector<16xf32>,
    } else {
    }
    %sub3A_187 = arith.subi %and3A_161, %mul3A_181 : i32
    %add3A_188 = arith.addi %mul3A_4, %mul3A_6 : i32
    "tpu.region"() ({
      %run_scoped3A = tpu.sem_alloc : memref<!tpu.dma_semaphore, #tpu.memory_space<semaphore_mem>>
      %dma_start3A_385 = arith.constant 0 : i32
      %dma_start3A_386 = tpu.memref_slice %arg7[%add3A_188, %dma_start3A_385] : memref<6400x256xf32, #tpu.memory_space<hbm>> -> memref<200x256xf32, #tpu.memory_space<hbm>>
      %dma_start3A_387 = arith.constant 0 : i32
      %dma_start3A_388 = tpu.memref_slice %arg7[%add3A_188, %dma_start3A_387] : memref<6400x256xf32, #tpu.memory_space<hbm>> -> memref<200x256xf32, #tpu.memory_space<hbm>>
      tpu.enqueue_dma source(%arg20 : memref<200x256xf32, #tpu.memory_space<vmem>>) target(%dma_start3A_388 : memref<200x256xf32, #tpu.memory_space<hbm>>) target_semaphore(%run_scoped3A : memref<!tpu.dma_semaphore, #tpu.memory_space<semaphore_mem>>)
      %dma_wait3A_389 = arith.constant 0 : i32
      %dma_wait3A_390 = tpu.memref_slice %arg7[%add3A_188, %dma_wait3A_389] : memref<6400x256xf32, #tpu.memory_space<hbm>> -> memref<200x256xf32, #tpu.memory_space<hbm>>
      %dma_wait3A_391 = arith.constant 0 : i32
      %dma_wait3A_392 = tpu.memref_slice %arg7[%add3A_188, %dma_wait3A_391] : memref<6400x256xf32, #tpu.memory_space<hbm>> -> memref<200x256xf32, #tpu.memory_space<hbm>>
      tpu.wait_dma2 semaphore(%run_scoped3A : memref<!tpu.dma_semaphore, #tpu.memory_space<semaphore_mem>>) src(%arg20 : memref<200x256xf32, #tpu.memory_space<vmem>>) dst(%dma_wait3A_392 : memref<200x256xf32, #tpu.memory_space<hbm>>)
      tpu.yield
    }) : () -> ()
    %barrier3A = arith.constant 0 : index
    tpu.barrier barrier_id(%barrier3A)
    %broadcast_in_dim3A_189 = arith.constant 3087 : i32
    %broadcast_in_dim3A_190 = vector.broadcast %broadcast_in_dim3A_189 : i32 to vector<16xi32>
    %broadcast_in_dim3A_191 = arith.constant 3199 : i32
    %broadcast_in_dim3A_192 = vector.broadcast %broadcast_in_dim3A_191 : i32 to vector<16xi32>
    %add3A_193 = vector.broadcast %mul3A_4 : i32 to vector<16xi32>
    %add3A_194 = arith.addi %broadcast_in_dim3A_192, %add3A_193 : vector<16xi32>
    %mul3A_195 = arith.constant 192 : i32
    %mul3A_196 = arith.muli %arg1, %mul3A_195 : i32
    "tpu.region"() ({
      %run_scoped3A = tpu.sem_alloc : memref<!tpu.dma_semaphore, #tpu.memory_space<semaphore_mem>>
      %dma_start3A_385 = arith.constant 0 : i32
      %dma_start3A_386 = tpu.memref_slice %arg10[%dma_start3A_385] : memref<3072xi32, #tpu.memory_space<vmem>> -> memref<192xi32, #tpu.memory_space<vmem>>
      %dma_start3A_387 = tpu.memref_slice %arg5[%mul3A_196] : memref<3072xi32, #tpu.memory_space<hbm>> -> memref<192xi32, #tpu.memory_space<hbm>>
      %dma_start3A_388 = arith.constant 0 : i32
      %dma_start3A_389 = tpu.memref_slice %arg10[%dma_start3A_388] : memref<3072xi32, #tpu.memory_space<vmem>> -> memref<192xi32, #tpu.memory_space<vmem>>
      %dma_start3A_390 = tpu.memref_slice %arg5[%mul3A_196] : memref<3072xi32, #tpu.memory_space<hbm>> -> memref<192xi32, #tpu.memory_space<hbm>>
      tpu.enqueue_dma source(%dma_start3A_390 : memref<192xi32, #tpu.memory_space<hbm>>) target(%dma_start3A_389 : memref<192xi32, #tpu.memory_space<vmem>>) target_semaphore(%run_scoped3A : memref<!tpu.dma_semaphore, #tpu.memory_space<semaphore_mem>>)
      %dma_wait3A_391 = arith.constant 0 : i32
      %dma_wait3A_392 = tpu.memref_slice %arg10[%dma_wait3A_391] : memref<3072xi32, #tpu.memory_space<vmem>> -> memref<192xi32, #tpu.memory_space<vmem>>
      %dma_wait3A_393 = tpu.memref_slice %arg5[%mul3A_196] : memref<3072xi32, #tpu.memory_space<hbm>> -> memref<192xi32, #tpu.memory_space<hbm>>
      %dma_wait3A_394 = arith.constant 0 : i32
      %dma_wait3A_395 = tpu.memref_slice %arg10[%dma_wait3A_394] : memref<3072xi32, #tpu.memory_space<vmem>> -> memref<192xi32, #tpu.memory_space<vmem>>
      %dma_wait3A_396 = tpu.memref_slice %arg5[%mul3A_196] : memref<3072xi32, #tpu.memory_space<hbm>> -> memref<192xi32, #tpu.memory_space<hbm>>
      tpu.wait_dma2 semaphore(%run_scoped3A : memref<!tpu.dma_semaphore, #tpu.memory_space<semaphore_mem>>) src(%dma_wait3A_396 : memref<192xi32, #tpu.memory_space<hbm>>) dst(%dma_wait3A_395 : memref<192xi32, #tpu.memory_space<vmem>>)
      tpu.yield
    }) : () -> ()
    %scan3A_197 = arith.constant 0 : i32
    %scan3A_198 = arith.constant 0 : i32
    %scan3A_199 = arith.constant 12 : i32
    %scan3A_200 = arith.addi %scan3A_198, %scan3A_199 : i32
    %scan3A_201 = arith.constant 1 : i32
    %scan3A_202 = scf.for %scan3A_385 = %scan3A_198 to %scan3A_200 step %scan3A_201 iter_args(%scan3A_386 = %scan3A_197) -> (i32)  : i32 {
      %mul3A_387 = arith.constant 16 : i32
      %mul3A_388 = arith.muli %scan3A_385, %mul3A_387 : i32
      %swap3A_389 = arith.index_cast %mul3A_388 : i32 to index
      %swap3A_390 = tpu.vector_load %arg13[%swap3A_389] {strides = array<i32>} : memref<4224xi32, #tpu.memory_space<vmem>>, vector<16xi32>,
      tpu.vector_store %arg13[%swap3A_389], %broadcast_in_dim3A_190 {strides = array<i32>} : memref<4224xi32, #tpu.memory_space<vmem>>, vector<16xi32>,
      %mul3A_391 = arith.constant 16 : i32
      %mul3A_392 = arith.muli %scan3A_385, %mul3A_391 : i32
      %add3A_393 = arith.constant 2048 : i32
      %add3A_394 = arith.addi %add3A_393, %mul3A_392 : i32
      %swap3A_395 = arith.index_cast %add3A_394 : i32 to index
      %swap3A_396 = tpu.vector_load %arg13[%swap3A_395] {strides = array<i32>} : memref<4224xi32, #tpu.memory_space<vmem>>, vector<16xi32>,
      tpu.vector_store %arg13[%swap3A_395], %add3A_194 {strides = array<i32>} : memref<4224xi32, #tpu.memory_space<vmem>>, vector<16xi32>,
      %scan3A_397 = arith.constant 0 : i32
      scf.yield %scan3A_397 : i32
    }
    %scan3A_203 = arith.constant 12 : i32
    %mul3A_204 = arith.constant 192 : i32
    %mul3A_205 = arith.muli %arg1, %mul3A_204 : i32
    %scan3A_206 = arith.constant 0 : i32
    %scan3A_207 = arith.constant 0 : i32
    %scan3A_208 = arith.constant 12 : i32
    %scan3A_209 = arith.addi %scan3A_207, %scan3A_208 : i32
    %scan3A_210 = arith.constant 1 : i32
    %scan3A_211 = scf.for %scan3A_385 = %scan3A_207 to %scan3A_209 step %scan3A_210 iter_args(%scan3A_386 = %scan3A_206) -> (i32)  : i32 {
      %mul3A_387 = arith.constant 16 : i32
      %mul3A_388 = arith.muli %scan3A_385, %mul3A_387 : i32
      %get3A_389 = arith.index_cast %mul3A_388 : i32 to index
      %get3A_390 = tpu.vector_load %arg10[%get3A_389] {strides = array<i32>} : memref<3072xi32, #tpu.memory_space<vmem>>, vector<16xi32>,
      %ge3A_391 = vector.broadcast %mul3A_0 : i32 to vector<16xi32>
      %ge3A_392 = arith.cmpi sge, %get3A_390, %ge3A_391 : vector<16xi32>
      %lt3A = vector.broadcast %add3A : i32 to vector<16xi32>
      %lt3A_393 = arith.cmpi slt, %get3A_390, %lt3A : vector<16xi32>
      %and3A_394 = arith.andi %ge3A_392, %lt3A_393 : vector<16xi1>
      %mul3A_395 = arith.constant 16 : i32
      %mul3A_396 = arith.muli %scan3A_385, %mul3A_395 : i32
      %add3A_397 = arith.addi %mul3A_205, %mul3A_396 : i32
      %add3A_398 = vector.broadcast %add3A_397 : i32 to vector<16xi32>
      %add3A_399 = arith.addi %add3A_398, %iota3A : vector<16xi32>
      %max3A = arith.constant 0 : i32
      %max3A_400 = vector.broadcast %max3A : i32 to vector<16xi32>
      %max3A_401 = arith.maxsi %get3A_390, %max3A_400 : vector<16xi32>
      %gather3A = tpu.vector_load_idx %arg9[%max3A_401] : memref<10016xi32, #tpu.memory_space<vmem>>[vector<16xi32>], vector<16xi32>,
      %sub3A_402 = arith.constant 1 : i32
      %sub3A_403 = vector.broadcast %sub3A_402 : i32 to vector<16xi32>
      %sub3A_404 = arith.subi %gather3A, %sub3A_403 : vector<16xi32>
      %add3A_405 = vector.broadcast %mul3A_4 : i32 to vector<16xi32>
      %add3A_406 = arith.addi %sub3A_404, %add3A_405 : vector<16xi32>
      %swap3A_407 = arith.index_cast %scan3A_386 : i32 to index
      %swap3A_408 = tpu.vector_load %arg13[%swap3A_407] masked %and3A_394 {strides = array<i32>} : memref<4224xi32, #tpu.memory_space<vmem>>, vector<16xi32>, vector<16xi1>
      tpu.vector_store %arg13[%swap3A_407], %add3A_399 masked %and3A_394 {strides = array<i32>} : memref<4224xi32, #tpu.memory_space<vmem>>, vector<16xi32>, vector<16xi1>
      %add3A_409 = arith.constant 2048 : i32
      %add3A_410 = arith.addi %add3A_409, %scan3A_386 : i32
      %swap3A_411 = arith.index_cast %add3A_410 : i32 to index
      %swap3A_412 = tpu.vector_load %arg13[%swap3A_411] masked %and3A_394 {strides = array<i32>} : memref<4224xi32, #tpu.memory_space<vmem>>, vector<16xi32>, vector<16xi1>
      tpu.vector_store %arg13[%swap3A_411], %add3A_406 masked %and3A_394 {strides = array<i32>} : memref<4224xi32, #tpu.memory_space<vmem>>, vector<16xi32>, vector<16xi1>
      %all_reduce_population_count3A = tpu.all_reduce %and3A_394 {dim = 0 : i64, kind = #tpu.reduction_kind<sum>} : vector<16xi1> -> vector<16xi32>
      %slice3A = vector.extract_strided_slice %all_reduce_population_count3A {offsets = [0], sizes = [1], strides = [1]} : vector<16xi32> to vector<1xi32>
      %squeeze3A = vector.extract %slice3A[0] : i32 from vector<1xi32>
      %add3A_413 = arith.addi %scan3A_386, %squeeze3A : i32
      scf.yield %add3A_413 : i32
    }
    %scan3A_212 = arith.constant 12 : i32
    %get3A_213 = arith.constant 0 : index
    %get3A_214 = tpu.vector_load %arg13[%get3A_213] {strides = array<i32>} : memref<4224xi32, #tpu.memory_space<vmem>>, vector<16xi32>,
    %swap3A_215 = arith.constant 0 : index
    %swap3A_216 = tpu.vector_load %arg21[%swap3A_215] {strides = array<i32>} : memref<32xi32, #tpu.memory_space<vmem>>, vector<16xi32>,
    tpu.vector_store %arg21[%swap3A_215], %get3A_214 {strides = array<i32>} : memref<32xi32, #tpu.memory_space<vmem>>, vector<16xi32>,
    %get3A_217 = arith.constant 2048 : index
    %get3A_218 = tpu.vector_load %arg13[%get3A_217] {strides = array<i32>} : memref<4224xi32, #tpu.memory_space<vmem>>, vector<16xi32>,
    %swap3A_219 = arith.constant 0 : index
    %swap3A_220 = tpu.vector_load %arg22[%swap3A_219] {strides = array<i32>} : memref<32xi32, #tpu.memory_space<vmem>>, vector<16xi32>,
    tpu.vector_store %arg22[%swap3A_219], %get3A_218 {strides = array<i32>} : memref<32xi32, #tpu.memory_space<vmem>>, vector<16xi32>,
    %get3A_221 = arith.constant 16 : index
    %get3A_222 = tpu.vector_load %arg13[%get3A_221] {strides = array<i32>} : memref<4224xi32, #tpu.memory_space<vmem>>, vector<16xi32>,
    %swap3A_223 = arith.constant 16 : index
    %swap3A_224 = tpu.vector_load %arg21[%swap3A_223] {strides = array<i32>} : memref<32xi32, #tpu.memory_space<vmem>>, vector<16xi32>,
    tpu.vector_store %arg21[%swap3A_223], %get3A_222 {strides = array<i32>} : memref<32xi32, #tpu.memory_space<vmem>>, vector<16xi32>,
    %get3A_225 = arith.constant 2064 : index
    %get3A_226 = tpu.vector_load %arg13[%get3A_225] {strides = array<i32>} : memref<4224xi32, #tpu.memory_space<vmem>>, vector<16xi32>,
    %swap3A_227 = arith.constant 16 : index
    %swap3A_228 = tpu.vector_load %arg22[%swap3A_227] {strides = array<i32>} : memref<32xi32, #tpu.memory_space<vmem>>, vector<16xi32>,
    tpu.vector_store %arg22[%swap3A_227], %get3A_226 {strides = array<i32>} : memref<32xi32, #tpu.memory_space<vmem>>, vector<16xi32>,
    %dma_start3A = arith.constant 0 : i32
    %dma_start3A_229 = arith.constant 0 : i32
    %dma_start3A_230 = tpu.memref_slice %arg7[%dma_start3A, %dma_start3A_229] : memref<6400x256xf32, #tpu.memory_space<hbm>> -> memref<6400x256xf32, #tpu.memory_space<hbm>>
    tpu.enqueue_indirect_dma source(%dma_start3A_230 : memref<6400x256xf32, #tpu.memory_space<hbm>>) target(%arg23 : memref<32x256xf32, #tpu.memory_space<vmem>>) offsets(%arg22 : memref<32xi32, #tpu.memory_space<vmem>>) semaphore(%arg25 : memref<!tpu.dma_semaphore, #tpu.memory_space<semaphore_mem>>)
    %dma_wait3A = arith.constant 0 : i32
    %dma_wait3A_231 = arith.constant 0 : i32
    %dma_wait3A_232 = tpu.memref_slice %arg7[%dma_wait3A, %dma_wait3A_231] : memref<6400x256xf32, #tpu.memory_space<hbm>> -> memref<6400x256xf32, #tpu.memory_space<hbm>>
    tpu.wait_indirect_dma semaphore(%arg25 : memref<!tpu.dma_semaphore, #tpu.memory_space<semaphore_mem>>) src(%dma_wait3A_232 : memref<6400x256xf32, #tpu.memory_space<hbm>>) dst(%arg23 : memref<32x256xf32, #tpu.memory_space<vmem>>)
    %scan3A_233 = arith.constant 0 : i32
    %scan3A_234 = arith.constant 0 : i32
    %scan3A_235 = arith.constant 32 : i32
    %scan3A_236 = arith.addi %scan3A_234, %scan3A_235 : i32
    %scan3A_237 = arith.constant 1 : i32
    %scan3A_238 = scf.for %scan3A_385 = %scan3A_234 to %scan3A_236 step %scan3A_237 iter_args(%scan3A_386 = %scan3A_233) -> (i32)  : i32 {
      %get3A_387 = arith.index_cast %scan3A_385 : i32 to index
      %get3A_388 = arith.constant 128 : index
      %get3A_389 = tpu.vector_load %arg23[%get3A_387, %get3A_388] {strides = array<i32>} : memref<32x256xf32, #tpu.memory_space<vmem>>, vector<16xf32>,
      %slice3A = vector.extract_strided_slice %get3A_389 {offsets = [0], sizes = [1], strides = [1]} : vector<16xf32> to vector<1xf32>
      %squeeze3A = vector.extract %slice3A[0] : f32 from vector<1xf32>
      %mul3A_390 = vector.broadcast %squeeze3A : f32 to vector<16xf32>
      %mul3A_391 = arith.mulf %broadcast_in_dim3A_23, %mul3A_390 : vector<16xf32>
      %eq3A_392 = arith.constant 0.000000e+00 : f32
      %eq3A_393 = vector.broadcast %eq3A_392 : f32 to vector<16xf32>
      %eq3A_394 = arith.cmpf oeq, %mul3A_391, %eq3A_393 : vector<16xf32>
      %div3A = arith.constant 1.000000e+00 : f32
      %div3A_395 = vector.broadcast %div3A : f32 to vector<16xf32>
      %div3A_396 = arith.divf %div3A_395, %mul3A_391 : vector<16xf32>
      %jit3A_397 = arith.constant 0.000000e+00 : f32
      %broadcast_in_dim3A_398 = vector.broadcast %jit3A_397 : f32 to vector<16xf32>
      %select_n3A_399 = arith.select %eq3A_394, %broadcast_in_dim3A_398, %div3A_396 : vector<16xi1>, vector<16xf32>
      %get3A_400 = arith.index_cast %scan3A_385 : i32 to index
      %get3A_401 = arith.constant 0 : index
      %get3A_402 = tpu.vector_load %arg23[%get3A_400, %get3A_401] {strides = array<i32>} : memref<32x256xf32, #tpu.memory_space<vmem>>, vector<16xf32>,
      %mul3A_403 = arith.mulf %get3A_402, %select_n3A_399 : vector<16xf32>
      %swap3A_404 = arith.index_cast %scan3A_385 : i32 to index
      %swap3A_405 = arith.constant 0 : index
      %swap3A_406 = tpu.vector_load %arg23[%swap3A_404, %swap3A_405] {strides = array<i32>} : memref<32x256xf32, #tpu.memory_space<vmem>>, vector<16xf32>,
      tpu.vector_store %arg23[%swap3A_404, %swap3A_405], %mul3A_403 {strides = array<i32>} : memref<32x256xf32, #tpu.memory_space<vmem>>, vector<16xf32>,
      %get3A_407 = arith.index_cast %scan3A_385 : i32 to index
      %get3A_408 = arith.constant 16 : index
      %get3A_409 = tpu.vector_load %arg23[%get3A_407, %get3A_408] {strides = array<i32>} : memref<32x256xf32, #tpu.memory_space<vmem>>, vector<16xf32>,
      %mul3A_410 = arith.mulf %get3A_409, %select_n3A_399 : vector<16xf32>
      %swap3A_411 = arith.index_cast %scan3A_385 : i32 to index
      %swap3A_412 = arith.constant 16 : index
      %swap3A_413 = tpu.vector_load %arg23[%swap3A_411, %swap3A_412] {strides = array<i32>} : memref<32x256xf32, #tpu.memory_space<vmem>>, vector<16xf32>,
      tpu.vector_store %arg23[%swap3A_411, %swap3A_412], %mul3A_410 {strides = array<i32>} : memref<32x256xf32, #tpu.memory_space<vmem>>, vector<16xf32>,
      %get3A_414 = arith.index_cast %scan3A_385 : i32 to index
      %get3A_415 = arith.constant 32 : index
      %get3A_416 = tpu.vector_load %arg23[%get3A_414, %get3A_415] {strides = array<i32>} : memref<32x256xf32, #tpu.memory_space<vmem>>, vector<16xf32>,
      %mul3A_417 = arith.mulf %get3A_416, %select_n3A_399 : vector<16xf32>
      %swap3A_418 = arith.index_cast %scan3A_385 : i32 to index
      %swap3A_419 = arith.constant 32 : index
      %swap3A_420 = tpu.vector_load %arg23[%swap3A_418, %swap3A_419] {strides = array<i32>} : memref<32x256xf32, #tpu.memory_space<vmem>>, vector<16xf32>,
      tpu.vector_store %arg23[%swap3A_418, %swap3A_419], %mul3A_417 {strides = array<i32>} : memref<32x256xf32, #tpu.memory_space<vmem>>, vector<16xf32>,
      %get3A_421 = arith.index_cast %scan3A_385 : i32 to index
      %get3A_422 = arith.constant 48 : index
      %get3A_423 = tpu.vector_load %arg23[%get3A_421, %get3A_422] {strides = array<i32>} : memref<32x256xf32, #tpu.memory_space<vmem>>, vector<16xf32>,
      %mul3A_424 = arith.mulf %get3A_423, %select_n3A_399 : vector<16xf32>
      %swap3A_425 = arith.index_cast %scan3A_385 : i32 to index
      %swap3A_426 = arith.constant 48 : index
      %swap3A_427 = tpu.vector_load %arg23[%swap3A_425, %swap3A_426] {strides = array<i32>} : memref<32x256xf32, #tpu.memory_space<vmem>>, vector<16xf32>,
      tpu.vector_store %arg23[%swap3A_425, %swap3A_426], %mul3A_424 {strides = array<i32>} : memref<32x256xf32, #tpu.memory_space<vmem>>, vector<16xf32>,
      %get3A_428 = arith.index_cast %scan3A_385 : i32 to index
      %get3A_429 = arith.constant 64 : index
      %get3A_430 = tpu.vector_load %arg23[%get3A_428, %get3A_429] {strides = array<i32>} : memref<32x256xf32, #tpu.memory_space<vmem>>, vector<16xf32>,
      %mul3A_431 = arith.mulf %get3A_430, %select_n3A_399 : vector<16xf32>
      %swap3A_432 = arith.index_cast %scan3A_385 : i32 to index
      %swap3A_433 = arith.constant 64 : index
      %swap3A_434 = tpu.vector_load %arg23[%swap3A_432, %swap3A_433] {strides = array<i32>} : memref<32x256xf32, #tpu.memory_space<vmem>>, vector<16xf32>,
      tpu.vector_store %arg23[%swap3A_432, %swap3A_433], %mul3A_431 {strides = array<i32>} : memref<32x256xf32, #tpu.memory_space<vmem>>, vector<16xf32>,
      %get3A_435 = arith.index_cast %scan3A_385 : i32 to index
      %get3A_436 = arith.constant 80 : index
      %get3A_437 = tpu.vector_load %arg23[%get3A_435, %get3A_436] {strides = array<i32>} : memref<32x256xf32, #tpu.memory_space<vmem>>, vector<16xf32>,
      %mul3A_438 = arith.mulf %get3A_437, %select_n3A_399 : vector<16xf32>
      %swap3A_439 = arith.index_cast %scan3A_385 : i32 to index
      %swap3A_440 = arith.constant 80 : index
      %swap3A_441 = tpu.vector_load %arg23[%swap3A_439, %swap3A_440] {strides = array<i32>} : memref<32x256xf32, #tpu.memory_space<vmem>>, vector<16xf32>,
      tpu.vector_store %arg23[%swap3A_439, %swap3A_440], %mul3A_438 {strides = array<i32>} : memref<32x256xf32, #tpu.memory_space<vmem>>, vector<16xf32>,
      %get3A_442 = arith.index_cast %scan3A_385 : i32 to index
      %get3A_443 = arith.constant 96 : index
      %get3A_444 = tpu.vector_load %arg23[%get3A_442, %get3A_443] {strides = array<i32>} : memref<32x256xf32, #tpu.memory_space<vmem>>, vector<16xf32>,
      %mul3A_445 = arith.mulf %get3A_444, %select_n3A_399 : vector<16xf32>
      %swap3A_446 = arith.index_cast %scan3A_385 : i32 to index
      %swap3A_447 = arith.constant 96 : index
      %swap3A_448 = tpu.vector_load %arg23[%swap3A_446, %swap3A_447] {strides = array<i32>} : memref<32x256xf32, #tpu.memory_space<vmem>>, vector<16xf32>,
      tpu.vector_store %arg23[%swap3A_446, %swap3A_447], %mul3A_445 {strides = array<i32>} : memref<32x256xf32, #tpu.memory_space<vmem>>, vector<16xf32>,
      %get3A_449 = arith.index_cast %scan3A_385 : i32 to index
      %get3A_450 = arith.constant 112 : index
      %get3A_451 = tpu.vector_load %arg23[%get3A_449, %get3A_450] {strides = array<i32>} : memref<32x256xf32, #tpu.memory_space<vmem>>, vector<16xf32>,
      %mul3A_452 = arith.mulf %get3A_451, %select_n3A_399 : vector<16xf32>
      %swap3A_453 = arith.index_cast %scan3A_385 : i32 to index
      %swap3A_454 = arith.constant 112 : index
      %swap3A_455 = tpu.vector_load %arg23[%swap3A_453, %swap3A_454] {strides = array<i32>} : memref<32x256xf32, #tpu.memory_space<vmem>>, vector<16xf32>,
      tpu.vector_store %arg23[%swap3A_453, %swap3A_454], %mul3A_452 {strides = array<i32>} : memref<32x256xf32, #tpu.memory_space<vmem>>, vector<16xf32>,
      %scan3A_456 = arith.constant 0 : i32
      scf.yield %scan3A_456 : i32
    }
    %scan3A_239 = arith.constant 32 : i32
    "tpu.region"() ({
      %run_scoped3A = tpu.sem_alloc : memref<!tpu.dma_semaphore, #tpu.memory_space<semaphore_mem>>
      %dma_start3A_385 = arith.constant 0 : i32
      %dma_start3A_386 = arith.constant 0 : i32
      %dma_start3A_387 = tpu.memref_slice %arg6[%dma_start3A_385, %dma_start3A_386] : memref<3088x256xf32, #tpu.memory_space<hbm>> -> memref<3088x256xf32, #tpu.memory_space<hbm>>
      tpu.enqueue_indirect_dma source(%arg23 : memref<32x256xf32, #tpu.memory_space<vmem>>) target(%dma_start3A_387 : memref<3088x256xf32, #tpu.memory_space<hbm>>) offsets(%arg21 : memref<32xi32, #tpu.memory_space<vmem>>) semaphore(%run_scoped3A : memref<!tpu.dma_semaphore, #tpu.memory_space<semaphore_mem>>)
      %dma_wait3A_388 = arith.constant 0 : i32
      %dma_wait3A_389 = arith.constant 0 : i32
      %dma_wait3A_390 = tpu.memref_slice %arg6[%dma_wait3A_388, %dma_wait3A_389] : memref<3088x256xf32, #tpu.memory_space<hbm>> -> memref<3088x256xf32, #tpu.memory_space<hbm>>
      tpu.wait_indirect_dma semaphore(%run_scoped3A : memref<!tpu.dma_semaphore, #tpu.memory_space<semaphore_mem>>) src(%arg23 : memref<32x256xf32, #tpu.memory_space<vmem>>) dst(%dma_wait3A_390 : memref<3088x256xf32, #tpu.memory_space<hbm>>)
      tpu.yield
    }) : () -> ()
    %get3A_240 = arith.constant 32 : index
    %get3A_241 = tpu.vector_load %arg13[%get3A_240] {strides = array<i32>} : memref<4224xi32, #tpu.memory_space<vmem>>, vector<16xi32>,
    %swap3A_242 = arith.constant 0 : index
    %swap3A_243 = tpu.vector_load %arg21[%swap3A_242] {strides = array<i32>} : memref<32xi32, #tpu.memory_space<vmem>>, vector<16xi32>,
    tpu.vector_store %arg21[%swap3A_242], %get3A_241 {strides = array<i32>} : memref<32xi32, #tpu.memory_space<vmem>>, vector<16xi32>,
    %get3A_244 = arith.constant 2080 : index
    %get3A_245 = tpu.vector_load %arg13[%get3A_244] {strides = array<i32>} : memref<4224xi32, #tpu.memory_space<vmem>>, vector<16xi32>,
    %swap3A_246 = arith.constant 0 : index
    %swap3A_247 = tpu.vector_load %arg22[%swap3A_246] {strides = array<i32>} : memref<32xi32, #tpu.memory_space<vmem>>, vector<16xi32>,
    tpu.vector_store %arg22[%swap3A_246], %get3A_245 {strides = array<i32>} : memref<32xi32, #tpu.memory_space<vmem>>, vector<16xi32>,
    %get3A_248 = arith.constant 48 : index
    %get3A_249 = tpu.vector_load %arg13[%get3A_248] {strides = array<i32>} : memref<4224xi32, #tpu.memory_space<vmem>>, vector<16xi32>,
    %swap3A_250 = arith.constant 16 : index
    %swap3A_251 = tpu.vector_load %arg21[%swap3A_250] {strides = array<i32>} : memref<32xi32, #tpu.memory_space<vmem>>, vector<16xi32>,
    tpu.vector_store %arg21[%swap3A_250], %get3A_249 {strides = array<i32>} : memref<32xi32, #tpu.memory_space<vmem>>, vector<16xi32>,
    %get3A_252 = arith.constant 2096 : index
    %get3A_253 = tpu.vector_load %arg13[%get3A_252] {strides = array<i32>} : memref<4224xi32, #tpu.memory_space<vmem>>, vector<16xi32>,
    %swap3A_254 = arith.constant 16 : index
    %swap3A_255 = tpu.vector_load %arg22[%swap3A_254] {strides = array<i32>} : memref<32xi32, #tpu.memory_space<vmem>>, vector<16xi32>,
    tpu.vector_store %arg22[%swap3A_254], %get3A_253 {strides = array<i32>} : memref<32xi32, #tpu.memory_space<vmem>>, vector<16xi32>,
    %dma_start3A_256 = arith.constant 0 : i32
    %dma_start3A_257 = arith.constant 0 : i32
    %dma_start3A_258 = tpu.memref_slice %arg7[%dma_start3A_256, %dma_start3A_257] : memref<6400x256xf32, #tpu.memory_space<hbm>> -> memref<6400x256xf32, #tpu.memory_space<hbm>>
    tpu.enqueue_indirect_dma source(%dma_start3A_258 : memref<6400x256xf32, #tpu.memory_space<hbm>>) target(%arg23 : memref<32x256xf32, #tpu.memory_space<vmem>>) offsets(%arg22 : memref<32xi32, #tpu.memory_space<vmem>>) semaphore(%arg25 : memref<!tpu.dma_semaphore, #tpu.memory_space<semaphore_mem>>)
    %dma_wait3A_259 = arith.constant 0 : i32
    %dma_wait3A_260 = arith.constant 0 : i32
    %dma_wait3A_261 = tpu.memref_slice %arg7[%dma_wait3A_259, %dma_wait3A_260] : memref<6400x256xf32, #tpu.memory_space<hbm>> -> memref<6400x256xf32, #tpu.memory_space<hbm>>
    tpu.wait_indirect_dma semaphore(%arg25 : memref<!tpu.dma_semaphore, #tpu.memory_space<semaphore_mem>>) src(%dma_wait3A_261 : memref<6400x256xf32, #tpu.memory_space<hbm>>) dst(%arg23 : memref<32x256xf32, #tpu.memory_space<vmem>>)
    %scan3A_262 = arith.constant 0 : i32
    %scan3A_263 = arith.constant 0 : i32
    %scan3A_264 = arith.constant 32 : i32
    %scan3A_265 = arith.addi %scan3A_263, %scan3A_264 : i32
    %scan3A_266 = arith.constant 1 : i32
    %scan3A_267 = scf.for %scan3A_385 = %scan3A_263 to %scan3A_265 step %scan3A_266 iter_args(%scan3A_386 = %scan3A_262) -> (i32)  : i32 {
      %get3A_387 = arith.index_cast %scan3A_385 : i32 to index
      %get3A_388 = arith.constant 128 : index
      %get3A_389 = tpu.vector_load %arg23[%get3A_387, %get3A_388] {strides = array<i32>} : memref<32x256xf32, #tpu.memory_space<vmem>>, vector<16xf32>,
      %slice3A = vector.extract_strided_slice %get3A_389 {offsets = [0], sizes = [1], strides = [1]} : vector<16xf32> to vector<1xf32>
      %squeeze3A = vector.extract %slice3A[0] : f32 from vector<1xf32>
      %mul3A_390 = vector.broadcast %squeeze3A : f32 to vector<16xf32>
      %mul3A_391 = arith.mulf %broadcast_in_dim3A_23, %mul3A_390 : vector<16xf32>
      %eq3A_392 = arith.constant 0.000000e+00 : f32
      %eq3A_393 = vector.broadcast %eq3A_392 : f32 to vector<16xf32>
      %eq3A_394 = arith.cmpf oeq, %mul3A_391, %eq3A_393 : vector<16xf32>
      %div3A = arith.constant 1.000000e+00 : f32
      %div3A_395 = vector.broadcast %div3A : f32 to vector<16xf32>
      %div3A_396 = arith.divf %div3A_395, %mul3A_391 : vector<16xf32>
      %jit3A_397 = arith.constant 0.000000e+00 : f32
      %broadcast_in_dim3A_398 = vector.broadcast %jit3A_397 : f32 to vector<16xf32>
      %select_n3A_399 = arith.select %eq3A_394, %broadcast_in_dim3A_398, %div3A_396 : vector<16xi1>, vector<16xf32>
      %get3A_400 = arith.index_cast %scan3A_385 : i32 to index
      %get3A_401 = arith.constant 0 : index
      %get3A_402 = tpu.vector_load %arg23[%get3A_400, %get3A_401] {strides = array<i32>} : memref<32x256xf32, #tpu.memory_space<vmem>>, vector<16xf32>,
      %mul3A_403 = arith.mulf %get3A_402, %select_n3A_399 : vector<16xf32>
      %swap3A_404 = arith.index_cast %scan3A_385 : i32 to index
      %swap3A_405 = arith.constant 0 : index
      %swap3A_406 = tpu.vector_load %arg23[%swap3A_404, %swap3A_405] {strides = array<i32>} : memref<32x256xf32, #tpu.memory_space<vmem>>, vector<16xf32>,
      tpu.vector_store %arg23[%swap3A_404, %swap3A_405], %mul3A_403 {strides = array<i32>} : memref<32x256xf32, #tpu.memory_space<vmem>>, vector<16xf32>,
      %get3A_407 = arith.index_cast %scan3A_385 : i32 to index
      %get3A_408 = arith.constant 16 : index
      %get3A_409 = tpu.vector_load %arg23[%get3A_407, %get3A_408] {strides = array<i32>} : memref<32x256xf32, #tpu.memory_space<vmem>>, vector<16xf32>,
      %mul3A_410 = arith.mulf %get3A_409, %select_n3A_399 : vector<16xf32>
      %swap3A_411 = arith.index_cast %scan3A_385 : i32 to index
      %swap3A_412 = arith.constant 16 : index
      %swap3A_413 = tpu.vector_load %arg23[%swap3A_411, %swap3A_412] {strides = array<i32>} : memref<32x256xf32, #tpu.memory_space<vmem>>, vector<16xf32>,
      tpu.vector_store %arg23[%swap3A_411, %swap3A_412], %mul3A_410 {strides = array<i32>} : memref<32x256xf32, #tpu.memory_space<vmem>>, vector<16xf32>,
      %get3A_414 = arith.index_cast %scan3A_385 : i32 to index
      %get3A_415 = arith.constant 32 : index
      %get3A_416 = tpu.vector_load %arg23[%get3A_414, %get3A_415] {strides = array<i32>} : memref<32x256xf32, #tpu.memory_space<vmem>>, vector<16xf32>,
      %mul3A_417 = arith.mulf %get3A_416, %select_n3A_399 : vector<16xf32>
      %swap3A_418 = arith.index_cast %scan3A_385 : i32 to index
      %swap3A_419 = arith.constant 32 : index
      %swap3A_420 = tpu.vector_load %arg23[%swap3A_418, %swap3A_419] {strides = array<i32>} : memref<32x256xf32, #tpu.memory_space<vmem>>, vector<16xf32>,
      tpu.vector_store %arg23[%swap3A_418, %swap3A_419], %mul3A_417 {strides = array<i32>} : memref<32x256xf32, #tpu.memory_space<vmem>>, vector<16xf32>,
      %get3A_421 = arith.index_cast %scan3A_385 : i32 to index
      %get3A_422 = arith.constant 48 : index
      %get3A_423 = tpu.vector_load %arg23[%get3A_421, %get3A_422] {strides = array<i32>} : memref<32x256xf32, #tpu.memory_space<vmem>>, vector<16xf32>,
      %mul3A_424 = arith.mulf %get3A_423, %select_n3A_399 : vector<16xf32>
      %swap3A_425 = arith.index_cast %scan3A_385 : i32 to index
      %swap3A_426 = arith.constant 48 : index
      %swap3A_427 = tpu.vector_load %arg23[%swap3A_425, %swap3A_426] {strides = array<i32>} : memref<32x256xf32, #tpu.memory_space<vmem>>, vector<16xf32>,
      tpu.vector_store %arg23[%swap3A_425, %swap3A_426], %mul3A_424 {strides = array<i32>} : memref<32x256xf32, #tpu.memory_space<vmem>>, vector<16xf32>,
      %get3A_428 = arith.index_cast %scan3A_385 : i32 to index
      %get3A_429 = arith.constant 64 : index
      %get3A_430 = tpu.vector_load %arg23[%get3A_428, %get3A_429] {strides = array<i32>} : memref<32x256xf32, #tpu.memory_space<vmem>>, vector<16xf32>,
      %mul3A_431 = arith.mulf %get3A_430, %select_n3A_399 : vector<16xf32>
      %swap3A_432 = arith.index_cast %scan3A_385 : i32 to index
      %swap3A_433 = arith.constant 64 : index
      %swap3A_434 = tpu.vector_load %arg23[%swap3A_432, %swap3A_433] {strides = array<i32>} : memref<32x256xf32, #tpu.memory_space<vmem>>, vector<16xf32>,
      tpu.vector_store %arg23[%swap3A_432, %swap3A_433], %mul3A_431 {strides = array<i32>} : memref<32x256xf32, #tpu.memory_space<vmem>>, vector<16xf32>,
      %get3A_435 = arith.index_cast %scan3A_385 : i32 to index
      %get3A_436 = arith.constant 80 : index
      %get3A_437 = tpu.vector_load %arg23[%get3A_435, %get3A_436] {strides = array<i32>} : memref<32x256xf32, #tpu.memory_space<vmem>>, vector<16xf32>,
      %mul3A_438 = arith.mulf %get3A_437, %select_n3A_399 : vector<16xf32>
      %swap3A_439 = arith.index_cast %scan3A_385 : i32 to index
      %swap3A_440 = arith.constant 80 : index
      %swap3A_441 = tpu.vector_load %arg23[%swap3A_439, %swap3A_440] {strides = array<i32>} : memref<32x256xf32, #tpu.memory_space<vmem>>, vector<16xf32>,
      tpu.vector_store %arg23[%swap3A_439, %swap3A_440], %mul3A_438 {strides = array<i32>} : memref<32x256xf32, #tpu.memory_space<vmem>>, vector<16xf32>,
      %get3A_442 = arith.index_cast %scan3A_385 : i32 to index
      %get3A_443 = arith.constant 96 : index
      %get3A_444 = tpu.vector_load %arg23[%get3A_442, %get3A_443] {strides = array<i32>} : memref<32x256xf32, #tpu.memory_space<vmem>>, vector<16xf32>,
      %mul3A_445 = arith.mulf %get3A_444, %select_n3A_399 : vector<16xf32>
      %swap3A_446 = arith.index_cast %scan3A_385 : i32 to index
      %swap3A_447 = arith.constant 96 : index
      %swap3A_448 = tpu.vector_load %arg23[%swap3A_446, %swap3A_447] {strides = array<i32>} : memref<32x256xf32, #tpu.memory_space<vmem>>, vector<16xf32>,
      tpu.vector_store %arg23[%swap3A_446, %swap3A_447], %mul3A_445 {strides = array<i32>} : memref<32x256xf32, #tpu.memory_space<vmem>>, vector<16xf32>,
      %get3A_449 = arith.index_cast %scan3A_385 : i32 to index
      %get3A_450 = arith.constant 112 : index
      %get3A_451 = tpu.vector_load %arg23[%get3A_449, %get3A_450] {strides = array<i32>} : memref<32x256xf32, #tpu.memory_space<vmem>>, vector<16xf32>,
      %mul3A_452 = arith.mulf %get3A_451, %select_n3A_399 : vector<16xf32>
      %swap3A_453 = arith.index_cast %scan3A_385 : i32 to index
      %swap3A_454 = arith.constant 112 : index
      %swap3A_455 = tpu.vector_load %arg23[%swap3A_453, %swap3A_454] {strides = array<i32>} : memref<32x256xf32, #tpu.memory_space<vmem>>, vector<16xf32>,
      tpu.vector_store %arg23[%swap3A_453, %swap3A_454], %mul3A_452 {strides = array<i32>} : memref<32x256xf32, #tpu.memory_space<vmem>>, vector<16xf32>,
      %scan3A_456 = arith.constant 0 : i32
      scf.yield %scan3A_456 : i32
    }
    %scan3A_268 = arith.constant 32 : i32
    "tpu.region"() ({
      %run_scoped3A = tpu.sem_alloc : memref<!tpu.dma_semaphore, #tpu.memory_space<semaphore_mem>>
      %dma_start3A_385 = arith.constant 0 : i32
      %dma_start3A_386 = arith.constant 0 : i32
      %dma_start3A_387 = tpu.memref_slice %arg6[%dma_start3A_385, %dma_start3A_386] : memref<3088x256xf32, #tpu.memory_space<hbm>> -> memref<3088x256xf32, #tpu.memory_space<hbm>>
      tpu.enqueue_indirect_dma source(%arg23 : memref<32x256xf32, #tpu.memory_space<vmem>>) target(%dma_start3A_387 : memref<3088x256xf32, #tpu.memory_space<hbm>>) offsets(%arg21 : memref<32xi32, #tpu.memory_space<vmem>>) semaphore(%run_scoped3A : memref<!tpu.dma_semaphore, #tpu.memory_space<semaphore_mem>>)
      %dma_wait3A_388 = arith.constant 0 : i32
      %dma_wait3A_389 = arith.constant 0 : i32
      %dma_wait3A_390 = tpu.memref_slice %arg6[%dma_wait3A_388, %dma_wait3A_389] : memref<3088x256xf32, #tpu.memory_space<hbm>> -> memref<3088x256xf32, #tpu.memory_space<hbm>>
      tpu.wait_indirect_dma semaphore(%run_scoped3A : memref<!tpu.dma_semaphore, #tpu.memory_space<semaphore_mem>>) src(%arg23 : memref<32x256xf32, #tpu.memory_space<vmem>>) dst(%dma_wait3A_390 : memref<3088x256xf32, #tpu.memory_space<hbm>>)
      tpu.yield
    }) : () -> ()
    %get3A_269 = arith.constant 64 : index
    %get3A_270 = tpu.vector_load %arg13[%get3A_269] {strides = array<i32>} : memref<4224xi32, #tpu.memory_space<vmem>>, vector<16xi32>,
    %swap3A_271 = arith.constant 0 : index
    %swap3A_272 = tpu.vector_load %arg21[%swap3A_271] {strides = array<i32>} : memref<32xi32, #tpu.memory_space<vmem>>, vector<16xi32>,
    tpu.vector_store %arg21[%swap3A_271], %get3A_270 {strides = array<i32>} : memref<32xi32, #tpu.memory_space<vmem>>, vector<16xi32>,
    %get3A_273 = arith.constant 2112 : index
    %get3A_274 = tpu.vector_load %arg13[%get3A_273] {strides = array<i32>} : memref<4224xi32, #tpu.memory_space<vmem>>, vector<16xi32>,
    %swap3A_275 = arith.constant 0 : index
    %swap3A_276 = tpu.vector_load %arg22[%swap3A_275] {strides = array<i32>} : memref<32xi32, #tpu.memory_space<vmem>>, vector<16xi32>,
    tpu.vector_store %arg22[%swap3A_275], %get3A_274 {strides = array<i32>} : memref<32xi32, #tpu.memory_space<vmem>>, vector<16xi32>,
    %get3A_277 = arith.constant 80 : index
    %get3A_278 = tpu.vector_load %arg13[%get3A_277] {strides = array<i32>} : memref<4224xi32, #tpu.memory_space<vmem>>, vector<16xi32>,
    %swap3A_279 = arith.constant 16 : index
    %swap3A_280 = tpu.vector_load %arg21[%swap3A_279] {strides = array<i32>} : memref<32xi32, #tpu.memory_space<vmem>>, vector<16xi32>,
    tpu.vector_store %arg21[%swap3A_279], %get3A_278 {strides = array<i32>} : memref<32xi32, #tpu.memory_space<vmem>>, vector<16xi32>,
    %get3A_281 = arith.constant 2128 : index
    %get3A_282 = tpu.vector_load %arg13[%get3A_281] {strides = array<i32>} : memref<4224xi32, #tpu.memory_space<vmem>>, vector<16xi32>,
    %swap3A_283 = arith.constant 16 : index
    %swap3A_284 = tpu.vector_load %arg22[%swap3A_283] {strides = array<i32>} : memref<32xi32, #tpu.memory_space<vmem>>, vector<16xi32>,
    tpu.vector_store %arg22[%swap3A_283], %get3A_282 {strides = array<i32>} : memref<32xi32, #tpu.memory_space<vmem>>, vector<16xi32>,
    %dma_start3A_285 = arith.constant 0 : i32
    %dma_start3A_286 = arith.constant 0 : i32
    %dma_start3A_287 = tpu.memref_slice %arg7[%dma_start3A_285, %dma_start3A_286] : memref<6400x256xf32, #tpu.memory_space<hbm>> -> memref<6400x256xf32, #tpu.memory_space<hbm>>
    tpu.enqueue_indirect_dma source(%dma_start3A_287 : memref<6400x256xf32, #tpu.memory_space<hbm>>) target(%arg23 : memref<32x256xf32, #tpu.memory_space<vmem>>) offsets(%arg22 : memref<32xi32, #tpu.memory_space<vmem>>) semaphore(%arg25 : memref<!tpu.dma_semaphore, #tpu.memory_space<semaphore_mem>>)
    %dma_wait3A_288 = arith.constant 0 : i32
    %dma_wait3A_289 = arith.constant 0 : i32
    %dma_wait3A_290 = tpu.memref_slice %arg7[%dma_wait3A_288, %dma_wait3A_289] : memref<6400x256xf32, #tpu.memory_space<hbm>> -> memref<6400x256xf32, #tpu.memory_space<hbm>>
    tpu.wait_indirect_dma semaphore(%arg25 : memref<!tpu.dma_semaphore, #tpu.memory_space<semaphore_mem>>) src(%dma_wait3A_290 : memref<6400x256xf32, #tpu.memory_space<hbm>>) dst(%arg23 : memref<32x256xf32, #tpu.memory_space<vmem>>)
    %scan3A_291 = arith.constant 0 : i32
    %scan3A_292 = arith.constant 0 : i32
    %scan3A_293 = arith.constant 32 : i32
    %scan3A_294 = arith.addi %scan3A_292, %scan3A_293 : i32
    %scan3A_295 = arith.constant 1 : i32
    %scan3A_296 = scf.for %scan3A_385 = %scan3A_292 to %scan3A_294 step %scan3A_295 iter_args(%scan3A_386 = %scan3A_291) -> (i32)  : i32 {
      %get3A_387 = arith.index_cast %scan3A_385 : i32 to index
      %get3A_388 = arith.constant 128 : index
      %get3A_389 = tpu.vector_load %arg23[%get3A_387, %get3A_388] {strides = array<i32>} : memref<32x256xf32, #tpu.memory_space<vmem>>, vector<16xf32>,
      %slice3A = vector.extract_strided_slice %get3A_389 {offsets = [0], sizes = [1], strides = [1]} : vector<16xf32> to vector<1xf32>
      %squeeze3A = vector.extract %slice3A[0] : f32 from vector<1xf32>
      %mul3A_390 = vector.broadcast %squeeze3A : f32 to vector<16xf32>
      %mul3A_391 = arith.mulf %broadcast_in_dim3A_23, %mul3A_390 : vector<16xf32>
      %eq3A_392 = arith.constant 0.000000e+00 : f32
      %eq3A_393 = vector.broadcast %eq3A_392 : f32 to vector<16xf32>
      %eq3A_394 = arith.cmpf oeq, %mul3A_391, %eq3A_393 : vector<16xf32>
      %div3A = arith.constant 1.000000e+00 : f32
      %div3A_395 = vector.broadcast %div3A : f32 to vector<16xf32>
      %div3A_396 = arith.divf %div3A_395, %mul3A_391 : vector<16xf32>
      %jit3A_397 = arith.constant 0.000000e+00 : f32
      %broadcast_in_dim3A_398 = vector.broadcast %jit3A_397 : f32 to vector<16xf32>
      %select_n3A_399 = arith.select %eq3A_394, %broadcast_in_dim3A_398, %div3A_396 : vector<16xi1>, vector<16xf32>
      %get3A_400 = arith.index_cast %scan3A_385 : i32 to index
      %get3A_401 = arith.constant 0 : index
      %get3A_402 = tpu.vector_load %arg23[%get3A_400, %get3A_401] {strides = array<i32>} : memref<32x256xf32, #tpu.memory_space<vmem>>, vector<16xf32>,
      %mul3A_403 = arith.mulf %get3A_402, %select_n3A_399 : vector<16xf32>
      %swap3A_404 = arith.index_cast %scan3A_385 : i32 to index
      %swap3A_405 = arith.constant 0 : index
      %swap3A_406 = tpu.vector_load %arg23[%swap3A_404, %swap3A_405] {strides = array<i32>} : memref<32x256xf32, #tpu.memory_space<vmem>>, vector<16xf32>,
      tpu.vector_store %arg23[%swap3A_404, %swap3A_405], %mul3A_403 {strides = array<i32>} : memref<32x256xf32, #tpu.memory_space<vmem>>, vector<16xf32>,
      %get3A_407 = arith.index_cast %scan3A_385 : i32 to index
      %get3A_408 = arith.constant 16 : index
      %get3A_409 = tpu.vector_load %arg23[%get3A_407, %get3A_408] {strides = array<i32>} : memref<32x256xf32, #tpu.memory_space<vmem>>, vector<16xf32>,
      %mul3A_410 = arith.mulf %get3A_409, %select_n3A_399 : vector<16xf32>
      %swap3A_411 = arith.index_cast %scan3A_385 : i32 to index
      %swap3A_412 = arith.constant 16 : index
      %swap3A_413 = tpu.vector_load %arg23[%swap3A_411, %swap3A_412] {strides = array<i32>} : memref<32x256xf32, #tpu.memory_space<vmem>>, vector<16xf32>,
      tpu.vector_store %arg23[%swap3A_411, %swap3A_412], %mul3A_410 {strides = array<i32>} : memref<32x256xf32, #tpu.memory_space<vmem>>, vector<16xf32>,
      %get3A_414 = arith.index_cast %scan3A_385 : i32 to index
      %get3A_415 = arith.constant 32 : index
      %get3A_416 = tpu.vector_load %arg23[%get3A_414, %get3A_415] {strides = array<i32>} : memref<32x256xf32, #tpu.memory_space<vmem>>, vector<16xf32>,
      %mul3A_417 = arith.mulf %get3A_416, %select_n3A_399 : vector<16xf32>
      %swap3A_418 = arith.index_cast %scan3A_385 : i32 to index
      %swap3A_419 = arith.constant 32 : index
      %swap3A_420 = tpu.vector_load %arg23[%swap3A_418, %swap3A_419] {strides = array<i32>} : memref<32x256xf32, #tpu.memory_space<vmem>>, vector<16xf32>,
      tpu.vector_store %arg23[%swap3A_418, %swap3A_419], %mul3A_417 {strides = array<i32>} : memref<32x256xf32, #tpu.memory_space<vmem>>, vector<16xf32>,
      %get3A_421 = arith.index_cast %scan3A_385 : i32 to index
      %get3A_422 = arith.constant 48 : index
      %get3A_423 = tpu.vector_load %arg23[%get3A_421, %get3A_422] {strides = array<i32>} : memref<32x256xf32, #tpu.memory_space<vmem>>, vector<16xf32>,
      %mul3A_424 = arith.mulf %get3A_423, %select_n3A_399 : vector<16xf32>
      %swap3A_425 = arith.index_cast %scan3A_385 : i32 to index
      %swap3A_426 = arith.constant 48 : index
      %swap3A_427 = tpu.vector_load %arg23[%swap3A_425, %swap3A_426] {strides = array<i32>} : memref<32x256xf32, #tpu.memory_space<vmem>>, vector<16xf32>,
      tpu.vector_store %arg23[%swap3A_425, %swap3A_426], %mul3A_424 {strides = array<i32>} : memref<32x256xf32, #tpu.memory_space<vmem>>, vector<16xf32>,
      %get3A_428 = arith.index_cast %scan3A_385 : i32 to index
      %get3A_429 = arith.constant 64 : index
      %get3A_430 = tpu.vector_load %arg23[%get3A_428, %get3A_429] {strides = array<i32>} : memref<32x256xf32, #tpu.memory_space<vmem>>, vector<16xf32>,
      %mul3A_431 = arith.mulf %get3A_430, %select_n3A_399 : vector<16xf32>
      %swap3A_432 = arith.index_cast %scan3A_385 : i32 to index
      %swap3A_433 = arith.constant 64 : index
      %swap3A_434 = tpu.vector_load %arg23[%swap3A_432, %swap3A_433] {strides = array<i32>} : memref<32x256xf32, #tpu.memory_space<vmem>>, vector<16xf32>,
      tpu.vector_store %arg23[%swap3A_432, %swap3A_433], %mul3A_431 {strides = array<i32>} : memref<32x256xf32, #tpu.memory_space<vmem>>, vector<16xf32>,
      %get3A_435 = arith.index_cast %scan3A_385 : i32 to index
      %get3A_436 = arith.constant 80 : index
      %get3A_437 = tpu.vector_load %arg23[%get3A_435, %get3A_436] {strides = array<i32>} : memref<32x256xf32, #tpu.memory_space<vmem>>, vector<16xf32>,
      %mul3A_438 = arith.mulf %get3A_437, %select_n3A_399 : vector<16xf32>
      %swap3A_439 = arith.index_cast %scan3A_385 : i32 to index
      %swap3A_440 = arith.constant 80 : index
      %swap3A_441 = tpu.vector_load %arg23[%swap3A_439, %swap3A_440] {strides = array<i32>} : memref<32x256xf32, #tpu.memory_space<vmem>>, vector<16xf32>,
      tpu.vector_store %arg23[%swap3A_439, %swap3A_440], %mul3A_438 {strides = array<i32>} : memref<32x256xf32, #tpu.memory_space<vmem>>, vector<16xf32>,
      %get3A_442 = arith.index_cast %scan3A_385 : i32 to index
      %get3A_443 = arith.constant 96 : index
      %get3A_444 = tpu.vector_load %arg23[%get3A_442, %get3A_443] {strides = array<i32>} : memref<32x256xf32, #tpu.memory_space<vmem>>, vector<16xf32>,
      %mul3A_445 = arith.mulf %get3A_444, %select_n3A_399 : vector<16xf32>
      %swap3A_446 = arith.index_cast %scan3A_385 : i32 to index
      %swap3A_447 = arith.constant 96 : index
      %swap3A_448 = tpu.vector_load %arg23[%swap3A_446, %swap3A_447] {strides = array<i32>} : memref<32x256xf32, #tpu.memory_space<vmem>>, vector<16xf32>,
      tpu.vector_store %arg23[%swap3A_446, %swap3A_447], %mul3A_445 {strides = array<i32>} : memref<32x256xf32, #tpu.memory_space<vmem>>, vector<16xf32>,
      %get3A_449 = arith.index_cast %scan3A_385 : i32 to index
      %get3A_450 = arith.constant 112 : index
      %get3A_451 = tpu.vector_load %arg23[%get3A_449, %get3A_450] {strides = array<i32>} : memref<32x256xf32, #tpu.memory_space<vmem>>, vector<16xf32>,
      %mul3A_452 = arith.mulf %get3A_451, %select_n3A_399 : vector<16xf32>
      %swap3A_453 = arith.index_cast %scan3A_385 : i32 to index
      %swap3A_454 = arith.constant 112 : index
      %swap3A_455 = tpu.vector_load %arg23[%swap3A_453, %swap3A_454] {strides = array<i32>} : memref<32x256xf32, #tpu.memory_space<vmem>>, vector<16xf32>,
      tpu.vector_store %arg23[%swap3A_453, %swap3A_454], %mul3A_452 {strides = array<i32>} : memref<32x256xf32, #tpu.memory_space<vmem>>, vector<16xf32>,
      %scan3A_456 = arith.constant 0 : i32
      scf.yield %scan3A_456 : i32
    }
    %scan3A_297 = arith.constant 32 : i32
    "tpu.region"() ({
      %run_scoped3A = tpu.sem_alloc : memref<!tpu.dma_semaphore, #tpu.memory_space<semaphore_mem>>
      %dma_start3A_385 = arith.constant 0 : i32
      %dma_start3A_386 = arith.constant 0 : i32
      %dma_start3A_387 = tpu.memref_slice %arg6[%dma_start3A_385, %dma_start3A_386] : memref<3088x256xf32, #tpu.memory_space<hbm>> -> memref<3088x256xf32, #tpu.memory_space<hbm>>
      tpu.enqueue_indirect_dma source(%arg23 : memref<32x256xf32, #tpu.memory_space<vmem>>) target(%dma_start3A_387 : memref<3088x256xf32, #tpu.memory_space<hbm>>) offsets(%arg21 : memref<32xi32, #tpu.memory_space<vmem>>) semaphore(%run_scoped3A : memref<!tpu.dma_semaphore, #tpu.memory_space<semaphore_mem>>)
      %dma_wait3A_388 = arith.constant 0 : i32
      %dma_wait3A_389 = arith.constant 0 : i32
      %dma_wait3A_390 = tpu.memref_slice %arg6[%dma_wait3A_388, %dma_wait3A_389] : memref<3088x256xf32, #tpu.memory_space<hbm>> -> memref<3088x256xf32, #tpu.memory_space<hbm>>
      tpu.wait_indirect_dma semaphore(%run_scoped3A : memref<!tpu.dma_semaphore, #tpu.memory_space<semaphore_mem>>) src(%arg23 : memref<32x256xf32, #tpu.memory_space<vmem>>) dst(%dma_wait3A_390 : memref<3088x256xf32, #tpu.memory_space<hbm>>)
      tpu.yield
    }) : () -> ()
    %get3A_298 = arith.constant 96 : index
    %get3A_299 = tpu.vector_load %arg13[%get3A_298] {strides = array<i32>} : memref<4224xi32, #tpu.memory_space<vmem>>, vector<16xi32>,
    %swap3A_300 = arith.constant 0 : index
    %swap3A_301 = tpu.vector_load %arg21[%swap3A_300] {strides = array<i32>} : memref<32xi32, #tpu.memory_space<vmem>>, vector<16xi32>,
    tpu.vector_store %arg21[%swap3A_300], %get3A_299 {strides = array<i32>} : memref<32xi32, #tpu.memory_space<vmem>>, vector<16xi32>,
    %get3A_302 = arith.constant 2144 : index
    %get3A_303 = tpu.vector_load %arg13[%get3A_302] {strides = array<i32>} : memref<4224xi32, #tpu.memory_space<vmem>>, vector<16xi32>,
    %swap3A_304 = arith.constant 0 : index
    %swap3A_305 = tpu.vector_load %arg22[%swap3A_304] {strides = array<i32>} : memref<32xi32, #tpu.memory_space<vmem>>, vector<16xi32>,
    tpu.vector_store %arg22[%swap3A_304], %get3A_303 {strides = array<i32>} : memref<32xi32, #tpu.memory_space<vmem>>, vector<16xi32>,
    %get3A_306 = arith.constant 112 : index
    %get3A_307 = tpu.vector_load %arg13[%get3A_306] {strides = array<i32>} : memref<4224xi32, #tpu.memory_space<vmem>>, vector<16xi32>,
    %swap3A_308 = arith.constant 16 : index
    %swap3A_309 = tpu.vector_load %arg21[%swap3A_308] {strides = array<i32>} : memref<32xi32, #tpu.memory_space<vmem>>, vector<16xi32>,
    tpu.vector_store %arg21[%swap3A_308], %get3A_307 {strides = array<i32>} : memref<32xi32, #tpu.memory_space<vmem>>, vector<16xi32>,
    %get3A_310 = arith.constant 2160 : index
    %get3A_311 = tpu.vector_load %arg13[%get3A_310] {strides = array<i32>} : memref<4224xi32, #tpu.memory_space<vmem>>, vector<16xi32>,
    %swap3A_312 = arith.constant 16 : index
    %swap3A_313 = tpu.vector_load %arg22[%swap3A_312] {strides = array<i32>} : memref<32xi32, #tpu.memory_space<vmem>>, vector<16xi32>,
    tpu.vector_store %arg22[%swap3A_312], %get3A_311 {strides = array<i32>} : memref<32xi32, #tpu.memory_space<vmem>>, vector<16xi32>,
    %dma_start3A_314 = arith.constant 0 : i32
    %dma_start3A_315 = arith.constant 0 : i32
    %dma_start3A_316 = tpu.memref_slice %arg7[%dma_start3A_314, %dma_start3A_315] : memref<6400x256xf32, #tpu.memory_space<hbm>> -> memref<6400x256xf32, #tpu.memory_space<hbm>>
    tpu.enqueue_indirect_dma source(%dma_start3A_316 : memref<6400x256xf32, #tpu.memory_space<hbm>>) target(%arg23 : memref<32x256xf32, #tpu.memory_space<vmem>>) offsets(%arg22 : memref<32xi32, #tpu.memory_space<vmem>>) semaphore(%arg25 : memref<!tpu.dma_semaphore, #tpu.memory_space<semaphore_mem>>)
    %dma_wait3A_317 = arith.constant 0 : i32
    %dma_wait3A_318 = arith.constant 0 : i32
    %dma_wait3A_319 = tpu.memref_slice %arg7[%dma_wait3A_317, %dma_wait3A_318] : memref<6400x256xf32, #tpu.memory_space<hbm>> -> memref<6400x256xf32, #tpu.memory_space<hbm>>
    tpu.wait_indirect_dma semaphore(%arg25 : memref<!tpu.dma_semaphore, #tpu.memory_space<semaphore_mem>>) src(%dma_wait3A_319 : memref<6400x256xf32, #tpu.memory_space<hbm>>) dst(%arg23 : memref<32x256xf32, #tpu.memory_space<vmem>>)
    %scan3A_320 = arith.constant 0 : i32
    %scan3A_321 = arith.constant 0 : i32
    %scan3A_322 = arith.constant 32 : i32
    %scan3A_323 = arith.addi %scan3A_321, %scan3A_322 : i32
    %scan3A_324 = arith.constant 1 : i32
    %scan3A_325 = scf.for %scan3A_385 = %scan3A_321 to %scan3A_323 step %scan3A_324 iter_args(%scan3A_386 = %scan3A_320) -> (i32)  : i32 {
      %get3A_387 = arith.index_cast %scan3A_385 : i32 to index
      %get3A_388 = arith.constant 128 : index
      %get3A_389 = tpu.vector_load %arg23[%get3A_387, %get3A_388] {strides = array<i32>} : memref<32x256xf32, #tpu.memory_space<vmem>>, vector<16xf32>,
      %slice3A = vector.extract_strided_slice %get3A_389 {offsets = [0], sizes = [1], strides = [1]} : vector<16xf32> to vector<1xf32>
      %squeeze3A = vector.extract %slice3A[0] : f32 from vector<1xf32>
      %mul3A_390 = vector.broadcast %squeeze3A : f32 to vector<16xf32>
      %mul3A_391 = arith.mulf %broadcast_in_dim3A_23, %mul3A_390 : vector<16xf32>
      %eq3A_392 = arith.constant 0.000000e+00 : f32
      %eq3A_393 = vector.broadcast %eq3A_392 : f32 to vector<16xf32>
      %eq3A_394 = arith.cmpf oeq, %mul3A_391, %eq3A_393 : vector<16xf32>
      %div3A = arith.constant 1.000000e+00 : f32
      %div3A_395 = vector.broadcast %div3A : f32 to vector<16xf32>
      %div3A_396 = arith.divf %div3A_395, %mul3A_391 : vector<16xf32>
      %jit3A_397 = arith.constant 0.000000e+00 : f32
      %broadcast_in_dim3A_398 = vector.broadcast %jit3A_397 : f32 to vector<16xf32>
      %select_n3A_399 = arith.select %eq3A_394, %broadcast_in_dim3A_398, %div3A_396 : vector<16xi1>, vector<16xf32>
      %get3A_400 = arith.index_cast %scan3A_385 : i32 to index
      %get3A_401 = arith.constant 0 : index
      %get3A_402 = tpu.vector_load %arg23[%get3A_400, %get3A_401] {strides = array<i32>} : memref<32x256xf32, #tpu.memory_space<vmem>>, vector<16xf32>,
      %mul3A_403 = arith.mulf %get3A_402, %select_n3A_399 : vector<16xf32>
      %swap3A_404 = arith.index_cast %scan3A_385 : i32 to index
      %swap3A_405 = arith.constant 0 : index
      %swap3A_406 = tpu.vector_load %arg23[%swap3A_404, %swap3A_405] {strides = array<i32>} : memref<32x256xf32, #tpu.memory_space<vmem>>, vector<16xf32>,
      tpu.vector_store %arg23[%swap3A_404, %swap3A_405], %mul3A_403 {strides = array<i32>} : memref<32x256xf32, #tpu.memory_space<vmem>>, vector<16xf32>,
      %get3A_407 = arith.index_cast %scan3A_385 : i32 to index
      %get3A_408 = arith.constant 16 : index
      %get3A_409 = tpu.vector_load %arg23[%get3A_407, %get3A_408] {strides = array<i32>} : memref<32x256xf32, #tpu.memory_space<vmem>>, vector<16xf32>,
      %mul3A_410 = arith.mulf %get3A_409, %select_n3A_399 : vector<16xf32>
      %swap3A_411 = arith.index_cast %scan3A_385 : i32 to index
      %swap3A_412 = arith.constant 16 : index
      %swap3A_413 = tpu.vector_load %arg23[%swap3A_411, %swap3A_412] {strides = array<i32>} : memref<32x256xf32, #tpu.memory_space<vmem>>, vector<16xf32>,
      tpu.vector_store %arg23[%swap3A_411, %swap3A_412], %mul3A_410 {strides = array<i32>} : memref<32x256xf32, #tpu.memory_space<vmem>>, vector<16xf32>,
      %get3A_414 = arith.index_cast %scan3A_385 : i32 to index
      %get3A_415 = arith.constant 32 : index
      %get3A_416 = tpu.vector_load %arg23[%get3A_414, %get3A_415] {strides = array<i32>} : memref<32x256xf32, #tpu.memory_space<vmem>>, vector<16xf32>,
      %mul3A_417 = arith.mulf %get3A_416, %select_n3A_399 : vector<16xf32>
      %swap3A_418 = arith.index_cast %scan3A_385 : i32 to index
      %swap3A_419 = arith.constant 32 : index
      %swap3A_420 = tpu.vector_load %arg23[%swap3A_418, %swap3A_419] {strides = array<i32>} : memref<32x256xf32, #tpu.memory_space<vmem>>, vector<16xf32>,
      tpu.vector_store %arg23[%swap3A_418, %swap3A_419], %mul3A_417 {strides = array<i32>} : memref<32x256xf32, #tpu.memory_space<vmem>>, vector<16xf32>,
      %get3A_421 = arith.index_cast %scan3A_385 : i32 to index
      %get3A_422 = arith.constant 48 : index
      %get3A_423 = tpu.vector_load %arg23[%get3A_421, %get3A_422] {strides = array<i32>} : memref<32x256xf32, #tpu.memory_space<vmem>>, vector<16xf32>,
      %mul3A_424 = arith.mulf %get3A_423, %select_n3A_399 : vector<16xf32>
      %swap3A_425 = arith.index_cast %scan3A_385 : i32 to index
      %swap3A_426 = arith.constant 48 : index
      %swap3A_427 = tpu.vector_load %arg23[%swap3A_425, %swap3A_426] {strides = array<i32>} : memref<32x256xf32, #tpu.memory_space<vmem>>, vector<16xf32>,
      tpu.vector_store %arg23[%swap3A_425, %swap3A_426], %mul3A_424 {strides = array<i32>} : memref<32x256xf32, #tpu.memory_space<vmem>>, vector<16xf32>,
      %get3A_428 = arith.index_cast %scan3A_385 : i32 to index
      %get3A_429 = arith.constant 64 : index
      %get3A_430 = tpu.vector_load %arg23[%get3A_428, %get3A_429] {strides = array<i32>} : memref<32x256xf32, #tpu.memory_space<vmem>>, vector<16xf32>,
      %mul3A_431 = arith.mulf %get3A_430, %select_n3A_399 : vector<16xf32>
      %swap3A_432 = arith.index_cast %scan3A_385 : i32 to index
      %swap3A_433 = arith.constant 64 : index
      %swap3A_434 = tpu.vector_load %arg23[%swap3A_432, %swap3A_433] {strides = array<i32>} : memref<32x256xf32, #tpu.memory_space<vmem>>, vector<16xf32>,
      tpu.vector_store %arg23[%swap3A_432, %swap3A_433], %mul3A_431 {strides = array<i32>} : memref<32x256xf32, #tpu.memory_space<vmem>>, vector<16xf32>,
      %get3A_435 = arith.index_cast %scan3A_385 : i32 to index
      %get3A_436 = arith.constant 80 : index
      %get3A_437 = tpu.vector_load %arg23[%get3A_435, %get3A_436] {strides = array<i32>} : memref<32x256xf32, #tpu.memory_space<vmem>>, vector<16xf32>,
      %mul3A_438 = arith.mulf %get3A_437, %select_n3A_399 : vector<16xf32>
      %swap3A_439 = arith.index_cast %scan3A_385 : i32 to index
      %swap3A_440 = arith.constant 80 : index
      %swap3A_441 = tpu.vector_load %arg23[%swap3A_439, %swap3A_440] {strides = array<i32>} : memref<32x256xf32, #tpu.memory_space<vmem>>, vector<16xf32>,
      tpu.vector_store %arg23[%swap3A_439, %swap3A_440], %mul3A_438 {strides = array<i32>} : memref<32x256xf32, #tpu.memory_space<vmem>>, vector<16xf32>,
      %get3A_442 = arith.index_cast %scan3A_385 : i32 to index
      %get3A_443 = arith.constant 96 : index
      %get3A_444 = tpu.vector_load %arg23[%get3A_442, %get3A_443] {strides = array<i32>} : memref<32x256xf32, #tpu.memory_space<vmem>>, vector<16xf32>,
      %mul3A_445 = arith.mulf %get3A_444, %select_n3A_399 : vector<16xf32>
      %swap3A_446 = arith.index_cast %scan3A_385 : i32 to index
      %swap3A_447 = arith.constant 96 : index
      %swap3A_448 = tpu.vector_load %arg23[%swap3A_446, %swap3A_447] {strides = array<i32>} : memref<32x256xf32, #tpu.memory_space<vmem>>, vector<16xf32>,
      tpu.vector_store %arg23[%swap3A_446, %swap3A_447], %mul3A_445 {strides = array<i32>} : memref<32x256xf32, #tpu.memory_space<vmem>>, vector<16xf32>,
      %get3A_449 = arith.index_cast %scan3A_385 : i32 to index
      %get3A_450 = arith.constant 112 : index
      %get3A_451 = tpu.vector_load %arg23[%get3A_449, %get3A_450] {strides = array<i32>} : memref<32x256xf32, #tpu.memory_space<vmem>>, vector<16xf32>,
      %mul3A_452 = arith.mulf %get3A_451, %select_n3A_399 : vector<16xf32>
      %swap3A_453 = arith.index_cast %scan3A_385 : i32 to index
      %swap3A_454 = arith.constant 112 : index
      %swap3A_455 = tpu.vector_load %arg23[%swap3A_453, %swap3A_454] {strides = array<i32>} : memref<32x256xf32, #tpu.memory_space<vmem>>, vector<16xf32>,
      tpu.vector_store %arg23[%swap3A_453, %swap3A_454], %mul3A_452 {strides = array<i32>} : memref<32x256xf32, #tpu.memory_space<vmem>>, vector<16xf32>,
      %scan3A_456 = arith.constant 0 : i32
      scf.yield %scan3A_456 : i32
    }
    %scan3A_326 = arith.constant 32 : i32
    "tpu.region"() ({
      %run_scoped3A = tpu.sem_alloc : memref<!tpu.dma_semaphore, #tpu.memory_space<semaphore_mem>>
      %dma_start3A_385 = arith.constant 0 : i32
      %dma_start3A_386 = arith.constant 0 : i32
      %dma_start3A_387 = tpu.memref_slice %arg6[%dma_start3A_385, %dma_start3A_386] : memref<3088x256xf32, #tpu.memory_space<hbm>> -> memref<3088x256xf32, #tpu.memory_space<hbm>>
      tpu.enqueue_indirect_dma source(%arg23 : memref<32x256xf32, #tpu.memory_space<vmem>>) target(%dma_start3A_387 : memref<3088x256xf32, #tpu.memory_space<hbm>>) offsets(%arg21 : memref<32xi32, #tpu.memory_space<vmem>>) semaphore(%run_scoped3A : memref<!tpu.dma_semaphore, #tpu.memory_space<semaphore_mem>>)
      %dma_wait3A_388 = arith.constant 0 : i32
      %dma_wait3A_389 = arith.constant 0 : i32
      %dma_wait3A_390 = tpu.memref_slice %arg6[%dma_wait3A_388, %dma_wait3A_389] : memref<3088x256xf32, #tpu.memory_space<hbm>> -> memref<3088x256xf32, #tpu.memory_space<hbm>>
      tpu.wait_indirect_dma semaphore(%run_scoped3A : memref<!tpu.dma_semaphore, #tpu.memory_space<semaphore_mem>>) src(%arg23 : memref<32x256xf32, #tpu.memory_space<vmem>>) dst(%dma_wait3A_390 : memref<3088x256xf32, #tpu.memory_space<hbm>>)
      tpu.yield
    }) : () -> ()
    %get3A_327 = arith.constant 128 : index
    %get3A_328 = tpu.vector_load %arg13[%get3A_327] {strides = array<i32>} : memref<4224xi32, #tpu.memory_space<vmem>>, vector<16xi32>,
    %swap3A_329 = arith.constant 0 : index
    %swap3A_330 = tpu.vector_load %arg21[%swap3A_329] {strides = array<i32>} : memref<32xi32, #tpu.memory_space<vmem>>, vector<16xi32>,
    tpu.vector_store %arg21[%swap3A_329], %get3A_328 {strides = array<i32>} : memref<32xi32, #tpu.memory_space<vmem>>, vector<16xi32>,
    %get3A_331 = arith.constant 2176 : index
    %get3A_332 = tpu.vector_load %arg13[%get3A_331] {strides = array<i32>} : memref<4224xi32, #tpu.memory_space<vmem>>, vector<16xi32>,
    %swap3A_333 = arith.constant 0 : index
    %swap3A_334 = tpu.vector_load %arg22[%swap3A_333] {strides = array<i32>} : memref<32xi32, #tpu.memory_space<vmem>>, vector<16xi32>,
    tpu.vector_store %arg22[%swap3A_333], %get3A_332 {strides = array<i32>} : memref<32xi32, #tpu.memory_space<vmem>>, vector<16xi32>,
    %get3A_335 = arith.constant 144 : index
    %get3A_336 = tpu.vector_load %arg13[%get3A_335] {strides = array<i32>} : memref<4224xi32, #tpu.memory_space<vmem>>, vector<16xi32>,
    %swap3A_337 = arith.constant 16 : index
    %swap3A_338 = tpu.vector_load %arg21[%swap3A_337] {strides = array<i32>} : memref<32xi32, #tpu.memory_space<vmem>>, vector<16xi32>,
    tpu.vector_store %arg21[%swap3A_337], %get3A_336 {strides = array<i32>} : memref<32xi32, #tpu.memory_space<vmem>>, vector<16xi32>,
    %get3A_339 = arith.constant 2192 : index
    %get3A_340 = tpu.vector_load %arg13[%get3A_339] {strides = array<i32>} : memref<4224xi32, #tpu.memory_space<vmem>>, vector<16xi32>,
    %swap3A_341 = arith.constant 16 : index
    %swap3A_342 = tpu.vector_load %arg22[%swap3A_341] {strides = array<i32>} : memref<32xi32, #tpu.memory_space<vmem>>, vector<16xi32>,
    tpu.vector_store %arg22[%swap3A_341], %get3A_340 {strides = array<i32>} : memref<32xi32, #tpu.memory_space<vmem>>, vector<16xi32>,
    %dma_start3A_343 = arith.constant 0 : i32
    %dma_start3A_344 = arith.constant 0 : i32
    %dma_start3A_345 = tpu.memref_slice %arg7[%dma_start3A_343, %dma_start3A_344] : memref<6400x256xf32, #tpu.memory_space<hbm>> -> memref<6400x256xf32, #tpu.memory_space<hbm>>
    tpu.enqueue_indirect_dma source(%dma_start3A_345 : memref<6400x256xf32, #tpu.memory_space<hbm>>) target(%arg23 : memref<32x256xf32, #tpu.memory_space<vmem>>) offsets(%arg22 : memref<32xi32, #tpu.memory_space<vmem>>) semaphore(%arg25 : memref<!tpu.dma_semaphore, #tpu.memory_space<semaphore_mem>>)
    %dma_wait3A_346 = arith.constant 0 : i32
    %dma_wait3A_347 = arith.constant 0 : i32
    %dma_wait3A_348 = tpu.memref_slice %arg7[%dma_wait3A_346, %dma_wait3A_347] : memref<6400x256xf32, #tpu.memory_space<hbm>> -> memref<6400x256xf32, #tpu.memory_space<hbm>>
    tpu.wait_indirect_dma semaphore(%arg25 : memref<!tpu.dma_semaphore, #tpu.memory_space<semaphore_mem>>) src(%dma_wait3A_348 : memref<6400x256xf32, #tpu.memory_space<hbm>>) dst(%arg23 : memref<32x256xf32, #tpu.memory_space<vmem>>)
    %scan3A_349 = arith.constant 0 : i32
    %scan3A_350 = arith.constant 0 : i32
    %scan3A_351 = arith.constant 32 : i32
    %scan3A_352 = arith.addi %scan3A_350, %scan3A_351 : i32
    %scan3A_353 = arith.constant 1 : i32
    %scan3A_354 = scf.for %scan3A_385 = %scan3A_350 to %scan3A_352 step %scan3A_353 iter_args(%scan3A_386 = %scan3A_349) -> (i32)  : i32 {
      %get3A_387 = arith.index_cast %scan3A_385 : i32 to index
      %get3A_388 = arith.constant 128 : index
      %get3A_389 = tpu.vector_load %arg23[%get3A_387, %get3A_388] {strides = array<i32>} : memref<32x256xf32, #tpu.memory_space<vmem>>, vector<16xf32>,
      %slice3A = vector.extract_strided_slice %get3A_389 {offsets = [0], sizes = [1], strides = [1]} : vector<16xf32> to vector<1xf32>
      %squeeze3A = vector.extract %slice3A[0] : f32 from vector<1xf32>
      %mul3A_390 = vector.broadcast %squeeze3A : f32 to vector<16xf32>
      %mul3A_391 = arith.mulf %broadcast_in_dim3A_23, %mul3A_390 : vector<16xf32>
      %eq3A_392 = arith.constant 0.000000e+00 : f32
      %eq3A_393 = vector.broadcast %eq3A_392 : f32 to vector<16xf32>
      %eq3A_394 = arith.cmpf oeq, %mul3A_391, %eq3A_393 : vector<16xf32>
      %div3A = arith.constant 1.000000e+00 : f32
      %div3A_395 = vector.broadcast %div3A : f32 to vector<16xf32>
      %div3A_396 = arith.divf %div3A_395, %mul3A_391 : vector<16xf32>
      %jit3A_397 = arith.constant 0.000000e+00 : f32
      %broadcast_in_dim3A_398 = vector.broadcast %jit3A_397 : f32 to vector<16xf32>
      %select_n3A_399 = arith.select %eq3A_394, %broadcast_in_dim3A_398, %div3A_396 : vector<16xi1>, vector<16xf32>
      %get3A_400 = arith.index_cast %scan3A_385 : i32 to index
      %get3A_401 = arith.constant 0 : index
      %get3A_402 = tpu.vector_load %arg23[%get3A_400, %get3A_401] {strides = array<i32>} : memref<32x256xf32, #tpu.memory_space<vmem>>, vector<16xf32>,
      %mul3A_403 = arith.mulf %get3A_402, %select_n3A_399 : vector<16xf32>
      %swap3A_404 = arith.index_cast %scan3A_385 : i32 to index
      %swap3A_405 = arith.constant 0 : index
      %swap3A_406 = tpu.vector_load %arg23[%swap3A_404, %swap3A_405] {strides = array<i32>} : memref<32x256xf32, #tpu.memory_space<vmem>>, vector<16xf32>,
      tpu.vector_store %arg23[%swap3A_404, %swap3A_405], %mul3A_403 {strides = array<i32>} : memref<32x256xf32, #tpu.memory_space<vmem>>, vector<16xf32>,
      %get3A_407 = arith.index_cast %scan3A_385 : i32 to index
      %get3A_408 = arith.constant 16 : index
      %get3A_409 = tpu.vector_load %arg23[%get3A_407, %get3A_408] {strides = array<i32>} : memref<32x256xf32, #tpu.memory_space<vmem>>, vector<16xf32>,
      %mul3A_410 = arith.mulf %get3A_409, %select_n3A_399 : vector<16xf32>
      %swap3A_411 = arith.index_cast %scan3A_385 : i32 to index
      %swap3A_412 = arith.constant 16 : index
      %swap3A_413 = tpu.vector_load %arg23[%swap3A_411, %swap3A_412] {strides = array<i32>} : memref<32x256xf32, #tpu.memory_space<vmem>>, vector<16xf32>,
      tpu.vector_store %arg23[%swap3A_411, %swap3A_412], %mul3A_410 {strides = array<i32>} : memref<32x256xf32, #tpu.memory_space<vmem>>, vector<16xf32>,
      %get3A_414 = arith.index_cast %scan3A_385 : i32 to index
      %get3A_415 = arith.constant 32 : index
      %get3A_416 = tpu.vector_load %arg23[%get3A_414, %get3A_415] {strides = array<i32>} : memref<32x256xf32, #tpu.memory_space<vmem>>, vector<16xf32>,
      %mul3A_417 = arith.mulf %get3A_416, %select_n3A_399 : vector<16xf32>
      %swap3A_418 = arith.index_cast %scan3A_385 : i32 to index
      %swap3A_419 = arith.constant 32 : index
      %swap3A_420 = tpu.vector_load %arg23[%swap3A_418, %swap3A_419] {strides = array<i32>} : memref<32x256xf32, #tpu.memory_space<vmem>>, vector<16xf32>,
      tpu.vector_store %arg23[%swap3A_418, %swap3A_419], %mul3A_417 {strides = array<i32>} : memref<32x256xf32, #tpu.memory_space<vmem>>, vector<16xf32>,
      %get3A_421 = arith.index_cast %scan3A_385 : i32 to index
      %get3A_422 = arith.constant 48 : index
      %get3A_423 = tpu.vector_load %arg23[%get3A_421, %get3A_422] {strides = array<i32>} : memref<32x256xf32, #tpu.memory_space<vmem>>, vector<16xf32>,
      %mul3A_424 = arith.mulf %get3A_423, %select_n3A_399 : vector<16xf32>
      %swap3A_425 = arith.index_cast %scan3A_385 : i32 to index
      %swap3A_426 = arith.constant 48 : index
      %swap3A_427 = tpu.vector_load %arg23[%swap3A_425, %swap3A_426] {strides = array<i32>} : memref<32x256xf32, #tpu.memory_space<vmem>>, vector<16xf32>,
      tpu.vector_store %arg23[%swap3A_425, %swap3A_426], %mul3A_424 {strides = array<i32>} : memref<32x256xf32, #tpu.memory_space<vmem>>, vector<16xf32>,
      %get3A_428 = arith.index_cast %scan3A_385 : i32 to index
      %get3A_429 = arith.constant 64 : index
      %get3A_430 = tpu.vector_load %arg23[%get3A_428, %get3A_429] {strides = array<i32>} : memref<32x256xf32, #tpu.memory_space<vmem>>, vector<16xf32>,
      %mul3A_431 = arith.mulf %get3A_430, %select_n3A_399 : vector<16xf32>
      %swap3A_432 = arith.index_cast %scan3A_385 : i32 to index
      %swap3A_433 = arith.constant 64 : index
      %swap3A_434 = tpu.vector_load %arg23[%swap3A_432, %swap3A_433] {strides = array<i32>} : memref<32x256xf32, #tpu.memory_space<vmem>>, vector<16xf32>,
      tpu.vector_store %arg23[%swap3A_432, %swap3A_433], %mul3A_431 {strides = array<i32>} : memref<32x256xf32, #tpu.memory_space<vmem>>, vector<16xf32>,
      %get3A_435 = arith.index_cast %scan3A_385 : i32 to index
      %get3A_436 = arith.constant 80 : index
      %get3A_437 = tpu.vector_load %arg23[%get3A_435, %get3A_436] {strides = array<i32>} : memref<32x256xf32, #tpu.memory_space<vmem>>, vector<16xf32>,
      %mul3A_438 = arith.mulf %get3A_437, %select_n3A_399 : vector<16xf32>
      %swap3A_439 = arith.index_cast %scan3A_385 : i32 to index
      %swap3A_440 = arith.constant 80 : index
      %swap3A_441 = tpu.vector_load %arg23[%swap3A_439, %swap3A_440] {strides = array<i32>} : memref<32x256xf32, #tpu.memory_space<vmem>>, vector<16xf32>,
      tpu.vector_store %arg23[%swap3A_439, %swap3A_440], %mul3A_438 {strides = array<i32>} : memref<32x256xf32, #tpu.memory_space<vmem>>, vector<16xf32>,
      %get3A_442 = arith.index_cast %scan3A_385 : i32 to index
      %get3A_443 = arith.constant 96 : index
      %get3A_444 = tpu.vector_load %arg23[%get3A_442, %get3A_443] {strides = array<i32>} : memref<32x256xf32, #tpu.memory_space<vmem>>, vector<16xf32>,
      %mul3A_445 = arith.mulf %get3A_444, %select_n3A_399 : vector<16xf32>
      %swap3A_446 = arith.index_cast %scan3A_385 : i32 to index
      %swap3A_447 = arith.constant 96 : index
      %swap3A_448 = tpu.vector_load %arg23[%swap3A_446, %swap3A_447] {strides = array<i32>} : memref<32x256xf32, #tpu.memory_space<vmem>>, vector<16xf32>,
      tpu.vector_store %arg23[%swap3A_446, %swap3A_447], %mul3A_445 {strides = array<i32>} : memref<32x256xf32, #tpu.memory_space<vmem>>, vector<16xf32>,
      %get3A_449 = arith.index_cast %scan3A_385 : i32 to index
      %get3A_450 = arith.constant 112 : index
      %get3A_451 = tpu.vector_load %arg23[%get3A_449, %get3A_450] {strides = array<i32>} : memref<32x256xf32, #tpu.memory_space<vmem>>, vector<16xf32>,
      %mul3A_452 = arith.mulf %get3A_451, %select_n3A_399 : vector<16xf32>
      %swap3A_453 = arith.index_cast %scan3A_385 : i32 to index
      %swap3A_454 = arith.constant 112 : index
      %swap3A_455 = tpu.vector_load %arg23[%swap3A_453, %swap3A_454] {strides = array<i32>} : memref<32x256xf32, #tpu.memory_space<vmem>>, vector<16xf32>,
      tpu.vector_store %arg23[%swap3A_453, %swap3A_454], %mul3A_452 {strides = array<i32>} : memref<32x256xf32, #tpu.memory_space<vmem>>, vector<16xf32>,
      %scan3A_456 = arith.constant 0 : i32
      scf.yield %scan3A_456 : i32
    }
    %scan3A_355 = arith.constant 32 : i32
    "tpu.region"() ({
      %run_scoped3A = tpu.sem_alloc : memref<!tpu.dma_semaphore, #tpu.memory_space<semaphore_mem>>
      %dma_start3A_385 = arith.constant 0 : i32
      %dma_start3A_386 = arith.constant 0 : i32
      %dma_start3A_387 = tpu.memref_slice %arg6[%dma_start3A_385, %dma_start3A_386] : memref<3088x256xf32, #tpu.memory_space<hbm>> -> memref<3088x256xf32, #tpu.memory_space<hbm>>
      tpu.enqueue_indirect_dma source(%arg23 : memref<32x256xf32, #tpu.memory_space<vmem>>) target(%dma_start3A_387 : memref<3088x256xf32, #tpu.memory_space<hbm>>) offsets(%arg21 : memref<32xi32, #tpu.memory_space<vmem>>) semaphore(%run_scoped3A : memref<!tpu.dma_semaphore, #tpu.memory_space<semaphore_mem>>)
      %dma_wait3A_388 = arith.constant 0 : i32
      %dma_wait3A_389 = arith.constant 0 : i32
      %dma_wait3A_390 = tpu.memref_slice %arg6[%dma_wait3A_388, %dma_wait3A_389] : memref<3088x256xf32, #tpu.memory_space<hbm>> -> memref<3088x256xf32, #tpu.memory_space<hbm>>
      tpu.wait_indirect_dma semaphore(%run_scoped3A : memref<!tpu.dma_semaphore, #tpu.memory_space<semaphore_mem>>) src(%arg23 : memref<32x256xf32, #tpu.memory_space<vmem>>) dst(%dma_wait3A_390 : memref<3088x256xf32, #tpu.memory_space<hbm>>)
      tpu.yield
    }) : () -> ()
    %get3A_356 = arith.constant 160 : index
    %get3A_357 = tpu.vector_load %arg13[%get3A_356] {strides = array<i32>} : memref<4224xi32, #tpu.memory_space<vmem>>, vector<16xi32>,
    %swap3A_358 = arith.constant 0 : index
    %swap3A_359 = tpu.vector_load %arg21[%swap3A_358] {strides = array<i32>} : memref<32xi32, #tpu.memory_space<vmem>>, vector<16xi32>,
    tpu.vector_store %arg21[%swap3A_358], %get3A_357 {strides = array<i32>} : memref<32xi32, #tpu.memory_space<vmem>>, vector<16xi32>,
    %get3A_360 = arith.constant 2208 : index
    %get3A_361 = tpu.vector_load %arg13[%get3A_360] {strides = array<i32>} : memref<4224xi32, #tpu.memory_space<vmem>>, vector<16xi32>,
    %swap3A_362 = arith.constant 0 : index
    %swap3A_363 = tpu.vector_load %arg22[%swap3A_362] {strides = array<i32>} : memref<32xi32, #tpu.memory_space<vmem>>, vector<16xi32>,
    tpu.vector_store %arg22[%swap3A_362], %get3A_361 {strides = array<i32>} : memref<32xi32, #tpu.memory_space<vmem>>, vector<16xi32>,
    %get3A_364 = arith.constant 176 : index
    %get3A_365 = tpu.vector_load %arg13[%get3A_364] {strides = array<i32>} : memref<4224xi32, #tpu.memory_space<vmem>>, vector<16xi32>,
    %swap3A_366 = arith.constant 16 : index
    %swap3A_367 = tpu.vector_load %arg21[%swap3A_366] {strides = array<i32>} : memref<32xi32, #tpu.memory_space<vmem>>, vector<16xi32>,
    tpu.vector_store %arg21[%swap3A_366], %get3A_365 {strides = array<i32>} : memref<32xi32, #tpu.memory_space<vmem>>, vector<16xi32>,
    %get3A_368 = arith.constant 2224 : index
    %get3A_369 = tpu.vector_load %arg13[%get3A_368] {strides = array<i32>} : memref<4224xi32, #tpu.memory_space<vmem>>, vector<16xi32>,
    %swap3A_370 = arith.constant 16 : index
    %swap3A_371 = tpu.vector_load %arg22[%swap3A_370] {strides = array<i32>} : memref<32xi32, #tpu.memory_space<vmem>>, vector<16xi32>,
    tpu.vector_store %arg22[%swap3A_370], %get3A_369 {strides = array<i32>} : memref<32xi32, #tpu.memory_space<vmem>>, vector<16xi32>,
    %dma_start3A_372 = arith.constant 0 : i32
    %dma_start3A_373 = arith.constant 0 : i32
    %dma_start3A_374 = tpu.memref_slice %arg7[%dma_start3A_372, %dma_start3A_373] : memref<6400x256xf32, #tpu.memory_space<hbm>> -> memref<6400x256xf32, #tpu.memory_space<hbm>>
    tpu.enqueue_indirect_dma source(%dma_start3A_374 : memref<6400x256xf32, #tpu.memory_space<hbm>>) target(%arg23 : memref<32x256xf32, #tpu.memory_space<vmem>>) offsets(%arg22 : memref<32xi32, #tpu.memory_space<vmem>>) semaphore(%arg25 : memref<!tpu.dma_semaphore, #tpu.memory_space<semaphore_mem>>)
    %dma_wait3A_375 = arith.constant 0 : i32
    %dma_wait3A_376 = arith.constant 0 : i32
    %dma_wait3A_377 = tpu.memref_slice %arg7[%dma_wait3A_375, %dma_wait3A_376] : memref<6400x256xf32, #tpu.memory_space<hbm>> -> memref<6400x256xf32, #tpu.memory_space<hbm>>
    tpu.wait_indirect_dma semaphore(%arg25 : memref<!tpu.dma_semaphore, #tpu.memory_space<semaphore_mem>>) src(%dma_wait3A_377 : memref<6400x256xf32, #tpu.memory_space<hbm>>) dst(%arg23 : memref<32x256xf32, #tpu.memory_space<vmem>>)
    %scan3A_378 = arith.constant 0 : i32
    %scan3A_379 = arith.constant 0 : i32
    %scan3A_380 = arith.constant 32 : i32
    %scan3A_381 = arith.addi %scan3A_379, %scan3A_380 : i32
    %scan3A_382 = arith.constant 1 : i32
    %scan3A_383 = scf.for %scan3A_385 = %scan3A_379 to %scan3A_381 step %scan3A_382 iter_args(%scan3A_386 = %scan3A_378) -> (i32)  : i32 {
      %get3A_387 = arith.index_cast %scan3A_385 : i32 to index
      %get3A_388 = arith.constant 128 : index
      %get3A_389 = tpu.vector_load %arg23[%get3A_387, %get3A_388] {strides = array<i32>} : memref<32x256xf32, #tpu.memory_space<vmem>>, vector<16xf32>,
      %slice3A = vector.extract_strided_slice %get3A_389 {offsets = [0], sizes = [1], strides = [1]} : vector<16xf32> to vector<1xf32>
      %squeeze3A = vector.extract %slice3A[0] : f32 from vector<1xf32>
      %mul3A_390 = vector.broadcast %squeeze3A : f32 to vector<16xf32>
      %mul3A_391 = arith.mulf %broadcast_in_dim3A_23, %mul3A_390 : vector<16xf32>
      %eq3A_392 = arith.constant 0.000000e+00 : f32
      %eq3A_393 = vector.broadcast %eq3A_392 : f32 to vector<16xf32>
      %eq3A_394 = arith.cmpf oeq, %mul3A_391, %eq3A_393 : vector<16xf32>
      %div3A = arith.constant 1.000000e+00 : f32
      %div3A_395 = vector.broadcast %div3A : f32 to vector<16xf32>
      %div3A_396 = arith.divf %div3A_395, %mul3A_391 : vector<16xf32>
      %jit3A_397 = arith.constant 0.000000e+00 : f32
      %broadcast_in_dim3A_398 = vector.broadcast %jit3A_397 : f32 to vector<16xf32>
      %select_n3A_399 = arith.select %eq3A_394, %broadcast_in_dim3A_398, %div3A_396 : vector<16xi1>, vector<16xf32>
      %get3A_400 = arith.index_cast %scan3A_385 : i32 to index
      %get3A_401 = arith.constant 0 : index
      %get3A_402 = tpu.vector_load %arg23[%get3A_400, %get3A_401] {strides = array<i32>} : memref<32x256xf32, #tpu.memory_space<vmem>>, vector<16xf32>,
      %mul3A_403 = arith.mulf %get3A_402, %select_n3A_399 : vector<16xf32>
      %swap3A_404 = arith.index_cast %scan3A_385 : i32 to index
      %swap3A_405 = arith.constant 0 : index
      %swap3A_406 = tpu.vector_load %arg23[%swap3A_404, %swap3A_405] {strides = array<i32>} : memref<32x256xf32, #tpu.memory_space<vmem>>, vector<16xf32>,
      tpu.vector_store %arg23[%swap3A_404, %swap3A_405], %mul3A_403 {strides = array<i32>} : memref<32x256xf32, #tpu.memory_space<vmem>>, vector<16xf32>,
      %get3A_407 = arith.index_cast %scan3A_385 : i32 to index
      %get3A_408 = arith.constant 16 : index
      %get3A_409 = tpu.vector_load %arg23[%get3A_407, %get3A_408] {strides = array<i32>} : memref<32x256xf32, #tpu.memory_space<vmem>>, vector<16xf32>,
      %mul3A_410 = arith.mulf %get3A_409, %select_n3A_399 : vector<16xf32>
      %swap3A_411 = arith.index_cast %scan3A_385 : i32 to index
      %swap3A_412 = arith.constant 16 : index
      %swap3A_413 = tpu.vector_load %arg23[%swap3A_411, %swap3A_412] {strides = array<i32>} : memref<32x256xf32, #tpu.memory_space<vmem>>, vector<16xf32>,
      tpu.vector_store %arg23[%swap3A_411, %swap3A_412], %mul3A_410 {strides = array<i32>} : memref<32x256xf32, #tpu.memory_space<vmem>>, vector<16xf32>,
      %get3A_414 = arith.index_cast %scan3A_385 : i32 to index
      %get3A_415 = arith.constant 32 : index
      %get3A_416 = tpu.vector_load %arg23[%get3A_414, %get3A_415] {strides = array<i32>} : memref<32x256xf32, #tpu.memory_space<vmem>>, vector<16xf32>,
      %mul3A_417 = arith.mulf %get3A_416, %select_n3A_399 : vector<16xf32>
      %swap3A_418 = arith.index_cast %scan3A_385 : i32 to index
      %swap3A_419 = arith.constant 32 : index
      %swap3A_420 = tpu.vector_load %arg23[%swap3A_418, %swap3A_419] {strides = array<i32>} : memref<32x256xf32, #tpu.memory_space<vmem>>, vector<16xf32>,
      tpu.vector_store %arg23[%swap3A_418, %swap3A_419], %mul3A_417 {strides = array<i32>} : memref<32x256xf32, #tpu.memory_space<vmem>>, vector<16xf32>,
      %get3A_421 = arith.index_cast %scan3A_385 : i32 to index
      %get3A_422 = arith.constant 48 : index
      %get3A_423 = tpu.vector_load %arg23[%get3A_421, %get3A_422] {strides = array<i32>} : memref<32x256xf32, #tpu.memory_space<vmem>>, vector<16xf32>,
      %mul3A_424 = arith.mulf %get3A_423, %select_n3A_399 : vector<16xf32>
      %swap3A_425 = arith.index_cast %scan3A_385 : i32 to index
      %swap3A_426 = arith.constant 48 : index
      %swap3A_427 = tpu.vector_load %arg23[%swap3A_425, %swap3A_426] {strides = array<i32>} : memref<32x256xf32, #tpu.memory_space<vmem>>, vector<16xf32>,
      tpu.vector_store %arg23[%swap3A_425, %swap3A_426], %mul3A_424 {strides = array<i32>} : memref<32x256xf32, #tpu.memory_space<vmem>>, vector<16xf32>,
      %get3A_428 = arith.index_cast %scan3A_385 : i32 to index
      %get3A_429 = arith.constant 64 : index
      %get3A_430 = tpu.vector_load %arg23[%get3A_428, %get3A_429] {strides = array<i32>} : memref<32x256xf32, #tpu.memory_space<vmem>>, vector<16xf32>,
      %mul3A_431 = arith.mulf %get3A_430, %select_n3A_399 : vector<16xf32>
      %swap3A_432 = arith.index_cast %scan3A_385 : i32 to index
      %swap3A_433 = arith.constant 64 : index
      %swap3A_434 = tpu.vector_load %arg23[%swap3A_432, %swap3A_433] {strides = array<i32>} : memref<32x256xf32, #tpu.memory_space<vmem>>, vector<16xf32>,
      tpu.vector_store %arg23[%swap3A_432, %swap3A_433], %mul3A_431 {strides = array<i32>} : memref<32x256xf32, #tpu.memory_space<vmem>>, vector<16xf32>,
      %get3A_435 = arith.index_cast %scan3A_385 : i32 to index
      %get3A_436 = arith.constant 80 : index
      %get3A_437 = tpu.vector_load %arg23[%get3A_435, %get3A_436] {strides = array<i32>} : memref<32x256xf32, #tpu.memory_space<vmem>>, vector<16xf32>,
      %mul3A_438 = arith.mulf %get3A_437, %select_n3A_399 : vector<16xf32>
      %swap3A_439 = arith.index_cast %scan3A_385 : i32 to index
      %swap3A_440 = arith.constant 80 : index
      %swap3A_441 = tpu.vector_load %arg23[%swap3A_439, %swap3A_440] {strides = array<i32>} : memref<32x256xf32, #tpu.memory_space<vmem>>, vector<16xf32>,
      tpu.vector_store %arg23[%swap3A_439, %swap3A_440], %mul3A_438 {strides = array<i32>} : memref<32x256xf32, #tpu.memory_space<vmem>>, vector<16xf32>,
      %get3A_442 = arith.index_cast %scan3A_385 : i32 to index
      %get3A_443 = arith.constant 96 : index
      %get3A_444 = tpu.vector_load %arg23[%get3A_442, %get3A_443] {strides = array<i32>} : memref<32x256xf32, #tpu.memory_space<vmem>>, vector<16xf32>,
      %mul3A_445 = arith.mulf %get3A_444, %select_n3A_399 : vector<16xf32>
      %swap3A_446 = arith.index_cast %scan3A_385 : i32 to index
      %swap3A_447 = arith.constant 96 : index
      %swap3A_448 = tpu.vector_load %arg23[%swap3A_446, %swap3A_447] {strides = array<i32>} : memref<32x256xf32, #tpu.memory_space<vmem>>, vector<16xf32>,
      tpu.vector_store %arg23[%swap3A_446, %swap3A_447], %mul3A_445 {strides = array<i32>} : memref<32x256xf32, #tpu.memory_space<vmem>>, vector<16xf32>,
      %get3A_449 = arith.index_cast %scan3A_385 : i32 to index
      %get3A_450 = arith.constant 112 : index
      %get3A_451 = tpu.vector_load %arg23[%get3A_449, %get3A_450] {strides = array<i32>} : memref<32x256xf32, #tpu.memory_space<vmem>>, vector<16xf32>,
      %mul3A_452 = arith.mulf %get3A_451, %select_n3A_399 : vector<16xf32>
      %swap3A_453 = arith.index_cast %scan3A_385 : i32 to index
      %swap3A_454 = arith.constant 112 : index
      %swap3A_455 = tpu.vector_load %arg23[%swap3A_453, %swap3A_454] {strides = array<i32>} : memref<32x256xf32, #tpu.memory_space<vmem>>, vector<16xf32>,
      tpu.vector_store %arg23[%swap3A_453, %swap3A_454], %mul3A_452 {strides = array<i32>} : memref<32x256xf32, #tpu.memory_space<vmem>>, vector<16xf32>,
      %scan3A_456 = arith.constant 0 : i32
      scf.yield %scan3A_456 : i32
    }
    %scan3A_384 = arith.constant 32 : i32
    "tpu.region"() ({
      %run_scoped3A = tpu.sem_alloc : memref<!tpu.dma_semaphore, #tpu.memory_space<semaphore_mem>>
      %dma_start3A_385 = arith.constant 0 : i32
      %dma_start3A_386 = arith.constant 0 : i32
      %dma_start3A_387 = tpu.memref_slice %arg6[%dma_start3A_385, %dma_start3A_386] : memref<3088x256xf32, #tpu.memory_space<hbm>> -> memref<3088x256xf32, #tpu.memory_space<hbm>>
      tpu.enqueue_indirect_dma source(%arg23 : memref<32x256xf32, #tpu.memory_space<vmem>>) target(%dma_start3A_387 : memref<3088x256xf32, #tpu.memory_space<hbm>>) offsets(%arg21 : memref<32xi32, #tpu.memory_space<vmem>>) semaphore(%run_scoped3A : memref<!tpu.dma_semaphore, #tpu.memory_space<semaphore_mem>>)
      %dma_wait3A_388 = arith.constant 0 : i32
      %dma_wait3A_389 = arith.constant 0 : i32
      %dma_wait3A_390 = tpu.memref_slice %arg6[%dma_wait3A_388, %dma_wait3A_389] : memref<3088x256xf32, #tpu.memory_space<hbm>> -> memref<3088x256xf32, #tpu.memory_space<hbm>>
      tpu.wait_indirect_dma semaphore(%run_scoped3A : memref<!tpu.dma_semaphore, #tpu.memory_space<semaphore_mem>>) src(%arg23 : memref<32x256xf32, #tpu.memory_space<vmem>>) dst(%dma_wait3A_390 : memref<3088x256xf32, #tpu.memory_space<hbm>>)
      tpu.yield
    }) : () -> ()
    return
  }
}

</mosaic_0001>

<sc_bundles>
// kernel: kernel.3.cloned.1.call-start
scs
__scs_entry_jumppad:
0x0: {  	(pc) =	sbr.rel $0x88, $3  }
0x1: {  	(tag) =	ssettag $0x0;
	lr =	simm.s32 $0x1  }
0x2: {  	[smem:$0x3F9D] =	sst lr;
	_ =	strace $0xD0000000  }
0x3: {  	_ = 	snop  }
0x4: {  	_ = 	snop  }
0x5: {  	_ = 	snop  }
0x6: {  	_ = 	snop  }
0x7: {  	_ = 	snop  }
__scs_overlays_trampoline_lowered:
0x8: {  	[smem:$0x3FAC] =	sst s0  }
0x9: {  	[smem:$0x3FAD] =	sst s1  }
0xa: {  	[smem:$0x3FAE] =	sst s2  }
0xb: {  	[smem:$0x3FAF] =	sst s3  }
0xc: {  	[smem:$0x3FB0] =	sst s4  }
0xd: {  	[smem:$0x3FB1] =	sst s5  }
0xe: {  	[smem:$0x3FB2] =	sst s6  }
0xf: {  	[smem:$0x3FB3] =	sst s7  }
0x10: {  	[smem:$0x3FB4] =	sst s8  }
0x11: {  	[smem:$0x3FB5] =	sst s9;
	s0 =	simm.s32 @!p0 $0x0  }
0x12: {  	s1 =	sld [smem:$0x3F9B];
	s0 =	simm.s32 @p0 $0x1  }
0x13: {  	[smem:$0x3FB6] =	sst s0;
	s0 =	simm.s32 @!p1 $0x0  }
0x14: {  	s2 =	sld [smem:$0x3F9A];
	s0 =	simm.s32 @p1 $0x1  }
0x15: {  	[smem:$0x3FB7] =	sst s0;
	s0 =	simm.s32 @!p2 $0x0  }
0x16: {  	s3 =	sld [smem:$0x3FDB];
	s0 =	simm.s32 @p2 $0x1  }
0x17: {  	s4 =	simm.s32 $0x1BF5;
	[smem:$0x3FB9] =	sst s0  }
0x18: {  	s0 =	sld [smem:$0x3F9C];
	_ =	swait.ge [sflag:s4], $0x0  }
0x19: {  	s7 =	sld [smem:$0x3F9D]  }
0x1a: {  	s8 =	sadd.s32 $0xFFFFE003, lr  }
0x1b: {  	s9 =	sadd.s32 $0xFFFFFEF7, lr;
	s5 =	simm.s32 $0xFFFFFFFF;
	p2 =	slt.u32 s8, $0xFFFFF086  }
0x1c: {  	p1 =	slt.u32 s9, $0xF7A;
	s5 =	simm.s32 @!p2 $0x0  }
0x1d: {  	s5 =	simm.s32 @p1 $0x1;
	p0 =	seq.s32 s7, s2  }
0x1e: {  	s7 =	smul.u32 @!p0 $0xF7A, s2;
	p2 =	seq.s32 @!p0 s5, $0x0  }
0x1f: {  	s9 =	smul.u32 $0xF7A, s1;
	s8 =	simm.s32 @!p0 $0x1BF5;
	p2 =	por !p2, p0  }
0x20: {  	[sflag:s8] =	ssyncset.s32 @!p0 $0xFFFFF086;
	s6 =	sadd.s32 @!p0 s3, s7;
	s7 =	simm.s32 @!p0 $0x108  }
0x21: {  	s3 =	sadd.s32 s3, s9;
	s6 =	sadd.s32 @!p0 $0x88, s6;
	s7 =	simm.s32 @p2 $0x1082  }
0x22: {  	[simem:s7], [sflag:s8] =	dma.local @!p0 [hbm:s6], $0xF7A  }
0x23: {  	s9 =	sor.u32 $0xD0000000, s2;
	s6 =	simm.s32 $0x108;
	_ =	swait.ge @!p0 [sflag:s8], $0x0  }
0x24: {  	s3 =	sadd.s32 $0x88, s3;
	s6 =	simm.s32 @!p1 $0x1082;
	[sflag:s4] =	ssyncset.s32 $0xFFFFF086  }
0x25: {  	[simem:s6], [sflag:s4] =	dma.local [hbm:s3], $0xF7A  }
0x26: {  	[smem:$0x3F9D] =	sst s1;
	(tag) =	ssettag s2;
	_ =	strace s9  }
0x27: {  	s1 =	sld [smem:$0x3FAD]  }
0x28: {  	s2 =	sld [smem:$0x3FAE]  }
0x29: {  	s4 =	sld [smem:$0x3FB0]  }
0x2a: {  	p0 =	seq.s32 s5, $0x0;
	s5 =	sld [smem:$0x3FB1]  }
0x2b: {  	s6 =	sld [smem:$0x3FB2]  }
0x2c: {  	s7 =	sld [smem:$0x3FB3]  }
0x2d: {  	s3 =	simm.s32 $0x108;
	s8 =	sld [smem:$0x3FB4]  }
0x2e: {  	s3 =	simm.s32 @!p0 $0x1082;
	s9 =	sld [smem:$0x3FB5]  }
0x2f: {  	lr =	sadd.s32 s0, s3;
	s0 =	sld [smem:$0x3FAC]  }
0x30: {  	s3 =	sld [smem:$0x3FAF]  }
0x31: {  	[smem:$0x3FB8] =	sst s10  }
0x32: {  	s10 =	sld [smem:$0x3FB6];
	_ =	sdelay $0x3  }
0x33: {  	p0 =	seq.s32 s10, $0x1;
	s10 =	sld [smem:$0x3FB8];
	_ =	sdelay $0x3  }
0x34: {  	[smem:$0x3FB8] =	sst s10  }
0x35: {  	s10 =	sld [smem:$0x3FB7];
	_ =	sdelay $0x3  }
0x36: {  	p1 =	seq.s32 s10, $0x1;
	s10 =	sld [smem:$0x3FB8];
	_ =	sdelay $0x3  }
0x37: {  	[smem:$0x3FB8] =	sst s10  }
0x38: {  	s10 =	sld [smem:$0x3FB9]  }
0x39: {  	_ = 	snop;
	(pc) =	sbr.ind lr, $3  }
0x3a: {  	_ = 	snop  }
0x3b: {  	_ = 	snop  }
0x3c: {  	p2 =	seq.s32 s10, $0x1;
	s10 =	sld [smem:$0x3FB8]  }
0x3d: {  	_ =	shalt  }
0x3e: {  	_ =	shalt  }
0x3f: {  	_ =	shalt  }
0x40: {  	_ =	shalt  }
0x41: {  	_ =	shalt  }
0x42: {  	_ =	shalt  }
0x43: {  	_ =	shalt  }
0x44: {  	_ =	shalt  }
0x45: {  	_ =	shalt  }
0x46: {  	_ =	shalt  }
0x47: {  	_ =	shalt  }
0x48: {  	_ =	shalt  }
0x49: {  	_ =	shalt  }
0x4a: {  	_ =	shalt  }
0x4b: {  	_ =	shalt  }
0x4c: {  	_ =	shalt  }
0x4d: {  	_ =	shalt  }
0x4e: {  	_ =	shalt  }
0x4f: {  	_ =	shalt  }
0x50: {  	_ =	shalt  }
0x51: {  	_ =	shalt  }
0x52: {  	_ =	shalt  }
0x53: {  	_ =	shalt  }
0x54: {  	_ =	shalt  }
0x55: {  	_ =	shalt  }
0x56: {  	_ =	shalt  }
0x57: {  	_ =	shalt  }
0x58: {  	_ =	shalt  }
0x59: {  	_ =	shalt  }
0x5a: {  	_ =	shalt  }
0x5b: {  	_ =	shalt  }
0x5c: {  	_ =	shalt  }
0x5d: {  	_ =	shalt  }
0x5e: {  	_ =	shalt  }
0x5f: {  	_ =	shalt  }
0x60: {  	_ =	shalt  }
0x61: {  	_ =	shalt  }
0x62: {  	_ =	shalt  }
0x63: {  	_ =	shalt  }
0x64: {  	_ =	shalt  }
0x65: {  	_ =	shalt  }
0x66: {  	_ =	shalt  }
0x67: {  	_ =	shalt  }
0x68: {  	_ =	shalt  }
0x69: {  	_ =	shalt  }
0x6a: {  	_ =	shalt  }
0x6b: {  	_ =	shalt  }
0x6c: {  	_ =	shalt  }
0x6d: {  	_ =	shalt  }
0x6e: {  	_ =	shalt  }
0x6f: {  	_ =	shalt  }
0x70: {  	_ =	shalt  }
0x71: {  	_ =	shalt  }
0x72: {  	_ =	shalt  }
0x73: {  	_ =	shalt  }
0x74: {  	_ =	shalt  }
0x75: {  	_ =	shalt  }
0x76: {  	_ =	shalt  }
0x77: {  	_ =	shalt  }
0x78: {  	_ =	shalt  }
0x79: {  	_ =	shalt  }
0x7a: {  	_ =	shalt  }
0x7b: {  	_ =	shalt  }
0x7c: {  	_ =	shalt  }
0x7d: {  	_ =	shalt  }
0x7e: {  	_ =	shalt  }
0x7f: {  	_ =	shalt  }
0x80: {  	_ =	shalt  }
0x81: {  	_ =	shalt  }
0x82: {  	_ =	shalt  }
0x83: {  	_ =	shalt  }
0x84: {  	_ =	shalt  }
0x85: {  	_ =	shalt  }
0x86: {  	_ =	shalt  }
0x87: {  	_ =	shalt  }
.Lfunc_end0:
.L_simem_size_0:
called_computation_lowered:
.L_overlay_start_0:
0x88: {  	s2 =	sld [smem:$0x3FD9]  }
0x89: {  	s3 =	sld [smem:$0x3FFE];
	_ =	sdelay $0x1  }
0x8a: {  	s1 =	srdreg.scid  }
0x8b: {  	s0 =	sand.u32 $0x1, s1  }
0x8c: {  	s18 =	sshll.u32 s0, $0xA;
	s2 =	sadd.s32 s3, s2  }
0x8d: {  	s3 =	sadd.s32 s2, s18  }
0x8e: {  	[smem:$0x3FC4] =	sst s3  }
0x8f: {  	_ = 	snop  }
0x90: {  	s3 =	sld [smem:$0x3FC9]  }
0x91: {  	s4 =	sld [smem:$0x3FD0];
	(tm) =	ssettm $0x1  }
0x92: {  	s5 =	sld [smem:$0x3FFB];
	_ =	sdelay $0x3  }
0x93: {  	_ =	strace s5  }
0x94: {  	s5 =	sld [smem:$0x3FFC];
	_ =	sdelay $0x3  }
0x95: {  	_ =	strace s5  }
0x96: {  	s5 =	sld [smem:$0x3FFD];
	_ =	sdelay $0x3  }
0x97: {  	_ =	strace s5  }
0x98: {  	_ =	strace $0x8FFFFFFF  }
0x99: {  	s19 =	sld [smem:$0x3FDB];
	_ =	sdelay $0x1  }
0x9a: {  	s6 =	simm.s32 $_scs_section_size  }
0x9b: {  	s7 =	simm.s32 $_size__tile_overlayer_lowered;
	s8 =	simm.s32 $_tile_overlayer_lowered  }
0x9c: {  	s22 =	simm.s32 $0x1BFF;
	s21 =	sshll.u32 s8, $0x1;
	s5 =	sadd.s32 s6, s19  }
0x9d: {  	s9 =	simm.s32 $0x0;
	s20 =	sshll.u32 s7, $0x1;
	s7 =	sadd.s32 s21, s5  }
0x9e: {  	[timem:s9], [sflag:s22] =	dma.local [hbm:s7], s20  }
0x9f: {  	_ =	swait.ge [sflag:s22], s20  }
0xa0: {  	s6 =	ssub.s32 $0x0, s20;
	[sflag:s22] =	ssyncset.done $0x0  }
0xa1: {  	[sflag:s22] =	ssyncadd.s32 s6;
	_ =	sdelay $0x1  }
0xa2: {  	s23 =	simm.s32 $0x1B8B  }
0xa3: {  	_ =	swait.ge [sflag:s23], $0x1  }
0xa4: {  	[sflag:s23] =	ssyncset.done $0x0  }
0xa5: {  	s25 =	simm.s32 $0x1B8E;
	s24 =	sld [smem:$0x3FFE];
	[sflag:s23] =	ssyncadd.s32 $0xFFFFFFFF  }
0xa6: {  	s26 =	simm.s32 $execute0_lowered;
	[smem:$0x3FD2] =	sst s25  }
0xa7: {  	s7 =	sshll.u32 s26, $0x1;
	_ =	strace $0x80000046;
	[dreg:$0x1] =	wrdreg $0xFFFFFFFF  }
0xa8: {  	s28 =	simm.s32 $_size_execute0_lowered;
	s5 =	sadd.s32 s5, s7;
	[dreg:$0x0] =	wrdreg $0x0  }
0xa9: {  	s7 =	sshll.u32 s28, $0x1;
	[dreg:$0x2] =	wrdreg s5  }
0xaa: {  	[dreg:$0x3] =	wrdreg s7  }
0xab: {  	[dreg:$0x4] =	wrdreg $0xC0  }
0xac: {  	_ =	task [dreg:s9], $0x5FFFF  }
0xad: {  	[dreg:$0x1] =	wrdreg $0xFFFFFFFF  }
0xae: {  	[dreg:$0x0] =	wrdreg $0x60  }
0xaf: {  	[dreg:$0x2] =	wrdreg s3  }
0xb0: {  	[dreg:$0x3] =	wrdreg s24  }
0xb1: {  	[dreg:$0x4] =	wrdreg s4  }
0xb2: {  	s2 =	sadd.s32 $0x800, s2;
	[dreg:$0x5] =	wrdreg $0x0  }
0xb3: {  	[dreg:$0x6] =	wrdreg s2  }
0xb4: {  	[dreg:$0x7] =	wrdreg $0x9  }
0xb5: {  	_ =	task.clear_ibuf [dreg:s9], $0x8FFFF;
	_ =	strace $0x90000046  }
0xb6: {  	s29 =	simm.s32 $0x9;
	_ =	strace $0x80000048  }
0xb7: {  	_ =	swait.ge [sflag:s29], $0x1  }
0xb8: {  	[sflag:s29] =	ssyncadd.s32 $0xFFFFFFFF  }
0xb9: {  	_ =	strace $0x90000048  }
0xba: {  	_ =	sfence  }
0xbb: {  	s30 =	sld [smem:$0x0];
	_ =	sdelay $0x2  }
0xbc: {  	s31 =	sshll.u32 s1, $0xD;
	s1 =	sshrl.u32 s1, $0x2  }
0xbd: {  	s3 =	sand.u32 $0x4000, s31;
	s1 =	sadd.s32 s1, s30  }
0xbe: {  	s0 =	sor.u32 s3, s0;
	s1 =	sshll.u32 s1, $0x11  }
0xbf: {  	s0 =	sor.u32 s1, s0  }
0xc0: {  	s0 =	sadd.s32 $0x8F2B, s0  }
0xc1: {  	[sflag:s0] =	ssyncadd.remote.s32 $0x1  }
0xc2: {  	_ =	sfence.sel $0xFFFF  }
0xc3: {  	[dreg:$0x0] =	wrdreg $0xFFFFFFFF;
	(pc) =	sbr.abs _section_cstart, $3  }
0xc4: {  	[dreg:$0x1] =	wrdreg $0xFFFFFFFF  }
0xc5: {  	_ =	task.clear_ibuf [dreg:s9], $0x2FFFF;
	_ =	strace $0x9FFFFFFF  }
0xc6: {  	(tm) =	ssettm $0x7FFFFFFF  }
0xc7: {  	_ =	shalt  }
tec
execute0_lowered:
.L_overlay_start_1:
0x0: {  	(tag) =	ssettag $0x1  }
0x1: {  	s1 =	rddreg [dreg:$0x0]  }
0x2: {  	s0 =	rddreg [dreg:$0x1]  }
0x3: {  	s15 =	rddreg [dreg:$0x2]  }
0x4: {  	s3 =	rddreg [dreg:$0x3]  }
0x5: {  	s17 =	rddreg [dreg:$0x4];
	s18 =	simm.s32 $0x0;
	s2 =	srdreg.scid  }
0x6: {  	s12 =	stileid.u32;
	s16 =	simm.s32 $0x1080;
	s20 =	simm.s32 $0x6480  }
0x7: {  	s21 =	simm.s32 $0x3;
	s31 =	simm.s32 $0x40;
	s10 =	smul.u32 $0xC8, s12  }
0x8: {  	s23 =	simm.s32 $0x1;
	[smem:$0x7FF] =	sst s18;
	s11 =	smul.u32 $0x4200, s12  }
0x9: {  	s2 =	sand.u32 $0x1, s2;
	s7 =	sadd.s32 $0x400, s0;
	s13 =	smul.u32 $0xC0, s12  }
0xa: {  	s8 =	sadd.s32 $0xA400, s0;
	s9 =	sadd.s32 $0x14400, s0;
	s4 =	smul.u32 $0x1390, s2  }
0xb: {  	_ =	strace $0x80000047;
	s5 =	ssub.s32 $0x2, s2;
	s6 =	smul.u32 $0xC80, s2  }
0xc: {  	p0 =	seq.s32 s2, $0x0;
	s2 =	simm.s32 $0x1390;
	s26 =	sshrl.u32 s5, $0x1  }
0xd: {  	s2 =	simm.s32 @!p0 $0x1380;
	s11 =	sshrl.u32 s11, $0x2;
	[dreg:$0x6] =	wrdreg s13  }
0xe: {  	v6 =	vimm.f32 $0.0e+00;
	v7 =	vlaneseq.u32;
	v8 =	vimm.s32 $0x0;
	s13 =	sshrl.u32 s13, $0x3;
	s14 =	sadd.s32 $0xC8, s10;
	s0 =	ssub.s32 s5, s26  }
0xf: {  	v10 =	vimm.s32 $0xC0F;
	vm0 =	vmmov $0xffff;
	vm1 =	vcmask $0x300;
	s28 =	sadd.s32 s4, s2;
	s2 =	smul.u32 $0x5000, s12;
	s12 =	sadd.s32 s11, s3  }
0x10: {  	v9 =	vadd.s32 $0x1, v7;
	v12 =	vshrl.u32 v7, $0x3;
	v11 =	vand.u32 $0x7, v7;
	s29 =	sadd.s32 s10, s6;
	s13 =	sadd.s32 s15, s13;
	s15 =	simm.s32 $0x4  }
0x11: {  	v13 =	vor.u32 $0x8, v7;
	v12 =	vmul.u32 $0x8, v12;
	v2 =	vmov s10;
	s11 =	sshll.u32 s29, $0x5;
	[dreg:$0x7] =	wrdreg s13;
	s0 =	smax.u32 s0, $0x1  }
0x12: {  	v0 =	vmov s4;
	v5 =	vmov s6;
	v3 =	vmov s14;
	s6 =	simm.s32 $0xC400;
	[dreg:$0x8] =	wrdreg s0;
	s30 =	sadd.s32 s11, s17  }
0x13: {  	s5 =	simm.s32 $0x0;
	v1 =	vmov s28;
	v4 =	vadd.s32 $0xC7F, v5;
	v5 =	vadd.s32 $0xFFFFFFFF, v5;
	s0 =	simm.s32 $0xC300;
	[dreg:$0x9] =	wrdreg s30  }
.LBB2_1:
0x14: {  	s4 =	sand.u32 $0xF800, s18;
	s30 =	sand.u32 $0x380, s18  }
0x15: {  	s4 =	sor.u32 s30, s4  }
0x16: {  	[tilespmem:s4+$0x10870] =	vst v6  }
0x17: {  	[tilespmem:s4+$0x10400] =	vst v6  }
0x18: {  	[tilespmem:s4+$0x10410] =	vst v6  }
0x19: {  	[tilespmem:s4+$0x10420] =	vst v6  }
0x1a: {  	[tilespmem:s4+$0x10430] =	vst v6  }
0x1b: {  	[tilespmem:s4+$0x10440] =	vst v6  }
0x1c: {  	[tilespmem:s4+$0x10450] =	vst v6  }
0x1d: {  	[tilespmem:s4+$0x10460] =	vst v6  }
0x1e: {  	[tilespmem:s4+$0x10470] =	vst v6  }
0x1f: {  	[tilespmem:s4+$0x10800] =	vst v6  }
0x20: {  	[tilespmem:s4+$0x10810] =	vst v6  }
0x21: {  	[tilespmem:s4+$0x10820] =	vst v6  }
0x22: {  	[tilespmem:s4+$0x10830] =	vst v6  }
0x23: {  	[dreg:$0xa] =	wrdreg s5;
	s10 =	simm.s32 $0x100;
	s5 =	simm.s32 $0x80;
	[tilespmem:s4+$0x10840] =	vst v6  }
0x24: {  	s11 =	sand.u32 $0xF800, s10;
	s13 =	sand.u32 $0x380, s5;
	s10 =	simm.s32 $0x200;
	[tilespmem:s4+$0x10850] =	vst v6  }
.LBB2_2:
0x25: {  	p0 =	sne.s32 s10, $0xC700;
	[tilespmem:s4+$0x10860] =	vst v6;
	s4 =	sor.u32 s13, s11  }
0x26: {  	[tilespmem:s4+$0x10870] =	vst v6  }
0x27: {  	[tilespmem:s4+$0x10400] =	vst v6  }
0x28: {  	[tilespmem:s4+$0x10410] =	vst v6  }
0x29: {  	[tilespmem:s4+$0x10420] =	vst v6  }
0x2a: {  	[tilespmem:s4+$0x10430] =	vst v6  }
0x2b: {  	[tilespmem:s4+$0x10440] =	vst v6  }
0x2c: {  	[tilespmem:s4+$0x10450] =	vst v6  }
0x2d: {  	[tilespmem:s4+$0x10460] =	vst v6  }
0x2e: {  	[tilespmem:s4+$0x10470] =	vst v6  }
0x2f: {  	[tilespmem:s4+$0x10800] =	vst v6  }
.Ltmp0:
0x30: {  	[tilespmem:s4+$0x10810] =	vst v6;
	(pc) =	sbr.rel @p0 .LBB2_2-.Ltmp0, $4  }
0x31: {  	[tilespmem:s4+$0x10820] =	vst v6  }
0x32: {  	[tilespmem:s4+$0x10830] =	vst v6  }
0x33: {  	s5 =	sadd.s32 $0x80, s5;
	[tilespmem:s4+$0x10840] =	vst v6  }
0x34: {  	s11 =	sand.u32 $0xF800, s10;
	s10 =	sadd.s32 $0x100, s10;
	s13 =	sand.u32 $0x380, s5;
	[tilespmem:s4+$0x10850] =	vst v6  }
0x35: {  	s5 =	sor.u32 s13, s11;
	[tilespmem:s4+$0x10860] =	vst v6  }
0x36: {  	[tilespmem:s5+$0x10870] =	vst v6  }
0x37: {  	[tilespmem:s5+$0x10400] =	vst v6  }
0x38: {  	[tilespmem:s5+$0x10410] =	vst v6  }
0x39: {  	[tilespmem:s5+$0x10420] =	vst v6  }
0x3a: {  	[tilespmem:s5+$0x10430] =	vst v6  }
0x3b: {  	[tilespmem:s5+$0x10440] =	vst v6  }
0x3c: {  	[tilespmem:s5+$0x10450] =	vst v6  }
0x3d: {  	[tilespmem:s5+$0x10460] =	vst v6  }
0x3e: {  	[tilespmem:s5+$0x10470] =	vst v6  }
0x3f: {  	[tilespmem:s5+$0x10800] =	vst v6  }
0x40: {  	[tilespmem:s5+$0x10810] =	vst v6  }
0x41: {  	[tilespmem:s5+$0x10820] =	vst v6  }
0x42: {  	[tilespmem:s5+$0x10830] =	vst v6  }
0x43: {  	[tilespmem:s5+$0x10840] =	vst v6  }
0x44: {  	[tilespmem:s5+$0x10850] =	vst v6  }
0x45: {  	s4 =	simm.s32 $0x40;
	[tilespmem:s5+$0x10860] =	vst v6;
	s5 =	simm.s32 $0x0  }
.LBB2_4:
0x46: {  	p0 =	sne.s32 s4, $0x9C40;
	[tilespmem:s5+$0x1080] =	vst v8;
	s5 =	smov.u32 s4;
	s4 =	sadd.s32 $0x40, s4  }
.Ltmp1:
0x47: {  	(pc) =	sbr.rel @p0 .LBB2_4-.Ltmp1, $2  }
0x48: {  	_ =	sdelay $0x2  }
0x49: {  	s5 =	sshra.s32 s5, $0x2  }
0x4a: {  	[tilespmem:s5+$0x1080] =	vst v8;
	s22 =	simm.s32 $0x0;
	s4 =	simm.s32 $0x3800;
	s30 =	rddreg [dreg:$0x2]  }
0x4b: {  	[tilespmem:s4], [sflag:$0x4] =	stream.linear.gather [hbm4b:s30+s22], $0xC00, $0x38;
	[tilespmem:$0x1ED00] =	vst v63  }
0x4c: {  	_ =	swait.ge [sflag:s15], $0xC00  }
0x4d: {  	[sflag:s15] =	ssyncset.done $0x0  }
0x4e: {  	[sflag:s15] =	ssyncadd.s32 $0xFFFFF400  }
0x4f: {  	s10 =	simm.s32 $0x10;
	s5 =	simm.s32 $0x0;
	v14 =	vld [tilespmem:s4+$0x0]  }
.LBB2_6:
0x50: {  	p0 =	sne.s32 s10, $0xBF0;
	_ =	sdelay $0x3  }
0x51: {  	vm2 =	vge.s32 v14, v0;
	vm3 =	vlt.s32 v14, v1  }
0x52: {  	vm2 =	vmand vm2, vm3;
	_ =	sdelay $0x2  }
.Ltmp2:
0x53: {  	(pc) =	sbr.rel @p0 .LBB2_6-.Ltmp2, $4  }
0x54: {  	_ = 	snop  }
0x55: {  	v15 =	vadd.s32 s5, v9;
	s5 =	smov.u32 s10  }
0x56: {  	s4 =	sadd.s32 $0x10, s4;
	[tilespmem:v14+s16+$0x0] =	vst.idx.msk vm2, v15  }
0x57: {  	s10 =	sadd.s32 $0x10, s10;
	v14 =	vld [tilespmem:s4+$0x0]  }
0x58: {  	_ =	sdelay $0x3  }
0x59: {  	vm2 =	vge.s32 v14, v0;
	vm3 =	vlt.s32 v14, v1  }
0x5a: {  	vm2 =	vmand vm2, vm3;
	_ =	sdelay $0x1  }
.Ltmp3:
0x5b: {  	_ = 	snop;
	(pc) =	sbr.rel .LBB2_8-.Ltmp3, $3  }
0x5c: {  	_ =	sdelay $0x1  }
0x5d: {  	v15 =	vadd.s32 s5, v9  }
0x5e: {  	s11 =	smov.u32 s2;
	s13 =	simm.s32 $0x0;
	[tilespmem:v14+s16+$0x0] =	vst.idx.msk vm2, v15  }
.LBB2_42:
0x5f: {  	s13 =	sadd.s32 $0x1, s13  }
0x60: {  	p0 =	sne.s32 s13, $0xA  }
.Ltmp4:
0x61: {  	_ = 	snop;
	(pc) =	sbr.rel @!p0 .LBB2_43-.Ltmp4, $3  }
0x62: {  	_ =	sdelay $0x1  }
0x63: {  	[bflag:$0x0] =	sbarrier.arrive $0xFFFF  }
0x64: {  	s11 =	sadd.s32 $0x800, s11  }
.LBB2_8:
0x65: {  	s4 =	sshll.u32 s13, $0xB  }
0x66: {  	s4 =	sadd.s32 s2, s4  }
0x67: {  	s5 =	sshrl.u32 s4, $0x3  }
0x68: {  	s14 =	simm.s32 $0x4400;
	s4 =	simm.s32 $0x0;
	s10 =	sadd.s32 s7, s5  }
0x69: {  	[tilespmem:s14], [sflag:$0x4] =	stream.linear.gather [hbm4b:s10+s4], $0x800, $0x38;
	[tilespmem:$0x1ED00] =	vst v63  }
0x6a: {  	_ =	swait.ge [sflag:s15], $0x800  }
0x6b: {  	[sflag:s15] =	ssyncset.done $0x0  }
0x6c: {  	s29 =	simm.s32 $0x4C00;
	s5 =	sadd.s32 s8, s5;
	[sflag:s15] =	ssyncadd.s32 $0xFFFFF800  }
0x6d: {  	[tilespmem:s29], [sflag:$0x4] =	stream.linear.gather [hbm4b:s5+s4], $0x800, $0x38;
	[tilespmem:$0x1ED00] =	vst v63  }
0x6e: {  	_ =	swait.ge [sflag:s15], $0x800  }
0x6f: {  	[sflag:s15] =	ssyncset.done $0x0  }
0x70: {  	s30 =	simm.s32 $0x0;
	[sflag:s15] =	ssyncadd.s32 $0xFFFFF800  }
0x71: {  	v14 =	vld [tilespmem:s30+$0x4400];
	_ =	sdelay $0x7  }
0x72: {  	v14 =	vld.idx.msk [tilespmem:v14+s16+$0x0], $0xffff;
	_ =	sdelay $0x2  }
0x73: {  	v15 =	vmov s11  }
0x74: {  	v15 =	vshrl.u32 v15, $0x5;
	v16 =	vld [tilespmem:s30+$0x4C00]  }
0x75: {  	v15 =	vbroadcast v15, $0x0;
	v17 =	vshll.u32 v14, $0xE  }
0x76: {  	v17 =	vadd.s32 $0xFFFFC000, v17  }
0x77: {  	vm2 =	vgt.s32 v14, $0x0;
	v14 =	vor.u32 v15, v17  }
0x78: {  	v15 =	vmpcnt.ones.xlane vm2;
	[tilespmem:s4+$0x5410] =	vst.msk vm2, v14  }
0x79: {  	s17 =	simm.s32 $0x10;
	[tilespmem:s4+$0x5C10] =	vst.msk vm2, v16  }
0x7a: {  	(v2sf) =	vpush v15, $0x0;
	v14 =	vld [tilespmem:s17+$0x4400];
	_ =	sdelay $0x2  }
0x7b: {  	s14 =	simm.s32 $0xC0;
	s10 =	smov.u32 s11;
	s5 =	simm.s32 $0x80  }
.LBB2_9:
0x7c: {  	p0 =	sne.s32 s14, $0x1FC0;
	_ =	sdelay $0x3  }
0x7d: {  	v14 =	vld.idx.msk [tilespmem:v14+s16+$0x0], $0xffff;
	_ =	sdelay $0x2  }
0x7e: {  	s10 =	sadd.s32 $0x10, s10  }
0x7f: {  	v15 =	vmov s10  }
0x80: {  	v15 =	vshrl.u32 v15, $0x5;
	v16 =	vld [tilespmem:s17+$0x4C00]  }
0x81: {  	v15 =	vbroadcast v15, $0x0;
	v17 =	vshll.u32 v14, $0xE  }
0x82: {  	v17 =	vadd.s32 $0xFFFFC000, v17;
	s17 =	spop (v2sf)  }
0x83: {  	vm2 =	vgt.s32 v14, $0x0;
	v14 =	vor.u32 v15, v17;
	s4 =	sadd.s32 s4, s17  }
0x84: {  	v15 =	vmpcnt.ones.xlane vm2;
	[tilespmem:s4+$0x5410] =	vst.msk vm2, v14  }
.Ltmp5:
0x85: {  	s17 =	sshra.s32 s5, $0x2;
	s5 =	smov.u32 s14;
	[tilespmem:s4+$0x5C10] =	vst.msk vm2, v16;
	(pc) =	sbr.rel @p0 .LBB2_9-.Ltmp5, $2  }
0x86: {  	v14 =	vld [tilespmem:s17+$0x4400];
	(v2sf) =	vpush v15, $0x0;
	_ =	sdelay $0x2  }
0x87: {  	s14 =	sadd.s32 $0x40, s14  }
0x88: {  	_ =	sdelay $0x4  }
0x89: {  	v14 =	vld.idx.msk [tilespmem:v14+s16+$0x0], $0xffff;
	_ =	sdelay $0x1  }
0x8a: {  	s10 =	sadd.s32 $0x10, s10  }
0x8b: {  	v15 =	vmov s10  }
0x8c: {  	v16 =	vld [tilespmem:s17+$0x4C00];
	v15 =	vshrl.u32 v15, $0x5  }
0x8d: {  	v15 =	vbroadcast v15, $0x0;
	v17 =	vshll.u32 v14, $0xE  }
0x8e: {  	v17 =	vadd.s32 $0xFFFFC000, v17;
	s14 =	spop (v2sf)  }
0x8f: {  	vm2 =	vgt.s32 v14, $0x0;
	v14 =	vor.u32 v15, v17;
	s4 =	sadd.s32 s4, s14  }
0x90: {  	[tilespmem:s4+$0x5410] =	vst.msk vm2, v14  }
0x91: {  	s5 =	sshra.s32 s5, $0x2;
	[tilespmem:s4+$0x5C10] =	vst.msk vm2, v16  }
0x92: {  	v14 =	vld [tilespmem:s5+$0x4400];
	_ =	sdelay $0x7  }
0x93: {  	v14 =	vld.idx.msk [tilespmem:v14+s16+$0x0], $0xffff;
	_ =	sdelay $0x4  }
0x94: {  	v15 =	vmpcnt.ones.xlane vm2;
	vm2 =	vgt.s32 v14, $0x0  }
0x95: {  	v62 =	vmpcnt.ones.xlane vm2  }
0x96: {  	(v2sf) =	vpush v15, $0x0  }
0x97: {  	(v2sf) =	vpush v62, $0x0;
	_ =	sdelay $0x9  }
0x98: {  	s10 =	sadd.s32 $0x10, s10  }
0x99: {  	v15 =	vmov s10  }
0x9a: {  	v15 =	vshrl.u32 v15, $0x5;
	v63 =	vld [tilespmem:s5+$0x4C00]  }
0x9b: {  	v15 =	vbroadcast v15, $0x0;
	v14 =	vshll.u32 v14, $0xE  }
0x9c: {  	s28 =	spop (v2sf);
	v14 =	vadd.s32 $0xFFFFC000, v14  }
0x9d: {  	s4 =	sadd.s32 s4, s28;
	v14 =	vor.u32 v15, v14;
	s29 =	spop (v2sf)  }
0x9e: {  	[tilespmem:s4+$0x5410] =	vst.msk vm2, v14;
	s5 =	sadd.s32 s4, s29  }
0x9f: {  	[tilespmem:s4+$0x5C10] =	vst.msk vm2, v63;
	v14 =	vmov s5  }
0xa0: {  	s30 =	simm.s32 $0x5400;
	[tilespmem:$0x5400] =	vst v14  }
0xa1: {  	[spmem:s12] =	stream.linear.scatter [tilespmem:s30], [sflag:$0x4], $0x1080, $0x38;
	[tilespmem:$0x1ED00] =	vst v63  }
.Ltmp6:
0xa2: {  	_ =	swait.ge [sflag:s15], $0x1080;
	(pc) =	sbr.rel .LBB2_11-.Ltmp6, $4  }
0xa3: {  	[sflag:s15] =	ssyncset.done $0x0  }
0xa4: {  	[sflag:s15] =	ssyncadd.s32 $0xFFFFEF80  }
0xa5: {  	s14 =	simm.s32 $0x0;
	[bflag:$0x0] =	sbarrier.arrive $0xFFFF  }
0xa6: {  	[tilespmem:s20], [sflag:$0x3] =	stream.linear.gather [spmem:s3], $0x2100, $0x38;
	[tilespmem:$0x1ED00] =	vst v63  }
.LBB2_34:
0xa7: {  	s4 =	simm.s32 $0x0  }
0xa8: {  	s4 =	simm.s32 @p0 $0x0  }
.LBB2_41:
0xa9: {  	p0 =	sne.s32 s14, $0x8  }
.Ltmp7:
0xaa: {  	_ = 	snop;
	(pc) =	sbr.rel @!p0 .LBB2_42-.Ltmp7, $2  }
0xab: {  	_ =	sdelay $0x2  }
0xac: {  	s22 =	ssub.s32 s22, s4  }
.LBB2_11:
0xad: {  	s4 =	smov.u32 s14;
	s5 =	sand.u32 $0x1, s14;
	s10 =	simm.s32 $0x2100  }
0xae: {  	s14 =	sadd.s32 $0x1, s14;
	_ =	swait.ge [sflag:s21], $0x2100;
	p1 =	seq.s32 s4, $0x7  }
0xaf: {  	p0 =	seq.s32 s5, $0x1;
	s4 =	sand.u32 @!p1 $0x1, s14;
	s5 =	smul.u32 @!p1 $0x8400, s14  }
0xb0: {  	[sflag:s21] =	ssyncset.done $0x0;
	s10 =	simm.s32 @!p0 $0x0;
	p0 =	seq.s32 @!p1 s4, $0x1  }
0xb1: {  	s4 =	simm.s32 @!p1 $0x8580;
	p0 =	por !p0, p1;
	s5 =	sshra.s32 @!p1 s5, $0x2  }
0xb2: {  	[sflag:s21] =	ssyncadd.s32 $0xFFFFDF00;
	s4 =	simm.s32 @p0 $0x6480;
	s5 =	sadd.s32 @!p1 s5, s3  }
0xb3: {  	[tilespmem:s4], [sflag:$0x3] =	stream.linear.gather @!p1 [spmem:s5], $0x2100, $0x38;
	[tilespmem:$0x1ED00] =	vst v63  }
0xb4: {  	v14 =	vld [tilespmem:s10+$0x6480];
	_ =	sdelay $0x4  }
0xb5: {  	(v2sf) =	vpush v14, $0x0;
	_ =	sdelay $0xe  }
0xb6: {  	s30 =	spop (v2sf)  }
0xb7: {  	s4 =	sadd.s32 $0xF, s30  }
0xb8: {  	s17 =	sshrl.u32 s4, $0x4  }
0xb9: {  	p0 =	seq.s32 s17, $0x0  }
.Ltmp8:
0xba: {  	_ = 	snop;
	(pc) =	sbr.rel @p0 .LBB2_18-.Ltmp8, $1  }
0xbb: {  	_ =	sdelay $0x3  }
0xbc: {  	p1 =	sne.s32 s17, $0x1  }
.Ltmp9:
0xbd: {  	_ = 	snop;
	(pc) =	sbr.rel @!p1 .LBB2_13-.Ltmp9, $3  }
0xbe: {  	_ =	sdelay $0x1  }
0xbf: {  	s4 =	sadd.s32 $0x6C90, s10  }
0xc0: {  	v14 =	vbroadcast v14, $0x0;
	s5 =	simm.s32 $0x0;
	s17 =	sadd.s32 $0xFFFFFFFF, s17;
	p0 =	por $0x0, $0x0;
	v15 =	vld [tilespmem:s4+$0xFFFFF800]  }
0xc1: {  	_ =	sdelay $0x3  }
0xc2: {  	v17 =	vor.u32 s5, v7;
	v16 =	vshrl.u32 v15, $0xE  }
0xc3: {  	vm2 =	vlt.s32 v17, v14;
	vm3 =	vge.u32 v16, v2  }
0xc4: {  	vm2 =	vmand vm2, vm3;
	vm3 =	vlt.u32 v16, v3  }
0xc5: {  	v16 =	vsub.s32 v16, v2;
	vm2 =	vmand vm3, vm2  }
0xc6: {  	[tilespmem:s22+$0xA680] =	vst.msk vm2, v16;
	v16 =	vmpcnt.ones.xlane vm2  }
0xc7: {  	v15 =	vand.u32 $0x3FFF, v15  }
0xc8: {  	[tilespmem:s22+$0xB000] =	vst.msk vm2, v15;
	(v2sf) =	vpush v16, $0x0  }
0xc9: {  	v15 =	vld [tilespmem:s4+$0x0]  }
0xca: {  	p1 =	sne.s32 s17, $0x1  }
.Ltmp10:
0xcb: {  	_ = 	snop;
	(pc) =	sbr.rel @!p1 .LBB2_15-.Ltmp10, $3  }
0xcc: {  	_ =	sdelay $0x1  }
0xcd: {  	s25 =	sadd.s32 $0xFFFFFFFF, s17;
	s4 =	sadd.s32 $0x10, s4;
	[tilespmem:s22+$0xB980] =	vst.msk vm2, v15  }
0xce: {  	p0 =	por $0x1, $0x1;
	s24 =	simm.s32 $0x0;
	s17 =	smov.u32 s22;
	v15 =	vld [tilespmem:s4+$0xFFFFF800]  }
.LBB2_16:
0xcf: {  	p1 =	sne.s32 s25, $0x1;
	_ =	sdelay $0x2  }
0xd0: {  	s24 =	sadd.s32 $0x10, s24  }
0xd1: {  	v17 =	vor.u32 s24, v7;
	v16 =	vshrl.u32 v15, $0xE;
	v15 =	vand.u32 $0x3FFF, v15  }
0xd2: {  	vm2 =	vlt.s32 v17, v14;
	vm3 =	vge.u32 v16, v2;
	v17 =	vsub.s32 v16, v2  }
0xd3: {  	vm2 =	vmand vm2, vm3;
	vm3 =	vlt.u32 v16, v3  }
0xd4: {  	vm2 =	vmand vm3, vm2;
	s18 =	spop (v2sf)  }
0xd5: {  	v16 =	vmpcnt.ones.xlane vm2;
	s17 =	sadd.s32 s17, s18  }
0xd6: {  	[tilespmem:s17+$0xA680] =	vst.msk vm2, v17  }
0xd7: {  	[tilespmem:s17+$0xB000] =	vst.msk vm2, v15;
	(v2sf) =	vpush v16, $0x0  }
0xd8: {  	v15 =	vld [tilespmem:s4+$0x0];
	_ =	sdelay $0x1  }
.Ltmp11:
0xd9: {  	(pc) =	sbr.rel @p1 .LBB2_16-.Ltmp11, $3  }
0xda: {  	_ =	sdelay $0x1  }
0xdb: {  	s4 =	sadd.s32 $0x10, s4;
	[tilespmem:s17+$0xB980] =	vst.msk vm2, v15  }
0xdc: {  	s25 =	sadd.s32 $0xFFFFFFFF, s25;
	v15 =	vld [tilespmem:s4+$0xFFFFF800]  }
.LBB2_17:
0xdd: {  	_ =	sdelay $0x1  }
0xde: {  	s18 =	sadd.s32 @p0 $0x10, s24  }
0xdf: {  	s5 =	smov.u32 @p0 s18  }
0xe0: {  	v17 =	vor.u32 s5, v7;
	v16 =	vshrl.u32 v15, $0xE  }
0xe1: {  	vm2 =	vlt.s32 v17, v14;
	vm3 =	vge.u32 v16, v2  }
0xe2: {  	vm2 =	vmand vm2, vm3;
	vm3 =	vlt.u32 v16, v3  }
0xe3: {  	vm2 =	vmand vm3, vm2  }
0xe4: {  	v14 =	vmpcnt.ones.xlane vm2;
	_ =	sdelay $0x1  }
0xe5: {  	(v2sf) =	vpush v14, $0x0;
	_ =	sdelay $0x5  }
0xe6: {  	s5 =	spop @p0 (v2sf)  }
0xe7: {  	s5 =	sadd.s32 @p0 s17, s5  }
0xe8: {  	s22 =	smov.u32 @p0 s5;
	v14 =	vsub.s32 v16, v2  }
0xe9: {  	v15 =	vand.u32 $0x3FFF, v15;
	[tilespmem:s22+$0xA680] =	vst.msk vm2, v14  }
0xea: {  	[tilespmem:s22+$0xB000] =	vst.msk vm2, v15  }
0xeb: {  	v14 =	vld [tilespmem:s4+$0x0];
	_ =	sdelay $0x3  }
0xec: {  	s30 =	spop (v2sf)  }
0xed: {  	[tilespmem:s22+$0xB980] =	vst.msk vm2, v14;
	s22 =	sadd.s32 s22, s30  }
.LBB2_18:
0xee: {  	p0 =	slt.s32 s22, $0x100;
	s5 =	sshrl.u32 s22, $0x6  }
0xef: {  	p1 =	seq.s32 @!p0 s5, $0x0  }
0xf0: {  	p1 =	por p0, p1  }
.Ltmp12:
0xf1: {  	_ = 	snop;
	(pc) =	sbr.rel @p1 .LBB2_19-.Ltmp12, $1  }
0xf2: {  	_ =	sdelay $0x3  }
0xf3: {  	v14 =	vld [tilespmem:$0xB000]  }
0xf4: {  	v15 =	vld [tilespmem:$0xB010]  }
0xf5: {  	v16 =	vld [tilespmem:$0xB020]  }
0xf6: {  	v17 =	vld [tilespmem:$0xB030];
	_ =	sdelay $0x1  }
0xf7: {  	[tilespmem:$0xC300] =	vst v14  }
0xf8: {  	[tilespmem:$0xC310] =	vst v15  }
0xf9: {  	s25 =	simm.s32 $0xB980;
	[tilespmem:$0xC320] =	vst v16  }
0xfa: {  	s26 =	simm.s32 $0xA680;
	s28 =	simm.s32 $0x0;
	s29 =	simm.s32 $0x0;
	[tilespmem:$0xC330] =	vst v17  }
0xfb: {  	[tilespmem:s6], [sflag:$0x1] =	stream.indirect.gather [hbm4b:s1+s31], $0x80, s0, s31, $0xb8;
	[tilespmem:$0x1ED00] =	vst v63  }
.LBB2_22:
0xfc: {  	s29 =	sadd.s32 $0x1, s29  }
0xfd: {  	_ =	swait.ge [sflag:s23], $0x2000;
	p0 =	sge.u32 s29, s5  }
0xfe: {  	[sflag:s23] =	ssyncset.done $0x0;
	s4 =	sshll.u32 @!p0 s29, $0x8  }
0xff: {  	[sflag:s23] =	ssyncadd.s32 $0xFFFFE000;
	s4 =	sshra.s32 @!p0 s4, $0x2  }
0x100: {  	v14 =	vld @!p0 [tilespmem:s4+$0xB000];
	_ =	sdelay $0x2  }
0x101: {  	s17 =	sand.u32 @!p0 $0x1, s29  }
0x102: {  	s18 =	sshll.u32 @!p0 s17, $0x7  }
0x103: {  	[tilespmem:s18+$0xC300] =	vst @!p0 v14  }
0x104: {  	v14 =	vld @!p0 [tilespmem:s4+$0xB010];
	_ =	sdelay $0x4  }
0x105: {  	[tilespmem:s18+$0xC310] =	vst @!p0 v14  }
0x106: {  	v14 =	vld @!p0 [tilespmem:s4+$0xB020];
	_ =	sdelay $0x4  }
0x107: {  	[tilespmem:s18+$0xC320] =	vst @!p0 v14  }
0x108: {  	v15 =	vld @!p0 [tilespmem:s4+$0xB030];
	_ =	sdelay $0x2  }
0x109: {  	v14 =	vmov s26  }
0x10a: {  	s4 =	sshll.u32 @!p0 s17, $0xD  }
0x10b: {  	s17 =	sor.u32 @!p0 $0xC300, s18;
	s4 =	sor.u32 @!p0 $0xC400, s4;
	[tilespmem:s18+$0xC330] =	vst @!p0 v15;
	s18 =	simm.s32 @!p0 $0x40  }
0x10c: {  	[tilespmem:s4], [sflag:$0x1] =	stream.indirect.gather @!p0 [hbm4b:s1+s18], $0x80, s17, s18, $0xb8;
	[tilespmem:$0x1ED00] =	vst v63  }
0x10d: {  	s17 =	simm.s32 $0x0  }
0x10e: {  	v15 =	vld.idx.msk [tilespmem:v14+s17+$0x0 ss:$0x1], $0xffff;
	_ =	sdelay $0x4  }
0x10f: {  	(v2sf) =	vpush v15, $0x0;
	_ =	sdelay $0x9  }
0x110: {  	s19 =	sadd.s32 $0x0, s25;
	s18 =	sand.u32 $0x2000, s28  }
0x111: {  	s24 =	sor.u32 $0xC440, s18;
	v16 =	vld.msk [tilespmem:s19+$0x0 ss:$0x0], $0xffff  }
0x112: {  	v15 =	vld [tilespmem:s24+$0xFFFFFFC0];
	_ =	sdelay $0x2  }
0x113: {  	s18 =	spop (v2sf)  }
0x114: {  	s19 =	sshll.u32 s18, $0x8;
	s4 =	sshll.u32 s18, $0x7  }
0x115: {  	v15 =	vmul.f32 v16, v15;
	s17 =	sand.u32 $0xFFFFF800, s19;
	s4 =	sand.u32 $0x380, s4  }
0x116: {  	s4 =	sor.u32 s4, s17  }
0x117: {  	[tilespmem:s4+$0x10400] =	vst.add.f32.msk $0xffff, v15  }
0x118: {  	v15 =	vld [tilespmem:s24+$0xFFFFFFD0];
	_ =	sdelay $0x4  }
0x119: {  	s17 =	sadd.s32 $0x10400, s4;
	v15 =	vmul.f32 v15, v16  }
0x11a: {  	s4 =	sor.u32 $0x10, s17  }
0x11b: {  	[tilespmem:s4+$0x0] =	vst.add.f32.msk $0xffff, v15  }
0x11c: {  	v15 =	vld [tilespmem:s24+$0xFFFFFFE0];
	_ =	sdelay $0x4  }
0x11d: {  	v15 =	vmul.f32 v15, v16  }
0x11e: {  	s18 =	sor.u32 $0x20, s17  }
0x11f: {  	[tilespmem:s18+$0x0] =	vst.add.f32.msk $0xffff, v15  }
0x120: {  	v15 =	vld [tilespmem:s24+$0xFFFFFFF0];
	_ =	sdelay $0x4  }
0x121: {  	v15 =	vmul.f32 v15, v16  }
0x122: {  	s19 =	sor.u32 $0x30, s17  }
0x123: {  	[tilespmem:s19+$0x0] =	vst.add.f32.msk $0xffff, v15  }
0x124: {  	v15 =	vld [tilespmem:s24+$0x0];
	_ =	sdelay $0x4  }
0x125: {  	v15 =	vmul.f32 v15, v16  }
0x126: {  	s18 =	sor.u32 $0x40, s17  }
0x127: {  	[tilespmem:s18+$0x0] =	vst.add.f32.msk $0xffff, v15  }
0x128: {  	v15 =	vld [tilespmem:s24+$0x10];
	_ =	sdelay $0x4  }
0x129: {  	v15 =	vmul.f32 v15, v16  }
0x12a: {  	s19 =	sor.u32 $0x50, s17  }
0x12b: {  	[tilespmem:s19+$0x0] =	vst.add.f32.msk $0xffff, v15  }
0x12c: {  	v15 =	vld [tilespmem:s24+$0x20];
	_ =	sdelay $0x4  }
0x12d: {  	v15 =	vmul.f32 v15, v16  }
0x12e: {  	s18 =	sor.u32 $0x60, s17  }
0x12f: {  	[tilespmem:s18+$0x0] =	vst.add.f32.msk $0xffff, v15  }
0x130: {  	v15 =	vld [tilespmem:s24+$0x30];
	_ =	sdelay $0x4  }
0x131: {  	v17 =	vmul.f32 v15, v16  }
0x132: {  	s19 =	sor.u32 $0x70, s17;
	v15 =	vsel vm1, $0x3F800000, v6  }
0x133: {  	s30 =	simm.s32 $0x4;
	s4 =	simm.s32 $0x8;
	v16 =	vmul.f32 v15, v16;
	[tilespmem:s19+$0x0] =	vst.add.f32.msk $0xffff, v17  }
.LBB2_23:
0x134: {  	s19 =	sshra.s32 s30, $0x2  }
0x135: {  	[tilespmem:s17+$0x400] =	vst.add.f32.msk $0xffff, v16;
	s24 =	sadd.s32 $0x80, s24;
	s30 =	smov.u32 s4;
	s18 =	sadd.s32 $0x4, s4  }
0x136: {  	p0 =	seq.s32 s4, $0xFC;
	v16 =	vld.idx.msk [tilespmem:v14+s19+$0x0 ss:$0x1], $0xffff;
	s4 =	sadd.s32 s19, s25;
	_ =	sdelay $0x5  }
0x137: {  	(v2sf) =	vpush v16, $0x0;
	_ =	sdelay $0xa  }
0x138: {  	v16 =	vld.msk [tilespmem:s4+$0x0 ss:$0x0], $0xffff  }
0x139: {  	v17 =	vld [tilespmem:s24+$0xFFFFFFC0];
	_ =	sdelay $0x2  }
0x13a: {  	s4 =	spop (v2sf)  }
0x13b: {  	s17 =	sshll.u32 s4, $0x8;
	s4 =	sshll.u32 s4, $0x7  }
0x13c: {  	v17 =	vmul.f32 v16, v17;
	s17 =	sand.u32 $0xFFFFF800, s17;
	s4 =	sand.u32 $0x380, s4  }
0x13d: {  	s4 =	sor.u32 s4, s17  }
0x13e: {  	[tilespmem:s4+$0x10400] =	vst.add.f32.msk $0xffff, v17  }
0x13f: {  	v17 =	vld [tilespmem:s24+$0xFFFFFFD0];
	_ =	sdelay $0x4  }
0x140: {  	s17 =	sadd.s32 $0x10400, s4;
	v17 =	vmul.f32 v17, v16  }
0x141: {  	s4 =	sor.u32 $0x10, s17  }
0x142: {  	[tilespmem:s4+$0x0] =	vst.add.f32.msk $0xffff, v17  }
0x143: {  	v17 =	vld [tilespmem:s24+$0xFFFFFFE0];
	_ =	sdelay $0x4  }
0x144: {  	v17 =	vmul.f32 v17, v16  }
0x145: {  	s4 =	sor.u32 $0x20, s17  }
0x146: {  	[tilespmem:s4+$0x0] =	vst.add.f32.msk $0xffff, v17  }
0x147: {  	v17 =	vld [tilespmem:s24+$0xFFFFFFF0];
	_ =	sdelay $0x4  }
0x148: {  	v17 =	vmul.f32 v17, v16  }
0x149: {  	s4 =	sor.u32 $0x30, s17  }
0x14a: {  	[tilespmem:s4+$0x0] =	vst.add.f32.msk $0xffff, v17  }
0x14b: {  	v17 =	vld [tilespmem:s24+$0x0];
	_ =	sdelay $0x4  }
0x14c: {  	v17 =	vmul.f32 v17, v16  }
0x14d: {  	s4 =	sor.u32 $0x40, s17  }
0x14e: {  	[tilespmem:s4+$0x0] =	vst.add.f32.msk $0xffff, v17  }
0x14f: {  	v17 =	vld [tilespmem:s24+$0x10];
	_ =	sdelay $0x4  }
0x150: {  	v17 =	vmul.f32 v17, v16  }
0x151: {  	s4 =	sor.u32 $0x50, s17  }
0x152: {  	[tilespmem:s4+$0x0] =	vst.add.f32.msk $0xffff, v17  }
0x153: {  	v17 =	vld [tilespmem:s24+$0x20];
	_ =	sdelay $0x4  }
0x154: {  	v17 =	vmul.f32 v17, v16  }
0x155: {  	s4 =	sor.u32 $0x60, s17  }
0x156: {  	[tilespmem:s4+$0x0] =	vst.add.f32.msk $0xffff, v17  }
0x157: {  	v17 =	vld [tilespmem:s24+$0x30];
	_ =	sdelay $0x2  }
.Ltmp13:
0x158: {  	(pc) =	sbr.rel @!p0 .LBB2_23-.Ltmp13, $4  }
0x159: {  	_ = 	snop  }
0x15a: {  	v17 =	vmul.f32 v17, v16  }
0x15b: {  	s4 =	sor.u32 $0x70, s17;
	v16 =	vmul.f32 v15, v16  }
0x15c: {  	[tilespmem:s4+$0x0] =	vst.add.f32.msk $0xffff, v17;
	s4 =	smov.u32 s18  }
0x15d: {  	_ =	sdelay $0x2  }
0x15e: {  	s4 =	sshra.s32 s30, $0x2;
	[tilespmem:s17+$0x400] =	vst.add.f32.msk $0xffff, v16  }
0x15f: {  	v14 =	vld.idx.msk [tilespmem:v14+s4+$0x0 ss:$0x1], $0xffff;
	_ =	sdelay $0x4  }
0x160: {  	(v2sf) =	vpush v14, $0x0;
	_ =	sdelay $0x9  }
0x161: {  	s17 =	sadd.s32 $0x80, s24  }
0x162: {  	s4 =	sadd.s32 s4, s25;
	v16 =	vld [tilespmem:s17+$0xFFFFFFC0]  }
0x163: {  	v14 =	vld.msk [tilespmem:s4+$0x0 ss:$0x0], $0xffff;
	_ =	sdelay $0x2  }
0x164: {  	s24 =	spop (v2sf)  }
0x165: {  	s18 =	sshll.u32 s24, $0x8;
	s4 =	sshll.u32 s24, $0x7  }
0x166: {  	v16 =	vmul.f32 v14, v16;
	s18 =	sand.u32 $0xFFFFF800, s18;
	s4 =	sand.u32 $0x380, s4  }
0x167: {  	s4 =	sor.u32 s4, s18  }
0x168: {  	[tilespmem:s4+$0x10400] =	vst.add.f32.msk $0xffff, v16  }
0x169: {  	v16 =	vld [tilespmem:s17+$0xFFFFFFD0];
	_ =	sdelay $0x4  }
0x16a: {  	s4 =	sadd.s32 $0x10400, s4;
	v16 =	vmul.f32 v16, v14  }
0x16b: {  	s30 =	sor.u32 $0x10, s4  }
0x16c: {  	[tilespmem:s30+$0x0] =	vst.add.f32.msk $0xffff, v16  }
0x16d: {  	v16 =	vld [tilespmem:s17+$0xFFFFFFE0];
	_ =	sdelay $0x4  }
0x16e: {  	v16 =	vmul.f32 v16, v14  }
0x16f: {  	s19 =	sor.u32 $0x20, s4  }
0x170: {  	[tilespmem:s19+$0x0] =	vst.add.f32.msk $0xffff, v16  }
0x171: {  	v16 =	vld [tilespmem:s17+$0xFFFFFFF0];
	_ =	sdelay $0x4  }
0x172: {  	v16 =	vmul.f32 v16, v14  }
0x173: {  	s24 =	sor.u32 $0x30, s4  }
0x174: {  	[tilespmem:s24+$0x0] =	vst.add.f32.msk $0xffff, v16  }
0x175: {  	v16 =	vld [tilespmem:s17+$0x0];
	_ =	sdelay $0x4  }
0x176: {  	v16 =	vmul.f32 v16, v14  }
0x177: {  	s30 =	sor.u32 $0x40, s4  }
0x178: {  	[tilespmem:s30+$0x0] =	vst.add.f32.msk $0xffff, v16  }
0x179: {  	v16 =	vld [tilespmem:s17+$0x10];
	_ =	sdelay $0x4  }
0x17a: {  	v16 =	vmul.f32 v16, v14  }
0x17b: {  	s19 =	sor.u32 $0x50, s4  }
0x17c: {  	[tilespmem:s19+$0x0] =	vst.add.f32.msk $0xffff, v16  }
0x17d: {  	v16 =	vld [tilespmem:s17+$0x20];
	_ =	sdelay $0x4  }
0x17e: {  	v16 =	vmul.f32 v16, v14  }
0x17f: {  	s24 =	sor.u32 $0x60, s4  }
0x180: {  	[tilespmem:s24+$0x0] =	vst.add.f32.msk $0xffff, v16  }
0x181: {  	v16 =	vld [tilespmem:s17+$0x30];
	_ =	sdelay $0x4  }
0x182: {  	v16 =	vmul.f32 v16, v14  }
0x183: {  	s30 =	sor.u32 $0x70, s4;
	v14 =	vmul.f32 v15, v14  }
0x184: {  	[tilespmem:s30+$0x0] =	vst.add.f32.msk $0xffff, v16  }
0x185: {  	[tilespmem:s4+$0x400] =	vst.add.f32.msk $0xffff, v14  }
0x186: {  	p0 =	seq.s32 s29, s5  }
.Ltmp14:
0x187: {  	_ = 	snop;
	(pc) =	sbr.rel @!p0 .LBB2_22-.Ltmp14, $2  }
0x188: {  	_ =	sdelay $0x2  }
0x189: {  	s25 =	sadd.s32 $0x40, s25;
	s26 =	sadd.s32 $0x40, s26;
	s28 =	sadd.s32 $0x2000, s28  }
0x18a: {  	s4 =	sand.u32 $0x7FFFFFC0, s22  }
0x18b: {  	v14 =	vld [tilespmem:s4+$0xA680];
	_ =	sdelay $0x4  }
0x18c: {  	[tilespmem:$0xA680] =	vst v14  }
0x18d: {  	v14 =	vld [tilespmem:s4+$0xB000];
	_ =	sdelay $0x4  }
0x18e: {  	[tilespmem:$0xB000] =	vst v14  }
0x18f: {  	v14 =	vld [tilespmem:s4+$0xB980];
	_ =	sdelay $0x4  }
0x190: {  	[tilespmem:$0xB980] =	vst v14  }
0x191: {  	v14 =	vld [tilespmem:s4+$0xA690];
	_ =	sdelay $0x4  }
0x192: {  	[tilespmem:$0xA690] =	vst v14  }
0x193: {  	v14 =	vld [tilespmem:s4+$0xB010];
	_ =	sdelay $0x4  }
0x194: {  	[tilespmem:$0xB010] =	vst v14  }
0x195: {  	v14 =	vld [tilespmem:s4+$0xB990];
	_ =	sdelay $0x4  }
0x196: {  	[tilespmem:$0xB990] =	vst v14  }
0x197: {  	v14 =	vld [tilespmem:s4+$0xA6A0];
	_ =	sdelay $0x4  }
0x198: {  	[tilespmem:$0xA6A0] =	vst v14  }
0x199: {  	v14 =	vld [tilespmem:s4+$0xB020];
	_ =	sdelay $0x4  }
0x19a: {  	[tilespmem:$0xB020] =	vst v14  }
0x19b: {  	v14 =	vld [tilespmem:s4+$0xB9A0];
	_ =	sdelay $0x4  }
0x19c: {  	[tilespmem:$0xB9A0] =	vst v14  }
0x19d: {  	v14 =	vld [tilespmem:s4+$0xA6B0];
	_ =	sdelay $0x4  }
0x19e: {  	[tilespmem:$0xA6B0] =	vst v14  }
0x19f: {  	v14 =	vld [tilespmem:s4+$0xB030];
	_ =	sdelay $0x4  }
0x1a0: {  	[tilespmem:$0xB030] =	vst v14  }
0x1a1: {  	v14 =	vld [tilespmem:s4+$0xB9B0]  }
.Ltmp15:
0x1a2: {  	_ = 	snop;
	(pc) =	sbr.rel .LBB2_26-.Ltmp15, $2  }
0x1a3: {  	_ =	sdelay $0x2  }
0x1a4: {  	[tilespmem:$0xB9B0] =	vst v14  }
.LBB2_19:
0x1a5: {  	s4 =	simm.s32 $0x0  }
0x1a6: {  	s4 =	simm.s32 @p0 $0x0  }
.LBB2_26:
0x1a7: {  	v14 =	vld [tilespmem:s10+$0x7500];
	_ =	sdelay $0x4  }
0x1a8: {  	(v2sf) =	vpush v14, $0x0;
	_ =	sdelay $0xe  }
0x1a9: {  	s5 =	spop (v2sf)  }
0x1aa: {  	s5 =	sadd.s32 $0xF, s5  }
0x1ab: {  	s17 =	sshrl.u32 s5, $0x4  }
0x1ac: {  	p0 =	seq.s32 s17, $0x0  }
.Ltmp16:
0x1ad: {  	_ = 	snop;
	(pc) =	sbr.rel @p0 .LBB2_33-.Ltmp16, $2  }
0x1ae: {  	_ =	sdelay $0x2  }
0x1af: {  	s22 =	ssub.s32 s22, s4  }
0x1b0: {  	p1 =	sne.s32 s17, $0x1  }
.Ltmp17:
0x1b1: {  	_ = 	snop;
	(pc) =	sbr.rel @!p1 .LBB2_28-.Ltmp17, $3  }
0x1b2: {  	_ =	sdelay $0x1  }
0x1b3: {  	s4 =	sadd.s32 $0x7D10, s10  }
0x1b4: {  	v14 =	vbroadcast v14, $0x0;
	s5 =	simm.s32 $0x0;
	s10 =	sadd.s32 $0xFFFFFFFF, s17;
	p0 =	por $0x0, $0x0;
	v15 =	vld [tilespmem:s4+$0xFFFFF800]  }
0x1b5: {  	_ =	sdelay $0x3  }
0x1b6: {  	v17 =	vor.u32 s5, v7;
	v16 =	vshrl.u32 v15, $0xE  }
0x1b7: {  	vm2 =	vlt.s32 v17, v14;
	vm3 =	vge.u32 v16, v2  }
0x1b8: {  	vm2 =	vmand vm2, vm3;
	vm3 =	vlt.u32 v16, v3  }
0x1b9: {  	v16 =	vsub.s32 v16, v2;
	vm2 =	vmand vm3, vm2  }
0x1ba: {  	[tilespmem:s22+$0xA680] =	vst.msk vm2, v16;
	v16 =	vmpcnt.ones.xlane vm2  }
0x1bb: {  	v15 =	vand.u32 $0x3FFF, v15  }
0x1bc: {  	[tilespmem:s22+$0xB000] =	vst.msk vm2, v15;
	(v2sf) =	vpush v16, $0x0  }
0x1bd: {  	v15 =	vld [tilespmem:s4+$0x0]  }
0x1be: {  	p1 =	sne.s32 s10, $0x1  }
.Ltmp18:
0x1bf: {  	_ = 	snop;
	(pc) =	sbr.rel @!p1 .LBB2_30-.Ltmp18, $3  }
0x1c0: {  	_ =	sdelay $0x1  }
0x1c1: {  	s24 =	sadd.s32 $0xFFFFFFFF, s10;
	s4 =	sadd.s32 $0x10, s4;
	[tilespmem:s22+$0xB980] =	vst.msk vm2, v15  }
0x1c2: {  	p0 =	por $0x1, $0x1;
	s17 =	simm.s32 $0x0;
	s10 =	smov.u32 s22;
	v15 =	vld [tilespmem:s4+$0xFFFFF800]  }
.LBB2_31:
0x1c3: {  	p1 =	sne.s32 s24, $0x1;
	_ =	sdelay $0x2  }
0x1c4: {  	s17 =	sadd.s32 $0x10, s17  }
0x1c5: {  	v17 =	vor.u32 s17, v7;
	v16 =	vshrl.u32 v15, $0xE;
	v15 =	vand.u32 $0x3FFF, v15  }
0x1c6: {  	vm2 =	vlt.s32 v17, v14;
	vm3 =	vge.u32 v16, v2;
	v17 =	vsub.s32 v16, v2  }
0x1c7: {  	vm2 =	vmand vm2, vm3;
	vm3 =	vlt.u32 v16, v3  }
0x1c8: {  	vm2 =	vmand vm3, vm2;
	s18 =	spop (v2sf)  }
0x1c9: {  	v16 =	vmpcnt.ones.xlane vm2;
	s10 =	sadd.s32 s10, s18  }
0x1ca: {  	[tilespmem:s10+$0xA680] =	vst.msk vm2, v17  }
0x1cb: {  	[tilespmem:s10+$0xB000] =	vst.msk vm2, v15;
	(v2sf) =	vpush v16, $0x0  }
0x1cc: {  	v15 =	vld [tilespmem:s4+$0x0];
	_ =	sdelay $0x1  }
.Ltmp19:
0x1cd: {  	(pc) =	sbr.rel @p1 .LBB2_31-.Ltmp19, $3  }
0x1ce: {  	_ =	sdelay $0x1  }
0x1cf: {  	s4 =	sadd.s32 $0x10, s4;
	[tilespmem:s10+$0xB980] =	vst.msk vm2, v15  }
0x1d0: {  	s24 =	sadd.s32 $0xFFFFFFFF, s24;
	v15 =	vld [tilespmem:s4+$0xFFFFF800]  }
.LBB2_32:
0x1d1: {  	_ =	sdelay $0x1  }
0x1d2: {  	s17 =	sadd.s32 @p0 $0x10, s17  }
0x1d3: {  	s5 =	smov.u32 @p0 s17  }
0x1d4: {  	v17 =	vor.u32 s5, v7;
	v16 =	vshrl.u32 v15, $0xE  }
0x1d5: {  	vm2 =	vlt.s32 v17, v14;
	vm3 =	vge.u32 v16, v2  }
0x1d6: {  	vm2 =	vmand vm2, vm3;
	vm3 =	vlt.u32 v16, v3  }
0x1d7: {  	vm2 =	vmand vm3, vm2  }
0x1d8: {  	v14 =	vmpcnt.ones.xlane vm2;
	_ =	sdelay $0x1  }
0x1d9: {  	(v2sf) =	vpush v14, $0x0;
	_ =	sdelay $0x5  }
0x1da: {  	s5 =	spop @p0 (v2sf)  }
0x1db: {  	s5 =	sadd.s32 @p0 s10, s5  }
0x1dc: {  	s22 =	smov.u32 @p0 s5;
	v14 =	vsub.s32 v16, v2  }
0x1dd: {  	v15 =	vand.u32 $0x3FFF, v15;
	[tilespmem:s22+$0xA680] =	vst.msk vm2, v14  }
0x1de: {  	[tilespmem:s22+$0xB000] =	vst.msk vm2, v15  }
0x1df: {  	v14 =	vld [tilespmem:s4+$0x0];
	_ =	sdelay $0x3  }
0x1e0: {  	s30 =	spop (v2sf)  }
0x1e1: {  	[tilespmem:s22+$0xB980] =	vst.msk vm2, v14;
	s22 =	sadd.s32 s22, s30  }
.LBB2_33:
0x1e2: {  	p0 =	slt.s32 s22, $0x100;
	s5 =	sshrl.u32 s22, $0x6  }
0x1e3: {  	p1 =	seq.s32 @!p0 s5, $0x0  }
0x1e4: {  	p1 =	por p0, p1  }
.Ltmp20:
0x1e5: {  	_ = 	snop;
	(pc) =	sbr.rel @p1 .LBB2_34-.Ltmp20, $1  }
0x1e6: {  	_ =	sdelay $0x3  }
0x1e7: {  	v14 =	vld [tilespmem:$0xB000]  }
0x1e8: {  	v15 =	vld [tilespmem:$0xB010]  }
0x1e9: {  	v16 =	vld [tilespmem:$0xB020]  }
0x1ea: {  	v17 =	vld [tilespmem:$0xB030];
	_ =	sdelay $0x1  }
0x1eb: {  	[tilespmem:$0xC300] =	vst v14  }
0x1ec: {  	[tilespmem:$0xC310] =	vst v15  }
0x1ed: {  	s10 =	simm.s32 $0xB980;
	[tilespmem:$0xC320] =	vst v16  }
0x1ee: {  	s25 =	simm.s32 $0xA680;
	s26 =	simm.s32 $0x0;
	s28 =	simm.s32 $0x0;
	[tilespmem:$0xC330] =	vst v17  }
0x1ef: {  	[tilespmem:s6], [sflag:$0x1] =	stream.indirect.gather [hbm4b:s1+s31], $0x80, s0, s31, $0xb8;
	[tilespmem:$0x1ED00] =	vst v63  }
.LBB2_37:
0x1f0: {  	s28 =	sadd.s32 $0x1, s28  }
0x1f1: {  	_ =	swait.ge [sflag:s23], $0x2000;
	p0 =	sge.u32 s28, s5  }
0x1f2: {  	[sflag:s23] =	ssyncset.done $0x0;
	s4 =	sshll.u32 @!p0 s28, $0x8  }
0x1f3: {  	[sflag:s23] =	ssyncadd.s32 $0xFFFFE000;
	s4 =	sshra.s32 @!p0 s4, $0x2  }
0x1f4: {  	v14 =	vld @!p0 [tilespmem:s4+$0xB000];
	_ =	sdelay $0x2  }
0x1f5: {  	s17 =	sand.u32 @!p0 $0x1, s28  }
0x1f6: {  	s18 =	sshll.u32 @!p0 s17, $0x7  }
0x1f7: {  	[tilespmem:s18+$0xC300] =	vst @!p0 v14  }
0x1f8: {  	v14 =	vld @!p0 [tilespmem:s4+$0xB010];
	_ =	sdelay $0x4  }
0x1f9: {  	[tilespmem:s18+$0xC310] =	vst @!p0 v14  }
0x1fa: {  	v14 =	vld @!p0 [tilespmem:s4+$0xB020];
	_ =	sdelay $0x4  }
0x1fb: {  	[tilespmem:s18+$0xC320] =	vst @!p0 v14  }
0x1fc: {  	v15 =	vld @!p0 [tilespmem:s4+$0xB030];
	_ =	sdelay $0x1  }
0x1fd: {  	v14 =	vmov s25;
	_ =	sdelay $0x1  }
0x1fe: {  	s30 =	simm.s32 $0x0;
	s4 =	sshll.u32 @!p0 s17, $0xD  }
0x1ff: {  	s17 =	sor.u32 @!p0 $0xC300, s18;
	s4 =	sor.u32 @!p0 $0xC400, s4;
	[tilespmem:s18+$0xC330] =	vst @!p0 v15;
	s18 =	simm.s32 @!p0 $0x40  }
0x200: {  	[tilespmem:s4], [sflag:$0x1] =	stream.indirect.gather @!p0 [hbm4b:s1+s18], $0x80, s17, s18, $0xb8;
	[tilespmem:$0x1ED00] =	vst v63  }
0x201: {  	v15 =	vld.idx.msk [tilespmem:v14+s30+$0x0 ss:$0x1], $0xffff;
	_ =	sdelay $0x4  }
0x202: {  	(v2sf) =	vpush v15, $0x0;
	_ =	sdelay $0x9  }
0x203: {  	s17 =	sand.u32 $0x2000, s26;
	s18 =	sadd.s32 $0x0, s10  }
0x204: {  	s24 =	sor.u32 $0xC440, s17;
	v16 =	vld.msk [tilespmem:s18+$0x0 ss:$0x0], $0xffff  }
0x205: {  	v15 =	vld [tilespmem:s24+$0xFFFFFFC0];
	_ =	sdelay $0x2  }
0x206: {  	s19 =	spop (v2sf)  }
0x207: {  	s30 =	sshll.u32 s19, $0x8;
	s4 =	sshll.u32 s19, $0x7  }
0x208: {  	v15 =	vmul.f32 v16, v15;
	s17 =	sand.u32 $0xFFFFF800, s30;
	s4 =	sand.u32 $0x380, s4  }
0x209: {  	s4 =	sor.u32 s4, s17  }
0x20a: {  	[tilespmem:s4+$0x10400] =	vst.add.f32.msk $0xffff, v15  }
0x20b: {  	v15 =	vld [tilespmem:s24+$0xFFFFFFD0];
	_ =	sdelay $0x4  }
0x20c: {  	s17 =	sadd.s32 $0x10400, s4;
	v15 =	vmul.f32 v15, v16  }
0x20d: {  	s4 =	sor.u32 $0x10, s17  }
0x20e: {  	[tilespmem:s4+$0x0] =	vst.add.f32.msk $0xffff, v15  }
0x20f: {  	v15 =	vld [tilespmem:s24+$0xFFFFFFE0];
	_ =	sdelay $0x4  }
0x210: {  	v15 =	vmul.f32 v15, v16  }
0x211: {  	s18 =	sor.u32 $0x20, s17  }
0x212: {  	[tilespmem:s18+$0x0] =	vst.add.f32.msk $0xffff, v15  }
0x213: {  	v15 =	vld [tilespmem:s24+$0xFFFFFFF0];
	_ =	sdelay $0x4  }
0x214: {  	v15 =	vmul.f32 v15, v16  }
0x215: {  	s19 =	sor.u32 $0x30, s17  }
0x216: {  	[tilespmem:s19+$0x0] =	vst.add.f32.msk $0xffff, v15  }
0x217: {  	v15 =	vld [tilespmem:s24+$0x0];
	_ =	sdelay $0x4  }
0x218: {  	v15 =	vmul.f32 v15, v16  }
0x219: {  	s30 =	sor.u32 $0x40, s17  }
0x21a: {  	[tilespmem:s30+$0x0] =	vst.add.f32.msk $0xffff, v15  }
0x21b: {  	v15 =	vld [tilespmem:s24+$0x10];
	_ =	sdelay $0x4  }
0x21c: {  	v15 =	vmul.f32 v15, v16  }
0x21d: {  	s18 =	sor.u32 $0x50, s17  }
0x21e: {  	[tilespmem:s18+$0x0] =	vst.add.f32.msk $0xffff, v15  }
0x21f: {  	v15 =	vld [tilespmem:s24+$0x20];
	_ =	sdelay $0x4  }
0x220: {  	v15 =	vmul.f32 v15, v16  }
0x221: {  	s19 =	sor.u32 $0x60, s17  }
0x222: {  	[tilespmem:s19+$0x0] =	vst.add.f32.msk $0xffff, v15  }
0x223: {  	v15 =	vld [tilespmem:s24+$0x30];
	_ =	sdelay $0x4  }
0x224: {  	v17 =	vmul.f32 v15, v16  }
0x225: {  	s30 =	sor.u32 $0x70, s17;
	v15 =	vsel vm1, $0x3F800000, v6  }
0x226: {  	s29 =	simm.s32 $0x4;
	s18 =	simm.s32 $0x8;
	v16 =	vmul.f32 v15, v16;
	[tilespmem:s30+$0x0] =	vst.add.f32.msk $0xffff, v17  }
.LBB2_38:
0x227: {  	s19 =	sshra.s32 s29, $0x2  }
0x228: {  	[tilespmem:s17+$0x400] =	vst.add.f32.msk $0xffff, v16;
	s24 =	sadd.s32 $0x80, s24;
	s29 =	smov.u32 s18;
	s4 =	sadd.s32 $0x4, s18  }
0x229: {  	p0 =	seq.s32 s18, $0xFC;
	v16 =	vld.idx.msk [tilespmem:v14+s19+$0x0 ss:$0x1], $0xffff;
	s17 =	sadd.s32 s19, s10;
	_ =	sdelay $0x5  }
0x22a: {  	(v2sf) =	vpush v16, $0x0;
	_ =	sdelay $0xa  }
0x22b: {  	v16 =	vld.msk [tilespmem:s17+$0x0 ss:$0x0], $0xffff  }
0x22c: {  	v17 =	vld [tilespmem:s24+$0xFFFFFFC0];
	_ =	sdelay $0x2  }
0x22d: {  	s17 =	spop (v2sf)  }
0x22e: {  	s18 =	sshll.u32 s17, $0x8;
	s17 =	sshll.u32 s17, $0x7  }
0x22f: {  	v17 =	vmul.f32 v16, v17;
	s18 =	sand.u32 $0xFFFFF800, s18;
	s17 =	sand.u32 $0x380, s17  }
0x230: {  	s17 =	sor.u32 s17, s18  }
0x231: {  	[tilespmem:s17+$0x10400] =	vst.add.f32.msk $0xffff, v17  }
0x232: {  	v17 =	vld [tilespmem:s24+$0xFFFFFFD0];
	_ =	sdelay $0x4  }
0x233: {  	s17 =	sadd.s32 $0x10400, s17;
	v17 =	vmul.f32 v17, v16  }
0x234: {  	s18 =	sor.u32 $0x10, s17  }
0x235: {  	[tilespmem:s18+$0x0] =	vst.add.f32.msk $0xffff, v17  }
0x236: {  	v17 =	vld [tilespmem:s24+$0xFFFFFFE0];
	_ =	sdelay $0x4  }
0x237: {  	v17 =	vmul.f32 v17, v16  }
0x238: {  	s18 =	sor.u32 $0x20, s17  }
0x239: {  	[tilespmem:s18+$0x0] =	vst.add.f32.msk $0xffff, v17  }
0x23a: {  	v17 =	vld [tilespmem:s24+$0xFFFFFFF0];
	_ =	sdelay $0x4  }
0x23b: {  	v17 =	vmul.f32 v17, v16  }
0x23c: {  	s18 =	sor.u32 $0x30, s17  }
0x23d: {  	[tilespmem:s18+$0x0] =	vst.add.f32.msk $0xffff, v17  }
0x23e: {  	v17 =	vld [tilespmem:s24+$0x0];
	_ =	sdelay $0x4  }
0x23f: {  	v17 =	vmul.f32 v17, v16  }
0x240: {  	s18 =	sor.u32 $0x40, s17  }
0x241: {  	[tilespmem:s18+$0x0] =	vst.add.f32.msk $0xffff, v17  }
0x242: {  	v17 =	vld [tilespmem:s24+$0x10];
	_ =	sdelay $0x4  }
0x243: {  	v17 =	vmul.f32 v17, v16  }
0x244: {  	s18 =	sor.u32 $0x50, s17  }
0x245: {  	[tilespmem:s18+$0x0] =	vst.add.f32.msk $0xffff, v17  }
0x246: {  	v17 =	vld [tilespmem:s24+$0x20];
	_ =	sdelay $0x4  }
0x247: {  	v17 =	vmul.f32 v17, v16  }
0x248: {  	s18 =	sor.u32 $0x60, s17  }
0x249: {  	[tilespmem:s18+$0x0] =	vst.add.f32.msk $0xffff, v17  }
0x24a: {  	v17 =	vld [tilespmem:s24+$0x30];
	_ =	sdelay $0x2  }
.Ltmp21:
0x24b: {  	(pc) =	sbr.rel @!p0 .LBB2_38-.Ltmp21, $4  }
0x24c: {  	_ = 	snop  }
0x24d: {  	v17 =	vmul.f32 v17, v16  }
0x24e: {  	s18 =	sor.u32 $0x70, s17;
	v16 =	vmul.f32 v15, v16  }
0x24f: {  	[tilespmem:s18+$0x0] =	vst.add.f32.msk $0xffff, v17;
	s18 =	smov.u32 s4  }
0x250: {  	_ =	sdelay $0x2  }
0x251: {  	s4 =	sshra.s32 s29, $0x2;
	[tilespmem:s17+$0x400] =	vst.add.f32.msk $0xffff, v16  }
0x252: {  	v14 =	vld.idx.msk [tilespmem:v14+s4+$0x0 ss:$0x1], $0xffff;
	_ =	sdelay $0x4  }
0x253: {  	(v2sf) =	vpush v14, $0x0;
	_ =	sdelay $0x9  }
0x254: {  	s17 =	sadd.s32 $0x80, s24  }
0x255: {  	s4 =	sadd.s32 s4, s10;
	v16 =	vld [tilespmem:s17+$0xFFFFFFC0]  }
0x256: {  	v14 =	vld.msk [tilespmem:s4+$0x0 ss:$0x0], $0xffff;
	_ =	sdelay $0x2  }
0x257: {  	s19 =	spop (v2sf)  }
0x258: {  	s18 =	sshll.u32 s19, $0x8;
	s4 =	sshll.u32 s19, $0x7  }
0x259: {  	v16 =	vmul.f32 v14, v16;
	s18 =	sand.u32 $0xFFFFF800, s18;
	s4 =	sand.u32 $0x380, s4  }
0x25a: {  	s4 =	sor.u32 s4, s18  }
0x25b: {  	[tilespmem:s4+$0x10400] =	vst.add.f32.msk $0xffff, v16  }
0x25c: {  	v16 =	vld [tilespmem:s17+$0xFFFFFFD0];
	_ =	sdelay $0x4  }
0x25d: {  	s4 =	sadd.s32 $0x10400, s4;
	v16 =	vmul.f32 v16, v14  }
0x25e: {  	s24 =	sor.u32 $0x10, s4  }
0x25f: {  	[tilespmem:s24+$0x0] =	vst.add.f32.msk $0xffff, v16  }
0x260: {  	v16 =	vld [tilespmem:s17+$0xFFFFFFE0];
	_ =	sdelay $0x4  }
0x261: {  	v16 =	vmul.f32 v16, v14  }
0x262: {  	s29 =	sor.u32 $0x20, s4  }
0x263: {  	[tilespmem:s29+$0x0] =	vst.add.f32.msk $0xffff, v16  }
0x264: {  	v16 =	vld [tilespmem:s17+$0xFFFFFFF0];
	_ =	sdelay $0x4  }
0x265: {  	v16 =	vmul.f32 v16, v14  }
0x266: {  	s30 =	sor.u32 $0x30, s4  }
0x267: {  	[tilespmem:s30+$0x0] =	vst.add.f32.msk $0xffff, v16  }
0x268: {  	v16 =	vld [tilespmem:s17+$0x0];
	_ =	sdelay $0x4  }
0x269: {  	v16 =	vmul.f32 v16, v14  }
0x26a: {  	s19 =	sor.u32 $0x40, s4  }
0x26b: {  	[tilespmem:s19+$0x0] =	vst.add.f32.msk $0xffff, v16  }
0x26c: {  	v16 =	vld [tilespmem:s17+$0x10];
	_ =	sdelay $0x4  }
0x26d: {  	v16 =	vmul.f32 v16, v14  }
0x26e: {  	s24 =	sor.u32 $0x50, s4  }
0x26f: {  	[tilespmem:s24+$0x0] =	vst.add.f32.msk $0xffff, v16  }
0x270: {  	v16 =	vld [tilespmem:s17+$0x20];
	_ =	sdelay $0x4  }
0x271: {  	v16 =	vmul.f32 v16, v14  }
0x272: {  	s29 =	sor.u32 $0x60, s4  }
0x273: {  	[tilespmem:s29+$0x0] =	vst.add.f32.msk $0xffff, v16  }
0x274: {  	v16 =	vld [tilespmem:s17+$0x30];
	_ =	sdelay $0x4  }
0x275: {  	v16 =	vmul.f32 v16, v14  }
0x276: {  	s30 =	sor.u32 $0x70, s4;
	v14 =	vmul.f32 v15, v14  }
0x277: {  	[tilespmem:s30+$0x0] =	vst.add.f32.msk $0xffff, v16  }
0x278: {  	[tilespmem:s4+$0x400] =	vst.add.f32.msk $0xffff, v14  }
0x279: {  	p0 =	seq.s32 s28, s5  }
.Ltmp22:
0x27a: {  	_ = 	snop;
	(pc) =	sbr.rel @!p0 .LBB2_37-.Ltmp22, $2  }
0x27b: {  	_ =	sdelay $0x2  }
0x27c: {  	s10 =	sadd.s32 $0x40, s10;
	s25 =	sadd.s32 $0x40, s25;
	s26 =	sadd.s32 $0x2000, s26  }
0x27d: {  	s4 =	sand.u32 $0x7FFFFFC0, s22  }
0x27e: {  	v14 =	vld [tilespmem:s4+$0xA680];
	_ =	sdelay $0x4  }
0x27f: {  	[tilespmem:$0xA680] =	vst v14  }
0x280: {  	v14 =	vld [tilespmem:s4+$0xB000];
	_ =	sdelay $0x4  }
0x281: {  	[tilespmem:$0xB000] =	vst v14  }
0x282: {  	v14 =	vld [tilespmem:s4+$0xB980];
	_ =	sdelay $0x4  }
0x283: {  	[tilespmem:$0xB980] =	vst v14  }
0x284: {  	v14 =	vld [tilespmem:s4+$0xA690];
	_ =	sdelay $0x4  }
0x285: {  	[tilespmem:$0xA690] =	vst v14  }
0x286: {  	v14 =	vld [tilespmem:s4+$0xB010];
	_ =	sdelay $0x4  }
0x287: {  	[tilespmem:$0xB010] =	vst v14  }
0x288: {  	v14 =	vld [tilespmem:s4+$0xB990];
	_ =	sdelay $0x4  }
0x289: {  	[tilespmem:$0xB990] =	vst v14  }
0x28a: {  	v14 =	vld [tilespmem:s4+$0xA6A0];
	_ =	sdelay $0x4  }
0x28b: {  	[tilespmem:$0xA6A0] =	vst v14  }
0x28c: {  	v14 =	vld [tilespmem:s4+$0xB020];
	_ =	sdelay $0x4  }
0x28d: {  	[tilespmem:$0xB020] =	vst v14  }
0x28e: {  	v14 =	vld [tilespmem:s4+$0xB9A0];
	_ =	sdelay $0x4  }
0x28f: {  	[tilespmem:$0xB9A0] =	vst v14  }
0x290: {  	v14 =	vld [tilespmem:s4+$0xA6B0];
	_ =	sdelay $0x4  }
0x291: {  	[tilespmem:$0xA6B0] =	vst v14  }
0x292: {  	v14 =	vld [tilespmem:s4+$0xB030];
	_ =	sdelay $0x4  }
0x293: {  	[tilespmem:$0xB030] =	vst v14  }
0x294: {  	v14 =	vld [tilespmem:s4+$0xB9B0]  }
.Ltmp23:
0x295: {  	_ = 	snop;
	(pc) =	sbr.rel .LBB2_41-.Ltmp23, $2  }
0x296: {  	_ =	sdelay $0x2  }
0x297: {  	[tilespmem:$0xB9B0] =	vst v14  }
.LBB2_13:
.Ltmp24:
0x298: {  	(pc) =	sbr.rel .LBB2_17-.Ltmp24, $2  }
0x299: {  	_ =	sdelay $0x2  }
0x29a: {  	s24 =	simm.s32 $0x0;
	s17 =	smov.u32 s22  }
.LBB2_28:
.Ltmp25:
0x29b: {  	(pc) =	sbr.rel .LBB2_32-.Ltmp25, $2  }
0x29c: {  	_ =	sdelay $0x2  }
0x29d: {  	s17 =	simm.s32 $0x0;
	s10 =	smov.u32 s22  }
.LBB2_15:
.Ltmp26:
0x29e: {  	(pc) =	sbr.rel .LBB2_17-.Ltmp26, $2  }
0x29f: {  	_ =	sdelay $0x2  }
0x2a0: {  	s24 =	simm.s32 $0x0;
	s17 =	smov.u32 s22  }
.LBB2_30:
.Ltmp27:
0x2a1: {  	(pc) =	sbr.rel .LBB2_32-.Ltmp27, $2  }
0x2a2: {  	_ =	sdelay $0x2  }
0x2a3: {  	s17 =	simm.s32 $0x0;
	s10 =	smov.u32 s22  }
.LBB2_43:
0x2a4: {  	s4 =	sand.u32 $0xFFFFFFF0, s22  }
0x2a5: {  	v14 =	vld [tilespmem:s4+$0xA680]  }
0x2a6: {  	v15 =	vld [tilespmem:s4+$0xB000]  }
0x2a7: {  	v16 =	vld [tilespmem:s4+$0xB980]  }
0x2a8: {  	v17 =	vor.u32 s4, v7;
	v18 =	vld [tilespmem:s4+$0xA690]  }
0x2a9: {  	v55 =	vld [tilespmem:s4+$0xB010];
	vm2 =	vlt.s32 v17, s22  }
0x2aa: {  	s5 =	sadd.s32 $0x10, s4;
	v19 =	vld [tilespmem:s4+$0xB990];
	v14 =	vnsel vm2, $0x0, v14  }
0x2ab: {  	v20 =	vld [tilespmem:s4+$0xA6A0];
	[tilespmem:s4+$0xA680] =	vst v14;
	v14 =	vnsel vm2, $0x0, v15;
	v15 =	vor.u32 s5, v7  }
0x2ac: {  	[tilespmem:s4+$0xB000] =	vst v14;
	v14 =	vnsel vm2, $0x0, v16;
	vm2 =	vlt.s32 v15, s22;
	v15 =	vld [tilespmem:s4+$0xB020]  }
0x2ad: {  	s28 =	sadd.s32 $0x20, s4;
	v56 =	vld [tilespmem:s4+$0xB9A0];
	[tilespmem:s4+$0xB980] =	vst v14;
	v14 =	vnsel vm2, $0x0, v18  }
0x2ae: {  	v58 =	vld [tilespmem:s4+$0xA6B0];
	v57 =	vor.u32 s28, v7;
	[tilespmem:s4+$0xA690] =	vst v14;
	v14 =	vnsel vm2, $0x0, v55  }
0x2af: {  	v59 =	vld [tilespmem:s4+$0xB030];
	[tilespmem:s4+$0xB010] =	vst v14;
	v14 =	vnsel vm2, $0x0, v19;
	vm2 =	vlt.s32 v57, s22  }
0x2b0: {  	s10 =	sadd.s32 $0x3F, s22;
	s29 =	sadd.s32 $0x30, s4;
	v60 =	vld [tilespmem:s4+$0xB9B0];
	[tilespmem:s4+$0xB990] =	vst v14;
	v14 =	vnsel vm2, $0x0, v20  }
0x2b1: {  	v61 =	vld [tilespmem:s4+$0xA6C0];
	p0 =	sgt.s32 s10, $0x3F;
	[tilespmem:s4+$0xA6A0] =	vst v14;
	v14 =	vnsel vm2, $0x0, v15;
	v15 =	vor.u32 s29, v7  }
0x2b2: {  	s10 =	simm.s32 @!p0 $0x3F;
	[tilespmem:s4+$0xB020] =	vst v14;
	v14 =	vnsel vm2, $0x0, v56;
	vm2 =	vlt.s32 v15, s22;
	v15 =	vld [tilespmem:s4+$0xB040]  }
0x2b3: {  	s30 =	sadd.s32 $0x40, s4;
	v62 =	vld [tilespmem:s4+$0xB9C0];
	s11 =	sshrl.u32 s10, $0x6;
	[tilespmem:s4+$0xB9A0] =	vst v14;
	v14 =	vnsel vm2, $0x0, v58  }
0x2b4: {  	v63 =	vor.u32 s30, v7;
	p0 =	seq.s32 s11, $0x0;
	[tilespmem:s4+$0xA6B0] =	vst v14;
	v14 =	vnsel vm2, $0x0, v59  }
.Ltmp28:
0x2b5: {  	[tilespmem:s4+$0xB030] =	vst v14;
	v14 =	vnsel vm2, $0x0, v60;
	vm2 =	vlt.s32 v63, s22;
	(pc) =	sbr.rel @p0 .LBB2_50-.Ltmp28, $4  }
0x2b6: {  	[tilespmem:s4+$0xB9B0] =	vst v14;
	v14 =	vnsel vm2, $0x0, v61  }
0x2b7: {  	[tilespmem:s4+$0xA6C0] =	vst v14;
	v14 =	vnsel vm2, $0x0, v15  }
0x2b8: {  	[tilespmem:s4+$0xB040] =	vst v14;
	v14 =	vnsel vm2, $0x0, v62  }
0x2b9: {  	[tilespmem:s4+$0xB9C0] =	vst v14  }
0x2ba: {  	v14 =	vld [tilespmem:$0xB000]  }
0x2bb: {  	v15 =	vld [tilespmem:$0xB010]  }
0x2bc: {  	v16 =	vld [tilespmem:$0xB020]  }
0x2bd: {  	v17 =	vld [tilespmem:$0xB030];
	_ =	sdelay $0x1  }
0x2be: {  	[tilespmem:$0xC300] =	vst v14  }
0x2bf: {  	[tilespmem:$0xC310] =	vst v15  }
0x2c0: {  	s5 =	simm.s32 $0xB980;
	[tilespmem:$0xC320] =	vst v16  }
0x2c1: {  	s13 =	simm.s32 $0xA680;
	s14 =	simm.s32 $0x0;
	s22 =	simm.s32 $0x0;
	[tilespmem:$0xC330] =	vst v17  }
0x2c2: {  	[tilespmem:s6], [sflag:$0x1] =	stream.indirect.gather [hbm4b:s1+s31], $0x80, s0, s31, $0xb8;
	[tilespmem:$0x1ED00] =	vst v63  }
.LBB2_46:
0x2c3: {  	s22 =	sadd.s32 $0x1, s22  }
0x2c4: {  	_ =	swait.ge [sflag:s23], $0x2000;
	p0 =	sge.u32 s22, s11  }
0x2c5: {  	[sflag:s23] =	ssyncset.done $0x0;
	s4 =	sshll.u32 @!p0 s22, $0x8  }
0x2c6: {  	[sflag:s23] =	ssyncadd.s32 $0xFFFFE000;
	s4 =	sshra.s32 @!p0 s4, $0x2  }
0x2c7: {  	v14 =	vld @!p0 [tilespmem:s4+$0xB000];
	_ =	sdelay $0x2  }
0x2c8: {  	s17 =	sand.u32 @!p0 $0x1, s22  }
0x2c9: {  	s18 =	sshll.u32 @!p0 s17, $0x7  }
0x2ca: {  	[tilespmem:s18+$0xC300] =	vst @!p0 v14  }
0x2cb: {  	v14 =	vld @!p0 [tilespmem:s4+$0xB010];
	_ =	sdelay $0x4  }
0x2cc: {  	[tilespmem:s18+$0xC310] =	vst @!p0 v14  }
0x2cd: {  	v14 =	vld @!p0 [tilespmem:s4+$0xB020];
	_ =	sdelay $0x4  }
0x2ce: {  	[tilespmem:s18+$0xC320] =	vst @!p0 v14  }
0x2cf: {  	v15 =	vld @!p0 [tilespmem:s4+$0xB030];
	_ =	sdelay $0x1  }
0x2d0: {  	v14 =	vmov s13;
	_ =	sdelay $0x1  }
0x2d1: {  	s28 =	simm.s32 $0x0;
	s4 =	sshll.u32 @!p0 s17, $0xD  }
0x2d2: {  	s17 =	sor.u32 @!p0 $0xC300, s18;
	s4 =	sor.u32 @!p0 $0xC400, s4;
	[tilespmem:s18+$0xC330] =	vst @!p0 v15;
	s18 =	simm.s32 @!p0 $0x40  }
0x2d3: {  	[tilespmem:s4], [sflag:$0x1] =	stream.indirect.gather @!p0 [hbm4b:s1+s18], $0x80, s17, s18, $0xb8;
	[tilespmem:$0x1ED00] =	vst v63  }
0x2d4: {  	v15 =	vld.idx.msk [tilespmem:v14+s28+$0x0 ss:$0x1], $0xffff;
	_ =	sdelay $0x4  }
0x2d5: {  	(v2sf) =	vpush v15, $0x0;
	_ =	sdelay $0x9  }
0x2d6: {  	s29 =	sand.u32 $0x2000, s14;
	s30 =	sadd.s32 $0x0, s5  }
0x2d7: {  	s24 =	sor.u32 $0xC440, s29;
	v16 =	vld.msk [tilespmem:s30+$0x0 ss:$0x0], $0xffff  }
0x2d8: {  	v15 =	vld [tilespmem:s24+$0xFFFFFFC0];
	_ =	sdelay $0x2  }
0x2d9: {  	s17 =	spop (v2sf)  }
0x2da: {  	s18 =	sshll.u32 s17, $0x8;
	s4 =	sshll.u32 s17, $0x7  }
0x2db: {  	v15 =	vmul.f32 v16, v15;
	s17 =	sand.u32 $0xFFFFF800, s18;
	s4 =	sand.u32 $0x380, s4  }
0x2dc: {  	s4 =	sor.u32 s4, s17  }
0x2dd: {  	[tilespmem:s4+$0x10400] =	vst.add.f32.msk $0xffff, v15  }
0x2de: {  	v15 =	vld [tilespmem:s24+$0xFFFFFFD0];
	_ =	sdelay $0x4  }
0x2df: {  	s17 =	sadd.s32 $0x10400, s4;
	v15 =	vmul.f32 v15, v16  }
0x2e0: {  	s4 =	sor.u32 $0x10, s17  }
0x2e1: {  	[tilespmem:s4+$0x0] =	vst.add.f32.msk $0xffff, v15  }
0x2e2: {  	v15 =	vld [tilespmem:s24+$0xFFFFFFE0];
	_ =	sdelay $0x4  }
0x2e3: {  	v15 =	vmul.f32 v15, v16  }
0x2e4: {  	s19 =	sor.u32 $0x20, s17  }
0x2e5: {  	[tilespmem:s19+$0x0] =	vst.add.f32.msk $0xffff, v15  }
0x2e6: {  	v15 =	vld [tilespmem:s24+$0xFFFFFFF0];
	_ =	sdelay $0x4  }
0x2e7: {  	v15 =	vmul.f32 v15, v16  }
0x2e8: {  	s25 =	sor.u32 $0x30, s17  }
0x2e9: {  	[tilespmem:s25+$0x0] =	vst.add.f32.msk $0xffff, v15  }
0x2ea: {  	v15 =	vld [tilespmem:s24+$0x0];
	_ =	sdelay $0x4  }
0x2eb: {  	v15 =	vmul.f32 v15, v16  }
0x2ec: {  	s26 =	sor.u32 $0x40, s17  }
0x2ed: {  	[tilespmem:s26+$0x0] =	vst.add.f32.msk $0xffff, v15  }
0x2ee: {  	v15 =	vld [tilespmem:s24+$0x10];
	_ =	sdelay $0x4  }
0x2ef: {  	v15 =	vmul.f32 v15, v16  }
0x2f0: {  	s28 =	sor.u32 $0x50, s17  }
0x2f1: {  	[tilespmem:s28+$0x0] =	vst.add.f32.msk $0xffff, v15  }
0x2f2: {  	v15 =	vld [tilespmem:s24+$0x20];
	_ =	sdelay $0x4  }
0x2f3: {  	v15 =	vmul.f32 v15, v16  }
0x2f4: {  	s29 =	sor.u32 $0x60, s17  }
0x2f5: {  	[tilespmem:s29+$0x0] =	vst.add.f32.msk $0xffff, v15  }
0x2f6: {  	v15 =	vld [tilespmem:s24+$0x30];
	_ =	sdelay $0x4  }
0x2f7: {  	v17 =	vmul.f32 v15, v16  }
0x2f8: {  	s30 =	sor.u32 $0x70, s17;
	v15 =	vsel vm1, $0x3F800000, v6  }
0x2f9: {  	s18 =	simm.s32 $0x8;
	s25 =	simm.s32 $0x4;
	v16 =	vmul.f32 v15, v16;
	[tilespmem:s30+$0x0] =	vst.add.f32.msk $0xffff, v17  }
.LBB2_47:
0x2fa: {  	s19 =	sshra.s32 s25, $0x2  }
0x2fb: {  	[tilespmem:s17+$0x400] =	vst.add.f32.msk $0xffff, v16;
	s24 =	sadd.s32 $0x80, s24;
	s25 =	smov.u32 s18;
	s4 =	sadd.s32 $0x4, s18  }
0x2fc: {  	p0 =	seq.s32 s18, $0xFC;
	v16 =	vld.idx.msk [tilespmem:v14+s19+$0x0 ss:$0x1], $0xffff;
	s17 =	sadd.s32 s19, s5;
	_ =	sdelay $0x5  }
0x2fd: {  	(v2sf) =	vpush v16, $0x0;
	_ =	sdelay $0xa  }
0x2fe: {  	v16 =	vld.msk [tilespmem:s17+$0x0 ss:$0x0], $0xffff  }
0x2ff: {  	v17 =	vld [tilespmem:s24+$0xFFFFFFC0];
	_ =	sdelay $0x2  }
0x300: {  	s17 =	spop (v2sf)  }
0x301: {  	s18 =	sshll.u32 s17, $0x8;
	s17 =	sshll.u32 s17, $0x7  }
0x302: {  	v17 =	vmul.f32 v16, v17;
	s18 =	sand.u32 $0xFFFFF800, s18;
	s17 =	sand.u32 $0x380, s17  }
0x303: {  	s17 =	sor.u32 s17, s18  }
0x304: {  	[tilespmem:s17+$0x10400] =	vst.add.f32.msk $0xffff, v17  }
0x305: {  	v17 =	vld [tilespmem:s24+$0xFFFFFFD0];
	_ =	sdelay $0x4  }
0x306: {  	s17 =	sadd.s32 $0x10400, s17;
	v17 =	vmul.f32 v17, v16  }
0x307: {  	s18 =	sor.u32 $0x10, s17  }
0x308: {  	[tilespmem:s18+$0x0] =	vst.add.f32.msk $0xffff, v17  }
0x309: {  	v17 =	vld [tilespmem:s24+$0xFFFFFFE0];
	_ =	sdelay $0x4  }
0x30a: {  	v17 =	vmul.f32 v17, v16  }
0x30b: {  	s18 =	sor.u32 $0x20, s17  }
0x30c: {  	[tilespmem:s18+$0x0] =	vst.add.f32.msk $0xffff, v17  }
0x30d: {  	v17 =	vld [tilespmem:s24+$0xFFFFFFF0];
	_ =	sdelay $0x4  }
0x30e: {  	v17 =	vmul.f32 v17, v16  }
0x30f: {  	s18 =	sor.u32 $0x30, s17  }
0x310: {  	[tilespmem:s18+$0x0] =	vst.add.f32.msk $0xffff, v17  }
0x311: {  	v17 =	vld [tilespmem:s24+$0x0];
	_ =	sdelay $0x4  }
0x312: {  	v17 =	vmul.f32 v17, v16  }
0x313: {  	s18 =	sor.u32 $0x40, s17  }
0x314: {  	[tilespmem:s18+$0x0] =	vst.add.f32.msk $0xffff, v17  }
0x315: {  	v17 =	vld [tilespmem:s24+$0x10];
	_ =	sdelay $0x4  }
0x316: {  	v17 =	vmul.f32 v17, v16  }
0x317: {  	s18 =	sor.u32 $0x50, s17  }
0x318: {  	[tilespmem:s18+$0x0] =	vst.add.f32.msk $0xffff, v17  }
0x319: {  	v17 =	vld [tilespmem:s24+$0x20];
	_ =	sdelay $0x4  }
0x31a: {  	v17 =	vmul.f32 v17, v16  }
0x31b: {  	s18 =	sor.u32 $0x60, s17  }
0x31c: {  	[tilespmem:s18+$0x0] =	vst.add.f32.msk $0xffff, v17  }
0x31d: {  	v17 =	vld [tilespmem:s24+$0x30];
	_ =	sdelay $0x2  }
.Ltmp29:
0x31e: {  	(pc) =	sbr.rel @!p0 .LBB2_47-.Ltmp29, $4  }
0x31f: {  	_ = 	snop  }
0x320: {  	v17 =	vmul.f32 v17, v16  }
0x321: {  	s18 =	sor.u32 $0x70, s17;
	v16 =	vmul.f32 v15, v16  }
0x322: {  	[tilespmem:s18+$0x0] =	vst.add.f32.msk $0xffff, v17;
	s18 =	smov.u32 s4  }
0x323: {  	_ =	sdelay $0x2  }
0x324: {  	s4 =	sshra.s32 s25, $0x2;
	[tilespmem:s17+$0x400] =	vst.add.f32.msk $0xffff, v16  }
0x325: {  	v14 =	vld.idx.msk [tilespmem:v14+s4+$0x0 ss:$0x1], $0xffff;
	_ =	sdelay $0x4  }
0x326: {  	(v2sf) =	vpush v14, $0x0;
	_ =	sdelay $0x9  }
0x327: {  	s17 =	sadd.s32 $0x80, s24  }
0x328: {  	s4 =	sadd.s32 s4, s5;
	v16 =	vld [tilespmem:s17+$0xFFFFFFC0]  }
0x329: {  	v14 =	vld.msk [tilespmem:s4+$0x0 ss:$0x0], $0xffff;
	_ =	sdelay $0x2  }
0x32a: {  	s30 =	spop (v2sf)  }
0x32b: {  	s18 =	sshll.u32 s30, $0x8;
	s4 =	sshll.u32 s30, $0x7  }
0x32c: {  	v16 =	vmul.f32 v14, v16;
	s18 =	sand.u32 $0xFFFFF800, s18;
	s4 =	sand.u32 $0x380, s4  }
0x32d: {  	s4 =	sor.u32 s4, s18  }
0x32e: {  	[tilespmem:s4+$0x10400] =	vst.add.f32.msk $0xffff, v16  }
0x32f: {  	v16 =	vld [tilespmem:s17+$0xFFFFFFD0];
	_ =	sdelay $0x4  }
0x330: {  	s4 =	sadd.s32 $0x10400, s4;
	v16 =	vmul.f32 v16, v14  }
0x331: {  	s19 =	sor.u32 $0x10, s4  }
0x332: {  	[tilespmem:s19+$0x0] =	vst.add.f32.msk $0xffff, v16  }
0x333: {  	v16 =	vld [tilespmem:s17+$0xFFFFFFE0];
	_ =	sdelay $0x4  }
0x334: {  	v16 =	vmul.f32 v16, v14  }
0x335: {  	s24 =	sor.u32 $0x20, s4  }
0x336: {  	[tilespmem:s24+$0x0] =	vst.add.f32.msk $0xffff, v16  }
0x337: {  	v16 =	vld [tilespmem:s17+$0xFFFFFFF0];
	_ =	sdelay $0x4  }
0x338: {  	v16 =	vmul.f32 v16, v14  }
0x339: {  	s25 =	sor.u32 $0x30, s4  }
0x33a: {  	[tilespmem:s25+$0x0] =	vst.add.f32.msk $0xffff, v16  }
0x33b: {  	v16 =	vld [tilespmem:s17+$0x0];
	_ =	sdelay $0x4  }
0x33c: {  	v16 =	vmul.f32 v16, v14  }
0x33d: {  	s26 =	sor.u32 $0x40, s4  }
0x33e: {  	[tilespmem:s26+$0x0] =	vst.add.f32.msk $0xffff, v16  }
0x33f: {  	v16 =	vld [tilespmem:s17+$0x10];
	_ =	sdelay $0x4  }
0x340: {  	v16 =	vmul.f32 v16, v14  }
0x341: {  	s28 =	sor.u32 $0x50, s4  }
0x342: {  	[tilespmem:s28+$0x0] =	vst.add.f32.msk $0xffff, v16  }
0x343: {  	v16 =	vld [tilespmem:s17+$0x20];
	_ =	sdelay $0x4  }
0x344: {  	v16 =	vmul.f32 v16, v14  }
0x345: {  	s29 =	sor.u32 $0x60, s4  }
0x346: {  	[tilespmem:s29+$0x0] =	vst.add.f32.msk $0xffff, v16  }
0x347: {  	v16 =	vld [tilespmem:s17+$0x30];
	_ =	sdelay $0x4  }
0x348: {  	v16 =	vmul.f32 v16, v14  }
0x349: {  	s30 =	sor.u32 $0x70, s4;
	v14 =	vmul.f32 v15, v14  }
0x34a: {  	[tilespmem:s30+$0x0] =	vst.add.f32.msk $0xffff, v16  }
0x34b: {  	[tilespmem:s4+$0x400] =	vst.add.f32.msk $0xffff, v14  }
0x34c: {  	p0 =	seq.s32 s22, s11  }
.Ltmp30:
0x34d: {  	_ = 	snop;
	(pc) =	sbr.rel @!p0 .LBB2_46-.Ltmp30, $2  }
0x34e: {  	_ =	sdelay $0x2  }
0x34f: {  	s5 =	sadd.s32 $0x40, s5;
	s13 =	sadd.s32 $0x40, s13;
	s14 =	sadd.s32 $0x2000, s14  }
0x350: {  	s4 =	sand.u32 $0x7FFFFFC0, s10  }
0x351: {  	v14 =	vld [tilespmem:s4+$0xA680];
	_ =	sdelay $0x4  }
0x352: {  	[tilespmem:$0xA680] =	vst v14  }
0x353: {  	v14 =	vld [tilespmem:s4+$0xB000];
	_ =	sdelay $0x4  }
0x354: {  	[tilespmem:$0xB000] =	vst v14  }
0x355: {  	v14 =	vld [tilespmem:s4+$0xB980];
	_ =	sdelay $0x4  }
0x356: {  	[tilespmem:$0xB980] =	vst v14  }
0x357: {  	v14 =	vld [tilespmem:s4+$0xA690];
	_ =	sdelay $0x4  }
0x358: {  	[tilespmem:$0xA690] =	vst v14  }
0x359: {  	v14 =	vld [tilespmem:s4+$0xB010];
	_ =	sdelay $0x4  }
0x35a: {  	[tilespmem:$0xB010] =	vst v14  }
0x35b: {  	v14 =	vld [tilespmem:s4+$0xB990];
	_ =	sdelay $0x4  }
0x35c: {  	[tilespmem:$0xB990] =	vst v14  }
0x35d: {  	v14 =	vld [tilespmem:s4+$0xA6A0];
	_ =	sdelay $0x4  }
0x35e: {  	[tilespmem:$0xA6A0] =	vst v14  }
0x35f: {  	v14 =	vld [tilespmem:s4+$0xB020];
	_ =	sdelay $0x4  }
0x360: {  	[tilespmem:$0xB020] =	vst v14  }
0x361: {  	v14 =	vld [tilespmem:s4+$0xB9A0];
	_ =	sdelay $0x4  }
0x362: {  	[tilespmem:$0xB9A0] =	vst v14  }
0x363: {  	v14 =	vld [tilespmem:s4+$0xA6B0];
	_ =	sdelay $0x4  }
0x364: {  	[tilespmem:$0xA6B0] =	vst v14  }
0x365: {  	v14 =	vld [tilespmem:s4+$0xB030];
	_ =	sdelay $0x4  }
0x366: {  	[tilespmem:$0xB030] =	vst v14  }
0x367: {  	v14 =	vld [tilespmem:s4+$0xB9B0];
	_ =	sdelay $0x4  }
0x368: {  	[tilespmem:$0xB9B0] =	vst v14  }
.LBB2_50:
0x369: {  	s4 =	simm.s32 $0x0;
	s5 =	rddreg [dreg:$0x9];
	s10 =	simm.s32 $0x10400  }
0x36a: {  	[hbm4b:s5+s4] =	stream.linear.scatter [tilespmem:s10], [sflag:$0x4], $0xC800, $0x38;
	[tilespmem:$0x1ED00] =	vst v63  }
0x36b: {  	_ =	swait.ge [sflag:s15], $0xC800  }
0x36c: {  	[sflag:s15] =	ssyncset.done $0x0  }
0x36d: {  	[sflag:s15] =	ssyncadd.s32 $0xFFFF3800  }
0x36e: {  	[bflag:$0x0] =	sbarrier.arrive $0xFFFF  }
0x36f: {  	s28 =	simm.s32 $0x3800;
	s26 =	rddreg [dreg:$0x7]  }
0x370: {  	[tilespmem:s28], [sflag:$0x4] =	stream.linear.gather [hbm4b:s26+s4], $0xC0, $0x38;
	[tilespmem:$0x1ED00] =	vst v63  }
0x371: {  	_ =	swait.ge [sflag:s15], $0xC0  }
0x372: {  	[sflag:s15] =	ssyncset.done $0x0  }
0x373: {  	[sflag:s15] =	ssyncadd.s32 $0xFFFFFF40  }
0x374: {  	[tilespmem:$0x5400] =	vst v10  }
0x375: {  	[tilespmem:$0x5C00] =	vst v4  }
0x376: {  	[tilespmem:$0x5410] =	vst v10  }
0x377: {  	[tilespmem:$0x5C10] =	vst v4  }
0x378: {  	[tilespmem:$0x5420] =	vst v10  }
0x379: {  	[tilespmem:$0x5C20] =	vst v4  }
0x37a: {  	[tilespmem:$0x5430] =	vst v10  }
0x37b: {  	[tilespmem:$0x5C30] =	vst v4  }
0x37c: {  	[tilespmem:$0x5440] =	vst v10  }
0x37d: {  	[tilespmem:$0x5C40] =	vst v4  }
0x37e: {  	[tilespmem:$0x5450] =	vst v10  }
0x37f: {  	[tilespmem:$0x5C50] =	vst v4  }
0x380: {  	[tilespmem:$0x5460] =	vst v10  }
0x381: {  	[tilespmem:$0x5C60] =	vst v4  }
0x382: {  	[tilespmem:$0x5470] =	vst v10  }
0x383: {  	[tilespmem:$0x5C70] =	vst v4  }
0x384: {  	[tilespmem:$0x5480] =	vst v10  }
0x385: {  	[tilespmem:$0x5C80] =	vst v4  }
0x386: {  	[tilespmem:$0x5490] =	vst v10  }
0x387: {  	[tilespmem:$0x5C90] =	vst v4  }
0x388: {  	[tilespmem:$0x54A0] =	vst v10  }
0x389: {  	[tilespmem:$0x5CA0] =	vst v4  }
0x38a: {  	[tilespmem:$0x54B0] =	vst v10  }
0x38b: {  	s29 =	simm.s32 $0x0;
	[tilespmem:$0x5CB0] =	vst v4  }
0x38c: {  	v14 =	vld [tilespmem:s29+$0x3800];
	_ =	sdelay $0x4  }
0x38d: {  	vm2 =	vge.s32 v14, v0;
	vm3 =	vlt.s32 v14, v1  }
0x38e: {  	vm4 =	vgt.s32 v14, $0x0;
	vm2 =	vmand vm2, vm3  }
0x38f: {  	v14 =	vnsel vm4, $0x0, v14;
	v15 =	vmpcnt.ones.xlane vm2;
	_ =	sdelay $0x1  }
0x390: {  	(v2sf) =	vpush v15, $0x0;
	_ =	sdelay $0x2  }
0x391: {  	v14 =	vld.idx.msk [tilespmem:v14+s16+$0x0], $0xffff;
	_ =	sdelay $0x2  }
0x392: {  	s13 =	rddreg [dreg:$0x6]  }
0x393: {  	v15 =	vor.u32 s13, v7  }
0x394: {  	[tilespmem:s4+$0x5400] =	vst.msk vm2, v15;
	v14 =	vadd.s32 v14, v5  }
0x395: {  	s30 =	simm.s32 $0x10;
	[tilespmem:s4+$0x5C00] =	vst.msk vm2, v14  }
0x396: {  	v14 =	vld [tilespmem:s30+$0x3800];
	_ =	sdelay $0x4  }
0x397: {  	s10 =	simm.s32 $0x80;
	s5 =	smov.u32 s13;
	vm2 =	vge.s32 v14, v0;
	vm3 =	vlt.s32 v14, v1;
	vm4 =	vgt.s32 v14, $0x0;
	s11 =	spop (v2sf)  }
.LBB2_51:
0x398: {  	s4 =	sadd.s32 s4, s11  }
0x399: {  	vm2 =	vmand vm2, vm3;
	v14 =	vnsel vm4, $0x0, v14;
	s5 =	sadd.s32 $0x10, s5;
	s11 =	smov.u32 s10;
	s13 =	sadd.s32 $0x40, s10  }
0x39a: {  	p0 =	sne.s32 s10, $0x2C0;
	v15 =	vmpcnt.ones.xlane vm2;
	_ =	sdelay $0x1  }
0x39b: {  	(v2sf) =	vpush v15, $0x0;
	_ =	sdelay $0x1  }
0x39c: {  	v15 =	vor.u32 s5, v7;
	v14 =	vld.idx.msk [tilespmem:v14+s16+$0x0], $0xffff  }
0x39d: {  	[tilespmem:s4+$0x5400] =	vst.msk vm2, v15;
	_ =	sdelay $0x4  }
0x39e: {  	v14 =	vadd.s32 v14, v5  }
0x39f: {  	s10 =	sshra.s32 s11, $0x2;
	[tilespmem:s4+$0x5C00] =	vst.msk vm2, v14  }
0x3a0: {  	v14 =	vld [tilespmem:s10+$0x3800]  }
.Ltmp31:
0x3a1: {  	(pc) =	sbr.rel @p0 .LBB2_51-.Ltmp31, $2  }
0x3a2: {  	_ =	sdelay $0x2  }
0x3a3: {  	s10 =	smov.u32 s13;
	vm2 =	vge.s32 v14, v0;
	vm3 =	vlt.s32 v14, v1;
	vm4 =	vgt.s32 v14, $0x0;
	s11 =	spop (v2sf)  }
0x3a4: {  	v14 =	vnsel vm4, $0x0, v14;
	_ =	sdelay $0x4  }
0x3a5: {  	v14 =	vld.idx.msk [tilespmem:v14+s16+$0x0], $0xffff;
	_ =	sdelay $0x2  }
0x3a6: {  	s5 =	sadd.s32 $0x10, s5  }
0x3a7: {  	vm2 =	vmand vm2, vm3;
	s4 =	sadd.s32 s4, s11;
	v15 =	vor.u32 s5, v7  }
0x3a8: {  	[tilespmem:s4+$0x5400] =	vst.msk vm2, v15;
	v14 =	vadd.s32 v14, v5  }
0x3a9: {  	[tilespmem:s4+$0x5C00] =	vst.msk vm2, v14  }
0x3aa: {  	v14 =	vld [tilespmem:$0x5C00];
	_ =	sdelay $0x4  }
0x3ab: {  	[tilespmem:$0x1CC80] =	vst v14  }
0x3ac: {  	v14 =	vld [tilespmem:$0x1CC80];
	_ =	sdelay $0x4  }
0x3ad: {  	v15 =	vshll.u32 v14, $0x1  }
0x3ae: {  	v14 =	vand.u32 $0x7, v14;
	v15 =	vand.u32 $0xFFFFFFF0, v15  }
0x3af: {  	v16 =	vld [tilespmem:$0x5400];
	v14 =	vor.u32 v14, v15  }
0x3b0: {  	v18 =	vld [tilespmem:$0x5C10];
	v17 =	vperm.xlane v14, v11  }
0x3b1: {  	v15 =	vld [tilespmem:$0x5410]  }
0x3b2: {  	v14 =	vperm.xlane v14, v13;
	v17 =	vadd.s32 v12, v17;
	_ =	sdelay $0x1  }
0x3b3: {  	[tilespmem:$0x1CC00] =	vst v16;
	v14 =	vadd.s32 v12, v14  }
0x3b4: {  	[tilespmem:$0x1CC90] =	vst v18  }
0x3b5: {  	s24 =	simm.s32 $0x0;
	s17 =	rddreg [dreg:$0x4];
	s19 =	simm.s32 $0x1CD00;
	[tilespmem:$0x1CC10] =	vst v15  }
0x3b6: {  	[tilespmem:s19], [sflag:$0x2] =	stream.indirect_vreg.gather [hbm4b:s17+s24], $0x80, v17, vm0, $0xb8;
	[tilespmem:$0x1ED00] =	vst v63  }
0x3b7: {  	s22 =	simm.s32 $0x1D500  }
0x3b8: {  	v15 =	vmpcnt.ones.xlane vm2;
	[tilespmem:s22], [sflag:$0x2] =	stream.indirect_vreg.gather [hbm4b:s17+s24], $0x80, v14, vm0, $0xb8;
	[tilespmem:$0x1ED00] =	vst v63  }
0x3b9: {  	v14 =	vld [tilespmem:$0x1CC90]  }
0x3ba: {  	(v2sf) =	vpush v15, $0x0;
	_ =	sdelay $0x3  }
0x3bb: {  	v15 =	vshll.u32 v14, $0x1  }
0x3bc: {  	v14 =	vand.u32 $0x7, v14;
	v15 =	vand.u32 $0xFFFFFFF0, v15  }
0x3bd: {  	v14 =	vor.u32 v14, v15  }
0x3be: {  	v15 =	vperm.xlane v14, v11;
	_ =	sdelay $0x1  }
0x3bf: {  	v14 =	vperm.xlane v14, v13;
	v15 =	vadd.s32 v12, v15;
	_ =	sdelay $0x1  }
0x3c0: {  	v14 =	vadd.s32 v12, v14;
	_ =	sdelay $0x1  }
0x3c1: {  	s25 =	simm.s32 $0x1DD00  }
0x3c2: {  	[tilespmem:s25], [sflag:$0x2] =	stream.indirect_vreg.gather [hbm4b:s17+s24], $0x80, v15, vm0, $0xb8;
	[tilespmem:$0x1ED00] =	vst v63  }
0x3c3: {  	s10 =	simm.s32 $0x2;
	s5 =	simm.s32 $0x1E500;
	s26 =	spop (v2sf)  }
0x3c4: {  	[tilespmem:s5], [sflag:$0x2] =	stream.indirect_vreg.gather [hbm4b:s17+s24], $0x80, v14, vm0, $0xb8;
	[tilespmem:$0x1ED00] =	vst v63  }
0x3c5: {  	s28 =	sand.u32 $0x1800, s24;
	s4 =	sand.u32 $0x380, s24;
	_ =	swait.ge [sflag:s10], $0x2000  }
0x3c6: {  	s13 =	sor.u32 s4, s28;
	[sflag:s10] =	ssyncset.done $0x0  }
0x3c7: {  	s4 =	sadd.s32 $0x1CD00, s13;
	[sflag:s10] =	ssyncadd.s32 $0xFFFFE000  }
0x3c8: {  	v14 =	vld.msk [tilespmem:s4+$0x400 ss:$0x0], $0xffff;
	_ =	sdelay $0x4  }
0x3c9: {  	(erf) = vrcp.f32 v14;
	_ =	sdelay $0x5  }
0x3ca: {  	v16 =	vld [tilespmem:s13+$0x1CD00];
	_ =	sdelay $0x2  }
0x3cb: {  	s29 =	simm.s32 $0x100;
	s11 =	simm.s32 $0x80;
	v17 =	vld [tilespmem:s4+$0x50];
	vm2 =	veq.f32 v14, $0.0e+00;
	v14 =	vpop (erf)  }
0x3cc: {  	s30 =	sand.u32 $0x380, s11;
	s5 =	sand.u32 $0x1800, s29;
	v18 =	vld [tilespmem:s4+$0x40];
	v15 =	vsel vm2, $0x0, v14  }
0x3cd: {  	s5 =	sor.u32 s30, s5;
	v19 =	vld [tilespmem:s4+$0x60];
	v16 =	vmul.f32 v15, v16  }
0x3ce: {  	s10 =	sadd.s32 $0x1CD00, s5;
	v20 =	vld [tilespmem:s4+$0x70]  }
0x3cf: {  	v14 =	vld.msk [tilespmem:s10+$0x400 ss:$0x0], $0xffff;
	[tilespmem:s13+$0x1CD00] =	vst v16  }
0x3d0: {  	v16 =	vmul.f32 v17, v15;
	v21 =	vld [tilespmem:s4+$0x30]  }
0x3d1: {  	v17 =	vld [tilespmem:s4+$0x10]  }
0x3d2: {  	v19 =	vmul.f32 v19, v15;
	[tilespmem:s4+$0x50] =	vst v16;
	v16 =	vld [tilespmem:s4+$0x20]  }
0x3d3: {  	v18 =	vmul.f32 v18, v15  }
0x3d4: {  	v20 =	vmul.f32 v20, v15;
	[tilespmem:s4+$0x60] =	vst v19;
	(erf) = vrcp.f32 v14  }
0x3d5: {  	[tilespmem:s4+$0x40] =	vst v18;
	v18 =	vmul.f32 v21, v15  }
0x3d6: {  	s18 =	simm.s32 $0x0;
	s13 =	simm.s32 $0x200;
	[tilespmem:s4+$0x70] =	vst v20;
	v17 =	vmul.f32 v15, v17  }
.LBB2_53:
0x3d7: {  	p0 =	sne.s32 s13, $0x1F00;
	v15 =	vmul.f32 v16, v15;
	[tilespmem:s4+$0x30] =	vst v18;
	s14 =	smov.u32 s13;
	s13 =	sadd.s32 $0x100, s13  }
0x3d8: {  	v16 =	vld [tilespmem:s10+$0x50];
	[tilespmem:s4+$0x10] =	vst v17  }
0x3d9: {  	v17 =	vld [tilespmem:s10+$0x40];
	[tilespmem:s4+$0x20] =	vst v15;
	s4 =	smov.u32 s10  }
0x3da: {  	v18 =	vld [tilespmem:s5+$0x1CD00]  }
0x3db: {  	v19 =	vld [tilespmem:s4+$0x60]  }
0x3dc: {  	s11 =	sadd.s32 $0x80, s11;
	v20 =	vld [tilespmem:s4+$0x70]  }
0x3dd: {  	vm2 =	veq.f32 v14, $0.0e+00;
	s10 =	sand.u32 $0x1800, s14;
	s14 =	sand.u32 $0x380, s11;
	v14 =	vpop (erf)  }
0x3de: {  	s14 =	sor.u32 s14, s10;
	v15 =	vsel vm2, $0x0, v14  }
0x3df: {  	s10 =	sadd.s32 $0x1CD00, s14;
	v18 =	vmul.f32 v15, v18;
	v17 =	vmul.f32 v17, v15  }
0x3e0: {  	v16 =	vmul.f32 v16, v15;
	v14 =	vld.msk [tilespmem:s10+$0x400 ss:$0x0], $0xffff;
	v19 =	vmul.f32 v19, v15  }
0x3e1: {  	[tilespmem:s5+$0x1CD00] =	vst v18;
	v18 =	vmul.f32 v20, v15;
	s5 =	smov.u32 s14  }
0x3e2: {  	v20 =	vld [tilespmem:s4+$0x30];
	[tilespmem:s4+$0x50] =	vst v16  }
0x3e3: {  	v21 =	vld [tilespmem:s4+$0x10];
	[tilespmem:s4+$0x60] =	vst v19  }
.Ltmp32:
0x3e4: {  	v16 =	vld [tilespmem:s4+$0x20];
	[tilespmem:s4+$0x40] =	vst v17;
	(pc) =	sbr.rel @p0 .LBB2_53-.Ltmp32, $4  }
0x3e5: {  	[tilespmem:s4+$0x70] =	vst v18  }
0x3e6: {  	(erf) = vrcp.f32 v14  }
0x3e7: {  	v18 =	vmul.f32 v20, v15  }
0x3e8: {  	v17 =	vmul.f32 v15, v21  }
0x3e9: {  	[tilespmem:s4+$0x30] =	vst v18;
	v15 =	vmul.f32 v16, v15  }
0x3ea: {  	v16 =	vld [tilespmem:s10+$0x50];
	[tilespmem:s4+$0x10] =	vst v17  }
0x3eb: {  	v17 =	vld [tilespmem:s10+$0x40];
	[tilespmem:s4+$0x20] =	vst v15  }
0x3ec: {  	v15 =	vld [tilespmem:s5+$0x1CD00];
	_ =	sdelay $0x2  }
0x3ed: {  	vm2 =	veq.f32 v14, $0.0e+00;
	v14 =	vpop (erf)  }
0x3ee: {  	v14 =	vsel vm2, $0x0, v14  }
0x3ef: {  	v18 =	vld [tilespmem:s10+$0x60];
	v15 =	vmul.f32 v14, v15;
	_ =	sdelay $0x1  }
0x3f0: {  	v19 =	vld [tilespmem:s10+$0x70];
	v16 =	vmul.f32 v16, v14;
	[tilespmem:s5+$0x1CD00] =	vst v15  }
0x3f1: {  	v15 =	vld [tilespmem:s10+$0x30]  }
0x3f2: {  	[tilespmem:s10+$0x50] =	vst v16;
	v16 =	vld [tilespmem:s10+$0x10]  }
0x3f3: {  	v18 =	vmul.f32 v18, v14;
	v20 =	vld [tilespmem:s10+$0x20]  }
0x3f4: {  	v17 =	vmul.f32 v17, v14  }
0x3f5: {  	v19 =	vmul.f32 v19, v14;
	[tilespmem:s10+$0x60] =	vst v18  }
0x3f6: {  	[tilespmem:s10+$0x40] =	vst v17;
	v15 =	vmul.f32 v15, v14  }
0x3f7: {  	[tilespmem:s10+$0x70] =	vst v19;
	v16 =	vmul.f32 v14, v16  }
0x3f8: {  	v14 =	vmul.f32 v20, v14;
	[tilespmem:s10+$0x30] =	vst v15  }
0x3f9: {  	[tilespmem:s10+$0x10] =	vst v16  }
0x3fa: {  	[tilespmem:s10+$0x20] =	vst v14  }
0x3fb: {  	v14 =	vld [tilespmem:$0x1CC00];
	_ =	sdelay $0x4  }
0x3fc: {  	v15 =	vshll.u32 v14, $0x1  }
0x3fd: {  	v14 =	vand.u32 $0x7, v14;
	v15 =	vand.u32 $0xFFFFFFF0, v15  }
0x3fe: {  	v14 =	vor.u32 v14, v15  }
0x3ff: {  	v15 =	vperm.xlane v14, v11;
	_ =	sdelay $0x1  }
0x400: {  	v14 =	vperm.xlane v14, v13;
	v15 =	vadd.s32 v12, v15;
	_ =	sdelay $0x1  }
0x401: {  	v14 =	vadd.s32 v12, v14;
	_ =	sdelay $0x1  }
0x402: {  	s14 =	simm.s32 $0x0  }
0x403: {  	[hbm4b:s9+s14] =	stream.indirect_vreg.scatter [tilespmem:s19], [sflag:$0x4], $0x80, v15, vm0, $0xb8;
	[tilespmem:$0x1ED00] =	vst v63  }
0x404: {  	_ = 	snop  }
0x405: {  	[hbm4b:s9+s14] =	stream.indirect_vreg.scatter [tilespmem:s22], [sflag:$0x4], $0x80, v14, vm0, $0xb8;
	[tilespmem:$0x1ED00] =	vst v63  }
0x406: {  	v14 =	vld [tilespmem:$0x1CC10];
	_ =	sdelay $0x4  }
0x407: {  	v15 =	vshll.u32 v14, $0x1  }
0x408: {  	v14 =	vand.u32 $0x7, v14;
	v15 =	vand.u32 $0xFFFFFFF0, v15  }
0x409: {  	v14 =	vor.u32 v14, v15  }
0x40a: {  	v15 =	vperm.xlane v14, v11;
	_ =	sdelay $0x1  }
0x40b: {  	v14 =	vperm.xlane v14, v13;
	v15 =	vadd.s32 v12, v15;
	_ =	sdelay $0x1  }
0x40c: {  	v14 =	vadd.s32 v12, v14;
	_ =	sdelay $0x1  }
0x40d: {  	s24 =	simm.s32 $0x1DD00  }
0x40e: {  	[hbm4b:s9+s14] =	stream.indirect_vreg.scatter [tilespmem:s24], [sflag:$0x4], $0x80, v15, vm0, $0xb8;
	[tilespmem:$0x1ED00] =	vst v63  }
0x40f: {  	s25 =	simm.s32 $0x1E500  }
0x410: {  	[hbm4b:s9+s14] =	stream.indirect_vreg.scatter [tilespmem:s25], [sflag:$0x4], $0x80, v14, vm0, $0xb8;
	[tilespmem:$0x1ED00] =	vst v63  }
0x411: {  	_ =	swait.ge [sflag:s15], $0x2000  }
0x412: {  	[sflag:s15] =	ssyncset.done $0x0  }
0x413: {  	[sflag:s15] =	ssyncadd.s32 $0xFFFFE000  }
0x414: {  	v14 =	vld [tilespmem:$0x5C20];
	_ =	sdelay $0x4  }
0x415: {  	[tilespmem:$0x1CC80] =	vst v14  }
0x416: {  	v14 =	vld [tilespmem:$0x1CC80];
	_ =	sdelay $0x4  }
0x417: {  	v15 =	vshll.u32 v14, $0x1  }
0x418: {  	v14 =	vand.u32 $0x7, v14;
	v15 =	vand.u32 $0xFFFFFFF0, v15  }
0x419: {  	v16 =	vld [tilespmem:$0x5420];
	v14 =	vor.u32 v14, v15  }
0x41a: {  	v18 =	vld [tilespmem:$0x5C30];
	v17 =	vperm.xlane v14, v11  }
0x41b: {  	v15 =	vld [tilespmem:$0x5430]  }
0x41c: {  	v14 =	vperm.xlane v14, v13;
	v17 =	vadd.s32 v12, v17;
	_ =	sdelay $0x1  }
0x41d: {  	[tilespmem:$0x1CC00] =	vst v16;
	v14 =	vadd.s32 v12, v14  }
0x41e: {  	[tilespmem:$0x1CC90] =	vst v18  }
0x41f: {  	[tilespmem:$0x1CC10] =	vst v15  }
0x420: {  	[tilespmem:s19], [sflag:$0x2] =	stream.indirect_vreg.gather [hbm4b:s17+s14], $0x80, v17, vm0, $0xb8;
	[tilespmem:$0x1ED00] =	vst v63  }
0x421: {  	_ = 	snop  }
0x422: {  	[tilespmem:s22], [sflag:$0x2] =	stream.indirect_vreg.gather [hbm4b:s17+s14], $0x80, v14, vm0, $0xb8;
	[tilespmem:$0x1ED00] =	vst v63  }
0x423: {  	v14 =	vld [tilespmem:$0x1CC90];
	_ =	sdelay $0x4  }
0x424: {  	v15 =	vshll.u32 v14, $0x1  }
0x425: {  	v14 =	vand.u32 $0x7, v14;
	v15 =	vand.u32 $0xFFFFFFF0, v15  }
0x426: {  	v14 =	vor.u32 v14, v15  }
0x427: {  	v15 =	vperm.xlane v14, v11;
	_ =	sdelay $0x1  }
0x428: {  	v14 =	vperm.xlane v14, v13;
	v15 =	vadd.s32 v12, v15;
	_ =	sdelay $0x1  }
0x429: {  	v14 =	vadd.s32 v12, v14;
	_ =	sdelay $0x2  }
0x42a: {  	[tilespmem:s24], [sflag:$0x2] =	stream.indirect_vreg.gather [hbm4b:s17+s14], $0x80, v15, vm0, $0xb8;
	[tilespmem:$0x1ED00] =	vst v63  }
0x42b: {  	s26 =	simm.s32 $0x2  }
0x42c: {  	[tilespmem:s25], [sflag:$0x2] =	stream.indirect_vreg.gather [hbm4b:s17+s14], $0x80, v14, vm0, $0xb8;
	[tilespmem:$0x1ED00] =	vst v63  }
0x42d: {  	s28 =	sand.u32 $0x1800, s14;
	s4 =	sand.u32 $0x380, s14;
	_ =	swait.ge [sflag:s26], $0x2000  }
0x42e: {  	s13 =	sor.u32 s4, s28;
	[sflag:s26] =	ssyncset.done $0x0  }
0x42f: {  	s4 =	sadd.s32 $0x1CD00, s13;
	[sflag:s26] =	ssyncadd.s32 $0xFFFFE000  }
0x430: {  	v14 =	vld.msk [tilespmem:s4+$0x400 ss:$0x0], $0xffff;
	_ =	sdelay $0x4  }
0x431: {  	(erf) = vrcp.f32 v14;
	_ =	sdelay $0x5  }
0x432: {  	v16 =	vld [tilespmem:s13+$0x1CD00];
	_ =	sdelay $0x2  }
0x433: {  	s29 =	simm.s32 $0x100;
	s11 =	simm.s32 $0x80;
	v17 =	vld [tilespmem:s4+$0x50];
	vm2 =	veq.f32 v14, $0.0e+00;
	v14 =	vpop (erf)  }
0x434: {  	s30 =	sand.u32 $0x380, s11;
	s5 =	sand.u32 $0x1800, s29;
	v18 =	vld [tilespmem:s4+$0x40];
	v15 =	vsel vm2, $0x0, v14  }
0x435: {  	s5 =	sor.u32 s30, s5;
	v19 =	vld [tilespmem:s4+$0x60];
	v16 =	vmul.f32 v15, v16  }
0x436: {  	s10 =	sadd.s32 $0x1CD00, s5;
	v20 =	vld [tilespmem:s4+$0x70]  }
0x437: {  	v14 =	vld.msk [tilespmem:s10+$0x400 ss:$0x0], $0xffff;
	[tilespmem:s13+$0x1CD00] =	vst v16  }
0x438: {  	v16 =	vmul.f32 v17, v15;
	v21 =	vld [tilespmem:s4+$0x30]  }
0x439: {  	v17 =	vld [tilespmem:s4+$0x10]  }
0x43a: {  	v19 =	vmul.f32 v19, v15;
	[tilespmem:s4+$0x50] =	vst v16;
	v16 =	vld [tilespmem:s4+$0x20]  }
0x43b: {  	v18 =	vmul.f32 v18, v15  }
0x43c: {  	v20 =	vmul.f32 v20, v15;
	[tilespmem:s4+$0x60] =	vst v19;
	(erf) = vrcp.f32 v14  }
0x43d: {  	[tilespmem:s4+$0x40] =	vst v18;
	v18 =	vmul.f32 v21, v15  }
0x43e: {  	s13 =	simm.s32 $0x200;
	[tilespmem:s4+$0x70] =	vst v20;
	v17 =	vmul.f32 v15, v17  }
.LBB2_55:
0x43f: {  	p0 =	sne.s32 s13, $0x1F00;
	v15 =	vmul.f32 v16, v15;
	[tilespmem:s4+$0x30] =	vst v18;
	s14 =	smov.u32 s13;
	s13 =	sadd.s32 $0x100, s13  }
0x440: {  	v16 =	vld [tilespmem:s10+$0x50];
	[tilespmem:s4+$0x10] =	vst v17  }
0x441: {  	v17 =	vld [tilespmem:s10+$0x40];
	[tilespmem:s4+$0x20] =	vst v15;
	s4 =	smov.u32 s10  }
0x442: {  	v18 =	vld [tilespmem:s5+$0x1CD00]  }
0x443: {  	v19 =	vld [tilespmem:s4+$0x60]  }
0x444: {  	s11 =	sadd.s32 $0x80, s11;
	v20 =	vld [tilespmem:s4+$0x70]  }
0x445: {  	vm2 =	veq.f32 v14, $0.0e+00;
	s10 =	sand.u32 $0x1800, s14;
	s14 =	sand.u32 $0x380, s11;
	v14 =	vpop (erf)  }
0x446: {  	s14 =	sor.u32 s14, s10;
	v15 =	vsel vm2, $0x0, v14  }
0x447: {  	s10 =	sadd.s32 $0x1CD00, s14;
	v18 =	vmul.f32 v15, v18;
	v17 =	vmul.f32 v17, v15  }
0x448: {  	v16 =	vmul.f32 v16, v15;
	v14 =	vld.msk [tilespmem:s10+$0x400 ss:$0x0], $0xffff;
	v19 =	vmul.f32 v19, v15  }
0x449: {  	[tilespmem:s5+$0x1CD00] =	vst v18;
	v18 =	vmul.f32 v20, v15;
	s5 =	smov.u32 s14  }
0x44a: {  	v20 =	vld [tilespmem:s4+$0x30];
	[tilespmem:s4+$0x50] =	vst v16  }
0x44b: {  	v21 =	vld [tilespmem:s4+$0x10];
	[tilespmem:s4+$0x60] =	vst v19  }
.Ltmp33:
0x44c: {  	v16 =	vld [tilespmem:s4+$0x20];
	[tilespmem:s4+$0x40] =	vst v17;
	(pc) =	sbr.rel @p0 .LBB2_55-.Ltmp33, $4  }
0x44d: {  	[tilespmem:s4+$0x70] =	vst v18  }
0x44e: {  	(erf) = vrcp.f32 v14  }
0x44f: {  	v18 =	vmul.f32 v20, v15  }
0x450: {  	v17 =	vmul.f32 v15, v21  }
0x451: {  	[tilespmem:s4+$0x30] =	vst v18;
	v15 =	vmul.f32 v16, v15  }
0x452: {  	v16 =	vld [tilespmem:s10+$0x50];
	[tilespmem:s4+$0x10] =	vst v17  }
0x453: {  	v17 =	vld [tilespmem:s10+$0x40];
	[tilespmem:s4+$0x20] =	vst v15  }
0x454: {  	v15 =	vld [tilespmem:s5+$0x1CD00];
	_ =	sdelay $0x2  }
0x455: {  	vm2 =	veq.f32 v14, $0.0e+00;
	v14 =	vpop (erf)  }
0x456: {  	v14 =	vsel vm2, $0x0, v14  }
0x457: {  	v18 =	vld [tilespmem:s10+$0x60];
	v15 =	vmul.f32 v14, v15;
	_ =	sdelay $0x1  }
0x458: {  	v19 =	vld [tilespmem:s10+$0x70];
	v16 =	vmul.f32 v16, v14;
	[tilespmem:s5+$0x1CD00] =	vst v15  }
0x459: {  	v15 =	vld [tilespmem:s10+$0x30]  }
0x45a: {  	[tilespmem:s10+$0x50] =	vst v16;
	v16 =	vld [tilespmem:s10+$0x10]  }
0x45b: {  	v18 =	vmul.f32 v18, v14;
	v20 =	vld [tilespmem:s10+$0x20]  }
0x45c: {  	v17 =	vmul.f32 v17, v14  }
0x45d: {  	v19 =	vmul.f32 v19, v14;
	[tilespmem:s10+$0x60] =	vst v18  }
0x45e: {  	[tilespmem:s10+$0x40] =	vst v17;
	v15 =	vmul.f32 v15, v14  }
0x45f: {  	[tilespmem:s10+$0x70] =	vst v19;
	v16 =	vmul.f32 v14, v16  }
0x460: {  	v14 =	vmul.f32 v20, v14;
	[tilespmem:s10+$0x30] =	vst v15  }
0x461: {  	[tilespmem:s10+$0x10] =	vst v16  }
0x462: {  	[tilespmem:s10+$0x20] =	vst v14  }
0x463: {  	v14 =	vld [tilespmem:$0x1CC00];
	_ =	sdelay $0x4  }
0x464: {  	v15 =	vshll.u32 v14, $0x1  }
0x465: {  	v14 =	vand.u32 $0x7, v14;
	v15 =	vand.u32 $0xFFFFFFF0, v15  }
0x466: {  	v14 =	vor.u32 v14, v15  }
0x467: {  	v15 =	vperm.xlane v14, v11;
	_ =	sdelay $0x1  }
0x468: {  	v14 =	vperm.xlane v14, v13;
	v15 =	vadd.s32 v12, v15;
	_ =	sdelay $0x1  }
0x469: {  	v14 =	vadd.s32 v12, v14;
	_ =	sdelay $0x1  }
0x46a: {  	s14 =	simm.s32 $0x0  }
0x46b: {  	[hbm4b:s9+s14] =	stream.indirect_vreg.scatter [tilespmem:s19], [sflag:$0x4], $0x80, v15, vm0, $0xb8;
	[tilespmem:$0x1ED00] =	vst v63  }
0x46c: {  	_ = 	snop  }
0x46d: {  	[hbm4b:s9+s14] =	stream.indirect_vreg.scatter [tilespmem:s22], [sflag:$0x4], $0x80, v14, vm0, $0xb8;
	[tilespmem:$0x1ED00] =	vst v63  }
0x46e: {  	v14 =	vld [tilespmem:$0x1CC10];
	_ =	sdelay $0x4  }
0x46f: {  	v15 =	vshll.u32 v14, $0x1  }
0x470: {  	v14 =	vand.u32 $0x7, v14;
	v15 =	vand.u32 $0xFFFFFFF0, v15  }
0x471: {  	v14 =	vor.u32 v14, v15  }
0x472: {  	v15 =	vperm.xlane v14, v11;
	_ =	sdelay $0x1  }
0x473: {  	v14 =	vperm.xlane v14, v13;
	v15 =	vadd.s32 v12, v15;
	_ =	sdelay $0x1  }
0x474: {  	v14 =	vadd.s32 v12, v14;
	_ =	sdelay $0x1  }
0x475: {  	s24 =	simm.s32 $0x1DD00  }
0x476: {  	[hbm4b:s9+s14] =	stream.indirect_vreg.scatter [tilespmem:s24], [sflag:$0x4], $0x80, v15, vm0, $0xb8;
	[tilespmem:$0x1ED00] =	vst v63  }
0x477: {  	s25 =	simm.s32 $0x1E500  }
0x478: {  	[hbm4b:s9+s14] =	stream.indirect_vreg.scatter [tilespmem:s25], [sflag:$0x4], $0x80, v14, vm0, $0xb8;
	[tilespmem:$0x1ED00] =	vst v63  }
0x479: {  	_ =	swait.ge [sflag:s15], $0x2000  }
0x47a: {  	[sflag:s15] =	ssyncset.done $0x0  }
0x47b: {  	[sflag:s15] =	ssyncadd.s32 $0xFFFFE000  }
0x47c: {  	v14 =	vld [tilespmem:$0x5C40];
	_ =	sdelay $0x4  }
0x47d: {  	[tilespmem:$0x1CC80] =	vst v14  }
0x47e: {  	v14 =	vld [tilespmem:$0x1CC80];
	_ =	sdelay $0x4  }
0x47f: {  	v15 =	vshll.u32 v14, $0x1  }
0x480: {  	v14 =	vand.u32 $0x7, v14;
	v15 =	vand.u32 $0xFFFFFFF0, v15  }
0x481: {  	v16 =	vld [tilespmem:$0x5440];
	v14 =	vor.u32 v14, v15  }
0x482: {  	v18 =	vld [tilespmem:$0x5C50];
	v17 =	vperm.xlane v14, v11  }
0x483: {  	v15 =	vld [tilespmem:$0x5450]  }
0x484: {  	v14 =	vperm.xlane v14, v13;
	v17 =	vadd.s32 v12, v17;
	_ =	sdelay $0x1  }
0x485: {  	[tilespmem:$0x1CC00] =	vst v16;
	v14 =	vadd.s32 v12, v14  }
0x486: {  	[tilespmem:$0x1CC90] =	vst v18  }
0x487: {  	[tilespmem:$0x1CC10] =	vst v15  }
0x488: {  	[tilespmem:s19], [sflag:$0x2] =	stream.indirect_vreg.gather [hbm4b:s17+s14], $0x80, v17, vm0, $0xb8;
	[tilespmem:$0x1ED00] =	vst v63  }
0x489: {  	_ = 	snop  }
0x48a: {  	[tilespmem:s22], [sflag:$0x2] =	stream.indirect_vreg.gather [hbm4b:s17+s14], $0x80, v14, vm0, $0xb8;
	[tilespmem:$0x1ED00] =	vst v63  }
0x48b: {  	v14 =	vld [tilespmem:$0x1CC90];
	_ =	sdelay $0x4  }
0x48c: {  	v15 =	vshll.u32 v14, $0x1  }
0x48d: {  	v14 =	vand.u32 $0x7, v14;
	v15 =	vand.u32 $0xFFFFFFF0, v15  }
0x48e: {  	v14 =	vor.u32 v14, v15  }
0x48f: {  	v15 =	vperm.xlane v14, v11;
	_ =	sdelay $0x1  }
0x490: {  	v14 =	vperm.xlane v14, v13;
	v15 =	vadd.s32 v12, v15;
	_ =	sdelay $0x1  }
0x491: {  	v14 =	vadd.s32 v12, v14;
	_ =	sdelay $0x2  }
0x492: {  	[tilespmem:s24], [sflag:$0x2] =	stream.indirect_vreg.gather [hbm4b:s17+s14], $0x80, v15, vm0, $0xb8;
	[tilespmem:$0x1ED00] =	vst v63  }
0x493: {  	s26 =	simm.s32 $0x2  }
0x494: {  	[tilespmem:s25], [sflag:$0x2] =	stream.indirect_vreg.gather [hbm4b:s17+s14], $0x80, v14, vm0, $0xb8;
	[tilespmem:$0x1ED00] =	vst v63  }
0x495: {  	s28 =	sand.u32 $0x1800, s14;
	s4 =	sand.u32 $0x380, s14;
	_ =	swait.ge [sflag:s26], $0x2000  }
0x496: {  	s13 =	sor.u32 s4, s28;
	[sflag:s26] =	ssyncset.done $0x0  }
0x497: {  	s4 =	sadd.s32 $0x1CD00, s13;
	[sflag:s26] =	ssyncadd.s32 $0xFFFFE000  }
0x498: {  	v14 =	vld.msk [tilespmem:s4+$0x400 ss:$0x0], $0xffff;
	_ =	sdelay $0x4  }
0x499: {  	(erf) = vrcp.f32 v14;
	_ =	sdelay $0x5  }
0x49a: {  	v16 =	vld [tilespmem:s13+$0x1CD00];
	_ =	sdelay $0x2  }
0x49b: {  	s29 =	simm.s32 $0x100;
	s11 =	simm.s32 $0x80;
	v17 =	vld [tilespmem:s4+$0x50];
	vm2 =	veq.f32 v14, $0.0e+00;
	v14 =	vpop (erf)  }
0x49c: {  	s30 =	sand.u32 $0x380, s11;
	s5 =	sand.u32 $0x1800, s29;
	v18 =	vld [tilespmem:s4+$0x40];
	v15 =	vsel vm2, $0x0, v14  }
0x49d: {  	s5 =	sor.u32 s30, s5;
	v19 =	vld [tilespmem:s4+$0x60];
	v16 =	vmul.f32 v15, v16  }
0x49e: {  	s10 =	sadd.s32 $0x1CD00, s5;
	v20 =	vld [tilespmem:s4+$0x70]  }
0x49f: {  	v14 =	vld.msk [tilespmem:s10+$0x400 ss:$0x0], $0xffff;
	[tilespmem:s13+$0x1CD00] =	vst v16  }
0x4a0: {  	v16 =	vmul.f32 v17, v15;
	v21 =	vld [tilespmem:s4+$0x30]  }
0x4a1: {  	v17 =	vld [tilespmem:s4+$0x10]  }
0x4a2: {  	v19 =	vmul.f32 v19, v15;
	[tilespmem:s4+$0x50] =	vst v16;
	v16 =	vld [tilespmem:s4+$0x20]  }
0x4a3: {  	v18 =	vmul.f32 v18, v15  }
0x4a4: {  	v20 =	vmul.f32 v20, v15;
	[tilespmem:s4+$0x60] =	vst v19;
	(erf) = vrcp.f32 v14  }
0x4a5: {  	[tilespmem:s4+$0x40] =	vst v18;
	v18 =	vmul.f32 v21, v15  }
0x4a6: {  	s13 =	simm.s32 $0x200;
	[tilespmem:s4+$0x70] =	vst v20;
	v17 =	vmul.f32 v15, v17  }
.LBB2_57:
0x4a7: {  	p0 =	sne.s32 s13, $0x1F00;
	v15 =	vmul.f32 v16, v15;
	[tilespmem:s4+$0x30] =	vst v18;
	s14 =	smov.u32 s13;
	s13 =	sadd.s32 $0x100, s13  }
0x4a8: {  	v16 =	vld [tilespmem:s10+$0x50];
	[tilespmem:s4+$0x10] =	vst v17  }
0x4a9: {  	v17 =	vld [tilespmem:s10+$0x40];
	[tilespmem:s4+$0x20] =	vst v15;
	s4 =	smov.u32 s10  }
0x4aa: {  	v18 =	vld [tilespmem:s5+$0x1CD00]  }
0x4ab: {  	v19 =	vld [tilespmem:s4+$0x60]  }
0x4ac: {  	s11 =	sadd.s32 $0x80, s11;
	v20 =	vld [tilespmem:s4+$0x70]  }
0x4ad: {  	vm2 =	veq.f32 v14, $0.0e+00;
	s10 =	sand.u32 $0x1800, s14;
	s14 =	sand.u32 $0x380, s11;
	v14 =	vpop (erf)  }
0x4ae: {  	s14 =	sor.u32 s14, s10;
	v15 =	vsel vm2, $0x0, v14  }
0x4af: {  	s10 =	sadd.s32 $0x1CD00, s14;
	v18 =	vmul.f32 v15, v18;
	v17 =	vmul.f32 v17, v15  }
0x4b0: {  	v16 =	vmul.f32 v16, v15;
	v14 =	vld.msk [tilespmem:s10+$0x400 ss:$0x0], $0xffff;
	v19 =	vmul.f32 v19, v15  }
0x4b1: {  	[tilespmem:s5+$0x1CD00] =	vst v18;
	v18 =	vmul.f32 v20, v15;
	s5 =	smov.u32 s14  }
0x4b2: {  	v20 =	vld [tilespmem:s4+$0x30];
	[tilespmem:s4+$0x50] =	vst v16  }
0x4b3: {  	v21 =	vld [tilespmem:s4+$0x10];
	[tilespmem:s4+$0x60] =	vst v19  }
.Ltmp34:
0x4b4: {  	v16 =	vld [tilespmem:s4+$0x20];
	[tilespmem:s4+$0x40] =	vst v17;
	(pc) =	sbr.rel @p0 .LBB2_57-.Ltmp34, $4  }
0x4b5: {  	[tilespmem:s4+$0x70] =	vst v18  }
0x4b6: {  	(erf) = vrcp.f32 v14  }
0x4b7: {  	v18 =	vmul.f32 v20, v15  }
0x4b8: {  	v17 =	vmul.f32 v15, v21  }
0x4b9: {  	[tilespmem:s4+$0x30] =	vst v18;
	v15 =	vmul.f32 v16, v15  }
0x4ba: {  	v16 =	vld [tilespmem:s10+$0x50];
	[tilespmem:s4+$0x10] =	vst v17  }
0x4bb: {  	v17 =	vld [tilespmem:s10+$0x40];
	[tilespmem:s4+$0x20] =	vst v15  }
0x4bc: {  	v15 =	vld [tilespmem:s5+$0x1CD00];
	_ =	sdelay $0x2  }
0x4bd: {  	vm2 =	veq.f32 v14, $0.0e+00;
	v14 =	vpop (erf)  }
0x4be: {  	v14 =	vsel vm2, $0x0, v14  }
0x4bf: {  	v18 =	vld [tilespmem:s10+$0x60];
	v15 =	vmul.f32 v14, v15;
	_ =	sdelay $0x1  }
0x4c0: {  	v19 =	vld [tilespmem:s10+$0x70];
	v16 =	vmul.f32 v16, v14;
	[tilespmem:s5+$0x1CD00] =	vst v15  }
0x4c1: {  	v15 =	vld [tilespmem:s10+$0x30]  }
0x4c2: {  	[tilespmem:s10+$0x50] =	vst v16;
	v16 =	vld [tilespmem:s10+$0x10]  }
0x4c3: {  	v18 =	vmul.f32 v18, v14;
	v20 =	vld [tilespmem:s10+$0x20]  }
0x4c4: {  	v17 =	vmul.f32 v17, v14  }
0x4c5: {  	v19 =	vmul.f32 v19, v14;
	[tilespmem:s10+$0x60] =	vst v18  }
0x4c6: {  	[tilespmem:s10+$0x40] =	vst v17;
	v15 =	vmul.f32 v15, v14  }
0x4c7: {  	[tilespmem:s10+$0x70] =	vst v19;
	v16 =	vmul.f32 v14, v16  }
0x4c8: {  	v14 =	vmul.f32 v20, v14;
	[tilespmem:s10+$0x30] =	vst v15  }
0x4c9: {  	[tilespmem:s10+$0x10] =	vst v16  }
0x4ca: {  	[tilespmem:s10+$0x20] =	vst v14  }
0x4cb: {  	v14 =	vld [tilespmem:$0x1CC00];
	_ =	sdelay $0x4  }
0x4cc: {  	v15 =	vshll.u32 v14, $0x1  }
0x4cd: {  	v14 =	vand.u32 $0x7, v14;
	v15 =	vand.u32 $0xFFFFFFF0, v15  }
0x4ce: {  	v14 =	vor.u32 v14, v15  }
0x4cf: {  	v15 =	vperm.xlane v14, v11;
	_ =	sdelay $0x1  }
0x4d0: {  	v14 =	vperm.xlane v14, v13;
	v15 =	vadd.s32 v12, v15;
	_ =	sdelay $0x1  }
0x4d1: {  	v14 =	vadd.s32 v12, v14;
	_ =	sdelay $0x1  }
0x4d2: {  	s14 =	simm.s32 $0x0  }
0x4d3: {  	[hbm4b:s9+s14] =	stream.indirect_vreg.scatter [tilespmem:s19], [sflag:$0x4], $0x80, v15, vm0, $0xb8;
	[tilespmem:$0x1ED00] =	vst v63  }
0x4d4: {  	_ = 	snop  }
0x4d5: {  	[hbm4b:s9+s14] =	stream.indirect_vreg.scatter [tilespmem:s22], [sflag:$0x4], $0x80, v14, vm0, $0xb8;
	[tilespmem:$0x1ED00] =	vst v63  }
0x4d6: {  	v14 =	vld [tilespmem:$0x1CC10];
	_ =	sdelay $0x4  }
0x4d7: {  	v15 =	vshll.u32 v14, $0x1  }
0x4d8: {  	v14 =	vand.u32 $0x7, v14;
	v15 =	vand.u32 $0xFFFFFFF0, v15  }
0x4d9: {  	v14 =	vor.u32 v14, v15  }
0x4da: {  	v15 =	vperm.xlane v14, v11;
	_ =	sdelay $0x1  }
0x4db: {  	v14 =	vperm.xlane v14, v13;
	v15 =	vadd.s32 v12, v15;
	_ =	sdelay $0x1  }
0x4dc: {  	v14 =	vadd.s32 v12, v14;
	_ =	sdelay $0x1  }
0x4dd: {  	s24 =	simm.s32 $0x1DD00  }
0x4de: {  	[hbm4b:s9+s14] =	stream.indirect_vreg.scatter [tilespmem:s24], [sflag:$0x4], $0x80, v15, vm0, $0xb8;
	[tilespmem:$0x1ED00] =	vst v63  }
0x4df: {  	s25 =	simm.s32 $0x1E500  }
0x4e0: {  	[hbm4b:s9+s14] =	stream.indirect_vreg.scatter [tilespmem:s25], [sflag:$0x4], $0x80, v14, vm0, $0xb8;
	[tilespmem:$0x1ED00] =	vst v63  }
0x4e1: {  	_ =	swait.ge [sflag:s15], $0x2000  }
0x4e2: {  	[sflag:s15] =	ssyncset.done $0x0  }
0x4e3: {  	[sflag:s15] =	ssyncadd.s32 $0xFFFFE000  }
0x4e4: {  	v14 =	vld [tilespmem:$0x5C60];
	_ =	sdelay $0x4  }
0x4e5: {  	[tilespmem:$0x1CC80] =	vst v14  }
0x4e6: {  	v14 =	vld [tilespmem:$0x1CC80];
	_ =	sdelay $0x4  }
0x4e7: {  	v15 =	vshll.u32 v14, $0x1  }
0x4e8: {  	v14 =	vand.u32 $0x7, v14;
	v15 =	vand.u32 $0xFFFFFFF0, v15  }
0x4e9: {  	v16 =	vld [tilespmem:$0x5460];
	v14 =	vor.u32 v14, v15  }
0x4ea: {  	v18 =	vld [tilespmem:$0x5C70];
	v17 =	vperm.xlane v14, v11  }
0x4eb: {  	v15 =	vld [tilespmem:$0x5470]  }
0x4ec: {  	v14 =	vperm.xlane v14, v13;
	v17 =	vadd.s32 v12, v17;
	_ =	sdelay $0x1  }
0x4ed: {  	[tilespmem:$0x1CC00] =	vst v16;
	v14 =	vadd.s32 v12, v14  }
0x4ee: {  	[tilespmem:$0x1CC90] =	vst v18  }
0x4ef: {  	[tilespmem:$0x1CC10] =	vst v15  }
0x4f0: {  	[tilespmem:s19], [sflag:$0x2] =	stream.indirect_vreg.gather [hbm4b:s17+s14], $0x80, v17, vm0, $0xb8;
	[tilespmem:$0x1ED00] =	vst v63  }
0x4f1: {  	_ = 	snop  }
0x4f2: {  	[tilespmem:s22], [sflag:$0x2] =	stream.indirect_vreg.gather [hbm4b:s17+s14], $0x80, v14, vm0, $0xb8;
	[tilespmem:$0x1ED00] =	vst v63  }
0x4f3: {  	v14 =	vld [tilespmem:$0x1CC90];
	_ =	sdelay $0x4  }
0x4f4: {  	v15 =	vshll.u32 v14, $0x1  }
0x4f5: {  	v14 =	vand.u32 $0x7, v14;
	v15 =	vand.u32 $0xFFFFFFF0, v15  }
0x4f6: {  	v14 =	vor.u32 v14, v15  }
0x4f7: {  	v15 =	vperm.xlane v14, v11;
	_ =	sdelay $0x1  }
0x4f8: {  	v14 =	vperm.xlane v14, v13;
	v15 =	vadd.s32 v12, v15;
	_ =	sdelay $0x1  }
0x4f9: {  	v14 =	vadd.s32 v12, v14;
	_ =	sdelay $0x2  }
0x4fa: {  	[tilespmem:s24], [sflag:$0x2] =	stream.indirect_vreg.gather [hbm4b:s17+s14], $0x80, v15, vm0, $0xb8;
	[tilespmem:$0x1ED00] =	vst v63  }
0x4fb: {  	s26 =	simm.s32 $0x2  }
0x4fc: {  	[tilespmem:s25], [sflag:$0x2] =	stream.indirect_vreg.gather [hbm4b:s17+s14], $0x80, v14, vm0, $0xb8;
	[tilespmem:$0x1ED00] =	vst v63  }
0x4fd: {  	s28 =	sand.u32 $0x1800, s14;
	s4 =	sand.u32 $0x380, s14;
	_ =	swait.ge [sflag:s26], $0x2000  }
0x4fe: {  	s13 =	sor.u32 s4, s28;
	[sflag:s26] =	ssyncset.done $0x0  }
0x4ff: {  	s4 =	sadd.s32 $0x1CD00, s13;
	[sflag:s26] =	ssyncadd.s32 $0xFFFFE000  }
0x500: {  	v14 =	vld.msk [tilespmem:s4+$0x400 ss:$0x0], $0xffff;
	_ =	sdelay $0x4  }
0x501: {  	(erf) = vrcp.f32 v14;
	_ =	sdelay $0x5  }
0x502: {  	v16 =	vld [tilespmem:s13+$0x1CD00];
	_ =	sdelay $0x2  }
0x503: {  	s29 =	simm.s32 $0x100;
	s11 =	simm.s32 $0x80;
	v17 =	vld [tilespmem:s4+$0x50];
	vm2 =	veq.f32 v14, $0.0e+00;
	v14 =	vpop (erf)  }
0x504: {  	s30 =	sand.u32 $0x380, s11;
	s5 =	sand.u32 $0x1800, s29;
	v18 =	vld [tilespmem:s4+$0x40];
	v15 =	vsel vm2, $0x0, v14  }
0x505: {  	s5 =	sor.u32 s30, s5;
	v19 =	vld [tilespmem:s4+$0x60];
	v16 =	vmul.f32 v15, v16  }
0x506: {  	s10 =	sadd.s32 $0x1CD00, s5;
	v20 =	vld [tilespmem:s4+$0x70]  }
0x507: {  	v14 =	vld.msk [tilespmem:s10+$0x400 ss:$0x0], $0xffff;
	[tilespmem:s13+$0x1CD00] =	vst v16  }
0x508: {  	v16 =	vmul.f32 v17, v15;
	v21 =	vld [tilespmem:s4+$0x30]  }
0x509: {  	v17 =	vld [tilespmem:s4+$0x10]  }
0x50a: {  	v19 =	vmul.f32 v19, v15;
	[tilespmem:s4+$0x50] =	vst v16;
	v16 =	vld [tilespmem:s4+$0x20]  }
0x50b: {  	v18 =	vmul.f32 v18, v15  }
0x50c: {  	v20 =	vmul.f32 v20, v15;
	[tilespmem:s4+$0x60] =	vst v19;
	(erf) = vrcp.f32 v14  }
0x50d: {  	[tilespmem:s4+$0x40] =	vst v18;
	v18 =	vmul.f32 v21, v15  }
0x50e: {  	s13 =	simm.s32 $0x200;
	[tilespmem:s4+$0x70] =	vst v20;
	v17 =	vmul.f32 v15, v17  }
.LBB2_59:
0x50f: {  	p0 =	sne.s32 s13, $0x1F00;
	v15 =	vmul.f32 v16, v15;
	[tilespmem:s4+$0x30] =	vst v18;
	s14 =	smov.u32 s13;
	s13 =	sadd.s32 $0x100, s13  }
0x510: {  	v16 =	vld [tilespmem:s10+$0x50];
	[tilespmem:s4+$0x10] =	vst v17  }
0x511: {  	v17 =	vld [tilespmem:s10+$0x40];
	[tilespmem:s4+$0x20] =	vst v15;
	s4 =	smov.u32 s10  }
0x512: {  	v18 =	vld [tilespmem:s5+$0x1CD00]  }
0x513: {  	v19 =	vld [tilespmem:s4+$0x60]  }
0x514: {  	s11 =	sadd.s32 $0x80, s11;
	v20 =	vld [tilespmem:s4+$0x70]  }
0x515: {  	vm2 =	veq.f32 v14, $0.0e+00;
	s10 =	sand.u32 $0x1800, s14;
	s14 =	sand.u32 $0x380, s11;
	v14 =	vpop (erf)  }
0x516: {  	s14 =	sor.u32 s14, s10;
	v15 =	vsel vm2, $0x0, v14  }
0x517: {  	s10 =	sadd.s32 $0x1CD00, s14;
	v18 =	vmul.f32 v15, v18;
	v17 =	vmul.f32 v17, v15  }
0x518: {  	v16 =	vmul.f32 v16, v15;
	v14 =	vld.msk [tilespmem:s10+$0x400 ss:$0x0], $0xffff;
	v19 =	vmul.f32 v19, v15  }
0x519: {  	[tilespmem:s5+$0x1CD00] =	vst v18;
	v18 =	vmul.f32 v20, v15;
	s5 =	smov.u32 s14  }
0x51a: {  	v20 =	vld [tilespmem:s4+$0x30];
	[tilespmem:s4+$0x50] =	vst v16  }
0x51b: {  	v21 =	vld [tilespmem:s4+$0x10];
	[tilespmem:s4+$0x60] =	vst v19  }
.Ltmp35:
0x51c: {  	v16 =	vld [tilespmem:s4+$0x20];
	[tilespmem:s4+$0x40] =	vst v17;
	(pc) =	sbr.rel @p0 .LBB2_59-.Ltmp35, $4  }
0x51d: {  	[tilespmem:s4+$0x70] =	vst v18  }
0x51e: {  	(erf) = vrcp.f32 v14  }
0x51f: {  	v18 =	vmul.f32 v20, v15  }
0x520: {  	v17 =	vmul.f32 v15, v21  }
0x521: {  	[tilespmem:s4+$0x30] =	vst v18;
	v15 =	vmul.f32 v16, v15  }
0x522: {  	v16 =	vld [tilespmem:s10+$0x50];
	[tilespmem:s4+$0x10] =	vst v17  }
0x523: {  	v17 =	vld [tilespmem:s10+$0x40];
	[tilespmem:s4+$0x20] =	vst v15  }
0x524: {  	v15 =	vld [tilespmem:s5+$0x1CD00];
	_ =	sdelay $0x2  }
0x525: {  	vm2 =	veq.f32 v14, $0.0e+00;
	v14 =	vpop (erf)  }
0x526: {  	v14 =	vsel vm2, $0x0, v14  }
0x527: {  	v18 =	vld [tilespmem:s10+$0x60];
	v15 =	vmul.f32 v14, v15;
	_ =	sdelay $0x1  }
0x528: {  	v19 =	vld [tilespmem:s10+$0x70];
	v16 =	vmul.f32 v16, v14;
	[tilespmem:s5+$0x1CD00] =	vst v15  }
0x529: {  	v15 =	vld [tilespmem:s10+$0x30]  }
0x52a: {  	[tilespmem:s10+$0x50] =	vst v16;
	v16 =	vld [tilespmem:s10+$0x10]  }
0x52b: {  	v18 =	vmul.f32 v18, v14;
	v20 =	vld [tilespmem:s10+$0x20]  }
0x52c: {  	v17 =	vmul.f32 v17, v14  }
0x52d: {  	v19 =	vmul.f32 v19, v14;
	[tilespmem:s10+$0x60] =	vst v18  }
0x52e: {  	[tilespmem:s10+$0x40] =	vst v17;
	v15 =	vmul.f32 v15, v14  }
0x52f: {  	[tilespmem:s10+$0x70] =	vst v19;
	v16 =	vmul.f32 v14, v16  }
0x530: {  	v14 =	vmul.f32 v20, v14;
	[tilespmem:s10+$0x30] =	vst v15  }
0x531: {  	[tilespmem:s10+$0x10] =	vst v16  }
0x532: {  	[tilespmem:s10+$0x20] =	vst v14  }
0x533: {  	v14 =	vld [tilespmem:$0x1CC00];
	_ =	sdelay $0x4  }
0x534: {  	v15 =	vshll.u32 v14, $0x1  }
0x535: {  	v14 =	vand.u32 $0x7, v14;
	v15 =	vand.u32 $0xFFFFFFF0, v15  }
0x536: {  	v14 =	vor.u32 v14, v15  }
0x537: {  	v15 =	vperm.xlane v14, v11;
	_ =	sdelay $0x1  }
0x538: {  	v14 =	vperm.xlane v14, v13;
	v15 =	vadd.s32 v12, v15;
	_ =	sdelay $0x1  }
0x539: {  	v14 =	vadd.s32 v12, v14;
	_ =	sdelay $0x1  }
0x53a: {  	s14 =	simm.s32 $0x0  }
0x53b: {  	[hbm4b:s9+s14] =	stream.indirect_vreg.scatter [tilespmem:s19], [sflag:$0x4], $0x80, v15, vm0, $0xb8;
	[tilespmem:$0x1ED00] =	vst v63  }
0x53c: {  	_ = 	snop  }
0x53d: {  	[hbm4b:s9+s14] =	stream.indirect_vreg.scatter [tilespmem:s22], [sflag:$0x4], $0x80, v14, vm0, $0xb8;
	[tilespmem:$0x1ED00] =	vst v63  }
0x53e: {  	v14 =	vld [tilespmem:$0x1CC10];
	_ =	sdelay $0x4  }
0x53f: {  	v15 =	vshll.u32 v14, $0x1  }
0x540: {  	v14 =	vand.u32 $0x7, v14;
	v15 =	vand.u32 $0xFFFFFFF0, v15  }
0x541: {  	v14 =	vor.u32 v14, v15  }
0x542: {  	v15 =	vperm.xlane v14, v11;
	_ =	sdelay $0x1  }
0x543: {  	v14 =	vperm.xlane v14, v13;
	v15 =	vadd.s32 v12, v15;
	_ =	sdelay $0x1  }
0x544: {  	v14 =	vadd.s32 v12, v14;
	_ =	sdelay $0x1  }
0x545: {  	s24 =	simm.s32 $0x1DD00  }
0x546: {  	[hbm4b:s9+s14] =	stream.indirect_vreg.scatter [tilespmem:s24], [sflag:$0x4], $0x80, v15, vm0, $0xb8;
	[tilespmem:$0x1ED00] =	vst v63  }
0x547: {  	s25 =	simm.s32 $0x1E500  }
0x548: {  	[hbm4b:s9+s14] =	stream.indirect_vreg.scatter [tilespmem:s25], [sflag:$0x4], $0x80, v14, vm0, $0xb8;
	[tilespmem:$0x1ED00] =	vst v63  }
0x549: {  	_ =	swait.ge [sflag:s15], $0x2000  }
0x54a: {  	[sflag:s15] =	ssyncset.done $0x0  }
0x54b: {  	[sflag:s15] =	ssyncadd.s32 $0xFFFFE000  }
0x54c: {  	v14 =	vld [tilespmem:$0x5C80];
	_ =	sdelay $0x4  }
0x54d: {  	[tilespmem:$0x1CC80] =	vst v14  }
0x54e: {  	v14 =	vld [tilespmem:$0x1CC80];
	_ =	sdelay $0x4  }
0x54f: {  	v15 =	vshll.u32 v14, $0x1  }
0x550: {  	v14 =	vand.u32 $0x7, v14;
	v15 =	vand.u32 $0xFFFFFFF0, v15  }
0x551: {  	v16 =	vld [tilespmem:$0x5480];
	v14 =	vor.u32 v14, v15  }
0x552: {  	v18 =	vld [tilespmem:$0x5C90];
	v17 =	vperm.xlane v14, v11  }
0x553: {  	v15 =	vld [tilespmem:$0x5490]  }
0x554: {  	v14 =	vperm.xlane v14, v13;
	v17 =	vadd.s32 v12, v17;
	_ =	sdelay $0x1  }
0x555: {  	[tilespmem:$0x1CC00] =	vst v16;
	v14 =	vadd.s32 v12, v14  }
0x556: {  	[tilespmem:$0x1CC90] =	vst v18  }
0x557: {  	[tilespmem:$0x1CC10] =	vst v15  }
0x558: {  	[tilespmem:s19], [sflag:$0x2] =	stream.indirect_vreg.gather [hbm4b:s17+s14], $0x80, v17, vm0, $0xb8;
	[tilespmem:$0x1ED00] =	vst v63  }
0x559: {  	_ = 	snop  }
0x55a: {  	[tilespmem:s22], [sflag:$0x2] =	stream.indirect_vreg.gather [hbm4b:s17+s14], $0x80, v14, vm0, $0xb8;
	[tilespmem:$0x1ED00] =	vst v63  }
0x55b: {  	v14 =	vld [tilespmem:$0x1CC90];
	_ =	sdelay $0x4  }
0x55c: {  	v15 =	vshll.u32 v14, $0x1  }
0x55d: {  	v14 =	vand.u32 $0x7, v14;
	v15 =	vand.u32 $0xFFFFFFF0, v15  }
0x55e: {  	v14 =	vor.u32 v14, v15  }
0x55f: {  	v15 =	vperm.xlane v14, v11;
	_ =	sdelay $0x1  }
0x560: {  	v14 =	vperm.xlane v14, v13;
	v15 =	vadd.s32 v12, v15;
	_ =	sdelay $0x1  }
0x561: {  	v14 =	vadd.s32 v12, v14;
	_ =	sdelay $0x2  }
0x562: {  	[tilespmem:s24], [sflag:$0x2] =	stream.indirect_vreg.gather [hbm4b:s17+s14], $0x80, v15, vm0, $0xb8;
	[tilespmem:$0x1ED00] =	vst v63  }
0x563: {  	s26 =	simm.s32 $0x2  }
0x564: {  	[tilespmem:s25], [sflag:$0x2] =	stream.indirect_vreg.gather [hbm4b:s17+s14], $0x80, v14, vm0, $0xb8;
	[tilespmem:$0x1ED00] =	vst v63  }
0x565: {  	s28 =	sand.u32 $0x1800, s14;
	s4 =	sand.u32 $0x380, s14;
	_ =	swait.ge [sflag:s26], $0x2000  }
0x566: {  	s13 =	sor.u32 s4, s28;
	[sflag:s26] =	ssyncset.done $0x0  }
0x567: {  	s4 =	sadd.s32 $0x1CD00, s13;
	[sflag:s26] =	ssyncadd.s32 $0xFFFFE000  }
0x568: {  	v14 =	vld.msk [tilespmem:s4+$0x400 ss:$0x0], $0xffff;
	_ =	sdelay $0x4  }
0x569: {  	(erf) = vrcp.f32 v14;
	_ =	sdelay $0x5  }
0x56a: {  	v16 =	vld [tilespmem:s13+$0x1CD00];
	_ =	sdelay $0x2  }
0x56b: {  	s29 =	simm.s32 $0x100;
	s11 =	simm.s32 $0x80;
	v17 =	vld [tilespmem:s4+$0x50];
	vm2 =	veq.f32 v14, $0.0e+00;
	v14 =	vpop (erf)  }
0x56c: {  	s30 =	sand.u32 $0x380, s11;
	s5 =	sand.u32 $0x1800, s29;
	v18 =	vld [tilespmem:s4+$0x40];
	v15 =	vsel vm2, $0x0, v14  }
0x56d: {  	s5 =	sor.u32 s30, s5;
	v19 =	vld [tilespmem:s4+$0x60];
	v16 =	vmul.f32 v15, v16  }
0x56e: {  	s10 =	sadd.s32 $0x1CD00, s5;
	v20 =	vld [tilespmem:s4+$0x70]  }
0x56f: {  	v14 =	vld.msk [tilespmem:s10+$0x400 ss:$0x0], $0xffff;
	[tilespmem:s13+$0x1CD00] =	vst v16  }
0x570: {  	v16 =	vmul.f32 v17, v15;
	v21 =	vld [tilespmem:s4+$0x30]  }
0x571: {  	v17 =	vld [tilespmem:s4+$0x10]  }
0x572: {  	v19 =	vmul.f32 v19, v15;
	[tilespmem:s4+$0x50] =	vst v16;
	v16 =	vld [tilespmem:s4+$0x20]  }
0x573: {  	v18 =	vmul.f32 v18, v15  }
0x574: {  	v20 =	vmul.f32 v20, v15;
	[tilespmem:s4+$0x60] =	vst v19;
	(erf) = vrcp.f32 v14  }
0x575: {  	[tilespmem:s4+$0x40] =	vst v18;
	v18 =	vmul.f32 v21, v15  }
0x576: {  	s13 =	simm.s32 $0x200;
	[tilespmem:s4+$0x70] =	vst v20;
	v17 =	vmul.f32 v15, v17  }
.LBB2_61:
0x577: {  	p0 =	sne.s32 s13, $0x1F00;
	v15 =	vmul.f32 v16, v15;
	[tilespmem:s4+$0x30] =	vst v18;
	s14 =	smov.u32 s13;
	s13 =	sadd.s32 $0x100, s13  }
0x578: {  	v16 =	vld [tilespmem:s10+$0x50];
	[tilespmem:s4+$0x10] =	vst v17  }
0x579: {  	v17 =	vld [tilespmem:s10+$0x40];
	[tilespmem:s4+$0x20] =	vst v15;
	s4 =	smov.u32 s10  }
0x57a: {  	v18 =	vld [tilespmem:s5+$0x1CD00]  }
0x57b: {  	v19 =	vld [tilespmem:s4+$0x60]  }
0x57c: {  	s11 =	sadd.s32 $0x80, s11;
	v20 =	vld [tilespmem:s4+$0x70]  }
0x57d: {  	vm2 =	veq.f32 v14, $0.0e+00;
	s10 =	sand.u32 $0x1800, s14;
	s14 =	sand.u32 $0x380, s11;
	v14 =	vpop (erf)  }
0x57e: {  	s14 =	sor.u32 s14, s10;
	v15 =	vsel vm2, $0x0, v14  }
0x57f: {  	s10 =	sadd.s32 $0x1CD00, s14;
	v18 =	vmul.f32 v15, v18;
	v17 =	vmul.f32 v17, v15  }
0x580: {  	v16 =	vmul.f32 v16, v15;
	v14 =	vld.msk [tilespmem:s10+$0x400 ss:$0x0], $0xffff;
	v19 =	vmul.f32 v19, v15  }
0x581: {  	[tilespmem:s5+$0x1CD00] =	vst v18;
	v18 =	vmul.f32 v20, v15;
	s5 =	smov.u32 s14  }
0x582: {  	v20 =	vld [tilespmem:s4+$0x30];
	[tilespmem:s4+$0x50] =	vst v16  }
0x583: {  	v21 =	vld [tilespmem:s4+$0x10];
	[tilespmem:s4+$0x60] =	vst v19  }
.Ltmp36:
0x584: {  	v16 =	vld [tilespmem:s4+$0x20];
	[tilespmem:s4+$0x40] =	vst v17;
	(pc) =	sbr.rel @p0 .LBB2_61-.Ltmp36, $4  }
0x585: {  	[tilespmem:s4+$0x70] =	vst v18  }
0x586: {  	(erf) = vrcp.f32 v14  }
0x587: {  	v18 =	vmul.f32 v20, v15  }
0x588: {  	v17 =	vmul.f32 v15, v21  }
0x589: {  	[tilespmem:s4+$0x30] =	vst v18;
	v15 =	vmul.f32 v16, v15  }
0x58a: {  	v16 =	vld [tilespmem:s10+$0x50];
	[tilespmem:s4+$0x10] =	vst v17  }
0x58b: {  	v17 =	vld [tilespmem:s10+$0x40];
	[tilespmem:s4+$0x20] =	vst v15  }
0x58c: {  	v15 =	vld [tilespmem:s5+$0x1CD00];
	_ =	sdelay $0x2  }
0x58d: {  	vm2 =	veq.f32 v14, $0.0e+00;
	v14 =	vpop (erf)  }
0x58e: {  	v14 =	vsel vm2, $0x0, v14  }
0x58f: {  	v18 =	vld [tilespmem:s10+$0x60];
	v15 =	vmul.f32 v14, v15;
	_ =	sdelay $0x1  }
0x590: {  	v19 =	vld [tilespmem:s10+$0x70];
	v16 =	vmul.f32 v16, v14;
	[tilespmem:s5+$0x1CD00] =	vst v15  }
0x591: {  	v15 =	vld [tilespmem:s10+$0x30]  }
0x592: {  	[tilespmem:s10+$0x50] =	vst v16;
	v16 =	vld [tilespmem:s10+$0x10]  }
0x593: {  	v18 =	vmul.f32 v18, v14;
	v20 =	vld [tilespmem:s10+$0x20]  }
0x594: {  	v17 =	vmul.f32 v17, v14  }
0x595: {  	v19 =	vmul.f32 v19, v14;
	[tilespmem:s10+$0x60] =	vst v18  }
0x596: {  	[tilespmem:s10+$0x40] =	vst v17;
	v15 =	vmul.f32 v15, v14  }
0x597: {  	[tilespmem:s10+$0x70] =	vst v19;
	v16 =	vmul.f32 v14, v16  }
0x598: {  	v14 =	vmul.f32 v20, v14;
	[tilespmem:s10+$0x30] =	vst v15  }
0x599: {  	[tilespmem:s10+$0x10] =	vst v16  }
0x59a: {  	[tilespmem:s10+$0x20] =	vst v14  }
0x59b: {  	v14 =	vld [tilespmem:$0x1CC00];
	_ =	sdelay $0x4  }
0x59c: {  	v15 =	vshll.u32 v14, $0x1  }
0x59d: {  	v14 =	vand.u32 $0x7, v14;
	v15 =	vand.u32 $0xFFFFFFF0, v15  }
0x59e: {  	v14 =	vor.u32 v14, v15  }
0x59f: {  	v15 =	vperm.xlane v14, v11;
	_ =	sdelay $0x1  }
0x5a0: {  	v14 =	vperm.xlane v14, v13;
	v15 =	vadd.s32 v12, v15;
	_ =	sdelay $0x1  }
0x5a1: {  	v14 =	vadd.s32 v12, v14;
	_ =	sdelay $0x1  }
0x5a2: {  	s14 =	simm.s32 $0x0  }
0x5a3: {  	[hbm4b:s9+s14] =	stream.indirect_vreg.scatter [tilespmem:s19], [sflag:$0x4], $0x80, v15, vm0, $0xb8;
	[tilespmem:$0x1ED00] =	vst v63  }
0x5a4: {  	_ = 	snop  }
0x5a5: {  	[hbm4b:s9+s14] =	stream.indirect_vreg.scatter [tilespmem:s22], [sflag:$0x4], $0x80, v14, vm0, $0xb8;
	[tilespmem:$0x1ED00] =	vst v63  }
0x5a6: {  	v14 =	vld [tilespmem:$0x1CC10];
	_ =	sdelay $0x4  }
0x5a7: {  	v15 =	vshll.u32 v14, $0x1  }
0x5a8: {  	v14 =	vand.u32 $0x7, v14;
	v15 =	vand.u32 $0xFFFFFFF0, v15  }
0x5a9: {  	v14 =	vor.u32 v14, v15  }
0x5aa: {  	v15 =	vperm.xlane v14, v11;
	_ =	sdelay $0x1  }
0x5ab: {  	v14 =	vperm.xlane v14, v13;
	v15 =	vadd.s32 v12, v15;
	_ =	sdelay $0x1  }
0x5ac: {  	v14 =	vadd.s32 v12, v14;
	_ =	sdelay $0x1  }
0x5ad: {  	s24 =	simm.s32 $0x1DD00  }
0x5ae: {  	[hbm4b:s9+s14] =	stream.indirect_vreg.scatter [tilespmem:s24], [sflag:$0x4], $0x80, v15, vm0, $0xb8;
	[tilespmem:$0x1ED00] =	vst v63  }
0x5af: {  	s25 =	simm.s32 $0x1E500  }
0x5b0: {  	[hbm4b:s9+s14] =	stream.indirect_vreg.scatter [tilespmem:s25], [sflag:$0x4], $0x80, v14, vm0, $0xb8;
	[tilespmem:$0x1ED00] =	vst v63  }
0x5b1: {  	_ =	swait.ge [sflag:s15], $0x2000  }
0x5b2: {  	[sflag:s15] =	ssyncset.done $0x0  }
0x5b3: {  	[sflag:s15] =	ssyncadd.s32 $0xFFFFE000  }
0x5b4: {  	v14 =	vld [tilespmem:$0x5CA0];
	_ =	sdelay $0x4  }
0x5b5: {  	[tilespmem:$0x1CC80] =	vst v14  }
0x5b6: {  	v14 =	vld [tilespmem:$0x1CC80];
	_ =	sdelay $0x4  }
0x5b7: {  	v15 =	vshll.u32 v14, $0x1  }
0x5b8: {  	v14 =	vand.u32 $0x7, v14;
	v15 =	vand.u32 $0xFFFFFFF0, v15  }
0x5b9: {  	v16 =	vld [tilespmem:$0x54A0];
	v14 =	vor.u32 v14, v15  }
0x5ba: {  	v18 =	vld [tilespmem:$0x5CB0];
	v17 =	vperm.xlane v14, v11  }
0x5bb: {  	v15 =	vld [tilespmem:$0x54B0]  }
0x5bc: {  	v14 =	vperm.xlane v14, v13;
	v17 =	vadd.s32 v12, v17;
	_ =	sdelay $0x1  }
0x5bd: {  	[tilespmem:$0x1CC00] =	vst v16;
	v14 =	vadd.s32 v12, v14  }
0x5be: {  	[tilespmem:$0x1CC90] =	vst v18  }
0x5bf: {  	[tilespmem:$0x1CC10] =	vst v15  }
0x5c0: {  	[tilespmem:s19], [sflag:$0x2] =	stream.indirect_vreg.gather [hbm4b:s17+s14], $0x80, v17, vm0, $0xb8;
	[tilespmem:$0x1ED00] =	vst v63  }
0x5c1: {  	_ = 	snop  }
0x5c2: {  	[tilespmem:s22], [sflag:$0x2] =	stream.indirect_vreg.gather [hbm4b:s17+s14], $0x80, v14, vm0, $0xb8;
	[tilespmem:$0x1ED00] =	vst v63  }
0x5c3: {  	v14 =	vld [tilespmem:$0x1CC90];
	_ =	sdelay $0x4  }
0x5c4: {  	v15 =	vshll.u32 v14, $0x1  }
0x5c5: {  	v14 =	vand.u32 $0x7, v14;
	v15 =	vand.u32 $0xFFFFFFF0, v15  }
0x5c6: {  	v14 =	vor.u32 v14, v15  }
0x5c7: {  	v15 =	vperm.xlane v14, v11;
	_ =	sdelay $0x1  }
0x5c8: {  	v14 =	vperm.xlane v14, v13;
	v15 =	vadd.s32 v12, v15;
	_ =	sdelay $0x1  }
0x5c9: {  	v14 =	vadd.s32 v12, v14;
	_ =	sdelay $0x2  }
0x5ca: {  	[tilespmem:s24], [sflag:$0x2] =	stream.indirect_vreg.gather [hbm4b:s17+s14], $0x80, v15, vm0, $0xb8;
	[tilespmem:$0x1ED00] =	vst v63  }
0x5cb: {  	s26 =	simm.s32 $0x2  }
0x5cc: {  	[tilespmem:s25], [sflag:$0x2] =	stream.indirect_vreg.gather [hbm4b:s17+s14], $0x80, v14, vm0, $0xb8;
	[tilespmem:$0x1ED00] =	vst v63  }
0x5cd: {  	s28 =	sand.u32 $0x1800, s14;
	s4 =	sand.u32 $0x380, s14;
	_ =	swait.ge [sflag:s26], $0x2000  }
0x5ce: {  	s13 =	sor.u32 s4, s28;
	[sflag:s26] =	ssyncset.done $0x0  }
0x5cf: {  	s4 =	sadd.s32 $0x1CD00, s13;
	[sflag:s26] =	ssyncadd.s32 $0xFFFFE000  }
0x5d0: {  	v14 =	vld.msk [tilespmem:s4+$0x400 ss:$0x0], $0xffff;
	_ =	sdelay $0x4  }
0x5d1: {  	(erf) = vrcp.f32 v14;
	_ =	sdelay $0x5  }
0x5d2: {  	v16 =	vld [tilespmem:s13+$0x1CD00];
	_ =	sdelay $0x2  }
0x5d3: {  	s29 =	simm.s32 $0x100;
	s11 =	simm.s32 $0x80;
	v17 =	vld [tilespmem:s4+$0x50];
	vm2 =	veq.f32 v14, $0.0e+00;
	v14 =	vpop (erf)  }
0x5d4: {  	s30 =	sand.u32 $0x380, s11;
	s5 =	sand.u32 $0x1800, s29;
	v18 =	vld [tilespmem:s4+$0x40];
	v15 =	vsel vm2, $0x0, v14  }
0x5d5: {  	s5 =	sor.u32 s30, s5;
	v19 =	vld [tilespmem:s4+$0x60];
	v16 =	vmul.f32 v15, v16  }
0x5d6: {  	s10 =	sadd.s32 $0x1CD00, s5;
	v20 =	vld [tilespmem:s4+$0x70]  }
0x5d7: {  	v14 =	vld.msk [tilespmem:s10+$0x400 ss:$0x0], $0xffff;
	[tilespmem:s13+$0x1CD00] =	vst v16  }
0x5d8: {  	v16 =	vmul.f32 v17, v15;
	v21 =	vld [tilespmem:s4+$0x30]  }
0x5d9: {  	v17 =	vld [tilespmem:s4+$0x10]  }
0x5da: {  	v19 =	vmul.f32 v19, v15;
	[tilespmem:s4+$0x50] =	vst v16;
	v16 =	vld [tilespmem:s4+$0x20]  }
0x5db: {  	v18 =	vmul.f32 v18, v15  }
0x5dc: {  	v20 =	vmul.f32 v20, v15;
	[tilespmem:s4+$0x60] =	vst v19;
	(erf) = vrcp.f32 v14  }
0x5dd: {  	[tilespmem:s4+$0x40] =	vst v18;
	v18 =	vmul.f32 v21, v15  }
0x5de: {  	s13 =	simm.s32 $0x200;
	[tilespmem:s4+$0x70] =	vst v20;
	v17 =	vmul.f32 v15, v17  }
.LBB2_63:
0x5df: {  	p0 =	sne.s32 s13, $0x1F00;
	v15 =	vmul.f32 v16, v15;
	[tilespmem:s4+$0x30] =	vst v18;
	s14 =	smov.u32 s13;
	s13 =	sadd.s32 $0x100, s13  }
0x5e0: {  	v16 =	vld [tilespmem:s10+$0x50];
	[tilespmem:s4+$0x10] =	vst v17  }
0x5e1: {  	v17 =	vld [tilespmem:s10+$0x40];
	[tilespmem:s4+$0x20] =	vst v15;
	s4 =	smov.u32 s10  }
0x5e2: {  	v18 =	vld [tilespmem:s5+$0x1CD00]  }
0x5e3: {  	v19 =	vld [tilespmem:s4+$0x60]  }
0x5e4: {  	s11 =	sadd.s32 $0x80, s11;
	v20 =	vld [tilespmem:s4+$0x70]  }
0x5e5: {  	vm2 =	veq.f32 v14, $0.0e+00;
	s10 =	sand.u32 $0x1800, s14;
	s14 =	sand.u32 $0x380, s11;
	v14 =	vpop (erf)  }
0x5e6: {  	s14 =	sor.u32 s14, s10;
	v15 =	vsel vm2, $0x0, v14  }
0x5e7: {  	s10 =	sadd.s32 $0x1CD00, s14;
	v18 =	vmul.f32 v15, v18;
	v17 =	vmul.f32 v17, v15  }
0x5e8: {  	v16 =	vmul.f32 v16, v15;
	v14 =	vld.msk [tilespmem:s10+$0x400 ss:$0x0], $0xffff;
	v19 =	vmul.f32 v19, v15  }
0x5e9: {  	[tilespmem:s5+$0x1CD00] =	vst v18;
	v18 =	vmul.f32 v20, v15;
	s5 =	smov.u32 s14  }
0x5ea: {  	v20 =	vld [tilespmem:s4+$0x30];
	[tilespmem:s4+$0x50] =	vst v16  }
0x5eb: {  	v21 =	vld [tilespmem:s4+$0x10];
	[tilespmem:s4+$0x60] =	vst v19  }
.Ltmp37:
0x5ec: {  	v16 =	vld [tilespmem:s4+$0x20];
	[tilespmem:s4+$0x40] =	vst v17;
	(pc) =	sbr.rel @p0 .LBB2_63-.Ltmp37, $4  }
0x5ed: {  	[tilespmem:s4+$0x70] =	vst v18  }
0x5ee: {  	(erf) = vrcp.f32 v14  }
0x5ef: {  	v18 =	vmul.f32 v20, v15  }
0x5f0: {  	v17 =	vmul.f32 v15, v21  }
0x5f1: {  	[tilespmem:s4+$0x30] =	vst v18;
	v15 =	vmul.f32 v16, v15  }
0x5f2: {  	v61 =	vld [tilespmem:s10+$0x50];
	[tilespmem:s4+$0x10] =	vst v17  }
0x5f3: {  	v17 =	vld [tilespmem:s10+$0x40];
	[tilespmem:s4+$0x20] =	vst v15  }
0x5f4: {  	v15 =	vld [tilespmem:s5+$0x1CD00];
	_ =	sdelay $0x2  }
0x5f5: {  	vm2 =	veq.f32 v14, $0.0e+00;
	v14 =	vpop (erf)  }
0x5f6: {  	v14 =	vsel vm2, $0x0, v14  }
0x5f7: {  	v18 =	vld [tilespmem:s10+$0x60];
	v15 =	vmul.f32 v14, v15;
	_ =	sdelay $0x1  }
0x5f8: {  	v19 =	vld [tilespmem:s10+$0x70];
	[tilespmem:s5+$0x1CD00] =	vst v15  }
0x5f9: {  	v15 =	vld [tilespmem:s10+$0x30]  }
0x5fa: {  	v16 =	vmul.f32 v61, v14;
	v62 =	vld [tilespmem:s10+$0x10]  }
0x5fb: {  	v18 =	vmul.f32 v18, v14;
	v20 =	vld [tilespmem:s10+$0x20]  }
0x5fc: {  	v17 =	vmul.f32 v17, v14;
	[tilespmem:s10+$0x50] =	vst v16  }
0x5fd: {  	v63 =	vmul.f32 v19, v14;
	[tilespmem:s10+$0x60] =	vst v18  }
0x5fe: {  	[tilespmem:s10+$0x40] =	vst v17;
	v15 =	vmul.f32 v15, v14  }
0x5ff: {  	[tilespmem:s10+$0x70] =	vst v63;
	v16 =	vmul.f32 v14, v62  }
0x600: {  	v14 =	vmul.f32 v20, v14;
	[tilespmem:s10+$0x30] =	vst v15  }
0x601: {  	[tilespmem:s10+$0x10] =	vst v16  }
0x602: {  	[tilespmem:s10+$0x20] =	vst v14  }
0x603: {  	v14 =	vld [tilespmem:$0x1CC00];
	_ =	sdelay $0x4  }
0x604: {  	v15 =	vshll.u32 v14, $0x1  }
0x605: {  	v14 =	vand.u32 $0x7, v14;
	v15 =	vand.u32 $0xFFFFFFF0, v15  }
0x606: {  	v14 =	vor.u32 v14, v15  }
0x607: {  	v15 =	vperm.xlane v14, v11;
	_ =	sdelay $0x1  }
0x608: {  	v14 =	vperm.xlane v14, v13;
	v15 =	vadd.s32 v12, v15;
	_ =	sdelay $0x1  }
0x609: {  	v14 =	vadd.s32 v12, v14;
	_ =	sdelay $0x2  }
0x60a: {  	[hbm4b:s9+s18] =	stream.indirect_vreg.scatter [tilespmem:s19], [sflag:$0x4], $0x80, v15, vm0, $0xb8;
	[tilespmem:$0x1ED00] =	vst v63  }
0x60b: {  	_ = 	snop  }
0x60c: {  	[hbm4b:s9+s18] =	stream.indirect_vreg.scatter [tilespmem:s22], [sflag:$0x4], $0x80, v14, vm0, $0xb8;
	[tilespmem:$0x1ED00] =	vst v63  }
0x60d: {  	v14 =	vld [tilespmem:$0x1CC10];
	_ =	sdelay $0x4  }
0x60e: {  	v15 =	vshll.u32 v14, $0x1  }
0x60f: {  	v14 =	vand.u32 $0x7, v14;
	v15 =	vand.u32 $0xFFFFFFF0, v15  }
0x610: {  	v14 =	vor.u32 v14, v15  }
0x611: {  	v15 =	vperm.xlane v14, v11;
	_ =	sdelay $0x1  }
0x612: {  	v14 =	vperm.xlane v14, v13;
	v15 =	vadd.s32 v12, v15;
	_ =	sdelay $0x1  }
0x613: {  	v14 =	vadd.s32 v12, v14;
	_ =	sdelay $0x1  }
0x614: {  	s26 =	simm.s32 $0x1DD00  }
0x615: {  	[hbm4b:s9+s18] =	stream.indirect_vreg.scatter [tilespmem:s26], [sflag:$0x4], $0x80, v15, vm0, $0xb8;
	[tilespmem:$0x1ED00] =	vst v63  }
0x616: {  	s28 =	simm.s32 $0x1E500  }
0x617: {  	[hbm4b:s9+s18] =	stream.indirect_vreg.scatter [tilespmem:s28], [sflag:$0x4], $0x80, v14, vm0, $0xb8;
	[tilespmem:$0x1ED00] =	vst v63  }
0x618: {  	_ =	swait.ge [sflag:s15], $0x2000  }
0x619: {  	s29 =	rddreg [dreg:$0xa]  }
0x61a: {  	s30 =	rddreg [dreg:$0x8];
	s5 =	sadd.s32 $0x1, s29  }
0x61b: {  	p0 =	sne.s32 s5, s30  }
.Ltmp38:
0x61c: {  	_ = 	snop;
	(pc) =	sbr.rel @p0 .LBB2_1-.Ltmp38, $3  }
0x61d: {  	_ =	sdelay $0x1  }
0x61e: {  	[sflag:s15] =	ssyncset.done $0x0  }
0x61f: {  	[sflag:s15] =	ssyncadd.s32 $0xFFFFE000  }
0x620: {  	_ =	sfence.sel $0x180000  }
0x621: {  	[bflag:$0x0] =	sbarrier.arrive $0xFFFF  }
0x622: {  	_ =	strace $0x90000047  }
0x623: {  	s0 =	stileid.u32;
	[bflag:$0x2] =	sbarrier.arrive $0xFFFF  }
0x624: {  	p0 =	sne.s32 s0, $0x0;
	s0 =	rddreg [dreg:$0x5]  }
0x625: {  	s0 =	sadd.s32 @!p0 $0x100000, s0  }
0x626: {  	[sflag:s0] =	ssyncadd.tile.s32 @!p0 $0x1;
	_ =	shalt  }
.Lfunc_end2:
_tile_overlayer_lowered:
.L_overlay_start_2:
0x627: {  	(tag) =	ssettag $0x2  }
0x628: {  	s0 =	rddreg [dreg:$0x0];
	s2 =	stileid.u32  }
0x629: {  	s1 =	rddreg [dreg:$0x1];
	p0 =	sne.s32 s2, $0x0  }
0x62a: {  	s3 =	rddreg [dreg:$0x2];
	[bflag:$0x3] =	sbarrier.arrive $0xFFFF;
	s2 =	simm.s32 @!p0 $0x1C04  }
0x62b: {  	[timem:s3], [sflag:s2] =	dma.local @!p0 [hbm:s0], s1  }
0x62c: {  	s0 =	simm.s32 @!p0 $0x4  }
0x62d: {  	_ =	swait.ge @!p0 [sflag:s0], s1  }
0x62e: {  	s1 =	ssub.s32 @!p0 $0x0, s1;
	[sflag:s0] =	ssyncset.done @!p0 $0x0  }
0x62f: {  	[sflag:s0] =	ssyncadd.s32 @!p0 s1  }
0x630: {  	[bflag:$0x3] =	sbarrier.arrive $0xFFFF  }
0x631: {  	_ =	shalt  }

</sc_bundles>
